<compile_context>
chip_gen: v7x
topology: tpu7x:2x2x1
jax: 0.10.2.dev20260603
libtpu: 0.0.44.dev20260713+nightly
codegen_flags: <defaults>
</compile_context>

<pallas_src>
import functools

import jax
import jax.numpy as jnp
from jax import lax
from jax.experimental import pallas as pl
from jax.experimental.pallas import tpu as pltpu
from jax.experimental.pallas import tpu_sc as plsc

A = 21
D = 128
B = 4096
S = 200
T = S - 1
GH = 448
RH = 448
NCHUNK = (T + 15) // 16
NWAY = 4


def _sc_body(rows_per, nc, ids_hbm, me_hbm, me2_hbm, gh_hbm,
             ids_v, lut_v, codes_v, rowhist_v, tothist_v, me_v):
    cid = lax.axis_index("c")
    sid = lax.axis_index("s")
    wid = sid * nc + cid
    base = wid * rows_per

    pltpu.sync_copy(ids_hbm.at[pl.ds(base, rows_per)], ids_v)

    zeros16i = jnp.zeros((16,), jnp.int32)
    ones16i = jnp.ones((16,), jnp.int32)
    ones16f = jnp.ones((16,), jnp.float32)
    iota16 = lax.iota(jnp.int32, 16)

    for k in range(256 // 16):
        x = (k * 16 + iota16).astype(jnp.float32) * (1.0 / T) + 1e-10
        bits = plsc.bitcast(x, jnp.int32)
        ex = (bits >> 23) - 127
        mant = plsc.bitcast((bits & 0x7FFFFF) | 0x3F800000, jnp.float32)
        adj = mant >= 1.4142135
        mant = jnp.where(adj, 0.5 * mant, mant)
        ef = ex.astype(jnp.float32) + jnp.where(adj, 1.0, 0.0)
        t = (mant - 1.0) / (mant + 1.0)
        t2 = t * t
        lnm = t * (2.0 + t2 * (2.0 / 3.0 + t2 * (2.0 / 5.0 + t2 * (2.0 / 7.0))))
        lnx = ef * 0.69314718 + lnm
        lut_v[pl.ds(16 * k, 16)] = lnx * (-1.0 / T)

    for k in range(NWAY * RH // 16):
        rowhist_v[pl.ds(16 * k, 16)] = zeros16i
    for k in range(GH // 16):
        tothist_v[pl.ds(16 * k, 16)] = jnp.zeros((16,), jnp.float32)

    mlast = iota16 >= (16 * NCHUNK - T)

    def group_body(p, carry):
        iis = [NWAY * p + w for w in range(NWAY)]
        for t in range(NCHUNK):
            off = 16 * t if t < NCHUNK - 1 else T - 16
            m = mlast if t == NCHUNK - 1 else None
            codes = []
            for w, i in enumerate(iis):
                a = ids_v[i, pl.ds(off, 16)]
                b = ids_v[i, pl.ds(off + 1, 16)]
                codes.append(a * A + b + w * RH)
            for w in range(NWAY):
                codes_v[pl.ds(16 * (w * NCHUNK + t), 16)] = codes[w]
            for w in range(NWAY):
                plsc.addupdate_scatter(rowhist_v, [codes[w]], ones16i,
                                       mask=m)
            for w in range(NWAY):
                plsc.addupdate_scatter(tothist_v, [codes[w] - w * RH],
                                       ones16f, mask=m)
        accs = [jnp.zeros((16,), jnp.float32) for _ in range(NWAY)]
        for t in range(NCHUNK):
            m = mlast if t == NCHUNK - 1 else None
            codes = [codes_v[pl.ds(16 * (w * NCHUNK + t), 16)]
                     for w in range(NWAY)]
            cnts = [plsc.load_gather(rowhist_v, [codes[w]], mask=m)
                    for w in range(NWAY)]
            lvs = [plsc.load_gather(lut_v, [cnts[w]], mask=m)
                   for w in range(NWAY)]
            if m is not None:
                lvs = [jnp.where(m, lv, 0.0) for lv in lvs]
            accs = [acc + lv for acc, lv in zip(accs, lvs)]
        for k in range(NWAY * RH // 16):
            rowhist_v[pl.ds(16 * k, 16)] = zeros16i
        for w, i in enumerate(iis):
            plsc.store_scatter(me_v, [jnp.full((16,), i, jnp.int32)],
                               jnp.full((16,), jnp.sum(accs[w]), jnp.float32),
                               mask=iota16 == 0)
        return carry

    lax.fori_loop(0, rows_per // NWAY, group_body, 0)

    pltpu.sync_copy(me_v, me_hbm.at[pl.ds(base, rows_per)])
    pltpu.sync_copy(me_v, me2_hbm.at[wid])
    pltpu.sync_copy(tothist_v, gh_hbm.at[wid])


def _sc_call(ids):
    info = plsc.get_sparse_core_info()
    nc, ns = info.num_cores, info.num_subcores
    nw = nc * ns
    rows_per = B // nw
    mesh = plsc.VectorSubcoreMesh(core_axis_name="c", subcore_axis_name="s")
    fn = pl.kernel(
        functools.partial(_sc_body, rows_per, nc),
        out_type=[
            jax.ShapeDtypeStruct((B,), jnp.float32),
            jax.ShapeDtypeStruct((nw, rows_per), jnp.float32),
            jax.ShapeDtypeStruct((nw, GH), jnp.float32),
        ],
        mesh=mesh,
        compiler_params=pltpu.CompilerParams(needs_layout_passes=False),
        scratch_types=[
            pltpu.VMEM((rows_per, S), jnp.int32),
            pltpu.VMEM((256,), jnp.float32),
            pltpu.VMEM((NWAY * 16 * NCHUNK,), jnp.int32),
            pltpu.VMEM((NWAY * RH,), jnp.int32),
            pltpu.VMEM((GH,), jnp.float32),
            pltpu.VMEM((rows_per,), jnp.float32),
        ],
    )
    return fn(ids)


def _graph_body(nw, hists_ref, me_ref, embed_ref, w1_ref, asrc1_ref,
                adst1_ref, b1_ref, w2_ref, asrc2_ref, adst2_ref, b2_ref,
                wr1_ref, br1_ref, wr2_ref, br2_ref, we_ref, be_ref,
                wotop_ref, wobot_ref, bo_ref, out_ref):
    f32 = jnp.float32

    gh = hists_ref[0:1, :]
    for n in range(1, nw):
        gh = gh + hists_ref[n:n + 1, :]
    ghm = jnp.concatenate([gh[0:1, A * s:A * s + A] for s in range(A)],
                          axis=0)
    ri = lax.broadcasted_iota(jnp.int32, (A, A), 0)
    ci = lax.broadcasted_iota(jnp.int32, (A, A), 1)
    mask = (ghm > 0.0) | (ri == ci)

    def gat_attention(asrc_col, adst_row, hsrc):
        f = asrc_col + adst_row
        f = jnp.where(f >= 0.0, f, 0.2 * f)
        f = jnp.where(mask, f, -1e9)
        m = jnp.max(f, axis=0, keepdims=True)
        p = jnp.exp(f - m)
        att = p / jnp.sum(p, axis=0, keepdims=True)
        return lax.dot_general(att, hsrc, (((0,), (0,)), ((), ())),
                               preferred_element_type=f32)

    dn_t = (((1,), (1,)), ((), ()))

    x = embed_ref[...]
    h1 = jnp.dot(x, w1_ref[...], preferred_element_type=f32)
    heads = []
    for h in range(4):
        hh = h1[:, 64 * h:64 * h + 64]
        asrc = lax.dot_general(hh, asrc1_ref[h:h + 1, :], dn_t,
                               preferred_element_type=f32)
        adst = lax.dot_general(adst1_ref[h:h + 1, :], hh, dn_t,
                               preferred_element_type=f32)
        heads.append(gat_attention(asrc, adst, hh))
    h1o = jnp.concatenate(heads, axis=1) + b1_ref[...]
    h1o = jnp.where(h1o > 0.0, h1o, jnp.exp(h1o) - 1.0)

    h2 = jnp.dot(h1o, w2_ref[...], preferred_element_type=f32)
    asrc2 = lax.dot_general(h2, asrc2_ref[...], dn_t,
                            preferred_element_type=f32)
    adst2 = lax.dot_general(adst2_ref[...], h2, dn_t,
                            preferred_element_type=f32)
    h2o = gat_attention(asrc2, adst2, h2) + b2_ref[...]

    hflat = jnp.concatenate([h2o[n:n + 1, :] for n in range(A)], axis=1)
    g1 = jnp.dot(hflat, wr1_ref[...], preferred_element_type=f32)
    g1 = g1 + br1_ref[...]
    g1 = jnp.maximum(g1, 0.0)
    g2 = jnp.dot(g1, wr2_ref[...], preferred_element_type=f32) + br2_ref[...]

    const = (jnp.dot(g2, wotop_ref[...], preferred_element_type=f32)
             + jnp.dot(be_ref[...], wobot_ref[...],
                       preferred_element_type=f32)
             + bo_ref[...])
    v = jnp.dot(we_ref[...], wobot_ref[...],
                preferred_element_type=f32)

    dn_outer = (((0,), (0,)), ((), ()))
    nblk = me_ref.shape[0]
    rows = me_ref.shape[1]
    for r in range(nblk):
        mev = lax.dot_general(me_ref[r:r + 1, :], v, dn_outer,
                              preferred_element_type=f32)
        out_ref[pl.ds(rows * r, rows), :] = const + mev


def _graph_call(hists3, me2, embed, w1, a_src1, a_dst1, b1r, w2, a_src2,
                a_dst2, b2r, wr1, br1r, wr2, br2r, we, ber, wotop, wobot,
                bor):
    nw = hists3.shape[0]
    return pl.pallas_call(
        functools.partial(_graph_body, nw),
        out_shape=jax.ShapeDtypeStruct((B, D), jnp.float32),
    )(hists3, me2, embed, w1, a_src1, a_dst1, b1r, w2, a_src2, a_dst2, b2r,
      wr1, br1r, wr2, br2r, we, ber, wotop, wobot, bor)


def kernel(activity_ids, embed, W1, a_src1, a_dst1, b1, W2, a_src2, a_dst2,
           b2, Wr1, br1, Wr2, br2, We, be, Wo, bo):
    me, me2, hists = _sc_call(activity_ids)
    h_mp = _graph_call(
        hists, me2, embed, W1,
        a_src1, a_dst1, b1.reshape(1, 256), W2, a_src2, a_dst2,
        b2.reshape(1, D), Wr1, br1.reshape(1, 256), Wr2, br2.reshape(1, D),
        We, be.reshape(1, 32), Wo[:D], Wo[D:], bo.reshape(1, D))
    return h_mp, me

# --- scband reference (transcript-rebuilt; emitter-appended) ---
"""Pipeline reference for scband-movement-pattern-encoder-78237124264597 (READ-ONLY COPY).

The authoritative reference and input builder live on the scoring server;
editing this copy changes nothing except your own understanding.
"""

import jax, jax.numpy as jnp
import numpy as np

D_MODEL = 128
NUM_ACT = 21
BATCH = 4096
SEQ = 200

def _glorot(k, shape):
    fan_in, fan_out = shape[0], shape[-1]
    lim = (6.0 / (fan_in + fan_out)) ** 0.5
    return jax.random.uniform(k, shape, minval=-lim, maxval=lim, dtype=jnp.float32)

def setup_inputs(seed: int = 0):
    key = jax.random.key(seed)
    ks = jax.random.split(key, 16)
    A, D = NUM_ACT, D_MODEL
    inp = {}
    inp["activity_ids"] = jax.random.randint(ks[0], (BATCH, SEQ), 0, A, dtype=jnp.int32)
    inp["embed"] = jax.random.normal(ks[1], (A, D), dtype=jnp.float32)
    inp["W1"] = _glorot(ks[2], (D, 4 * (D // 2)))
    inp["a_src1"] = _glorot(ks[3], (4, D // 2))
    inp["a_dst1"] = _glorot(ks[4], (4, D // 2))
    inp["b1"] = jnp.zeros((4 * (D // 2),), jnp.float32)
    inp["W2"] = _glorot(ks[5], (2 * D, D))
    inp["a_src2"] = _glorot(ks[6], (1, D))
    inp["a_dst2"] = _glorot(ks[7], (1, D))
    inp["b2"] = jnp.zeros((D,), jnp.float32)
    inp["Wr1"] = _glorot(ks[8], (D * A, 2 * D))
    inp["br1"] = jnp.zeros((2 * D,), jnp.float32)
    inp["Wr2"] = _glorot(ks[9], (2 * D, D))
    inp["br2"] = jnp.zeros((D,), jnp.float32)
    inp["We"] = _glorot(ks[10], (1, D // 4))
    inp["be"] = jnp.zeros((D // 4,), jnp.float32)
    inp["Wo"] = _glorot(ks[11], (D + D // 4, D))
    inp["bo"] = jnp.zeros((D,), jnp.float32)
    return inp

def _gat(x, W, a_src, a_dst, b, mask, heads, out_ch):
    # Dense-masked multi-head GAT over the 21-node graph (self-loops included,
    # matching PyG GATConv default add_self_loops=True). edge_attr is ignored,
    # matching PyG GATConv with edge_dim=None (lin_edge is None).
    N = x.shape[0]
    h = (x @ W).reshape(N, heads, out_ch)
    asrc = jnp.sum(h * a_src[None, :, :], axis=-1)  # [N, H]
    adst = jnp.sum(h * a_dst[None, :, :], axis=-1)  # [N, H]
    e = adst[:, None, :] + asrc[None, :, :]         # [dst_i, src_j, H]
    e = jax.nn.leaky_relu(e, 0.2)
    e = jnp.where(mask.T[:, :, None], e, -1e9)      # mask[j,i]: edge j->i
    att = jax.nn.softmax(e, axis=1)                 # softmax over sources j per dst i
    out = jnp.einsum('ijh,jhc->ihc', att, h).reshape(N, heads * out_ch)
    return out + b

def _forward(activity_ids, embed, W1, a_src1, a_dst1, b1, W2, a_src2, a_dst2, b2, Wr1, br1, Wr2, br2, We, be, Wo, bo):
    B, S = activity_ids.shape
    A, D = embed.shape
    src = activity_ids[:, :-1].reshape(-1)
    dst = activity_ids[:, 1:].reshape(-1)
    # build_activity_transition_graph: scatter-add transition counts, edges where count > 0
    trans = jnp.zeros((A, A), jnp.float32).at[src, dst].add(1.0)
    mask = (trans > 0) | jnp.eye(A, dtype=bool)
    # node features: embedding lookup of arange(A) == the embedding table itself
    h = jax.nn.elu(_gat(embed, W1, a_src1, a_dst1, b1, mask, 4, D // 2))
    # dropout p=0.1 is a no-op in eval mode
    h = _gat(h, W2, a_src2, a_dst2, b2, mask, 1, D)
    h_flat = h.reshape(-1)                              # [A*D]
    hb = jnp.broadcast_to(h_flat[None, :], (B, h_flat.shape[0]))
    h_graph = jax.nn.relu(hb @ Wr1 + br1) @ Wr2 + br2   # readout MLP
    # compute_transition_entropy: per-batch transition histogram via scatter-add
    pair = (activity_ids[:, :-1] * A + activity_ids[:, 1:]).reshape(-1)
    bidx = jnp.repeat(jnp.arange(B), S - 1)
    counts = jnp.zeros((B, A * A), jnp.float32).at[bidx, pair].add(1.0)
    p = counts / float(S - 1)
    me = -jnp.sum(jnp.where(counts > 0, p * jnp.log(p + 1e-10), 0.0), axis=1)
    h_entropy = me[:, None] @ We + be
    h_mp = jnp.concatenate([h_graph, h_entropy], axis=-1) @ Wo + bo
    return h_mp, me

def reference(activity_ids, embed, W1, a_src1, a_dst1, b1, W2, a_src2, a_dst2, b2, Wr1, br1, Wr2, br2, We, be, Wo, bo):
    return _forward(activity_ids, embed, W1, a_src1, a_dst1, b1, W2, a_src2, a_dst2, b2, Wr1, br1, Wr2, br2, We, be, Wo, bo)

if __name__ == "__main__":
    import jax
    _d = setup_inputs()
    print(jax.jit(kernel)(*tuple(_d.values())))

</pallas_src>

<mosaic_0001>
#map = affine_map<(d0, d1) -> (0, 0)>
#map1 = affine_map<(d0, d1) -> (0)>
module attributes {stable_mosaic.version = 14 : i64} {
  func.func @_sc_body(%arg0: i32, %arg1: i32, %arg2: memref<4096x200xi32, #tpu.memory_space<hbm>>, %arg3: memref<4096xf32, #tpu.memory_space<hbm>>, %arg4: memref<32x128xf32, #tpu.memory_space<hbm>>, %arg5: memref<32x448xf32, #tpu.memory_space<hbm>>, %arg6: memref<128x200xi32, #tpu.memory_space<vmem>>, %arg7: memref<256xf32, #tpu.memory_space<vmem>>, %arg8: memref<832xi32, #tpu.memory_space<vmem>>, %arg9: memref<1792xi32, #tpu.memory_space<vmem>>, %arg10: memref<448xf32, #tpu.memory_space<vmem>>, %arg11: memref<128xf32, #tpu.memory_space<vmem>>) attributes {dimension_semantics = [#tpu.dimension_semantics<core_parallel>, #tpu.dimension_semantics<subcore_parallel>], iteration_bounds = array<i64: 2, 16>, scalar_prefetch = 0 : i64, scratch_operands = 6 : i64, tpu.core_type = #tpu.core_type<sc_vector_subcore>, window_params = [{transform_indices = #map}, {transform_indices = #map1}, {transform_indices = #map}, {transform_indices = #map}]} {
    %mul3A = arith.constant 2 : i32
    %mul3A_0 = arith.muli %arg1, %mul3A : i32
    %add3A = arith.addi %mul3A_0, %arg0 : i32
    %mul3A_1 = arith.constant 128 : i32
    %mul3A_2 = arith.muli %add3A, %mul3A_1 : i32
    "tpu.region"() ({
      %run_scoped3A = tpu.sem_alloc : memref<!tpu.dma_semaphore, #tpu.memory_space<semaphore_mem>>
      %dma_start3A = arith.constant 0 : i32
      %dma_start3A_1461 = tpu.memref_slice %arg2[%mul3A_2, %dma_start3A] : memref<4096x200xi32, #tpu.memory_space<hbm>> -> memref<128x200xi32, #tpu.memory_space<hbm>>
      %dma_start3A_1462 = arith.constant 0 : i32
      %dma_start3A_1463 = tpu.memref_slice %arg2[%mul3A_2, %dma_start3A_1462] : memref<4096x200xi32, #tpu.memory_space<hbm>> -> memref<128x200xi32, #tpu.memory_space<hbm>>
      tpu.enqueue_dma source(%dma_start3A_1463 : memref<128x200xi32, #tpu.memory_space<hbm>>) target(%arg6 : memref<128x200xi32, #tpu.memory_space<vmem>>) target_semaphore(%run_scoped3A : memref<!tpu.dma_semaphore, #tpu.memory_space<semaphore_mem>>)
      %dma_wait3A = arith.constant 0 : i32
      %dma_wait3A_1464 = tpu.memref_slice %arg2[%mul3A_2, %dma_wait3A] : memref<4096x200xi32, #tpu.memory_space<hbm>> -> memref<128x200xi32, #tpu.memory_space<hbm>>
      %dma_wait3A_1465 = arith.constant 0 : i32
      %dma_wait3A_1466 = tpu.memref_slice %arg2[%mul3A_2, %dma_wait3A_1465] : memref<4096x200xi32, #tpu.memory_space<hbm>> -> memref<128x200xi32, #tpu.memory_space<hbm>>
      tpu.wait_dma2 semaphore(%run_scoped3A : memref<!tpu.dma_semaphore, #tpu.memory_space<semaphore_mem>>) src(%dma_wait3A_1466 : memref<128x200xi32, #tpu.memory_space<hbm>>) dst(%arg6 : memref<128x200xi32, #tpu.memory_space<vmem>>)
      tpu.yield
    }) : () -> ()
    %broadcast_in_dim3A = arith.constant 0 : i32
    %broadcast_in_dim3A_3 = vector.broadcast %broadcast_in_dim3A : i32 to vector<16xi32>
    %broadcast_in_dim3A_4 = arith.constant 1 : i32
    %broadcast_in_dim3A_5 = vector.broadcast %broadcast_in_dim3A_4 : i32 to vector<16xi32>
    %broadcast_in_dim3A_6 = arith.constant 1.000000e+00 : f32
    %broadcast_in_dim3A_7 = vector.broadcast %broadcast_in_dim3A_6 : f32 to vector<16xf32>
    %iota3A = tpu.iota {dimensions = array<i32: 0>} : vector<16xi32>
    %add3A_8 = arith.constant 0 : i32
    %add3A_9 = vector.broadcast %add3A_8 : i32 to vector<16xi32>
    %add3A_10 = arith.addi %add3A_9, %iota3A : vector<16xi32>
    %convert_element_type3A = arith.sitofp %add3A_10 : vector<16xi32> to vector<16xf32>
    %mul3A_11 = arith.constant 0.00502512557 : f32
    %mul3A_12 = vector.broadcast %mul3A_11 : f32 to vector<16xf32>
    %mul3A_13 = arith.mulf %convert_element_type3A, %mul3A_12 : vector<16xf32>
    %add3A_14 = arith.constant 1.000000e-10 : f32
    %add3A_15 = vector.broadcast %add3A_14 : f32 to vector<16xf32>
    %add3A_16 = arith.addf %mul3A_13, %add3A_15 : vector<16xf32>
    %bitcast3A = vector.bitcast %add3A_16 : vector<16xf32> to vector<16xi32>
    %shift_right_arithmetic3A = arith.constant 23 : i32
    %shift_right_arithmetic3A_17 = vector.broadcast %shift_right_arithmetic3A : i32 to vector<16xi32>
    %shift_right_arithmetic3A_18 = arith.shrsi %bitcast3A, %shift_right_arithmetic3A_17 : vector<16xi32>
    %sub3A = arith.constant 127 : i32
    %sub3A_19 = vector.broadcast %sub3A : i32 to vector<16xi32>
    %sub3A_20 = arith.subi %shift_right_arithmetic3A_18, %sub3A_19 : vector<16xi32>
    %and3A = arith.constant 8388607 : i32
    %and3A_21 = vector.broadcast %and3A : i32 to vector<16xi32>
    %and3A_22 = arith.andi %bitcast3A, %and3A_21 : vector<16xi32>
    %or3A = arith.constant 1065353216 : i32
    %or3A_23 = vector.broadcast %or3A : i32 to vector<16xi32>
    %or3A_24 = arith.ori %and3A_22, %or3A_23 : vector<16xi32>
    %bitcast3A_25 = vector.bitcast %or3A_24 : vector<16xi32> to vector<16xf32>
    %ge3A = arith.constant 1.41421354 : f32
    %ge3A_26 = vector.broadcast %ge3A : f32 to vector<16xf32>
    %ge3A_27 = arith.cmpf oge, %bitcast3A_25, %ge3A_26 : vector<16xf32>
    %mul3A_28 = arith.constant 5.000000e-01 : f32
    %mul3A_29 = vector.broadcast %mul3A_28 : f32 to vector<16xf32>
    %mul3A_30 = arith.mulf %mul3A_29, %bitcast3A_25 : vector<16xf32>
    %select_n3A = arith.select %ge3A_27, %mul3A_30, %bitcast3A_25 : vector<16xi1>, vector<16xf32>
    %convert_element_type3A_31 = arith.sitofp %sub3A_20 : vector<16xi32> to vector<16xf32>
    %jit3A = arith.constant 1.000000e+00 : f32
    %jit3A_32 = arith.constant 0.000000e+00 : f32
    %broadcast_in_dim3A_33 = vector.broadcast %jit3A : f32 to vector<16xf32>
    %broadcast_in_dim3A_34 = vector.broadcast %jit3A_32 : f32 to vector<16xf32>
    %select_n3A_35 = arith.select %ge3A_27, %broadcast_in_dim3A_33, %broadcast_in_dim3A_34 : vector<16xi1>, vector<16xf32>
    %add3A_36 = arith.addf %convert_element_type3A_31, %select_n3A_35 : vector<16xf32>
    %sub3A_37 = arith.constant 1.000000e+00 : f32
    %sub3A_38 = vector.broadcast %sub3A_37 : f32 to vector<16xf32>
    %sub3A_39 = arith.subf %select_n3A, %sub3A_38 : vector<16xf32>
    %add3A_40 = arith.constant 1.000000e+00 : f32
    %add3A_41 = vector.broadcast %add3A_40 : f32 to vector<16xf32>
    %add3A_42 = arith.addf %select_n3A, %add3A_41 : vector<16xf32>
    %div3A = arith.divf %sub3A_39, %add3A_42 : vector<16xf32>
    %mul3A_43 = arith.mulf %div3A, %div3A : vector<16xf32>
    %mul3A_44 = arith.constant 0.285714298 : f32
    %mul3A_45 = vector.broadcast %mul3A_44 : f32 to vector<16xf32>
    %mul3A_46 = arith.mulf %mul3A_43, %mul3A_45 : vector<16xf32>
    %add3A_47 = arith.constant 4.000000e-01 : f32
    %add3A_48 = vector.broadcast %add3A_47 : f32 to vector<16xf32>
    %add3A_49 = arith.addf %add3A_48, %mul3A_46 : vector<16xf32>
    %mul3A_50 = arith.mulf %mul3A_43, %add3A_49 : vector<16xf32>
    %add3A_51 = arith.constant 0.666666686 : f32
    %add3A_52 = vector.broadcast %add3A_51 : f32 to vector<16xf32>
    %add3A_53 = arith.addf %add3A_52, %mul3A_50 : vector<16xf32>
    %mul3A_54 = arith.mulf %mul3A_43, %add3A_53 : vector<16xf32>
    %add3A_55 = arith.constant 2.000000e+00 : f32
    %add3A_56 = vector.broadcast %add3A_55 : f32 to vector<16xf32>
    %add3A_57 = arith.addf %add3A_56, %mul3A_54 : vector<16xf32>
    %mul3A_58 = arith.mulf %div3A, %add3A_57 : vector<16xf32>
    %mul3A_59 = arith.constant 0.693147182 : f32
    %mul3A_60 = vector.broadcast %mul3A_59 : f32 to vector<16xf32>
    %mul3A_61 = arith.mulf %add3A_36, %mul3A_60 : vector<16xf32>
    %add3A_62 = arith.addf %mul3A_61, %mul3A_58 : vector<16xf32>
    %mul3A_63 = arith.constant -0.00502512557 : f32
    %mul3A_64 = vector.broadcast %mul3A_63 : f32 to vector<16xf32>
    %mul3A_65 = arith.mulf %add3A_62, %mul3A_64 : vector<16xf32>
    %swap3A = arith.constant 0 : index
    %swap3A_66 = tpu.vector_load %arg7[%swap3A] {strides = array<i32>} : memref<256xf32, #tpu.memory_space<vmem>>, vector<16xf32>,
    tpu.vector_store %arg7[%swap3A], %mul3A_65 {strides = array<i32>} : memref<256xf32, #tpu.memory_space<vmem>>, vector<16xf32>,
    %add3A_67 = arith.constant 16 : i32
    %add3A_68 = vector.broadcast %add3A_67 : i32 to vector<16xi32>
    %add3A_69 = arith.addi %add3A_68, %iota3A : vector<16xi32>
    %convert_element_type3A_70 = arith.sitofp %add3A_69 : vector<16xi32> to vector<16xf32>
    %mul3A_71 = arith.constant 0.00502512557 : f32
    %mul3A_72 = vector.broadcast %mul3A_71 : f32 to vector<16xf32>
    %mul3A_73 = arith.mulf %convert_element_type3A_70, %mul3A_72 : vector<16xf32>
    %add3A_74 = arith.constant 1.000000e-10 : f32
    %add3A_75 = vector.broadcast %add3A_74 : f32 to vector<16xf32>
    %add3A_76 = arith.addf %mul3A_73, %add3A_75 : vector<16xf32>
    %bitcast3A_77 = vector.bitcast %add3A_76 : vector<16xf32> to vector<16xi32>
    %shift_right_arithmetic3A_78 = arith.constant 23 : i32
    %shift_right_arithmetic3A_79 = vector.broadcast %shift_right_arithmetic3A_78 : i32 to vector<16xi32>
    %shift_right_arithmetic3A_80 = arith.shrsi %bitcast3A_77, %shift_right_arithmetic3A_79 : vector<16xi32>
    %sub3A_81 = arith.constant 127 : i32
    %sub3A_82 = vector.broadcast %sub3A_81 : i32 to vector<16xi32>
    %sub3A_83 = arith.subi %shift_right_arithmetic3A_80, %sub3A_82 : vector<16xi32>
    %and3A_84 = arith.constant 8388607 : i32
    %and3A_85 = vector.broadcast %and3A_84 : i32 to vector<16xi32>
    %and3A_86 = arith.andi %bitcast3A_77, %and3A_85 : vector<16xi32>
    %or3A_87 = arith.constant 1065353216 : i32
    %or3A_88 = vector.broadcast %or3A_87 : i32 to vector<16xi32>
    %or3A_89 = arith.ori %and3A_86, %or3A_88 : vector<16xi32>
    %bitcast3A_90 = vector.bitcast %or3A_89 : vector<16xi32> to vector<16xf32>
    %ge3A_91 = arith.constant 1.41421354 : f32
    %ge3A_92 = vector.broadcast %ge3A_91 : f32 to vector<16xf32>
    %ge3A_93 = arith.cmpf oge, %bitcast3A_90, %ge3A_92 : vector<16xf32>
    %mul3A_94 = arith.constant 5.000000e-01 : f32
    %mul3A_95 = vector.broadcast %mul3A_94 : f32 to vector<16xf32>
    %mul3A_96 = arith.mulf %mul3A_95, %bitcast3A_90 : vector<16xf32>
    %select_n3A_97 = arith.select %ge3A_93, %mul3A_96, %bitcast3A_90 : vector<16xi1>, vector<16xf32>
    %convert_element_type3A_98 = arith.sitofp %sub3A_83 : vector<16xi32> to vector<16xf32>
    %jit3A_99 = arith.constant 1.000000e+00 : f32
    %jit3A_100 = arith.constant 0.000000e+00 : f32
    %broadcast_in_dim3A_101 = vector.broadcast %jit3A_99 : f32 to vector<16xf32>
    %broadcast_in_dim3A_102 = vector.broadcast %jit3A_100 : f32 to vector<16xf32>
    %select_n3A_103 = arith.select %ge3A_93, %broadcast_in_dim3A_101, %broadcast_in_dim3A_102 : vector<16xi1>, vector<16xf32>
    %add3A_104 = arith.addf %convert_element_type3A_98, %select_n3A_103 : vector<16xf32>
    %sub3A_105 = arith.constant 1.000000e+00 : f32
    %sub3A_106 = vector.broadcast %sub3A_105 : f32 to vector<16xf32>
    %sub3A_107 = arith.subf %select_n3A_97, %sub3A_106 : vector<16xf32>
    %add3A_108 = arith.constant 1.000000e+00 : f32
    %add3A_109 = vector.broadcast %add3A_108 : f32 to vector<16xf32>
    %add3A_110 = arith.addf %select_n3A_97, %add3A_109 : vector<16xf32>
    %div3A_111 = arith.divf %sub3A_107, %add3A_110 : vector<16xf32>
    %mul3A_112 = arith.mulf %div3A_111, %div3A_111 : vector<16xf32>
    %mul3A_113 = arith.constant 0.285714298 : f32
    %mul3A_114 = vector.broadcast %mul3A_113 : f32 to vector<16xf32>
    %mul3A_115 = arith.mulf %mul3A_112, %mul3A_114 : vector<16xf32>
    %add3A_116 = arith.constant 4.000000e-01 : f32
    %add3A_117 = vector.broadcast %add3A_116 : f32 to vector<16xf32>
    %add3A_118 = arith.addf %add3A_117, %mul3A_115 : vector<16xf32>
    %mul3A_119 = arith.mulf %mul3A_112, %add3A_118 : vector<16xf32>
    %add3A_120 = arith.constant 0.666666686 : f32
    %add3A_121 = vector.broadcast %add3A_120 : f32 to vector<16xf32>
    %add3A_122 = arith.addf %add3A_121, %mul3A_119 : vector<16xf32>
    %mul3A_123 = arith.mulf %mul3A_112, %add3A_122 : vector<16xf32>
    %add3A_124 = arith.constant 2.000000e+00 : f32
    %add3A_125 = vector.broadcast %add3A_124 : f32 to vector<16xf32>
    %add3A_126 = arith.addf %add3A_125, %mul3A_123 : vector<16xf32>
    %mul3A_127 = arith.mulf %div3A_111, %add3A_126 : vector<16xf32>
    %mul3A_128 = arith.constant 0.693147182 : f32
    %mul3A_129 = vector.broadcast %mul3A_128 : f32 to vector<16xf32>
    %mul3A_130 = arith.mulf %add3A_104, %mul3A_129 : vector<16xf32>
    %add3A_131 = arith.addf %mul3A_130, %mul3A_127 : vector<16xf32>
    %mul3A_132 = arith.constant -0.00502512557 : f32
    %mul3A_133 = vector.broadcast %mul3A_132 : f32 to vector<16xf32>
    %mul3A_134 = arith.mulf %add3A_131, %mul3A_133 : vector<16xf32>
    %swap3A_135 = arith.constant 16 : index
    %swap3A_136 = tpu.vector_load %arg7[%swap3A_135] {strides = array<i32>} : memref<256xf32, #tpu.memory_space<vmem>>, vector<16xf32>,
    tpu.vector_store %arg7[%swap3A_135], %mul3A_134 {strides = array<i32>} : memref<256xf32, #tpu.memory_space<vmem>>, vector<16xf32>,
    %add3A_137 = arith.constant 32 : i32
    %add3A_138 = vector.broadcast %add3A_137 : i32 to vector<16xi32>
    %add3A_139 = arith.addi %add3A_138, %iota3A : vector<16xi32>
    %convert_element_type3A_140 = arith.sitofp %add3A_139 : vector<16xi32> to vector<16xf32>
    %mul3A_141 = arith.constant 0.00502512557 : f32
    %mul3A_142 = vector.broadcast %mul3A_141 : f32 to vector<16xf32>
    %mul3A_143 = arith.mulf %convert_element_type3A_140, %mul3A_142 : vector<16xf32>
    %add3A_144 = arith.constant 1.000000e-10 : f32
    %add3A_145 = vector.broadcast %add3A_144 : f32 to vector<16xf32>
    %add3A_146 = arith.addf %mul3A_143, %add3A_145 : vector<16xf32>
    %bitcast3A_147 = vector.bitcast %add3A_146 : vector<16xf32> to vector<16xi32>
    %shift_right_arithmetic3A_148 = arith.constant 23 : i32
    %shift_right_arithmetic3A_149 = vector.broadcast %shift_right_arithmetic3A_148 : i32 to vector<16xi32>
    %shift_right_arithmetic3A_150 = arith.shrsi %bitcast3A_147, %shift_right_arithmetic3A_149 : vector<16xi32>
    %sub3A_151 = arith.constant 127 : i32
    %sub3A_152 = vector.broadcast %sub3A_151 : i32 to vector<16xi32>
    %sub3A_153 = arith.subi %shift_right_arithmetic3A_150, %sub3A_152 : vector<16xi32>
    %and3A_154 = arith.constant 8388607 : i32
    %and3A_155 = vector.broadcast %and3A_154 : i32 to vector<16xi32>
    %and3A_156 = arith.andi %bitcast3A_147, %and3A_155 : vector<16xi32>
    %or3A_157 = arith.constant 1065353216 : i32
    %or3A_158 = vector.broadcast %or3A_157 : i32 to vector<16xi32>
    %or3A_159 = arith.ori %and3A_156, %or3A_158 : vector<16xi32>
    %bitcast3A_160 = vector.bitcast %or3A_159 : vector<16xi32> to vector<16xf32>
    %ge3A_161 = arith.constant 1.41421354 : f32
    %ge3A_162 = vector.broadcast %ge3A_161 : f32 to vector<16xf32>
    %ge3A_163 = arith.cmpf oge, %bitcast3A_160, %ge3A_162 : vector<16xf32>
    %mul3A_164 = arith.constant 5.000000e-01 : f32
    %mul3A_165 = vector.broadcast %mul3A_164 : f32 to vector<16xf32>
    %mul3A_166 = arith.mulf %mul3A_165, %bitcast3A_160 : vector<16xf32>
    %select_n3A_167 = arith.select %ge3A_163, %mul3A_166, %bitcast3A_160 : vector<16xi1>, vector<16xf32>
    %convert_element_type3A_168 = arith.sitofp %sub3A_153 : vector<16xi32> to vector<16xf32>
    %jit3A_169 = arith.constant 1.000000e+00 : f32
    %jit3A_170 = arith.constant 0.000000e+00 : f32
    %broadcast_in_dim3A_171 = vector.broadcast %jit3A_169 : f32 to vector<16xf32>
    %broadcast_in_dim3A_172 = vector.broadcast %jit3A_170 : f32 to vector<16xf32>
    %select_n3A_173 = arith.select %ge3A_163, %broadcast_in_dim3A_171, %broadcast_in_dim3A_172 : vector<16xi1>, vector<16xf32>
    %add3A_174 = arith.addf %convert_element_type3A_168, %select_n3A_173 : vector<16xf32>
    %sub3A_175 = arith.constant 1.000000e+00 : f32
    %sub3A_176 = vector.broadcast %sub3A_175 : f32 to vector<16xf32>
    %sub3A_177 = arith.subf %select_n3A_167, %sub3A_176 : vector<16xf32>
    %add3A_178 = arith.constant 1.000000e+00 : f32
    %add3A_179 = vector.broadcast %add3A_178 : f32 to vector<16xf32>
    %add3A_180 = arith.addf %select_n3A_167, %add3A_179 : vector<16xf32>
    %div3A_181 = arith.divf %sub3A_177, %add3A_180 : vector<16xf32>
    %mul3A_182 = arith.mulf %div3A_181, %div3A_181 : vector<16xf32>
    %mul3A_183 = arith.constant 0.285714298 : f32
    %mul3A_184 = vector.broadcast %mul3A_183 : f32 to vector<16xf32>
    %mul3A_185 = arith.mulf %mul3A_182, %mul3A_184 : vector<16xf32>
    %add3A_186 = arith.constant 4.000000e-01 : f32
    %add3A_187 = vector.broadcast %add3A_186 : f32 to vector<16xf32>
    %add3A_188 = arith.addf %add3A_187, %mul3A_185 : vector<16xf32>
    %mul3A_189 = arith.mulf %mul3A_182, %add3A_188 : vector<16xf32>
    %add3A_190 = arith.constant 0.666666686 : f32
    %add3A_191 = vector.broadcast %add3A_190 : f32 to vector<16xf32>
    %add3A_192 = arith.addf %add3A_191, %mul3A_189 : vector<16xf32>
    %mul3A_193 = arith.mulf %mul3A_182, %add3A_192 : vector<16xf32>
    %add3A_194 = arith.constant 2.000000e+00 : f32
    %add3A_195 = vector.broadcast %add3A_194 : f32 to vector<16xf32>
    %add3A_196 = arith.addf %add3A_195, %mul3A_193 : vector<16xf32>
    %mul3A_197 = arith.mulf %div3A_181, %add3A_196 : vector<16xf32>
    %mul3A_198 = arith.constant 0.693147182 : f32
    %mul3A_199 = vector.broadcast %mul3A_198 : f32 to vector<16xf32>
    %mul3A_200 = arith.mulf %add3A_174, %mul3A_199 : vector<16xf32>
    %add3A_201 = arith.addf %mul3A_200, %mul3A_197 : vector<16xf32>
    %mul3A_202 = arith.constant -0.00502512557 : f32
    %mul3A_203 = vector.broadcast %mul3A_202 : f32 to vector<16xf32>
    %mul3A_204 = arith.mulf %add3A_201, %mul3A_203 : vector<16xf32>
    %swap3A_205 = arith.constant 32 : index
    %swap3A_206 = tpu.vector_load %arg7[%swap3A_205] {strides = array<i32>} : memref<256xf32, #tpu.memory_space<vmem>>, vector<16xf32>,
    tpu.vector_store %arg7[%swap3A_205], %mul3A_204 {strides = array<i32>} : memref<256xf32, #tpu.memory_space<vmem>>, vector<16xf32>,
    %add3A_207 = arith.constant 48 : i32
    %add3A_208 = vector.broadcast %add3A_207 : i32 to vector<16xi32>
    %add3A_209 = arith.addi %add3A_208, %iota3A : vector<16xi32>
    %convert_element_type3A_210 = arith.sitofp %add3A_209 : vector<16xi32> to vector<16xf32>
    %mul3A_211 = arith.constant 0.00502512557 : f32
    %mul3A_212 = vector.broadcast %mul3A_211 : f32 to vector<16xf32>
    %mul3A_213 = arith.mulf %convert_element_type3A_210, %mul3A_212 : vector<16xf32>
    %add3A_214 = arith.constant 1.000000e-10 : f32
    %add3A_215 = vector.broadcast %add3A_214 : f32 to vector<16xf32>
    %add3A_216 = arith.addf %mul3A_213, %add3A_215 : vector<16xf32>
    %bitcast3A_217 = vector.bitcast %add3A_216 : vector<16xf32> to vector<16xi32>
    %shift_right_arithmetic3A_218 = arith.constant 23 : i32
    %shift_right_arithmetic3A_219 = vector.broadcast %shift_right_arithmetic3A_218 : i32 to vector<16xi32>
    %shift_right_arithmetic3A_220 = arith.shrsi %bitcast3A_217, %shift_right_arithmetic3A_219 : vector<16xi32>
    %sub3A_221 = arith.constant 127 : i32
    %sub3A_222 = vector.broadcast %sub3A_221 : i32 to vector<16xi32>
    %sub3A_223 = arith.subi %shift_right_arithmetic3A_220, %sub3A_222 : vector<16xi32>
    %and3A_224 = arith.constant 8388607 : i32
    %and3A_225 = vector.broadcast %and3A_224 : i32 to vector<16xi32>
    %and3A_226 = arith.andi %bitcast3A_217, %and3A_225 : vector<16xi32>
    %or3A_227 = arith.constant 1065353216 : i32
    %or3A_228 = vector.broadcast %or3A_227 : i32 to vector<16xi32>
    %or3A_229 = arith.ori %and3A_226, %or3A_228 : vector<16xi32>
    %bitcast3A_230 = vector.bitcast %or3A_229 : vector<16xi32> to vector<16xf32>
    %ge3A_231 = arith.constant 1.41421354 : f32
    %ge3A_232 = vector.broadcast %ge3A_231 : f32 to vector<16xf32>
    %ge3A_233 = arith.cmpf oge, %bitcast3A_230, %ge3A_232 : vector<16xf32>
    %mul3A_234 = arith.constant 5.000000e-01 : f32
    %mul3A_235 = vector.broadcast %mul3A_234 : f32 to vector<16xf32>
    %mul3A_236 = arith.mulf %mul3A_235, %bitcast3A_230 : vector<16xf32>
    %select_n3A_237 = arith.select %ge3A_233, %mul3A_236, %bitcast3A_230 : vector<16xi1>, vector<16xf32>
    %convert_element_type3A_238 = arith.sitofp %sub3A_223 : vector<16xi32> to vector<16xf32>
    %jit3A_239 = arith.constant 1.000000e+00 : f32
    %jit3A_240 = arith.constant 0.000000e+00 : f32
    %broadcast_in_dim3A_241 = vector.broadcast %jit3A_239 : f32 to vector<16xf32>
    %broadcast_in_dim3A_242 = vector.broadcast %jit3A_240 : f32 to vector<16xf32>
    %select_n3A_243 = arith.select %ge3A_233, %broadcast_in_dim3A_241, %broadcast_in_dim3A_242 : vector<16xi1>, vector<16xf32>
    %add3A_244 = arith.addf %convert_element_type3A_238, %select_n3A_243 : vector<16xf32>
    %sub3A_245 = arith.constant 1.000000e+00 : f32
    %sub3A_246 = vector.broadcast %sub3A_245 : f32 to vector<16xf32>
    %sub3A_247 = arith.subf %select_n3A_237, %sub3A_246 : vector<16xf32>
    %add3A_248 = arith.constant 1.000000e+00 : f32
    %add3A_249 = vector.broadcast %add3A_248 : f32 to vector<16xf32>
    %add3A_250 = arith.addf %select_n3A_237, %add3A_249 : vector<16xf32>
    %div3A_251 = arith.divf %sub3A_247, %add3A_250 : vector<16xf32>
    %mul3A_252 = arith.mulf %div3A_251, %div3A_251 : vector<16xf32>
    %mul3A_253 = arith.constant 0.285714298 : f32
    %mul3A_254 = vector.broadcast %mul3A_253 : f32 to vector<16xf32>
    %mul3A_255 = arith.mulf %mul3A_252, %mul3A_254 : vector<16xf32>
    %add3A_256 = arith.constant 4.000000e-01 : f32
    %add3A_257 = vector.broadcast %add3A_256 : f32 to vector<16xf32>
    %add3A_258 = arith.addf %add3A_257, %mul3A_255 : vector<16xf32>
    %mul3A_259 = arith.mulf %mul3A_252, %add3A_258 : vector<16xf32>
    %add3A_260 = arith.constant 0.666666686 : f32
    %add3A_261 = vector.broadcast %add3A_260 : f32 to vector<16xf32>
    %add3A_262 = arith.addf %add3A_261, %mul3A_259 : vector<16xf32>
    %mul3A_263 = arith.mulf %mul3A_252, %add3A_262 : vector<16xf32>
    %add3A_264 = arith.constant 2.000000e+00 : f32
    %add3A_265 = vector.broadcast %add3A_264 : f32 to vector<16xf32>
    %add3A_266 = arith.addf %add3A_265, %mul3A_263 : vector<16xf32>
    %mul3A_267 = arith.mulf %div3A_251, %add3A_266 : vector<16xf32>
    %mul3A_268 = arith.constant 0.693147182 : f32
    %mul3A_269 = vector.broadcast %mul3A_268 : f32 to vector<16xf32>
    %mul3A_270 = arith.mulf %add3A_244, %mul3A_269 : vector<16xf32>
    %add3A_271 = arith.addf %mul3A_270, %mul3A_267 : vector<16xf32>
    %mul3A_272 = arith.constant -0.00502512557 : f32
    %mul3A_273 = vector.broadcast %mul3A_272 : f32 to vector<16xf32>
    %mul3A_274 = arith.mulf %add3A_271, %mul3A_273 : vector<16xf32>
    %swap3A_275 = arith.constant 48 : index
    %swap3A_276 = tpu.vector_load %arg7[%swap3A_275] {strides = array<i32>} : memref<256xf32, #tpu.memory_space<vmem>>, vector<16xf32>,
    tpu.vector_store %arg7[%swap3A_275], %mul3A_274 {strides = array<i32>} : memref<256xf32, #tpu.memory_space<vmem>>, vector<16xf32>,
    %add3A_277 = arith.constant 64 : i32
    %add3A_278 = vector.broadcast %add3A_277 : i32 to vector<16xi32>
    %add3A_279 = arith.addi %add3A_278, %iota3A : vector<16xi32>
    %convert_element_type3A_280 = arith.sitofp %add3A_279 : vector<16xi32> to vector<16xf32>
    %mul3A_281 = arith.constant 0.00502512557 : f32
    %mul3A_282 = vector.broadcast %mul3A_281 : f32 to vector<16xf32>
    %mul3A_283 = arith.mulf %convert_element_type3A_280, %mul3A_282 : vector<16xf32>
    %add3A_284 = arith.constant 1.000000e-10 : f32
    %add3A_285 = vector.broadcast %add3A_284 : f32 to vector<16xf32>
    %add3A_286 = arith.addf %mul3A_283, %add3A_285 : vector<16xf32>
    %bitcast3A_287 = vector.bitcast %add3A_286 : vector<16xf32> to vector<16xi32>
    %shift_right_arithmetic3A_288 = arith.constant 23 : i32
    %shift_right_arithmetic3A_289 = vector.broadcast %shift_right_arithmetic3A_288 : i32 to vector<16xi32>
    %shift_right_arithmetic3A_290 = arith.shrsi %bitcast3A_287, %shift_right_arithmetic3A_289 : vector<16xi32>
    %sub3A_291 = arith.constant 127 : i32
    %sub3A_292 = vector.broadcast %sub3A_291 : i32 to vector<16xi32>
    %sub3A_293 = arith.subi %shift_right_arithmetic3A_290, %sub3A_292 : vector<16xi32>
    %and3A_294 = arith.constant 8388607 : i32
    %and3A_295 = vector.broadcast %and3A_294 : i32 to vector<16xi32>
    %and3A_296 = arith.andi %bitcast3A_287, %and3A_295 : vector<16xi32>
    %or3A_297 = arith.constant 1065353216 : i32
    %or3A_298 = vector.broadcast %or3A_297 : i32 to vector<16xi32>
    %or3A_299 = arith.ori %and3A_296, %or3A_298 : vector<16xi32>
    %bitcast3A_300 = vector.bitcast %or3A_299 : vector<16xi32> to vector<16xf32>
    %ge3A_301 = arith.constant 1.41421354 : f32
    %ge3A_302 = vector.broadcast %ge3A_301 : f32 to vector<16xf32>
    %ge3A_303 = arith.cmpf oge, %bitcast3A_300, %ge3A_302 : vector<16xf32>
    %mul3A_304 = arith.constant 5.000000e-01 : f32
    %mul3A_305 = vector.broadcast %mul3A_304 : f32 to vector<16xf32>
    %mul3A_306 = arith.mulf %mul3A_305, %bitcast3A_300 : vector<16xf32>
    %select_n3A_307 = arith.select %ge3A_303, %mul3A_306, %bitcast3A_300 : vector<16xi1>, vector<16xf32>
    %convert_element_type3A_308 = arith.sitofp %sub3A_293 : vector<16xi32> to vector<16xf32>
    %jit3A_309 = arith.constant 1.000000e+00 : f32
    %jit3A_310 = arith.constant 0.000000e+00 : f32
    %broadcast_in_dim3A_311 = vector.broadcast %jit3A_309 : f32 to vector<16xf32>
    %broadcast_in_dim3A_312 = vector.broadcast %jit3A_310 : f32 to vector<16xf32>
    %select_n3A_313 = arith.select %ge3A_303, %broadcast_in_dim3A_311, %broadcast_in_dim3A_312 : vector<16xi1>, vector<16xf32>
    %add3A_314 = arith.addf %convert_element_type3A_308, %select_n3A_313 : vector<16xf32>
    %sub3A_315 = arith.constant 1.000000e+00 : f32
    %sub3A_316 = vector.broadcast %sub3A_315 : f32 to vector<16xf32>
    %sub3A_317 = arith.subf %select_n3A_307, %sub3A_316 : vector<16xf32>
    %add3A_318 = arith.constant 1.000000e+00 : f32
    %add3A_319 = vector.broadcast %add3A_318 : f32 to vector<16xf32>
    %add3A_320 = arith.addf %select_n3A_307, %add3A_319 : vector<16xf32>
    %div3A_321 = arith.divf %sub3A_317, %add3A_320 : vector<16xf32>
    %mul3A_322 = arith.mulf %div3A_321, %div3A_321 : vector<16xf32>
    %mul3A_323 = arith.constant 0.285714298 : f32
    %mul3A_324 = vector.broadcast %mul3A_323 : f32 to vector<16xf32>
    %mul3A_325 = arith.mulf %mul3A_322, %mul3A_324 : vector<16xf32>
    %add3A_326 = arith.constant 4.000000e-01 : f32
    %add3A_327 = vector.broadcast %add3A_326 : f32 to vector<16xf32>
    %add3A_328 = arith.addf %add3A_327, %mul3A_325 : vector<16xf32>
    %mul3A_329 = arith.mulf %mul3A_322, %add3A_328 : vector<16xf32>
    %add3A_330 = arith.constant 0.666666686 : f32
    %add3A_331 = vector.broadcast %add3A_330 : f32 to vector<16xf32>
    %add3A_332 = arith.addf %add3A_331, %mul3A_329 : vector<16xf32>
    %mul3A_333 = arith.mulf %mul3A_322, %add3A_332 : vector<16xf32>
    %add3A_334 = arith.constant 2.000000e+00 : f32
    %add3A_335 = vector.broadcast %add3A_334 : f32 to vector<16xf32>
    %add3A_336 = arith.addf %add3A_335, %mul3A_333 : vector<16xf32>
    %mul3A_337 = arith.mulf %div3A_321, %add3A_336 : vector<16xf32>
    %mul3A_338 = arith.constant 0.693147182 : f32
    %mul3A_339 = vector.broadcast %mul3A_338 : f32 to vector<16xf32>
    %mul3A_340 = arith.mulf %add3A_314, %mul3A_339 : vector<16xf32>
    %add3A_341 = arith.addf %mul3A_340, %mul3A_337 : vector<16xf32>
    %mul3A_342 = arith.constant -0.00502512557 : f32
    %mul3A_343 = vector.broadcast %mul3A_342 : f32 to vector<16xf32>
    %mul3A_344 = arith.mulf %add3A_341, %mul3A_343 : vector<16xf32>
    %swap3A_345 = arith.constant 64 : index
    %swap3A_346 = tpu.vector_load %arg7[%swap3A_345] {strides = array<i32>} : memref<256xf32, #tpu.memory_space<vmem>>, vector<16xf32>,
    tpu.vector_store %arg7[%swap3A_345], %mul3A_344 {strides = array<i32>} : memref<256xf32, #tpu.memory_space<vmem>>, vector<16xf32>,
    %add3A_347 = arith.constant 80 : i32
    %add3A_348 = vector.broadcast %add3A_347 : i32 to vector<16xi32>
    %add3A_349 = arith.addi %add3A_348, %iota3A : vector<16xi32>
    %convert_element_type3A_350 = arith.sitofp %add3A_349 : vector<16xi32> to vector<16xf32>
    %mul3A_351 = arith.constant 0.00502512557 : f32
    %mul3A_352 = vector.broadcast %mul3A_351 : f32 to vector<16xf32>
    %mul3A_353 = arith.mulf %convert_element_type3A_350, %mul3A_352 : vector<16xf32>
    %add3A_354 = arith.constant 1.000000e-10 : f32
    %add3A_355 = vector.broadcast %add3A_354 : f32 to vector<16xf32>
    %add3A_356 = arith.addf %mul3A_353, %add3A_355 : vector<16xf32>
    %bitcast3A_357 = vector.bitcast %add3A_356 : vector<16xf32> to vector<16xi32>
    %shift_right_arithmetic3A_358 = arith.constant 23 : i32
    %shift_right_arithmetic3A_359 = vector.broadcast %shift_right_arithmetic3A_358 : i32 to vector<16xi32>
    %shift_right_arithmetic3A_360 = arith.shrsi %bitcast3A_357, %shift_right_arithmetic3A_359 : vector<16xi32>
    %sub3A_361 = arith.constant 127 : i32
    %sub3A_362 = vector.broadcast %sub3A_361 : i32 to vector<16xi32>
    %sub3A_363 = arith.subi %shift_right_arithmetic3A_360, %sub3A_362 : vector<16xi32>
    %and3A_364 = arith.constant 8388607 : i32
    %and3A_365 = vector.broadcast %and3A_364 : i32 to vector<16xi32>
    %and3A_366 = arith.andi %bitcast3A_357, %and3A_365 : vector<16xi32>
    %or3A_367 = arith.constant 1065353216 : i32
    %or3A_368 = vector.broadcast %or3A_367 : i32 to vector<16xi32>
    %or3A_369 = arith.ori %and3A_366, %or3A_368 : vector<16xi32>
    %bitcast3A_370 = vector.bitcast %or3A_369 : vector<16xi32> to vector<16xf32>
    %ge3A_371 = arith.constant 1.41421354 : f32
    %ge3A_372 = vector.broadcast %ge3A_371 : f32 to vector<16xf32>
    %ge3A_373 = arith.cmpf oge, %bitcast3A_370, %ge3A_372 : vector<16xf32>
    %mul3A_374 = arith.constant 5.000000e-01 : f32
    %mul3A_375 = vector.broadcast %mul3A_374 : f32 to vector<16xf32>
    %mul3A_376 = arith.mulf %mul3A_375, %bitcast3A_370 : vector<16xf32>
    %select_n3A_377 = arith.select %ge3A_373, %mul3A_376, %bitcast3A_370 : vector<16xi1>, vector<16xf32>
    %convert_element_type3A_378 = arith.sitofp %sub3A_363 : vector<16xi32> to vector<16xf32>
    %jit3A_379 = arith.constant 1.000000e+00 : f32
    %jit3A_380 = arith.constant 0.000000e+00 : f32
    %broadcast_in_dim3A_381 = vector.broadcast %jit3A_379 : f32 to vector<16xf32>
    %broadcast_in_dim3A_382 = vector.broadcast %jit3A_380 : f32 to vector<16xf32>
    %select_n3A_383 = arith.select %ge3A_373, %broadcast_in_dim3A_381, %broadcast_in_dim3A_382 : vector<16xi1>, vector<16xf32>
    %add3A_384 = arith.addf %convert_element_type3A_378, %select_n3A_383 : vector<16xf32>
    %sub3A_385 = arith.constant 1.000000e+00 : f32
    %sub3A_386 = vector.broadcast %sub3A_385 : f32 to vector<16xf32>
    %sub3A_387 = arith.subf %select_n3A_377, %sub3A_386 : vector<16xf32>
    %add3A_388 = arith.constant 1.000000e+00 : f32
    %add3A_389 = vector.broadcast %add3A_388 : f32 to vector<16xf32>
    %add3A_390 = arith.addf %select_n3A_377, %add3A_389 : vector<16xf32>
    %div3A_391 = arith.divf %sub3A_387, %add3A_390 : vector<16xf32>
    %mul3A_392 = arith.mulf %div3A_391, %div3A_391 : vector<16xf32>
    %mul3A_393 = arith.constant 0.285714298 : f32
    %mul3A_394 = vector.broadcast %mul3A_393 : f32 to vector<16xf32>
    %mul3A_395 = arith.mulf %mul3A_392, %mul3A_394 : vector<16xf32>
    %add3A_396 = arith.constant 4.000000e-01 : f32
    %add3A_397 = vector.broadcast %add3A_396 : f32 to vector<16xf32>
    %add3A_398 = arith.addf %add3A_397, %mul3A_395 : vector<16xf32>
    %mul3A_399 = arith.mulf %mul3A_392, %add3A_398 : vector<16xf32>
    %add3A_400 = arith.constant 0.666666686 : f32
    %add3A_401 = vector.broadcast %add3A_400 : f32 to vector<16xf32>
    %add3A_402 = arith.addf %add3A_401, %mul3A_399 : vector<16xf32>
    %mul3A_403 = arith.mulf %mul3A_392, %add3A_402 : vector<16xf32>
    %add3A_404 = arith.constant 2.000000e+00 : f32
    %add3A_405 = vector.broadcast %add3A_404 : f32 to vector<16xf32>
    %add3A_406 = arith.addf %add3A_405, %mul3A_403 : vector<16xf32>
    %mul3A_407 = arith.mulf %div3A_391, %add3A_406 : vector<16xf32>
    %mul3A_408 = arith.constant 0.693147182 : f32
    %mul3A_409 = vector.broadcast %mul3A_408 : f32 to vector<16xf32>
    %mul3A_410 = arith.mulf %add3A_384, %mul3A_409 : vector<16xf32>
    %add3A_411 = arith.addf %mul3A_410, %mul3A_407 : vector<16xf32>
    %mul3A_412 = arith.constant -0.00502512557 : f32
    %mul3A_413 = vector.broadcast %mul3A_412 : f32 to vector<16xf32>
    %mul3A_414 = arith.mulf %add3A_411, %mul3A_413 : vector<16xf32>
    %swap3A_415 = arith.constant 80 : index
    %swap3A_416 = tpu.vector_load %arg7[%swap3A_415] {strides = array<i32>} : memref<256xf32, #tpu.memory_space<vmem>>, vector<16xf32>,
    tpu.vector_store %arg7[%swap3A_415], %mul3A_414 {strides = array<i32>} : memref<256xf32, #tpu.memory_space<vmem>>, vector<16xf32>,
    %add3A_417 = arith.constant 96 : i32
    %add3A_418 = vector.broadcast %add3A_417 : i32 to vector<16xi32>
    %add3A_419 = arith.addi %add3A_418, %iota3A : vector<16xi32>
    %convert_element_type3A_420 = arith.sitofp %add3A_419 : vector<16xi32> to vector<16xf32>
    %mul3A_421 = arith.constant 0.00502512557 : f32
    %mul3A_422 = vector.broadcast %mul3A_421 : f32 to vector<16xf32>
    %mul3A_423 = arith.mulf %convert_element_type3A_420, %mul3A_422 : vector<16xf32>
    %add3A_424 = arith.constant 1.000000e-10 : f32
    %add3A_425 = vector.broadcast %add3A_424 : f32 to vector<16xf32>
    %add3A_426 = arith.addf %mul3A_423, %add3A_425 : vector<16xf32>
    %bitcast3A_427 = vector.bitcast %add3A_426 : vector<16xf32> to vector<16xi32>
    %shift_right_arithmetic3A_428 = arith.constant 23 : i32
    %shift_right_arithmetic3A_429 = vector.broadcast %shift_right_arithmetic3A_428 : i32 to vector<16xi32>
    %shift_right_arithmetic3A_430 = arith.shrsi %bitcast3A_427, %shift_right_arithmetic3A_429 : vector<16xi32>
    %sub3A_431 = arith.constant 127 : i32
    %sub3A_432 = vector.broadcast %sub3A_431 : i32 to vector<16xi32>
    %sub3A_433 = arith.subi %shift_right_arithmetic3A_430, %sub3A_432 : vector<16xi32>
    %and3A_434 = arith.constant 8388607 : i32
    %and3A_435 = vector.broadcast %and3A_434 : i32 to vector<16xi32>
    %and3A_436 = arith.andi %bitcast3A_427, %and3A_435 : vector<16xi32>
    %or3A_437 = arith.constant 1065353216 : i32
    %or3A_438 = vector.broadcast %or3A_437 : i32 to vector<16xi32>
    %or3A_439 = arith.ori %and3A_436, %or3A_438 : vector<16xi32>
    %bitcast3A_440 = vector.bitcast %or3A_439 : vector<16xi32> to vector<16xf32>
    %ge3A_441 = arith.constant 1.41421354 : f32
    %ge3A_442 = vector.broadcast %ge3A_441 : f32 to vector<16xf32>
    %ge3A_443 = arith.cmpf oge, %bitcast3A_440, %ge3A_442 : vector<16xf32>
    %mul3A_444 = arith.constant 5.000000e-01 : f32
    %mul3A_445 = vector.broadcast %mul3A_444 : f32 to vector<16xf32>
    %mul3A_446 = arith.mulf %mul3A_445, %bitcast3A_440 : vector<16xf32>
    %select_n3A_447 = arith.select %ge3A_443, %mul3A_446, %bitcast3A_440 : vector<16xi1>, vector<16xf32>
    %convert_element_type3A_448 = arith.sitofp %sub3A_433 : vector<16xi32> to vector<16xf32>
    %jit3A_449 = arith.constant 1.000000e+00 : f32
    %jit3A_450 = arith.constant 0.000000e+00 : f32
    %broadcast_in_dim3A_451 = vector.broadcast %jit3A_449 : f32 to vector<16xf32>
    %broadcast_in_dim3A_452 = vector.broadcast %jit3A_450 : f32 to vector<16xf32>
    %select_n3A_453 = arith.select %ge3A_443, %broadcast_in_dim3A_451, %broadcast_in_dim3A_452 : vector<16xi1>, vector<16xf32>
    %add3A_454 = arith.addf %convert_element_type3A_448, %select_n3A_453 : vector<16xf32>
    %sub3A_455 = arith.constant 1.000000e+00 : f32
    %sub3A_456 = vector.broadcast %sub3A_455 : f32 to vector<16xf32>
    %sub3A_457 = arith.subf %select_n3A_447, %sub3A_456 : vector<16xf32>
    %add3A_458 = arith.constant 1.000000e+00 : f32
    %add3A_459 = vector.broadcast %add3A_458 : f32 to vector<16xf32>
    %add3A_460 = arith.addf %select_n3A_447, %add3A_459 : vector<16xf32>
    %div3A_461 = arith.divf %sub3A_457, %add3A_460 : vector<16xf32>
    %mul3A_462 = arith.mulf %div3A_461, %div3A_461 : vector<16xf32>
    %mul3A_463 = arith.constant 0.285714298 : f32
    %mul3A_464 = vector.broadcast %mul3A_463 : f32 to vector<16xf32>
    %mul3A_465 = arith.mulf %mul3A_462, %mul3A_464 : vector<16xf32>
    %add3A_466 = arith.constant 4.000000e-01 : f32
    %add3A_467 = vector.broadcast %add3A_466 : f32 to vector<16xf32>
    %add3A_468 = arith.addf %add3A_467, %mul3A_465 : vector<16xf32>
    %mul3A_469 = arith.mulf %mul3A_462, %add3A_468 : vector<16xf32>
    %add3A_470 = arith.constant 0.666666686 : f32
    %add3A_471 = vector.broadcast %add3A_470 : f32 to vector<16xf32>
    %add3A_472 = arith.addf %add3A_471, %mul3A_469 : vector<16xf32>
    %mul3A_473 = arith.mulf %mul3A_462, %add3A_472 : vector<16xf32>
    %add3A_474 = arith.constant 2.000000e+00 : f32
    %add3A_475 = vector.broadcast %add3A_474 : f32 to vector<16xf32>
    %add3A_476 = arith.addf %add3A_475, %mul3A_473 : vector<16xf32>
    %mul3A_477 = arith.mulf %div3A_461, %add3A_476 : vector<16xf32>
    %mul3A_478 = arith.constant 0.693147182 : f32
    %mul3A_479 = vector.broadcast %mul3A_478 : f32 to vector<16xf32>
    %mul3A_480 = arith.mulf %add3A_454, %mul3A_479 : vector<16xf32>
    %add3A_481 = arith.addf %mul3A_480, %mul3A_477 : vector<16xf32>
    %mul3A_482 = arith.constant -0.00502512557 : f32
    %mul3A_483 = vector.broadcast %mul3A_482 : f32 to vector<16xf32>
    %mul3A_484 = arith.mulf %add3A_481, %mul3A_483 : vector<16xf32>
    %swap3A_485 = arith.constant 96 : index
    %swap3A_486 = tpu.vector_load %arg7[%swap3A_485] {strides = array<i32>} : memref<256xf32, #tpu.memory_space<vmem>>, vector<16xf32>,
    tpu.vector_store %arg7[%swap3A_485], %mul3A_484 {strides = array<i32>} : memref<256xf32, #tpu.memory_space<vmem>>, vector<16xf32>,
    %add3A_487 = arith.constant 112 : i32
    %add3A_488 = vector.broadcast %add3A_487 : i32 to vector<16xi32>
    %add3A_489 = arith.addi %add3A_488, %iota3A : vector<16xi32>
    %convert_element_type3A_490 = arith.sitofp %add3A_489 : vector<16xi32> to vector<16xf32>
    %mul3A_491 = arith.constant 0.00502512557 : f32
    %mul3A_492 = vector.broadcast %mul3A_491 : f32 to vector<16xf32>
    %mul3A_493 = arith.mulf %convert_element_type3A_490, %mul3A_492 : vector<16xf32>
    %add3A_494 = arith.constant 1.000000e-10 : f32
    %add3A_495 = vector.broadcast %add3A_494 : f32 to vector<16xf32>
    %add3A_496 = arith.addf %mul3A_493, %add3A_495 : vector<16xf32>
    %bitcast3A_497 = vector.bitcast %add3A_496 : vector<16xf32> to vector<16xi32>
    %shift_right_arithmetic3A_498 = arith.constant 23 : i32
    %shift_right_arithmetic3A_499 = vector.broadcast %shift_right_arithmetic3A_498 : i32 to vector<16xi32>
    %shift_right_arithmetic3A_500 = arith.shrsi %bitcast3A_497, %shift_right_arithmetic3A_499 : vector<16xi32>
    %sub3A_501 = arith.constant 127 : i32
    %sub3A_502 = vector.broadcast %sub3A_501 : i32 to vector<16xi32>
    %sub3A_503 = arith.subi %shift_right_arithmetic3A_500, %sub3A_502 : vector<16xi32>
    %and3A_504 = arith.constant 8388607 : i32
    %and3A_505 = vector.broadcast %and3A_504 : i32 to vector<16xi32>
    %and3A_506 = arith.andi %bitcast3A_497, %and3A_505 : vector<16xi32>
    %or3A_507 = arith.constant 1065353216 : i32
    %or3A_508 = vector.broadcast %or3A_507 : i32 to vector<16xi32>
    %or3A_509 = arith.ori %and3A_506, %or3A_508 : vector<16xi32>
    %bitcast3A_510 = vector.bitcast %or3A_509 : vector<16xi32> to vector<16xf32>
    %ge3A_511 = arith.constant 1.41421354 : f32
    %ge3A_512 = vector.broadcast %ge3A_511 : f32 to vector<16xf32>
    %ge3A_513 = arith.cmpf oge, %bitcast3A_510, %ge3A_512 : vector<16xf32>
    %mul3A_514 = arith.constant 5.000000e-01 : f32
    %mul3A_515 = vector.broadcast %mul3A_514 : f32 to vector<16xf32>
    %mul3A_516 = arith.mulf %mul3A_515, %bitcast3A_510 : vector<16xf32>
    %select_n3A_517 = arith.select %ge3A_513, %mul3A_516, %bitcast3A_510 : vector<16xi1>, vector<16xf32>
    %convert_element_type3A_518 = arith.sitofp %sub3A_503 : vector<16xi32> to vector<16xf32>
    %jit3A_519 = arith.constant 1.000000e+00 : f32
    %jit3A_520 = arith.constant 0.000000e+00 : f32
    %broadcast_in_dim3A_521 = vector.broadcast %jit3A_519 : f32 to vector<16xf32>
    %broadcast_in_dim3A_522 = vector.broadcast %jit3A_520 : f32 to vector<16xf32>
    %select_n3A_523 = arith.select %ge3A_513, %broadcast_in_dim3A_521, %broadcast_in_dim3A_522 : vector<16xi1>, vector<16xf32>
    %add3A_524 = arith.addf %convert_element_type3A_518, %select_n3A_523 : vector<16xf32>
    %sub3A_525 = arith.constant 1.000000e+00 : f32
    %sub3A_526 = vector.broadcast %sub3A_525 : f32 to vector<16xf32>
    %sub3A_527 = arith.subf %select_n3A_517, %sub3A_526 : vector<16xf32>
    %add3A_528 = arith.constant 1.000000e+00 : f32
    %add3A_529 = vector.broadcast %add3A_528 : f32 to vector<16xf32>
    %add3A_530 = arith.addf %select_n3A_517, %add3A_529 : vector<16xf32>
    %div3A_531 = arith.divf %sub3A_527, %add3A_530 : vector<16xf32>
    %mul3A_532 = arith.mulf %div3A_531, %div3A_531 : vector<16xf32>
    %mul3A_533 = arith.constant 0.285714298 : f32
    %mul3A_534 = vector.broadcast %mul3A_533 : f32 to vector<16xf32>
    %mul3A_535 = arith.mulf %mul3A_532, %mul3A_534 : vector<16xf32>
    %add3A_536 = arith.constant 4.000000e-01 : f32
    %add3A_537 = vector.broadcast %add3A_536 : f32 to vector<16xf32>
    %add3A_538 = arith.addf %add3A_537, %mul3A_535 : vector<16xf32>
    %mul3A_539 = arith.mulf %mul3A_532, %add3A_538 : vector<16xf32>
    %add3A_540 = arith.constant 0.666666686 : f32
    %add3A_541 = vector.broadcast %add3A_540 : f32 to vector<16xf32>
    %add3A_542 = arith.addf %add3A_541, %mul3A_539 : vector<16xf32>
    %mul3A_543 = arith.mulf %mul3A_532, %add3A_542 : vector<16xf32>
    %add3A_544 = arith.constant 2.000000e+00 : f32
    %add3A_545 = vector.broadcast %add3A_544 : f32 to vector<16xf32>
    %add3A_546 = arith.addf %add3A_545, %mul3A_543 : vector<16xf32>
    %mul3A_547 = arith.mulf %div3A_531, %add3A_546 : vector<16xf32>
    %mul3A_548 = arith.constant 0.693147182 : f32
    %mul3A_549 = vector.broadcast %mul3A_548 : f32 to vector<16xf32>
    %mul3A_550 = arith.mulf %add3A_524, %mul3A_549 : vector<16xf32>
    %add3A_551 = arith.addf %mul3A_550, %mul3A_547 : vector<16xf32>
    %mul3A_552 = arith.constant -0.00502512557 : f32
    %mul3A_553 = vector.broadcast %mul3A_552 : f32 to vector<16xf32>
    %mul3A_554 = arith.mulf %add3A_551, %mul3A_553 : vector<16xf32>
    %swap3A_555 = arith.constant 112 : index
    %swap3A_556 = tpu.vector_load %arg7[%swap3A_555] {strides = array<i32>} : memref<256xf32, #tpu.memory_space<vmem>>, vector<16xf32>,
    tpu.vector_store %arg7[%swap3A_555], %mul3A_554 {strides = array<i32>} : memref<256xf32, #tpu.memory_space<vmem>>, vector<16xf32>,
    %add3A_557 = arith.constant 128 : i32
    %add3A_558 = vector.broadcast %add3A_557 : i32 to vector<16xi32>
    %add3A_559 = arith.addi %add3A_558, %iota3A : vector<16xi32>
    %convert_element_type3A_560 = arith.sitofp %add3A_559 : vector<16xi32> to vector<16xf32>
    %mul3A_561 = arith.constant 0.00502512557 : f32
    %mul3A_562 = vector.broadcast %mul3A_561 : f32 to vector<16xf32>
    %mul3A_563 = arith.mulf %convert_element_type3A_560, %mul3A_562 : vector<16xf32>
    %add3A_564 = arith.constant 1.000000e-10 : f32
    %add3A_565 = vector.broadcast %add3A_564 : f32 to vector<16xf32>
    %add3A_566 = arith.addf %mul3A_563, %add3A_565 : vector<16xf32>
    %bitcast3A_567 = vector.bitcast %add3A_566 : vector<16xf32> to vector<16xi32>
    %shift_right_arithmetic3A_568 = arith.constant 23 : i32
    %shift_right_arithmetic3A_569 = vector.broadcast %shift_right_arithmetic3A_568 : i32 to vector<16xi32>
    %shift_right_arithmetic3A_570 = arith.shrsi %bitcast3A_567, %shift_right_arithmetic3A_569 : vector<16xi32>
    %sub3A_571 = arith.constant 127 : i32
    %sub3A_572 = vector.broadcast %sub3A_571 : i32 to vector<16xi32>
    %sub3A_573 = arith.subi %shift_right_arithmetic3A_570, %sub3A_572 : vector<16xi32>
    %and3A_574 = arith.constant 8388607 : i32
    %and3A_575 = vector.broadcast %and3A_574 : i32 to vector<16xi32>
    %and3A_576 = arith.andi %bitcast3A_567, %and3A_575 : vector<16xi32>
    %or3A_577 = arith.constant 1065353216 : i32
    %or3A_578 = vector.broadcast %or3A_577 : i32 to vector<16xi32>
    %or3A_579 = arith.ori %and3A_576, %or3A_578 : vector<16xi32>
    %bitcast3A_580 = vector.bitcast %or3A_579 : vector<16xi32> to vector<16xf32>
    %ge3A_581 = arith.constant 1.41421354 : f32
    %ge3A_582 = vector.broadcast %ge3A_581 : f32 to vector<16xf32>
    %ge3A_583 = arith.cmpf oge, %bitcast3A_580, %ge3A_582 : vector<16xf32>
    %mul3A_584 = arith.constant 5.000000e-01 : f32
    %mul3A_585 = vector.broadcast %mul3A_584 : f32 to vector<16xf32>
    %mul3A_586 = arith.mulf %mul3A_585, %bitcast3A_580 : vector<16xf32>
    %select_n3A_587 = arith.select %ge3A_583, %mul3A_586, %bitcast3A_580 : vector<16xi1>, vector<16xf32>
    %convert_element_type3A_588 = arith.sitofp %sub3A_573 : vector<16xi32> to vector<16xf32>
    %jit3A_589 = arith.constant 1.000000e+00 : f32
    %jit3A_590 = arith.constant 0.000000e+00 : f32
    %broadcast_in_dim3A_591 = vector.broadcast %jit3A_589 : f32 to vector<16xf32>
    %broadcast_in_dim3A_592 = vector.broadcast %jit3A_590 : f32 to vector<16xf32>
    %select_n3A_593 = arith.select %ge3A_583, %broadcast_in_dim3A_591, %broadcast_in_dim3A_592 : vector<16xi1>, vector<16xf32>
    %add3A_594 = arith.addf %convert_element_type3A_588, %select_n3A_593 : vector<16xf32>
    %sub3A_595 = arith.constant 1.000000e+00 : f32
    %sub3A_596 = vector.broadcast %sub3A_595 : f32 to vector<16xf32>
    %sub3A_597 = arith.subf %select_n3A_587, %sub3A_596 : vector<16xf32>
    %add3A_598 = arith.constant 1.000000e+00 : f32
    %add3A_599 = vector.broadcast %add3A_598 : f32 to vector<16xf32>
    %add3A_600 = arith.addf %select_n3A_587, %add3A_599 : vector<16xf32>
    %div3A_601 = arith.divf %sub3A_597, %add3A_600 : vector<16xf32>
    %mul3A_602 = arith.mulf %div3A_601, %div3A_601 : vector<16xf32>
    %mul3A_603 = arith.constant 0.285714298 : f32
    %mul3A_604 = vector.broadcast %mul3A_603 : f32 to vector<16xf32>
    %mul3A_605 = arith.mulf %mul3A_602, %mul3A_604 : vector<16xf32>
    %add3A_606 = arith.constant 4.000000e-01 : f32
    %add3A_607 = vector.broadcast %add3A_606 : f32 to vector<16xf32>
    %add3A_608 = arith.addf %add3A_607, %mul3A_605 : vector<16xf32>
    %mul3A_609 = arith.mulf %mul3A_602, %add3A_608 : vector<16xf32>
    %add3A_610 = arith.constant 0.666666686 : f32
    %add3A_611 = vector.broadcast %add3A_610 : f32 to vector<16xf32>
    %add3A_612 = arith.addf %add3A_611, %mul3A_609 : vector<16xf32>
    %mul3A_613 = arith.mulf %mul3A_602, %add3A_612 : vector<16xf32>
    %add3A_614 = arith.constant 2.000000e+00 : f32
    %add3A_615 = vector.broadcast %add3A_614 : f32 to vector<16xf32>
    %add3A_616 = arith.addf %add3A_615, %mul3A_613 : vector<16xf32>
    %mul3A_617 = arith.mulf %div3A_601, %add3A_616 : vector<16xf32>
    %mul3A_618 = arith.constant 0.693147182 : f32
    %mul3A_619 = vector.broadcast %mul3A_618 : f32 to vector<16xf32>
    %mul3A_620 = arith.mulf %add3A_594, %mul3A_619 : vector<16xf32>
    %add3A_621 = arith.addf %mul3A_620, %mul3A_617 : vector<16xf32>
    %mul3A_622 = arith.constant -0.00502512557 : f32
    %mul3A_623 = vector.broadcast %mul3A_622 : f32 to vector<16xf32>
    %mul3A_624 = arith.mulf %add3A_621, %mul3A_623 : vector<16xf32>
    %swap3A_625 = arith.constant 128 : index
    %swap3A_626 = tpu.vector_load %arg7[%swap3A_625] {strides = array<i32>} : memref<256xf32, #tpu.memory_space<vmem>>, vector<16xf32>,
    tpu.vector_store %arg7[%swap3A_625], %mul3A_624 {strides = array<i32>} : memref<256xf32, #tpu.memory_space<vmem>>, vector<16xf32>,
    %add3A_627 = arith.constant 144 : i32
    %add3A_628 = vector.broadcast %add3A_627 : i32 to vector<16xi32>
    %add3A_629 = arith.addi %add3A_628, %iota3A : vector<16xi32>
    %convert_element_type3A_630 = arith.sitofp %add3A_629 : vector<16xi32> to vector<16xf32>
    %mul3A_631 = arith.constant 0.00502512557 : f32
    %mul3A_632 = vector.broadcast %mul3A_631 : f32 to vector<16xf32>
    %mul3A_633 = arith.mulf %convert_element_type3A_630, %mul3A_632 : vector<16xf32>
    %add3A_634 = arith.constant 1.000000e-10 : f32
    %add3A_635 = vector.broadcast %add3A_634 : f32 to vector<16xf32>
    %add3A_636 = arith.addf %mul3A_633, %add3A_635 : vector<16xf32>
    %bitcast3A_637 = vector.bitcast %add3A_636 : vector<16xf32> to vector<16xi32>
    %shift_right_arithmetic3A_638 = arith.constant 23 : i32
    %shift_right_arithmetic3A_639 = vector.broadcast %shift_right_arithmetic3A_638 : i32 to vector<16xi32>
    %shift_right_arithmetic3A_640 = arith.shrsi %bitcast3A_637, %shift_right_arithmetic3A_639 : vector<16xi32>
    %sub3A_641 = arith.constant 127 : i32
    %sub3A_642 = vector.broadcast %sub3A_641 : i32 to vector<16xi32>
    %sub3A_643 = arith.subi %shift_right_arithmetic3A_640, %sub3A_642 : vector<16xi32>
    %and3A_644 = arith.constant 8388607 : i32
    %and3A_645 = vector.broadcast %and3A_644 : i32 to vector<16xi32>
    %and3A_646 = arith.andi %bitcast3A_637, %and3A_645 : vector<16xi32>
    %or3A_647 = arith.constant 1065353216 : i32
    %or3A_648 = vector.broadcast %or3A_647 : i32 to vector<16xi32>
    %or3A_649 = arith.ori %and3A_646, %or3A_648 : vector<16xi32>
    %bitcast3A_650 = vector.bitcast %or3A_649 : vector<16xi32> to vector<16xf32>
    %ge3A_651 = arith.constant 1.41421354 : f32
    %ge3A_652 = vector.broadcast %ge3A_651 : f32 to vector<16xf32>
    %ge3A_653 = arith.cmpf oge, %bitcast3A_650, %ge3A_652 : vector<16xf32>
    %mul3A_654 = arith.constant 5.000000e-01 : f32
    %mul3A_655 = vector.broadcast %mul3A_654 : f32 to vector<16xf32>
    %mul3A_656 = arith.mulf %mul3A_655, %bitcast3A_650 : vector<16xf32>
    %select_n3A_657 = arith.select %ge3A_653, %mul3A_656, %bitcast3A_650 : vector<16xi1>, vector<16xf32>
    %convert_element_type3A_658 = arith.sitofp %sub3A_643 : vector<16xi32> to vector<16xf32>
    %jit3A_659 = arith.constant 1.000000e+00 : f32
    %jit3A_660 = arith.constant 0.000000e+00 : f32
    %broadcast_in_dim3A_661 = vector.broadcast %jit3A_659 : f32 to vector<16xf32>
    %broadcast_in_dim3A_662 = vector.broadcast %jit3A_660 : f32 to vector<16xf32>
    %select_n3A_663 = arith.select %ge3A_653, %broadcast_in_dim3A_661, %broadcast_in_dim3A_662 : vector<16xi1>, vector<16xf32>
    %add3A_664 = arith.addf %convert_element_type3A_658, %select_n3A_663 : vector<16xf32>
    %sub3A_665 = arith.constant 1.000000e+00 : f32
    %sub3A_666 = vector.broadcast %sub3A_665 : f32 to vector<16xf32>
    %sub3A_667 = arith.subf %select_n3A_657, %sub3A_666 : vector<16xf32>
    %add3A_668 = arith.constant 1.000000e+00 : f32
    %add3A_669 = vector.broadcast %add3A_668 : f32 to vector<16xf32>
    %add3A_670 = arith.addf %select_n3A_657, %add3A_669 : vector<16xf32>
    %div3A_671 = arith.divf %sub3A_667, %add3A_670 : vector<16xf32>
    %mul3A_672 = arith.mulf %div3A_671, %div3A_671 : vector<16xf32>
    %mul3A_673 = arith.constant 0.285714298 : f32
    %mul3A_674 = vector.broadcast %mul3A_673 : f32 to vector<16xf32>
    %mul3A_675 = arith.mulf %mul3A_672, %mul3A_674 : vector<16xf32>
    %add3A_676 = arith.constant 4.000000e-01 : f32
    %add3A_677 = vector.broadcast %add3A_676 : f32 to vector<16xf32>
    %add3A_678 = arith.addf %add3A_677, %mul3A_675 : vector<16xf32>
    %mul3A_679 = arith.mulf %mul3A_672, %add3A_678 : vector<16xf32>
    %add3A_680 = arith.constant 0.666666686 : f32
    %add3A_681 = vector.broadcast %add3A_680 : f32 to vector<16xf32>
    %add3A_682 = arith.addf %add3A_681, %mul3A_679 : vector<16xf32>
    %mul3A_683 = arith.mulf %mul3A_672, %add3A_682 : vector<16xf32>
    %add3A_684 = arith.constant 2.000000e+00 : f32
    %add3A_685 = vector.broadcast %add3A_684 : f32 to vector<16xf32>
    %add3A_686 = arith.addf %add3A_685, %mul3A_683 : vector<16xf32>
    %mul3A_687 = arith.mulf %div3A_671, %add3A_686 : vector<16xf32>
    %mul3A_688 = arith.constant 0.693147182 : f32
    %mul3A_689 = vector.broadcast %mul3A_688 : f32 to vector<16xf32>
    %mul3A_690 = arith.mulf %add3A_664, %mul3A_689 : vector<16xf32>
    %add3A_691 = arith.addf %mul3A_690, %mul3A_687 : vector<16xf32>
    %mul3A_692 = arith.constant -0.00502512557 : f32
    %mul3A_693 = vector.broadcast %mul3A_692 : f32 to vector<16xf32>
    %mul3A_694 = arith.mulf %add3A_691, %mul3A_693 : vector<16xf32>
    %swap3A_695 = arith.constant 144 : index
    %swap3A_696 = tpu.vector_load %arg7[%swap3A_695] {strides = array<i32>} : memref<256xf32, #tpu.memory_space<vmem>>, vector<16xf32>,
    tpu.vector_store %arg7[%swap3A_695], %mul3A_694 {strides = array<i32>} : memref<256xf32, #tpu.memory_space<vmem>>, vector<16xf32>,
    %add3A_697 = arith.constant 160 : i32
    %add3A_698 = vector.broadcast %add3A_697 : i32 to vector<16xi32>
    %add3A_699 = arith.addi %add3A_698, %iota3A : vector<16xi32>
    %convert_element_type3A_700 = arith.sitofp %add3A_699 : vector<16xi32> to vector<16xf32>
    %mul3A_701 = arith.constant 0.00502512557 : f32
    %mul3A_702 = vector.broadcast %mul3A_701 : f32 to vector<16xf32>
    %mul3A_703 = arith.mulf %convert_element_type3A_700, %mul3A_702 : vector<16xf32>
    %add3A_704 = arith.constant 1.000000e-10 : f32
    %add3A_705 = vector.broadcast %add3A_704 : f32 to vector<16xf32>
    %add3A_706 = arith.addf %mul3A_703, %add3A_705 : vector<16xf32>
    %bitcast3A_707 = vector.bitcast %add3A_706 : vector<16xf32> to vector<16xi32>
    %shift_right_arithmetic3A_708 = arith.constant 23 : i32
    %shift_right_arithmetic3A_709 = vector.broadcast %shift_right_arithmetic3A_708 : i32 to vector<16xi32>
    %shift_right_arithmetic3A_710 = arith.shrsi %bitcast3A_707, %shift_right_arithmetic3A_709 : vector<16xi32>
    %sub3A_711 = arith.constant 127 : i32
    %sub3A_712 = vector.broadcast %sub3A_711 : i32 to vector<16xi32>
    %sub3A_713 = arith.subi %shift_right_arithmetic3A_710, %sub3A_712 : vector<16xi32>
    %and3A_714 = arith.constant 8388607 : i32
    %and3A_715 = vector.broadcast %and3A_714 : i32 to vector<16xi32>
    %and3A_716 = arith.andi %bitcast3A_707, %and3A_715 : vector<16xi32>
    %or3A_717 = arith.constant 1065353216 : i32
    %or3A_718 = vector.broadcast %or3A_717 : i32 to vector<16xi32>
    %or3A_719 = arith.ori %and3A_716, %or3A_718 : vector<16xi32>
    %bitcast3A_720 = vector.bitcast %or3A_719 : vector<16xi32> to vector<16xf32>
    %ge3A_721 = arith.constant 1.41421354 : f32
    %ge3A_722 = vector.broadcast %ge3A_721 : f32 to vector<16xf32>
    %ge3A_723 = arith.cmpf oge, %bitcast3A_720, %ge3A_722 : vector<16xf32>
    %mul3A_724 = arith.constant 5.000000e-01 : f32
    %mul3A_725 = vector.broadcast %mul3A_724 : f32 to vector<16xf32>
    %mul3A_726 = arith.mulf %mul3A_725, %bitcast3A_720 : vector<16xf32>
    %select_n3A_727 = arith.select %ge3A_723, %mul3A_726, %bitcast3A_720 : vector<16xi1>, vector<16xf32>
    %convert_element_type3A_728 = arith.sitofp %sub3A_713 : vector<16xi32> to vector<16xf32>
    %jit3A_729 = arith.constant 1.000000e+00 : f32
    %jit3A_730 = arith.constant 0.000000e+00 : f32
    %broadcast_in_dim3A_731 = vector.broadcast %jit3A_729 : f32 to vector<16xf32>
    %broadcast_in_dim3A_732 = vector.broadcast %jit3A_730 : f32 to vector<16xf32>
    %select_n3A_733 = arith.select %ge3A_723, %broadcast_in_dim3A_731, %broadcast_in_dim3A_732 : vector<16xi1>, vector<16xf32>
    %add3A_734 = arith.addf %convert_element_type3A_728, %select_n3A_733 : vector<16xf32>
    %sub3A_735 = arith.constant 1.000000e+00 : f32
    %sub3A_736 = vector.broadcast %sub3A_735 : f32 to vector<16xf32>
    %sub3A_737 = arith.subf %select_n3A_727, %sub3A_736 : vector<16xf32>
    %add3A_738 = arith.constant 1.000000e+00 : f32
    %add3A_739 = vector.broadcast %add3A_738 : f32 to vector<16xf32>
    %add3A_740 = arith.addf %select_n3A_727, %add3A_739 : vector<16xf32>
    %div3A_741 = arith.divf %sub3A_737, %add3A_740 : vector<16xf32>
    %mul3A_742 = arith.mulf %div3A_741, %div3A_741 : vector<16xf32>
    %mul3A_743 = arith.constant 0.285714298 : f32
    %mul3A_744 = vector.broadcast %mul3A_743 : f32 to vector<16xf32>
    %mul3A_745 = arith.mulf %mul3A_742, %mul3A_744 : vector<16xf32>
    %add3A_746 = arith.constant 4.000000e-01 : f32
    %add3A_747 = vector.broadcast %add3A_746 : f32 to vector<16xf32>
    %add3A_748 = arith.addf %add3A_747, %mul3A_745 : vector<16xf32>
    %mul3A_749 = arith.mulf %mul3A_742, %add3A_748 : vector<16xf32>
    %add3A_750 = arith.constant 0.666666686 : f32
    %add3A_751 = vector.broadcast %add3A_750 : f32 to vector<16xf32>
    %add3A_752 = arith.addf %add3A_751, %mul3A_749 : vector<16xf32>
    %mul3A_753 = arith.mulf %mul3A_742, %add3A_752 : vector<16xf32>
    %add3A_754 = arith.constant 2.000000e+00 : f32
    %add3A_755 = vector.broadcast %add3A_754 : f32 to vector<16xf32>
    %add3A_756 = arith.addf %add3A_755, %mul3A_753 : vector<16xf32>
    %mul3A_757 = arith.mulf %div3A_741, %add3A_756 : vector<16xf32>
    %mul3A_758 = arith.constant 0.693147182 : f32
    %mul3A_759 = vector.broadcast %mul3A_758 : f32 to vector<16xf32>
    %mul3A_760 = arith.mulf %add3A_734, %mul3A_759 : vector<16xf32>
    %add3A_761 = arith.addf %mul3A_760, %mul3A_757 : vector<16xf32>
    %mul3A_762 = arith.constant -0.00502512557 : f32
    %mul3A_763 = vector.broadcast %mul3A_762 : f32 to vector<16xf32>
    %mul3A_764 = arith.mulf %add3A_761, %mul3A_763 : vector<16xf32>
    %swap3A_765 = arith.constant 160 : index
    %swap3A_766 = tpu.vector_load %arg7[%swap3A_765] {strides = array<i32>} : memref<256xf32, #tpu.memory_space<vmem>>, vector<16xf32>,
    tpu.vector_store %arg7[%swap3A_765], %mul3A_764 {strides = array<i32>} : memref<256xf32, #tpu.memory_space<vmem>>, vector<16xf32>,
    %add3A_767 = arith.constant 176 : i32
    %add3A_768 = vector.broadcast %add3A_767 : i32 to vector<16xi32>
    %add3A_769 = arith.addi %add3A_768, %iota3A : vector<16xi32>
    %convert_element_type3A_770 = arith.sitofp %add3A_769 : vector<16xi32> to vector<16xf32>
    %mul3A_771 = arith.constant 0.00502512557 : f32
    %mul3A_772 = vector.broadcast %mul3A_771 : f32 to vector<16xf32>
    %mul3A_773 = arith.mulf %convert_element_type3A_770, %mul3A_772 : vector<16xf32>
    %add3A_774 = arith.constant 1.000000e-10 : f32
    %add3A_775 = vector.broadcast %add3A_774 : f32 to vector<16xf32>
    %add3A_776 = arith.addf %mul3A_773, %add3A_775 : vector<16xf32>
    %bitcast3A_777 = vector.bitcast %add3A_776 : vector<16xf32> to vector<16xi32>
    %shift_right_arithmetic3A_778 = arith.constant 23 : i32
    %shift_right_arithmetic3A_779 = vector.broadcast %shift_right_arithmetic3A_778 : i32 to vector<16xi32>
    %shift_right_arithmetic3A_780 = arith.shrsi %bitcast3A_777, %shift_right_arithmetic3A_779 : vector<16xi32>
    %sub3A_781 = arith.constant 127 : i32
    %sub3A_782 = vector.broadcast %sub3A_781 : i32 to vector<16xi32>
    %sub3A_783 = arith.subi %shift_right_arithmetic3A_780, %sub3A_782 : vector<16xi32>
    %and3A_784 = arith.constant 8388607 : i32
    %and3A_785 = vector.broadcast %and3A_784 : i32 to vector<16xi32>
    %and3A_786 = arith.andi %bitcast3A_777, %and3A_785 : vector<16xi32>
    %or3A_787 = arith.constant 1065353216 : i32
    %or3A_788 = vector.broadcast %or3A_787 : i32 to vector<16xi32>
    %or3A_789 = arith.ori %and3A_786, %or3A_788 : vector<16xi32>
    %bitcast3A_790 = vector.bitcast %or3A_789 : vector<16xi32> to vector<16xf32>
    %ge3A_791 = arith.constant 1.41421354 : f32
    %ge3A_792 = vector.broadcast %ge3A_791 : f32 to vector<16xf32>
    %ge3A_793 = arith.cmpf oge, %bitcast3A_790, %ge3A_792 : vector<16xf32>
    %mul3A_794 = arith.constant 5.000000e-01 : f32
    %mul3A_795 = vector.broadcast %mul3A_794 : f32 to vector<16xf32>
    %mul3A_796 = arith.mulf %mul3A_795, %bitcast3A_790 : vector<16xf32>
    %select_n3A_797 = arith.select %ge3A_793, %mul3A_796, %bitcast3A_790 : vector<16xi1>, vector<16xf32>
    %convert_element_type3A_798 = arith.sitofp %sub3A_783 : vector<16xi32> to vector<16xf32>
    %jit3A_799 = arith.constant 1.000000e+00 : f32
    %jit3A_800 = arith.constant 0.000000e+00 : f32
    %broadcast_in_dim3A_801 = vector.broadcast %jit3A_799 : f32 to vector<16xf32>
    %broadcast_in_dim3A_802 = vector.broadcast %jit3A_800 : f32 to vector<16xf32>
    %select_n3A_803 = arith.select %ge3A_793, %broadcast_in_dim3A_801, %broadcast_in_dim3A_802 : vector<16xi1>, vector<16xf32>
    %add3A_804 = arith.addf %convert_element_type3A_798, %select_n3A_803 : vector<16xf32>
    %sub3A_805 = arith.constant 1.000000e+00 : f32
    %sub3A_806 = vector.broadcast %sub3A_805 : f32 to vector<16xf32>
    %sub3A_807 = arith.subf %select_n3A_797, %sub3A_806 : vector<16xf32>
    %add3A_808 = arith.constant 1.000000e+00 : f32
    %add3A_809 = vector.broadcast %add3A_808 : f32 to vector<16xf32>
    %add3A_810 = arith.addf %select_n3A_797, %add3A_809 : vector<16xf32>
    %div3A_811 = arith.divf %sub3A_807, %add3A_810 : vector<16xf32>
    %mul3A_812 = arith.mulf %div3A_811, %div3A_811 : vector<16xf32>
    %mul3A_813 = arith.constant 0.285714298 : f32
    %mul3A_814 = vector.broadcast %mul3A_813 : f32 to vector<16xf32>
    %mul3A_815 = arith.mulf %mul3A_812, %mul3A_814 : vector<16xf32>
    %add3A_816 = arith.constant 4.000000e-01 : f32
    %add3A_817 = vector.broadcast %add3A_816 : f32 to vector<16xf32>
    %add3A_818 = arith.addf %add3A_817, %mul3A_815 : vector<16xf32>
    %mul3A_819 = arith.mulf %mul3A_812, %add3A_818 : vector<16xf32>
    %add3A_820 = arith.constant 0.666666686 : f32
    %add3A_821 = vector.broadcast %add3A_820 : f32 to vector<16xf32>
    %add3A_822 = arith.addf %add3A_821, %mul3A_819 : vector<16xf32>
    %mul3A_823 = arith.mulf %mul3A_812, %add3A_822 : vector<16xf32>
    %add3A_824 = arith.constant 2.000000e+00 : f32
    %add3A_825 = vector.broadcast %add3A_824 : f32 to vector<16xf32>
    %add3A_826 = arith.addf %add3A_825, %mul3A_823 : vector<16xf32>
    %mul3A_827 = arith.mulf %div3A_811, %add3A_826 : vector<16xf32>
    %mul3A_828 = arith.constant 0.693147182 : f32
    %mul3A_829 = vector.broadcast %mul3A_828 : f32 to vector<16xf32>
    %mul3A_830 = arith.mulf %add3A_804, %mul3A_829 : vector<16xf32>
    %add3A_831 = arith.addf %mul3A_830, %mul3A_827 : vector<16xf32>
    %mul3A_832 = arith.constant -0.00502512557 : f32
    %mul3A_833 = vector.broadcast %mul3A_832 : f32 to vector<16xf32>
    %mul3A_834 = arith.mulf %add3A_831, %mul3A_833 : vector<16xf32>
    %swap3A_835 = arith.constant 176 : index
    %swap3A_836 = tpu.vector_load %arg7[%swap3A_835] {strides = array<i32>} : memref<256xf32, #tpu.memory_space<vmem>>, vector<16xf32>,
    tpu.vector_store %arg7[%swap3A_835], %mul3A_834 {strides = array<i32>} : memref<256xf32, #tpu.memory_space<vmem>>, vector<16xf32>,
    %add3A_837 = arith.constant 192 : i32
    %add3A_838 = vector.broadcast %add3A_837 : i32 to vector<16xi32>
    %add3A_839 = arith.addi %add3A_838, %iota3A : vector<16xi32>
    %convert_element_type3A_840 = arith.sitofp %add3A_839 : vector<16xi32> to vector<16xf32>
    %mul3A_841 = arith.constant 0.00502512557 : f32
    %mul3A_842 = vector.broadcast %mul3A_841 : f32 to vector<16xf32>
    %mul3A_843 = arith.mulf %convert_element_type3A_840, %mul3A_842 : vector<16xf32>
    %add3A_844 = arith.constant 1.000000e-10 : f32
    %add3A_845 = vector.broadcast %add3A_844 : f32 to vector<16xf32>
    %add3A_846 = arith.addf %mul3A_843, %add3A_845 : vector<16xf32>
    %bitcast3A_847 = vector.bitcast %add3A_846 : vector<16xf32> to vector<16xi32>
    %shift_right_arithmetic3A_848 = arith.constant 23 : i32
    %shift_right_arithmetic3A_849 = vector.broadcast %shift_right_arithmetic3A_848 : i32 to vector<16xi32>
    %shift_right_arithmetic3A_850 = arith.shrsi %bitcast3A_847, %shift_right_arithmetic3A_849 : vector<16xi32>
    %sub3A_851 = arith.constant 127 : i32
    %sub3A_852 = vector.broadcast %sub3A_851 : i32 to vector<16xi32>
    %sub3A_853 = arith.subi %shift_right_arithmetic3A_850, %sub3A_852 : vector<16xi32>
    %and3A_854 = arith.constant 8388607 : i32
    %and3A_855 = vector.broadcast %and3A_854 : i32 to vector<16xi32>
    %and3A_856 = arith.andi %bitcast3A_847, %and3A_855 : vector<16xi32>
    %or3A_857 = arith.constant 1065353216 : i32
    %or3A_858 = vector.broadcast %or3A_857 : i32 to vector<16xi32>
    %or3A_859 = arith.ori %and3A_856, %or3A_858 : vector<16xi32>
    %bitcast3A_860 = vector.bitcast %or3A_859 : vector<16xi32> to vector<16xf32>
    %ge3A_861 = arith.constant 1.41421354 : f32
    %ge3A_862 = vector.broadcast %ge3A_861 : f32 to vector<16xf32>
    %ge3A_863 = arith.cmpf oge, %bitcast3A_860, %ge3A_862 : vector<16xf32>
    %mul3A_864 = arith.constant 5.000000e-01 : f32
    %mul3A_865 = vector.broadcast %mul3A_864 : f32 to vector<16xf32>
    %mul3A_866 = arith.mulf %mul3A_865, %bitcast3A_860 : vector<16xf32>
    %select_n3A_867 = arith.select %ge3A_863, %mul3A_866, %bitcast3A_860 : vector<16xi1>, vector<16xf32>
    %convert_element_type3A_868 = arith.sitofp %sub3A_853 : vector<16xi32> to vector<16xf32>
    %jit3A_869 = arith.constant 1.000000e+00 : f32
    %jit3A_870 = arith.constant 0.000000e+00 : f32
    %broadcast_in_dim3A_871 = vector.broadcast %jit3A_869 : f32 to vector<16xf32>
    %broadcast_in_dim3A_872 = vector.broadcast %jit3A_870 : f32 to vector<16xf32>
    %select_n3A_873 = arith.select %ge3A_863, %broadcast_in_dim3A_871, %broadcast_in_dim3A_872 : vector<16xi1>, vector<16xf32>
    %add3A_874 = arith.addf %convert_element_type3A_868, %select_n3A_873 : vector<16xf32>
    %sub3A_875 = arith.constant 1.000000e+00 : f32
    %sub3A_876 = vector.broadcast %sub3A_875 : f32 to vector<16xf32>
    %sub3A_877 = arith.subf %select_n3A_867, %sub3A_876 : vector<16xf32>
    %add3A_878 = arith.constant 1.000000e+00 : f32
    %add3A_879 = vector.broadcast %add3A_878 : f32 to vector<16xf32>
    %add3A_880 = arith.addf %select_n3A_867, %add3A_879 : vector<16xf32>
    %div3A_881 = arith.divf %sub3A_877, %add3A_880 : vector<16xf32>
    %mul3A_882 = arith.mulf %div3A_881, %div3A_881 : vector<16xf32>
    %mul3A_883 = arith.constant 0.285714298 : f32
    %mul3A_884 = vector.broadcast %mul3A_883 : f32 to vector<16xf32>
    %mul3A_885 = arith.mulf %mul3A_882, %mul3A_884 : vector<16xf32>
    %add3A_886 = arith.constant 4.000000e-01 : f32
    %add3A_887 = vector.broadcast %add3A_886 : f32 to vector<16xf32>
    %add3A_888 = arith.addf %add3A_887, %mul3A_885 : vector<16xf32>
    %mul3A_889 = arith.mulf %mul3A_882, %add3A_888 : vector<16xf32>
    %add3A_890 = arith.constant 0.666666686 : f32
    %add3A_891 = vector.broadcast %add3A_890 : f32 to vector<16xf32>
    %add3A_892 = arith.addf %add3A_891, %mul3A_889 : vector<16xf32>
    %mul3A_893 = arith.mulf %mul3A_882, %add3A_892 : vector<16xf32>
    %add3A_894 = arith.constant 2.000000e+00 : f32
    %add3A_895 = vector.broadcast %add3A_894 : f32 to vector<16xf32>
    %add3A_896 = arith.addf %add3A_895, %mul3A_893 : vector<16xf32>
    %mul3A_897 = arith.mulf %div3A_881, %add3A_896 : vector<16xf32>
    %mul3A_898 = arith.constant 0.693147182 : f32
    %mul3A_899 = vector.broadcast %mul3A_898 : f32 to vector<16xf32>
    %mul3A_900 = arith.mulf %add3A_874, %mul3A_899 : vector<16xf32>
    %add3A_901 = arith.addf %mul3A_900, %mul3A_897 : vector<16xf32>
    %mul3A_902 = arith.constant -0.00502512557 : f32
    %mul3A_903 = vector.broadcast %mul3A_902 : f32 to vector<16xf32>
    %mul3A_904 = arith.mulf %add3A_901, %mul3A_903 : vector<16xf32>
    %swap3A_905 = arith.constant 192 : index
    %swap3A_906 = tpu.vector_load %arg7[%swap3A_905] {strides = array<i32>} : memref<256xf32, #tpu.memory_space<vmem>>, vector<16xf32>,
    tpu.vector_store %arg7[%swap3A_905], %mul3A_904 {strides = array<i32>} : memref<256xf32, #tpu.memory_space<vmem>>, vector<16xf32>,
    %add3A_907 = arith.constant 208 : i32
    %add3A_908 = vector.broadcast %add3A_907 : i32 to vector<16xi32>
    %add3A_909 = arith.addi %add3A_908, %iota3A : vector<16xi32>
    %convert_element_type3A_910 = arith.sitofp %add3A_909 : vector<16xi32> to vector<16xf32>
    %mul3A_911 = arith.constant 0.00502512557 : f32
    %mul3A_912 = vector.broadcast %mul3A_911 : f32 to vector<16xf32>
    %mul3A_913 = arith.mulf %convert_element_type3A_910, %mul3A_912 : vector<16xf32>
    %add3A_914 = arith.constant 1.000000e-10 : f32
    %add3A_915 = vector.broadcast %add3A_914 : f32 to vector<16xf32>
    %add3A_916 = arith.addf %mul3A_913, %add3A_915 : vector<16xf32>
    %bitcast3A_917 = vector.bitcast %add3A_916 : vector<16xf32> to vector<16xi32>
    %shift_right_arithmetic3A_918 = arith.constant 23 : i32
    %shift_right_arithmetic3A_919 = vector.broadcast %shift_right_arithmetic3A_918 : i32 to vector<16xi32>
    %shift_right_arithmetic3A_920 = arith.shrsi %bitcast3A_917, %shift_right_arithmetic3A_919 : vector<16xi32>
    %sub3A_921 = arith.constant 127 : i32
    %sub3A_922 = vector.broadcast %sub3A_921 : i32 to vector<16xi32>
    %sub3A_923 = arith.subi %shift_right_arithmetic3A_920, %sub3A_922 : vector<16xi32>
    %and3A_924 = arith.constant 8388607 : i32
    %and3A_925 = vector.broadcast %and3A_924 : i32 to vector<16xi32>
    %and3A_926 = arith.andi %bitcast3A_917, %and3A_925 : vector<16xi32>
    %or3A_927 = arith.constant 1065353216 : i32
    %or3A_928 = vector.broadcast %or3A_927 : i32 to vector<16xi32>
    %or3A_929 = arith.ori %and3A_926, %or3A_928 : vector<16xi32>
    %bitcast3A_930 = vector.bitcast %or3A_929 : vector<16xi32> to vector<16xf32>
    %ge3A_931 = arith.constant 1.41421354 : f32
    %ge3A_932 = vector.broadcast %ge3A_931 : f32 to vector<16xf32>
    %ge3A_933 = arith.cmpf oge, %bitcast3A_930, %ge3A_932 : vector<16xf32>
    %mul3A_934 = arith.constant 5.000000e-01 : f32
    %mul3A_935 = vector.broadcast %mul3A_934 : f32 to vector<16xf32>
    %mul3A_936 = arith.mulf %mul3A_935, %bitcast3A_930 : vector<16xf32>
    %select_n3A_937 = arith.select %ge3A_933, %mul3A_936, %bitcast3A_930 : vector<16xi1>, vector<16xf32>
    %convert_element_type3A_938 = arith.sitofp %sub3A_923 : vector<16xi32> to vector<16xf32>
    %jit3A_939 = arith.constant 1.000000e+00 : f32
    %jit3A_940 = arith.constant 0.000000e+00 : f32
    %broadcast_in_dim3A_941 = vector.broadcast %jit3A_939 : f32 to vector<16xf32>
    %broadcast_in_dim3A_942 = vector.broadcast %jit3A_940 : f32 to vector<16xf32>
    %select_n3A_943 = arith.select %ge3A_933, %broadcast_in_dim3A_941, %broadcast_in_dim3A_942 : vector<16xi1>, vector<16xf32>
    %add3A_944 = arith.addf %convert_element_type3A_938, %select_n3A_943 : vector<16xf32>
    %sub3A_945 = arith.constant 1.000000e+00 : f32
    %sub3A_946 = vector.broadcast %sub3A_945 : f32 to vector<16xf32>
    %sub3A_947 = arith.subf %select_n3A_937, %sub3A_946 : vector<16xf32>
    %add3A_948 = arith.constant 1.000000e+00 : f32
    %add3A_949 = vector.broadcast %add3A_948 : f32 to vector<16xf32>
    %add3A_950 = arith.addf %select_n3A_937, %add3A_949 : vector<16xf32>
    %div3A_951 = arith.divf %sub3A_947, %add3A_950 : vector<16xf32>
    %mul3A_952 = arith.mulf %div3A_951, %div3A_951 : vector<16xf32>
    %mul3A_953 = arith.constant 0.285714298 : f32
    %mul3A_954 = vector.broadcast %mul3A_953 : f32 to vector<16xf32>
    %mul3A_955 = arith.mulf %mul3A_952, %mul3A_954 : vector<16xf32>
    %add3A_956 = arith.constant 4.000000e-01 : f32
    %add3A_957 = vector.broadcast %add3A_956 : f32 to vector<16xf32>
    %add3A_958 = arith.addf %add3A_957, %mul3A_955 : vector<16xf32>
    %mul3A_959 = arith.mulf %mul3A_952, %add3A_958 : vector<16xf32>
    %add3A_960 = arith.constant 0.666666686 : f32
    %add3A_961 = vector.broadcast %add3A_960 : f32 to vector<16xf32>
    %add3A_962 = arith.addf %add3A_961, %mul3A_959 : vector<16xf32>
    %mul3A_963 = arith.mulf %mul3A_952, %add3A_962 : vector<16xf32>
    %add3A_964 = arith.constant 2.000000e+00 : f32
    %add3A_965 = vector.broadcast %add3A_964 : f32 to vector<16xf32>
    %add3A_966 = arith.addf %add3A_965, %mul3A_963 : vector<16xf32>
    %mul3A_967 = arith.mulf %div3A_951, %add3A_966 : vector<16xf32>
    %mul3A_968 = arith.constant 0.693147182 : f32
    %mul3A_969 = vector.broadcast %mul3A_968 : f32 to vector<16xf32>
    %mul3A_970 = arith.mulf %add3A_944, %mul3A_969 : vector<16xf32>
    %add3A_971 = arith.addf %mul3A_970, %mul3A_967 : vector<16xf32>
    %mul3A_972 = arith.constant -0.00502512557 : f32
    %mul3A_973 = vector.broadcast %mul3A_972 : f32 to vector<16xf32>
    %mul3A_974 = arith.mulf %add3A_971, %mul3A_973 : vector<16xf32>
    %swap3A_975 = arith.constant 208 : index
    %swap3A_976 = tpu.vector_load %arg7[%swap3A_975] {strides = array<i32>} : memref<256xf32, #tpu.memory_space<vmem>>, vector<16xf32>,
    tpu.vector_store %arg7[%swap3A_975], %mul3A_974 {strides = array<i32>} : memref<256xf32, #tpu.memory_space<vmem>>, vector<16xf32>,
    %add3A_977 = arith.constant 224 : i32
    %add3A_978 = vector.broadcast %add3A_977 : i32 to vector<16xi32>
    %add3A_979 = arith.addi %add3A_978, %iota3A : vector<16xi32>
    %convert_element_type3A_980 = arith.sitofp %add3A_979 : vector<16xi32> to vector<16xf32>
    %mul3A_981 = arith.constant 0.00502512557 : f32
    %mul3A_982 = vector.broadcast %mul3A_981 : f32 to vector<16xf32>
    %mul3A_983 = arith.mulf %convert_element_type3A_980, %mul3A_982 : vector<16xf32>
    %add3A_984 = arith.constant 1.000000e-10 : f32
    %add3A_985 = vector.broadcast %add3A_984 : f32 to vector<16xf32>
    %add3A_986 = arith.addf %mul3A_983, %add3A_985 : vector<16xf32>
    %bitcast3A_987 = vector.bitcast %add3A_986 : vector<16xf32> to vector<16xi32>
    %shift_right_arithmetic3A_988 = arith.constant 23 : i32
    %shift_right_arithmetic3A_989 = vector.broadcast %shift_right_arithmetic3A_988 : i32 to vector<16xi32>
    %shift_right_arithmetic3A_990 = arith.shrsi %bitcast3A_987, %shift_right_arithmetic3A_989 : vector<16xi32>
    %sub3A_991 = arith.constant 127 : i32
    %sub3A_992 = vector.broadcast %sub3A_991 : i32 to vector<16xi32>
    %sub3A_993 = arith.subi %shift_right_arithmetic3A_990, %sub3A_992 : vector<16xi32>
    %and3A_994 = arith.constant 8388607 : i32
    %and3A_995 = vector.broadcast %and3A_994 : i32 to vector<16xi32>
    %and3A_996 = arith.andi %bitcast3A_987, %and3A_995 : vector<16xi32>
    %or3A_997 = arith.constant 1065353216 : i32
    %or3A_998 = vector.broadcast %or3A_997 : i32 to vector<16xi32>
    %or3A_999 = arith.ori %and3A_996, %or3A_998 : vector<16xi32>
    %bitcast3A_1000 = vector.bitcast %or3A_999 : vector<16xi32> to vector<16xf32>
    %ge3A_1001 = arith.constant 1.41421354 : f32
    %ge3A_1002 = vector.broadcast %ge3A_1001 : f32 to vector<16xf32>
    %ge3A_1003 = arith.cmpf oge, %bitcast3A_1000, %ge3A_1002 : vector<16xf32>
    %mul3A_1004 = arith.constant 5.000000e-01 : f32
    %mul3A_1005 = vector.broadcast %mul3A_1004 : f32 to vector<16xf32>
    %mul3A_1006 = arith.mulf %mul3A_1005, %bitcast3A_1000 : vector<16xf32>
    %select_n3A_1007 = arith.select %ge3A_1003, %mul3A_1006, %bitcast3A_1000 : vector<16xi1>, vector<16xf32>
    %convert_element_type3A_1008 = arith.sitofp %sub3A_993 : vector<16xi32> to vector<16xf32>
    %jit3A_1009 = arith.constant 1.000000e+00 : f32
    %jit3A_1010 = arith.constant 0.000000e+00 : f32
    %broadcast_in_dim3A_1011 = vector.broadcast %jit3A_1009 : f32 to vector<16xf32>
    %broadcast_in_dim3A_1012 = vector.broadcast %jit3A_1010 : f32 to vector<16xf32>
    %select_n3A_1013 = arith.select %ge3A_1003, %broadcast_in_dim3A_1011, %broadcast_in_dim3A_1012 : vector<16xi1>, vector<16xf32>
    %add3A_1014 = arith.addf %convert_element_type3A_1008, %select_n3A_1013 : vector<16xf32>
    %sub3A_1015 = arith.constant 1.000000e+00 : f32
    %sub3A_1016 = vector.broadcast %sub3A_1015 : f32 to vector<16xf32>
    %sub3A_1017 = arith.subf %select_n3A_1007, %sub3A_1016 : vector<16xf32>
    %add3A_1018 = arith.constant 1.000000e+00 : f32
    %add3A_1019 = vector.broadcast %add3A_1018 : f32 to vector<16xf32>
    %add3A_1020 = arith.addf %select_n3A_1007, %add3A_1019 : vector<16xf32>
    %div3A_1021 = arith.divf %sub3A_1017, %add3A_1020 : vector<16xf32>
    %mul3A_1022 = arith.mulf %div3A_1021, %div3A_1021 : vector<16xf32>
    %mul3A_1023 = arith.constant 0.285714298 : f32
    %mul3A_1024 = vector.broadcast %mul3A_1023 : f32 to vector<16xf32>
    %mul3A_1025 = arith.mulf %mul3A_1022, %mul3A_1024 : vector<16xf32>
    %add3A_1026 = arith.constant 4.000000e-01 : f32
    %add3A_1027 = vector.broadcast %add3A_1026 : f32 to vector<16xf32>
    %add3A_1028 = arith.addf %add3A_1027, %mul3A_1025 : vector<16xf32>
    %mul3A_1029 = arith.mulf %mul3A_1022, %add3A_1028 : vector<16xf32>
    %add3A_1030 = arith.constant 0.666666686 : f32
    %add3A_1031 = vector.broadcast %add3A_1030 : f32 to vector<16xf32>
    %add3A_1032 = arith.addf %add3A_1031, %mul3A_1029 : vector<16xf32>
    %mul3A_1033 = arith.mulf %mul3A_1022, %add3A_1032 : vector<16xf32>
    %add3A_1034 = arith.constant 2.000000e+00 : f32
    %add3A_1035 = vector.broadcast %add3A_1034 : f32 to vector<16xf32>
    %add3A_1036 = arith.addf %add3A_1035, %mul3A_1033 : vector<16xf32>
    %mul3A_1037 = arith.mulf %div3A_1021, %add3A_1036 : vector<16xf32>
    %mul3A_1038 = arith.constant 0.693147182 : f32
    %mul3A_1039 = vector.broadcast %mul3A_1038 : f32 to vector<16xf32>
    %mul3A_1040 = arith.mulf %add3A_1014, %mul3A_1039 : vector<16xf32>
    %add3A_1041 = arith.addf %mul3A_1040, %mul3A_1037 : vector<16xf32>
    %mul3A_1042 = arith.constant -0.00502512557 : f32
    %mul3A_1043 = vector.broadcast %mul3A_1042 : f32 to vector<16xf32>
    %mul3A_1044 = arith.mulf %add3A_1041, %mul3A_1043 : vector<16xf32>
    %swap3A_1045 = arith.constant 224 : index
    %swap3A_1046 = tpu.vector_load %arg7[%swap3A_1045] {strides = array<i32>} : memref<256xf32, #tpu.memory_space<vmem>>, vector<16xf32>,
    tpu.vector_store %arg7[%swap3A_1045], %mul3A_1044 {strides = array<i32>} : memref<256xf32, #tpu.memory_space<vmem>>, vector<16xf32>,
    %add3A_1047 = arith.constant 240 : i32
    %add3A_1048 = vector.broadcast %add3A_1047 : i32 to vector<16xi32>
    %add3A_1049 = arith.addi %add3A_1048, %iota3A : vector<16xi32>
    %convert_element_type3A_1050 = arith.sitofp %add3A_1049 : vector<16xi32> to vector<16xf32>
    %mul3A_1051 = arith.constant 0.00502512557 : f32
    %mul3A_1052 = vector.broadcast %mul3A_1051 : f32 to vector<16xf32>
    %mul3A_1053 = arith.mulf %convert_element_type3A_1050, %mul3A_1052 : vector<16xf32>
    %add3A_1054 = arith.constant 1.000000e-10 : f32
    %add3A_1055 = vector.broadcast %add3A_1054 : f32 to vector<16xf32>
    %add3A_1056 = arith.addf %mul3A_1053, %add3A_1055 : vector<16xf32>
    %bitcast3A_1057 = vector.bitcast %add3A_1056 : vector<16xf32> to vector<16xi32>
    %shift_right_arithmetic3A_1058 = arith.constant 23 : i32
    %shift_right_arithmetic3A_1059 = vector.broadcast %shift_right_arithmetic3A_1058 : i32 to vector<16xi32>
    %shift_right_arithmetic3A_1060 = arith.shrsi %bitcast3A_1057, %shift_right_arithmetic3A_1059 : vector<16xi32>
    %sub3A_1061 = arith.constant 127 : i32
    %sub3A_1062 = vector.broadcast %sub3A_1061 : i32 to vector<16xi32>
    %sub3A_1063 = arith.subi %shift_right_arithmetic3A_1060, %sub3A_1062 : vector<16xi32>
    %and3A_1064 = arith.constant 8388607 : i32
    %and3A_1065 = vector.broadcast %and3A_1064 : i32 to vector<16xi32>
    %and3A_1066 = arith.andi %bitcast3A_1057, %and3A_1065 : vector<16xi32>
    %or3A_1067 = arith.constant 1065353216 : i32
    %or3A_1068 = vector.broadcast %or3A_1067 : i32 to vector<16xi32>
    %or3A_1069 = arith.ori %and3A_1066, %or3A_1068 : vector<16xi32>
    %bitcast3A_1070 = vector.bitcast %or3A_1069 : vector<16xi32> to vector<16xf32>
    %ge3A_1071 = arith.constant 1.41421354 : f32
    %ge3A_1072 = vector.broadcast %ge3A_1071 : f32 to vector<16xf32>
    %ge3A_1073 = arith.cmpf oge, %bitcast3A_1070, %ge3A_1072 : vector<16xf32>
    %mul3A_1074 = arith.constant 5.000000e-01 : f32
    %mul3A_1075 = vector.broadcast %mul3A_1074 : f32 to vector<16xf32>
    %mul3A_1076 = arith.mulf %mul3A_1075, %bitcast3A_1070 : vector<16xf32>
    %select_n3A_1077 = arith.select %ge3A_1073, %mul3A_1076, %bitcast3A_1070 : vector<16xi1>, vector<16xf32>
    %convert_element_type3A_1078 = arith.sitofp %sub3A_1063 : vector<16xi32> to vector<16xf32>
    %jit3A_1079 = arith.constant 1.000000e+00 : f32
    %jit3A_1080 = arith.constant 0.000000e+00 : f32
    %broadcast_in_dim3A_1081 = vector.broadcast %jit3A_1079 : f32 to vector<16xf32>
    %broadcast_in_dim3A_1082 = vector.broadcast %jit3A_1080 : f32 to vector<16xf32>
    %select_n3A_1083 = arith.select %ge3A_1073, %broadcast_in_dim3A_1081, %broadcast_in_dim3A_1082 : vector<16xi1>, vector<16xf32>
    %add3A_1084 = arith.addf %convert_element_type3A_1078, %select_n3A_1083 : vector<16xf32>
    %sub3A_1085 = arith.constant 1.000000e+00 : f32
    %sub3A_1086 = vector.broadcast %sub3A_1085 : f32 to vector<16xf32>
    %sub3A_1087 = arith.subf %select_n3A_1077, %sub3A_1086 : vector<16xf32>
    %add3A_1088 = arith.constant 1.000000e+00 : f32
    %add3A_1089 = vector.broadcast %add3A_1088 : f32 to vector<16xf32>
    %add3A_1090 = arith.addf %select_n3A_1077, %add3A_1089 : vector<16xf32>
    %div3A_1091 = arith.divf %sub3A_1087, %add3A_1090 : vector<16xf32>
    %mul3A_1092 = arith.mulf %div3A_1091, %div3A_1091 : vector<16xf32>
    %mul3A_1093 = arith.constant 0.285714298 : f32
    %mul3A_1094 = vector.broadcast %mul3A_1093 : f32 to vector<16xf32>
    %mul3A_1095 = arith.mulf %mul3A_1092, %mul3A_1094 : vector<16xf32>
    %add3A_1096 = arith.constant 4.000000e-01 : f32
    %add3A_1097 = vector.broadcast %add3A_1096 : f32 to vector<16xf32>
    %add3A_1098 = arith.addf %add3A_1097, %mul3A_1095 : vector<16xf32>
    %mul3A_1099 = arith.mulf %mul3A_1092, %add3A_1098 : vector<16xf32>
    %add3A_1100 = arith.constant 0.666666686 : f32
    %add3A_1101 = vector.broadcast %add3A_1100 : f32 to vector<16xf32>
    %add3A_1102 = arith.addf %add3A_1101, %mul3A_1099 : vector<16xf32>
    %mul3A_1103 = arith.mulf %mul3A_1092, %add3A_1102 : vector<16xf32>
    %add3A_1104 = arith.constant 2.000000e+00 : f32
    %add3A_1105 = vector.broadcast %add3A_1104 : f32 to vector<16xf32>
    %add3A_1106 = arith.addf %add3A_1105, %mul3A_1103 : vector<16xf32>
    %mul3A_1107 = arith.mulf %div3A_1091, %add3A_1106 : vector<16xf32>
    %mul3A_1108 = arith.constant 0.693147182 : f32
    %mul3A_1109 = vector.broadcast %mul3A_1108 : f32 to vector<16xf32>
    %mul3A_1110 = arith.mulf %add3A_1084, %mul3A_1109 : vector<16xf32>
    %add3A_1111 = arith.addf %mul3A_1110, %mul3A_1107 : vector<16xf32>
    %mul3A_1112 = arith.constant -0.00502512557 : f32
    %mul3A_1113 = vector.broadcast %mul3A_1112 : f32 to vector<16xf32>
    %mul3A_1114 = arith.mulf %add3A_1111, %mul3A_1113 : vector<16xf32>
    %swap3A_1115 = arith.constant 240 : index
    %swap3A_1116 = tpu.vector_load %arg7[%swap3A_1115] {strides = array<i32>} : memref<256xf32, #tpu.memory_space<vmem>>, vector<16xf32>,
    tpu.vector_store %arg7[%swap3A_1115], %mul3A_1114 {strides = array<i32>} : memref<256xf32, #tpu.memory_space<vmem>>, vector<16xf32>,
    %swap3A_1117 = arith.constant 0 : index
    %swap3A_1118 = tpu.vector_load %arg9[%swap3A_1117] {strides = array<i32>} : memref<1792xi32, #tpu.memory_space<vmem>>, vector<16xi32>,
    tpu.vector_store %arg9[%swap3A_1117], %broadcast_in_dim3A_3 {strides = array<i32>} : memref<1792xi32, #tpu.memory_space<vmem>>, vector<16xi32>,
    %swap3A_1119 = arith.constant 16 : index
    %swap3A_1120 = tpu.vector_load %arg9[%swap3A_1119] {strides = array<i32>} : memref<1792xi32, #tpu.memory_space<vmem>>, vector<16xi32>,
    tpu.vector_store %arg9[%swap3A_1119], %broadcast_in_dim3A_3 {strides = array<i32>} : memref<1792xi32, #tpu.memory_space<vmem>>, vector<16xi32>,
    %swap3A_1121 = arith.constant 32 : index
    %swap3A_1122 = tpu.vector_load %arg9[%swap3A_1121] {strides = array<i32>} : memref<1792xi32, #tpu.memory_space<vmem>>, vector<16xi32>,
    tpu.vector_store %arg9[%swap3A_1121], %broadcast_in_dim3A_3 {strides = array<i32>} : memref<1792xi32, #tpu.memory_space<vmem>>, vector<16xi32>,
    %swap3A_1123 = arith.constant 48 : index
    %swap3A_1124 = tpu.vector_load %arg9[%swap3A_1123] {strides = array<i32>} : memref<1792xi32, #tpu.memory_space<vmem>>, vector<16xi32>,
    tpu.vector_store %arg9[%swap3A_1123], %broadcast_in_dim3A_3 {strides = array<i32>} : memref<1792xi32, #tpu.memory_space<vmem>>, vector<16xi32>,
    %swap3A_1125 = arith.constant 64 : index
    %swap3A_1126 = tpu.vector_load %arg9[%swap3A_1125] {strides = array<i32>} : memref<1792xi32, #tpu.memory_space<vmem>>, vector<16xi32>,
    tpu.vector_store %arg9[%swap3A_1125], %broadcast_in_dim3A_3 {strides = array<i32>} : memref<1792xi32, #tpu.memory_space<vmem>>, vector<16xi32>,
    %swap3A_1127 = arith.constant 80 : index
    %swap3A_1128 = tpu.vector_load %arg9[%swap3A_1127] {strides = array<i32>} : memref<1792xi32, #tpu.memory_space<vmem>>, vector<16xi32>,
    tpu.vector_store %arg9[%swap3A_1127], %broadcast_in_dim3A_3 {strides = array<i32>} : memref<1792xi32, #tpu.memory_space<vmem>>, vector<16xi32>,
    %swap3A_1129 = arith.constant 96 : index
    %swap3A_1130 = tpu.vector_load %arg9[%swap3A_1129] {strides = array<i32>} : memref<1792xi32, #tpu.memory_space<vmem>>, vector<16xi32>,
    tpu.vector_store %arg9[%swap3A_1129], %broadcast_in_dim3A_3 {strides = array<i32>} : memref<1792xi32, #tpu.memory_space<vmem>>, vector<16xi32>,
    %swap3A_1131 = arith.constant 112 : index
    %swap3A_1132 = tpu.vector_load %arg9[%swap3A_1131] {strides = array<i32>} : memref<1792xi32, #tpu.memory_space<vmem>>, vector<16xi32>,
    tpu.vector_store %arg9[%swap3A_1131], %broadcast_in_dim3A_3 {strides = array<i32>} : memref<1792xi32, #tpu.memory_space<vmem>>, vector<16xi32>,
    %swap3A_1133 = arith.constant 128 : index
    %swap3A_1134 = tpu.vector_load %arg9[%swap3A_1133] {strides = array<i32>} : memref<1792xi32, #tpu.memory_space<vmem>>, vector<16xi32>,
    tpu.vector_store %arg9[%swap3A_1133], %broadcast_in_dim3A_3 {strides = array<i32>} : memref<1792xi32, #tpu.memory_space<vmem>>, vector<16xi32>,
    %swap3A_1135 = arith.constant 144 : index
    %swap3A_1136 = tpu.vector_load %arg9[%swap3A_1135] {strides = array<i32>} : memref<1792xi32, #tpu.memory_space<vmem>>, vector<16xi32>,
    tpu.vector_store %arg9[%swap3A_1135], %broadcast_in_dim3A_3 {strides = array<i32>} : memref<1792xi32, #tpu.memory_space<vmem>>, vector<16xi32>,
    %swap3A_1137 = arith.constant 160 : index
    %swap3A_1138 = tpu.vector_load %arg9[%swap3A_1137] {strides = array<i32>} : memref<1792xi32, #tpu.memory_space<vmem>>, vector<16xi32>,
    tpu.vector_store %arg9[%swap3A_1137], %broadcast_in_dim3A_3 {strides = array<i32>} : memref<1792xi32, #tpu.memory_space<vmem>>, vector<16xi32>,
    %swap3A_1139 = arith.constant 176 : index
    %swap3A_1140 = tpu.vector_load %arg9[%swap3A_1139] {strides = array<i32>} : memref<1792xi32, #tpu.memory_space<vmem>>, vector<16xi32>,
    tpu.vector_store %arg9[%swap3A_1139], %broadcast_in_dim3A_3 {strides = array<i32>} : memref<1792xi32, #tpu.memory_space<vmem>>, vector<16xi32>,
    %swap3A_1141 = arith.constant 192 : index
    %swap3A_1142 = tpu.vector_load %arg9[%swap3A_1141] {strides = array<i32>} : memref<1792xi32, #tpu.memory_space<vmem>>, vector<16xi32>,
    tpu.vector_store %arg9[%swap3A_1141], %broadcast_in_dim3A_3 {strides = array<i32>} : memref<1792xi32, #tpu.memory_space<vmem>>, vector<16xi32>,
    %swap3A_1143 = arith.constant 208 : index
    %swap3A_1144 = tpu.vector_load %arg9[%swap3A_1143] {strides = array<i32>} : memref<1792xi32, #tpu.memory_space<vmem>>, vector<16xi32>,
    tpu.vector_store %arg9[%swap3A_1143], %broadcast_in_dim3A_3 {strides = array<i32>} : memref<1792xi32, #tpu.memory_space<vmem>>, vector<16xi32>,
    %swap3A_1145 = arith.constant 224 : index
    %swap3A_1146 = tpu.vector_load %arg9[%swap3A_1145] {strides = array<i32>} : memref<1792xi32, #tpu.memory_space<vmem>>, vector<16xi32>,
    tpu.vector_store %arg9[%swap3A_1145], %broadcast_in_dim3A_3 {strides = array<i32>} : memref<1792xi32, #tpu.memory_space<vmem>>, vector<16xi32>,
    %swap3A_1147 = arith.constant 240 : index
    %swap3A_1148 = tpu.vector_load %arg9[%swap3A_1147] {strides = array<i32>} : memref<1792xi32, #tpu.memory_space<vmem>>, vector<16xi32>,
    tpu.vector_store %arg9[%swap3A_1147], %broadcast_in_dim3A_3 {strides = array<i32>} : memref<1792xi32, #tpu.memory_space<vmem>>, vector<16xi32>,
    %swap3A_1149 = arith.constant 256 : index
    %swap3A_1150 = tpu.vector_load %arg9[%swap3A_1149] {strides = array<i32>} : memref<1792xi32, #tpu.memory_space<vmem>>, vector<16xi32>,
    tpu.vector_store %arg9[%swap3A_1149], %broadcast_in_dim3A_3 {strides = array<i32>} : memref<1792xi32, #tpu.memory_space<vmem>>, vector<16xi32>,
    %swap3A_1151 = arith.constant 272 : index
    %swap3A_1152 = tpu.vector_load %arg9[%swap3A_1151] {strides = array<i32>} : memref<1792xi32, #tpu.memory_space<vmem>>, vector<16xi32>,
    tpu.vector_store %arg9[%swap3A_1151], %broadcast_in_dim3A_3 {strides = array<i32>} : memref<1792xi32, #tpu.memory_space<vmem>>, vector<16xi32>,
    %swap3A_1153 = arith.constant 288 : index
    %swap3A_1154 = tpu.vector_load %arg9[%swap3A_1153] {strides = array<i32>} : memref<1792xi32, #tpu.memory_space<vmem>>, vector<16xi32>,
    tpu.vector_store %arg9[%swap3A_1153], %broadcast_in_dim3A_3 {strides = array<i32>} : memref<1792xi32, #tpu.memory_space<vmem>>, vector<16xi32>,
    %swap3A_1155 = arith.constant 304 : index
    %swap3A_1156 = tpu.vector_load %arg9[%swap3A_1155] {strides = array<i32>} : memref<1792xi32, #tpu.memory_space<vmem>>, vector<16xi32>,
    tpu.vector_store %arg9[%swap3A_1155], %broadcast_in_dim3A_3 {strides = array<i32>} : memref<1792xi32, #tpu.memory_space<vmem>>, vector<16xi32>,
    %swap3A_1157 = arith.constant 320 : index
    %swap3A_1158 = tpu.vector_load %arg9[%swap3A_1157] {strides = array<i32>} : memref<1792xi32, #tpu.memory_space<vmem>>, vector<16xi32>,
    tpu.vector_store %arg9[%swap3A_1157], %broadcast_in_dim3A_3 {strides = array<i32>} : memref<1792xi32, #tpu.memory_space<vmem>>, vector<16xi32>,
    %swap3A_1159 = arith.constant 336 : index
    %swap3A_1160 = tpu.vector_load %arg9[%swap3A_1159] {strides = array<i32>} : memref<1792xi32, #tpu.memory_space<vmem>>, vector<16xi32>,
    tpu.vector_store %arg9[%swap3A_1159], %broadcast_in_dim3A_3 {strides = array<i32>} : memref<1792xi32, #tpu.memory_space<vmem>>, vector<16xi32>,
    %swap3A_1161 = arith.constant 352 : index
    %swap3A_1162 = tpu.vector_load %arg9[%swap3A_1161] {strides = array<i32>} : memref<1792xi32, #tpu.memory_space<vmem>>, vector<16xi32>,
    tpu.vector_store %arg9[%swap3A_1161], %broadcast_in_dim3A_3 {strides = array<i32>} : memref<1792xi32, #tpu.memory_space<vmem>>, vector<16xi32>,
    %swap3A_1163 = arith.constant 368 : index
    %swap3A_1164 = tpu.vector_load %arg9[%swap3A_1163] {strides = array<i32>} : memref<1792xi32, #tpu.memory_space<vmem>>, vector<16xi32>,
    tpu.vector_store %arg9[%swap3A_1163], %broadcast_in_dim3A_3 {strides = array<i32>} : memref<1792xi32, #tpu.memory_space<vmem>>, vector<16xi32>,
    %swap3A_1165 = arith.constant 384 : index
    %swap3A_1166 = tpu.vector_load %arg9[%swap3A_1165] {strides = array<i32>} : memref<1792xi32, #tpu.memory_space<vmem>>, vector<16xi32>,
    tpu.vector_store %arg9[%swap3A_1165], %broadcast_in_dim3A_3 {strides = array<i32>} : memref<1792xi32, #tpu.memory_space<vmem>>, vector<16xi32>,
    %swap3A_1167 = arith.constant 400 : index
    %swap3A_1168 = tpu.vector_load %arg9[%swap3A_1167] {strides = array<i32>} : memref<1792xi32, #tpu.memory_space<vmem>>, vector<16xi32>,
    tpu.vector_store %arg9[%swap3A_1167], %broadcast_in_dim3A_3 {strides = array<i32>} : memref<1792xi32, #tpu.memory_space<vmem>>, vector<16xi32>,
    %swap3A_1169 = arith.constant 416 : index
    %swap3A_1170 = tpu.vector_load %arg9[%swap3A_1169] {strides = array<i32>} : memref<1792xi32, #tpu.memory_space<vmem>>, vector<16xi32>,
    tpu.vector_store %arg9[%swap3A_1169], %broadcast_in_dim3A_3 {strides = array<i32>} : memref<1792xi32, #tpu.memory_space<vmem>>, vector<16xi32>,
    %swap3A_1171 = arith.constant 432 : index
    %swap3A_1172 = tpu.vector_load %arg9[%swap3A_1171] {strides = array<i32>} : memref<1792xi32, #tpu.memory_space<vmem>>, vector<16xi32>,
    tpu.vector_store %arg9[%swap3A_1171], %broadcast_in_dim3A_3 {strides = array<i32>} : memref<1792xi32, #tpu.memory_space<vmem>>, vector<16xi32>,
    %swap3A_1173 = arith.constant 448 : index
    %swap3A_1174 = tpu.vector_load %arg9[%swap3A_1173] {strides = array<i32>} : memref<1792xi32, #tpu.memory_space<vmem>>, vector<16xi32>,
    tpu.vector_store %arg9[%swap3A_1173], %broadcast_in_dim3A_3 {strides = array<i32>} : memref<1792xi32, #tpu.memory_space<vmem>>, vector<16xi32>,
    %swap3A_1175 = arith.constant 464 : index
    %swap3A_1176 = tpu.vector_load %arg9[%swap3A_1175] {strides = array<i32>} : memref<1792xi32, #tpu.memory_space<vmem>>, vector<16xi32>,
    tpu.vector_store %arg9[%swap3A_1175], %broadcast_in_dim3A_3 {strides = array<i32>} : memref<1792xi32, #tpu.memory_space<vmem>>, vector<16xi32>,
    %swap3A_1177 = arith.constant 480 : index
    %swap3A_1178 = tpu.vector_load %arg9[%swap3A_1177] {strides = array<i32>} : memref<1792xi32, #tpu.memory_space<vmem>>, vector<16xi32>,
    tpu.vector_store %arg9[%swap3A_1177], %broadcast_in_dim3A_3 {strides = array<i32>} : memref<1792xi32, #tpu.memory_space<vmem>>, vector<16xi32>,
    %swap3A_1179 = arith.constant 496 : index
    %swap3A_1180 = tpu.vector_load %arg9[%swap3A_1179] {strides = array<i32>} : memref<1792xi32, #tpu.memory_space<vmem>>, vector<16xi32>,
    tpu.vector_store %arg9[%swap3A_1179], %broadcast_in_dim3A_3 {strides = array<i32>} : memref<1792xi32, #tpu.memory_space<vmem>>, vector<16xi32>,
    %swap3A_1181 = arith.constant 512 : index
    %swap3A_1182 = tpu.vector_load %arg9[%swap3A_1181] {strides = array<i32>} : memref<1792xi32, #tpu.memory_space<vmem>>, vector<16xi32>,
    tpu.vector_store %arg9[%swap3A_1181], %broadcast_in_dim3A_3 {strides = array<i32>} : memref<1792xi32, #tpu.memory_space<vmem>>, vector<16xi32>,
    %swap3A_1183 = arith.constant 528 : index
    %swap3A_1184 = tpu.vector_load %arg9[%swap3A_1183] {strides = array<i32>} : memref<1792xi32, #tpu.memory_space<vmem>>, vector<16xi32>,
    tpu.vector_store %arg9[%swap3A_1183], %broadcast_in_dim3A_3 {strides = array<i32>} : memref<1792xi32, #tpu.memory_space<vmem>>, vector<16xi32>,
    %swap3A_1185 = arith.constant 544 : index
    %swap3A_1186 = tpu.vector_load %arg9[%swap3A_1185] {strides = array<i32>} : memref<1792xi32, #tpu.memory_space<vmem>>, vector<16xi32>,
    tpu.vector_store %arg9[%swap3A_1185], %broadcast_in_dim3A_3 {strides = array<i32>} : memref<1792xi32, #tpu.memory_space<vmem>>, vector<16xi32>,
    %swap3A_1187 = arith.constant 560 : index
    %swap3A_1188 = tpu.vector_load %arg9[%swap3A_1187] {strides = array<i32>} : memref<1792xi32, #tpu.memory_space<vmem>>, vector<16xi32>,
    tpu.vector_store %arg9[%swap3A_1187], %broadcast_in_dim3A_3 {strides = array<i32>} : memref<1792xi32, #tpu.memory_space<vmem>>, vector<16xi32>,
    %swap3A_1189 = arith.constant 576 : index
    %swap3A_1190 = tpu.vector_load %arg9[%swap3A_1189] {strides = array<i32>} : memref<1792xi32, #tpu.memory_space<vmem>>, vector<16xi32>,
    tpu.vector_store %arg9[%swap3A_1189], %broadcast_in_dim3A_3 {strides = array<i32>} : memref<1792xi32, #tpu.memory_space<vmem>>, vector<16xi32>,
    %swap3A_1191 = arith.constant 592 : index
    %swap3A_1192 = tpu.vector_load %arg9[%swap3A_1191] {strides = array<i32>} : memref<1792xi32, #tpu.memory_space<vmem>>, vector<16xi32>,
    tpu.vector_store %arg9[%swap3A_1191], %broadcast_in_dim3A_3 {strides = array<i32>} : memref<1792xi32, #tpu.memory_space<vmem>>, vector<16xi32>,
    %swap3A_1193 = arith.constant 608 : index
    %swap3A_1194 = tpu.vector_load %arg9[%swap3A_1193] {strides = array<i32>} : memref<1792xi32, #tpu.memory_space<vmem>>, vector<16xi32>,
    tpu.vector_store %arg9[%swap3A_1193], %broadcast_in_dim3A_3 {strides = array<i32>} : memref<1792xi32, #tpu.memory_space<vmem>>, vector<16xi32>,
    %swap3A_1195 = arith.constant 624 : index
    %swap3A_1196 = tpu.vector_load %arg9[%swap3A_1195] {strides = array<i32>} : memref<1792xi32, #tpu.memory_space<vmem>>, vector<16xi32>,
    tpu.vector_store %arg9[%swap3A_1195], %broadcast_in_dim3A_3 {strides = array<i32>} : memref<1792xi32, #tpu.memory_space<vmem>>, vector<16xi32>,
    %swap3A_1197 = arith.constant 640 : index
    %swap3A_1198 = tpu.vector_load %arg9[%swap3A_1197] {strides = array<i32>} : memref<1792xi32, #tpu.memory_space<vmem>>, vector<16xi32>,
    tpu.vector_store %arg9[%swap3A_1197], %broadcast_in_dim3A_3 {strides = array<i32>} : memref<1792xi32, #tpu.memory_space<vmem>>, vector<16xi32>,
    %swap3A_1199 = arith.constant 656 : index
    %swap3A_1200 = tpu.vector_load %arg9[%swap3A_1199] {strides = array<i32>} : memref<1792xi32, #tpu.memory_space<vmem>>, vector<16xi32>,
    tpu.vector_store %arg9[%swap3A_1199], %broadcast_in_dim3A_3 {strides = array<i32>} : memref<1792xi32, #tpu.memory_space<vmem>>, vector<16xi32>,
    %swap3A_1201 = arith.constant 672 : index
    %swap3A_1202 = tpu.vector_load %arg9[%swap3A_1201] {strides = array<i32>} : memref<1792xi32, #tpu.memory_space<vmem>>, vector<16xi32>,
    tpu.vector_store %arg9[%swap3A_1201], %broadcast_in_dim3A_3 {strides = array<i32>} : memref<1792xi32, #tpu.memory_space<vmem>>, vector<16xi32>,
    %swap3A_1203 = arith.constant 688 : index
    %swap3A_1204 = tpu.vector_load %arg9[%swap3A_1203] {strides = array<i32>} : memref<1792xi32, #tpu.memory_space<vmem>>, vector<16xi32>,
    tpu.vector_store %arg9[%swap3A_1203], %broadcast_in_dim3A_3 {strides = array<i32>} : memref<1792xi32, #tpu.memory_space<vmem>>, vector<16xi32>,
    %swap3A_1205 = arith.constant 704 : index
    %swap3A_1206 = tpu.vector_load %arg9[%swap3A_1205] {strides = array<i32>} : memref<1792xi32, #tpu.memory_space<vmem>>, vector<16xi32>,
    tpu.vector_store %arg9[%swap3A_1205], %broadcast_in_dim3A_3 {strides = array<i32>} : memref<1792xi32, #tpu.memory_space<vmem>>, vector<16xi32>,
    %swap3A_1207 = arith.constant 720 : index
    %swap3A_1208 = tpu.vector_load %arg9[%swap3A_1207] {strides = array<i32>} : memref<1792xi32, #tpu.memory_space<vmem>>, vector<16xi32>,
    tpu.vector_store %arg9[%swap3A_1207], %broadcast_in_dim3A_3 {strides = array<i32>} : memref<1792xi32, #tpu.memory_space<vmem>>, vector<16xi32>,
    %swap3A_1209 = arith.constant 736 : index
    %swap3A_1210 = tpu.vector_load %arg9[%swap3A_1209] {strides = array<i32>} : memref<1792xi32, #tpu.memory_space<vmem>>, vector<16xi32>,
    tpu.vector_store %arg9[%swap3A_1209], %broadcast_in_dim3A_3 {strides = array<i32>} : memref<1792xi32, #tpu.memory_space<vmem>>, vector<16xi32>,
    %swap3A_1211 = arith.constant 752 : index
    %swap3A_1212 = tpu.vector_load %arg9[%swap3A_1211] {strides = array<i32>} : memref<1792xi32, #tpu.memory_space<vmem>>, vector<16xi32>,
    tpu.vector_store %arg9[%swap3A_1211], %broadcast_in_dim3A_3 {strides = array<i32>} : memref<1792xi32, #tpu.memory_space<vmem>>, vector<16xi32>,
    %swap3A_1213 = arith.constant 768 : index
    %swap3A_1214 = tpu.vector_load %arg9[%swap3A_1213] {strides = array<i32>} : memref<1792xi32, #tpu.memory_space<vmem>>, vector<16xi32>,
    tpu.vector_store %arg9[%swap3A_1213], %broadcast_in_dim3A_3 {strides = array<i32>} : memref<1792xi32, #tpu.memory_space<vmem>>, vector<16xi32>,
    %swap3A_1215 = arith.constant 784 : index
    %swap3A_1216 = tpu.vector_load %arg9[%swap3A_1215] {strides = array<i32>} : memref<1792xi32, #tpu.memory_space<vmem>>, vector<16xi32>,
    tpu.vector_store %arg9[%swap3A_1215], %broadcast_in_dim3A_3 {strides = array<i32>} : memref<1792xi32, #tpu.memory_space<vmem>>, vector<16xi32>,
    %swap3A_1217 = arith.constant 800 : index
    %swap3A_1218 = tpu.vector_load %arg9[%swap3A_1217] {strides = array<i32>} : memref<1792xi32, #tpu.memory_space<vmem>>, vector<16xi32>,
    tpu.vector_store %arg9[%swap3A_1217], %broadcast_in_dim3A_3 {strides = array<i32>} : memref<1792xi32, #tpu.memory_space<vmem>>, vector<16xi32>,
    %swap3A_1219 = arith.constant 816 : index
    %swap3A_1220 = tpu.vector_load %arg9[%swap3A_1219] {strides = array<i32>} : memref<1792xi32, #tpu.memory_space<vmem>>, vector<16xi32>,
    tpu.vector_store %arg9[%swap3A_1219], %broadcast_in_dim3A_3 {strides = array<i32>} : memref<1792xi32, #tpu.memory_space<vmem>>, vector<16xi32>,
    %swap3A_1221 = arith.constant 832 : index
    %swap3A_1222 = tpu.vector_load %arg9[%swap3A_1221] {strides = array<i32>} : memref<1792xi32, #tpu.memory_space<vmem>>, vector<16xi32>,
    tpu.vector_store %arg9[%swap3A_1221], %broadcast_in_dim3A_3 {strides = array<i32>} : memref<1792xi32, #tpu.memory_space<vmem>>, vector<16xi32>,
    %swap3A_1223 = arith.constant 848 : index
    %swap3A_1224 = tpu.vector_load %arg9[%swap3A_1223] {strides = array<i32>} : memref<1792xi32, #tpu.memory_space<vmem>>, vector<16xi32>,
    tpu.vector_store %arg9[%swap3A_1223], %broadcast_in_dim3A_3 {strides = array<i32>} : memref<1792xi32, #tpu.memory_space<vmem>>, vector<16xi32>,
    %swap3A_1225 = arith.constant 864 : index
    %swap3A_1226 = tpu.vector_load %arg9[%swap3A_1225] {strides = array<i32>} : memref<1792xi32, #tpu.memory_space<vmem>>, vector<16xi32>,
    tpu.vector_store %arg9[%swap3A_1225], %broadcast_in_dim3A_3 {strides = array<i32>} : memref<1792xi32, #tpu.memory_space<vmem>>, vector<16xi32>,
    %swap3A_1227 = arith.constant 880 : index
    %swap3A_1228 = tpu.vector_load %arg9[%swap3A_1227] {strides = array<i32>} : memref<1792xi32, #tpu.memory_space<vmem>>, vector<16xi32>,
    tpu.vector_store %arg9[%swap3A_1227], %broadcast_in_dim3A_3 {strides = array<i32>} : memref<1792xi32, #tpu.memory_space<vmem>>, vector<16xi32>,
    %swap3A_1229 = arith.constant 896 : index
    %swap3A_1230 = tpu.vector_load %arg9[%swap3A_1229] {strides = array<i32>} : memref<1792xi32, #tpu.memory_space<vmem>>, vector<16xi32>,
    tpu.vector_store %arg9[%swap3A_1229], %broadcast_in_dim3A_3 {strides = array<i32>} : memref<1792xi32, #tpu.memory_space<vmem>>, vector<16xi32>,
    %swap3A_1231 = arith.constant 912 : index
    %swap3A_1232 = tpu.vector_load %arg9[%swap3A_1231] {strides = array<i32>} : memref<1792xi32, #tpu.memory_space<vmem>>, vector<16xi32>,
    tpu.vector_store %arg9[%swap3A_1231], %broadcast_in_dim3A_3 {strides = array<i32>} : memref<1792xi32, #tpu.memory_space<vmem>>, vector<16xi32>,
    %swap3A_1233 = arith.constant 928 : index
    %swap3A_1234 = tpu.vector_load %arg9[%swap3A_1233] {strides = array<i32>} : memref<1792xi32, #tpu.memory_space<vmem>>, vector<16xi32>,
    tpu.vector_store %arg9[%swap3A_1233], %broadcast_in_dim3A_3 {strides = array<i32>} : memref<1792xi32, #tpu.memory_space<vmem>>, vector<16xi32>,
    %swap3A_1235 = arith.constant 944 : index
    %swap3A_1236 = tpu.vector_load %arg9[%swap3A_1235] {strides = array<i32>} : memref<1792xi32, #tpu.memory_space<vmem>>, vector<16xi32>,
    tpu.vector_store %arg9[%swap3A_1235], %broadcast_in_dim3A_3 {strides = array<i32>} : memref<1792xi32, #tpu.memory_space<vmem>>, vector<16xi32>,
    %swap3A_1237 = arith.constant 960 : index
    %swap3A_1238 = tpu.vector_load %arg9[%swap3A_1237] {strides = array<i32>} : memref<1792xi32, #tpu.memory_space<vmem>>, vector<16xi32>,
    tpu.vector_store %arg9[%swap3A_1237], %broadcast_in_dim3A_3 {strides = array<i32>} : memref<1792xi32, #tpu.memory_space<vmem>>, vector<16xi32>,
    %swap3A_1239 = arith.constant 976 : index
    %swap3A_1240 = tpu.vector_load %arg9[%swap3A_1239] {strides = array<i32>} : memref<1792xi32, #tpu.memory_space<vmem>>, vector<16xi32>,
    tpu.vector_store %arg9[%swap3A_1239], %broadcast_in_dim3A_3 {strides = array<i32>} : memref<1792xi32, #tpu.memory_space<vmem>>, vector<16xi32>,
    %swap3A_1241 = arith.constant 992 : index
    %swap3A_1242 = tpu.vector_load %arg9[%swap3A_1241] {strides = array<i32>} : memref<1792xi32, #tpu.memory_space<vmem>>, vector<16xi32>,
    tpu.vector_store %arg9[%swap3A_1241], %broadcast_in_dim3A_3 {strides = array<i32>} : memref<1792xi32, #tpu.memory_space<vmem>>, vector<16xi32>,
    %swap3A_1243 = arith.constant 1008 : index
    %swap3A_1244 = tpu.vector_load %arg9[%swap3A_1243] {strides = array<i32>} : memref<1792xi32, #tpu.memory_space<vmem>>, vector<16xi32>,
    tpu.vector_store %arg9[%swap3A_1243], %broadcast_in_dim3A_3 {strides = array<i32>} : memref<1792xi32, #tpu.memory_space<vmem>>, vector<16xi32>,
    %swap3A_1245 = arith.constant 1024 : index
    %swap3A_1246 = tpu.vector_load %arg9[%swap3A_1245] {strides = array<i32>} : memref<1792xi32, #tpu.memory_space<vmem>>, vector<16xi32>,
    tpu.vector_store %arg9[%swap3A_1245], %broadcast_in_dim3A_3 {strides = array<i32>} : memref<1792xi32, #tpu.memory_space<vmem>>, vector<16xi32>,
    %swap3A_1247 = arith.constant 1040 : index
    %swap3A_1248 = tpu.vector_load %arg9[%swap3A_1247] {strides = array<i32>} : memref<1792xi32, #tpu.memory_space<vmem>>, vector<16xi32>,
    tpu.vector_store %arg9[%swap3A_1247], %broadcast_in_dim3A_3 {strides = array<i32>} : memref<1792xi32, #tpu.memory_space<vmem>>, vector<16xi32>,
    %swap3A_1249 = arith.constant 1056 : index
    %swap3A_1250 = tpu.vector_load %arg9[%swap3A_1249] {strides = array<i32>} : memref<1792xi32, #tpu.memory_space<vmem>>, vector<16xi32>,
    tpu.vector_store %arg9[%swap3A_1249], %broadcast_in_dim3A_3 {strides = array<i32>} : memref<1792xi32, #tpu.memory_space<vmem>>, vector<16xi32>,
    %swap3A_1251 = arith.constant 1072 : index
    %swap3A_1252 = tpu.vector_load %arg9[%swap3A_1251] {strides = array<i32>} : memref<1792xi32, #tpu.memory_space<vmem>>, vector<16xi32>,
    tpu.vector_store %arg9[%swap3A_1251], %broadcast_in_dim3A_3 {strides = array<i32>} : memref<1792xi32, #tpu.memory_space<vmem>>, vector<16xi32>,
    %swap3A_1253 = arith.constant 1088 : index
    %swap3A_1254 = tpu.vector_load %arg9[%swap3A_1253] {strides = array<i32>} : memref<1792xi32, #tpu.memory_space<vmem>>, vector<16xi32>,
    tpu.vector_store %arg9[%swap3A_1253], %broadcast_in_dim3A_3 {strides = array<i32>} : memref<1792xi32, #tpu.memory_space<vmem>>, vector<16xi32>,
    %swap3A_1255 = arith.constant 1104 : index
    %swap3A_1256 = tpu.vector_load %arg9[%swap3A_1255] {strides = array<i32>} : memref<1792xi32, #tpu.memory_space<vmem>>, vector<16xi32>,
    tpu.vector_store %arg9[%swap3A_1255], %broadcast_in_dim3A_3 {strides = array<i32>} : memref<1792xi32, #tpu.memory_space<vmem>>, vector<16xi32>,
    %swap3A_1257 = arith.constant 1120 : index
    %swap3A_1258 = tpu.vector_load %arg9[%swap3A_1257] {strides = array<i32>} : memref<1792xi32, #tpu.memory_space<vmem>>, vector<16xi32>,
    tpu.vector_store %arg9[%swap3A_1257], %broadcast_in_dim3A_3 {strides = array<i32>} : memref<1792xi32, #tpu.memory_space<vmem>>, vector<16xi32>,
    %swap3A_1259 = arith.constant 1136 : index
    %swap3A_1260 = tpu.vector_load %arg9[%swap3A_1259] {strides = array<i32>} : memref<1792xi32, #tpu.memory_space<vmem>>, vector<16xi32>,
    tpu.vector_store %arg9[%swap3A_1259], %broadcast_in_dim3A_3 {strides = array<i32>} : memref<1792xi32, #tpu.memory_space<vmem>>, vector<16xi32>,
    %swap3A_1261 = arith.constant 1152 : index
    %swap3A_1262 = tpu.vector_load %arg9[%swap3A_1261] {strides = array<i32>} : memref<1792xi32, #tpu.memory_space<vmem>>, vector<16xi32>,
    tpu.vector_store %arg9[%swap3A_1261], %broadcast_in_dim3A_3 {strides = array<i32>} : memref<1792xi32, #tpu.memory_space<vmem>>, vector<16xi32>,
    %swap3A_1263 = arith.constant 1168 : index
    %swap3A_1264 = tpu.vector_load %arg9[%swap3A_1263] {strides = array<i32>} : memref<1792xi32, #tpu.memory_space<vmem>>, vector<16xi32>,
    tpu.vector_store %arg9[%swap3A_1263], %broadcast_in_dim3A_3 {strides = array<i32>} : memref<1792xi32, #tpu.memory_space<vmem>>, vector<16xi32>,
    %swap3A_1265 = arith.constant 1184 : index
    %swap3A_1266 = tpu.vector_load %arg9[%swap3A_1265] {strides = array<i32>} : memref<1792xi32, #tpu.memory_space<vmem>>, vector<16xi32>,
    tpu.vector_store %arg9[%swap3A_1265], %broadcast_in_dim3A_3 {strides = array<i32>} : memref<1792xi32, #tpu.memory_space<vmem>>, vector<16xi32>,
    %swap3A_1267 = arith.constant 1200 : index
    %swap3A_1268 = tpu.vector_load %arg9[%swap3A_1267] {strides = array<i32>} : memref<1792xi32, #tpu.memory_space<vmem>>, vector<16xi32>,
    tpu.vector_store %arg9[%swap3A_1267], %broadcast_in_dim3A_3 {strides = array<i32>} : memref<1792xi32, #tpu.memory_space<vmem>>, vector<16xi32>,
    %swap3A_1269 = arith.constant 1216 : index
    %swap3A_1270 = tpu.vector_load %arg9[%swap3A_1269] {strides = array<i32>} : memref<1792xi32, #tpu.memory_space<vmem>>, vector<16xi32>,
    tpu.vector_store %arg9[%swap3A_1269], %broadcast_in_dim3A_3 {strides = array<i32>} : memref<1792xi32, #tpu.memory_space<vmem>>, vector<16xi32>,
    %swap3A_1271 = arith.constant 1232 : index
    %swap3A_1272 = tpu.vector_load %arg9[%swap3A_1271] {strides = array<i32>} : memref<1792xi32, #tpu.memory_space<vmem>>, vector<16xi32>,
    tpu.vector_store %arg9[%swap3A_1271], %broadcast_in_dim3A_3 {strides = array<i32>} : memref<1792xi32, #tpu.memory_space<vmem>>, vector<16xi32>,
    %swap3A_1273 = arith.constant 1248 : index
    %swap3A_1274 = tpu.vector_load %arg9[%swap3A_1273] {strides = array<i32>} : memref<1792xi32, #tpu.memory_space<vmem>>, vector<16xi32>,
    tpu.vector_store %arg9[%swap3A_1273], %broadcast_in_dim3A_3 {strides = array<i32>} : memref<1792xi32, #tpu.memory_space<vmem>>, vector<16xi32>,
    %swap3A_1275 = arith.constant 1264 : index
    %swap3A_1276 = tpu.vector_load %arg9[%swap3A_1275] {strides = array<i32>} : memref<1792xi32, #tpu.memory_space<vmem>>, vector<16xi32>,
    tpu.vector_store %arg9[%swap3A_1275], %broadcast_in_dim3A_3 {strides = array<i32>} : memref<1792xi32, #tpu.memory_space<vmem>>, vector<16xi32>,
    %swap3A_1277 = arith.constant 1280 : index
    %swap3A_1278 = tpu.vector_load %arg9[%swap3A_1277] {strides = array<i32>} : memref<1792xi32, #tpu.memory_space<vmem>>, vector<16xi32>,
    tpu.vector_store %arg9[%swap3A_1277], %broadcast_in_dim3A_3 {strides = array<i32>} : memref<1792xi32, #tpu.memory_space<vmem>>, vector<16xi32>,
    %swap3A_1279 = arith.constant 1296 : index
    %swap3A_1280 = tpu.vector_load %arg9[%swap3A_1279] {strides = array<i32>} : memref<1792xi32, #tpu.memory_space<vmem>>, vector<16xi32>,
    tpu.vector_store %arg9[%swap3A_1279], %broadcast_in_dim3A_3 {strides = array<i32>} : memref<1792xi32, #tpu.memory_space<vmem>>, vector<16xi32>,
    %swap3A_1281 = arith.constant 1312 : index
    %swap3A_1282 = tpu.vector_load %arg9[%swap3A_1281] {strides = array<i32>} : memref<1792xi32, #tpu.memory_space<vmem>>, vector<16xi32>,
    tpu.vector_store %arg9[%swap3A_1281], %broadcast_in_dim3A_3 {strides = array<i32>} : memref<1792xi32, #tpu.memory_space<vmem>>, vector<16xi32>,
    %swap3A_1283 = arith.constant 1328 : index
    %swap3A_1284 = tpu.vector_load %arg9[%swap3A_1283] {strides = array<i32>} : memref<1792xi32, #tpu.memory_space<vmem>>, vector<16xi32>,
    tpu.vector_store %arg9[%swap3A_1283], %broadcast_in_dim3A_3 {strides = array<i32>} : memref<1792xi32, #tpu.memory_space<vmem>>, vector<16xi32>,
    %swap3A_1285 = arith.constant 1344 : index
    %swap3A_1286 = tpu.vector_load %arg9[%swap3A_1285] {strides = array<i32>} : memref<1792xi32, #tpu.memory_space<vmem>>, vector<16xi32>,
    tpu.vector_store %arg9[%swap3A_1285], %broadcast_in_dim3A_3 {strides = array<i32>} : memref<1792xi32, #tpu.memory_space<vmem>>, vector<16xi32>,
    %swap3A_1287 = arith.constant 1360 : index
    %swap3A_1288 = tpu.vector_load %arg9[%swap3A_1287] {strides = array<i32>} : memref<1792xi32, #tpu.memory_space<vmem>>, vector<16xi32>,
    tpu.vector_store %arg9[%swap3A_1287], %broadcast_in_dim3A_3 {strides = array<i32>} : memref<1792xi32, #tpu.memory_space<vmem>>, vector<16xi32>,
    %swap3A_1289 = arith.constant 1376 : index
    %swap3A_1290 = tpu.vector_load %arg9[%swap3A_1289] {strides = array<i32>} : memref<1792xi32, #tpu.memory_space<vmem>>, vector<16xi32>,
    tpu.vector_store %arg9[%swap3A_1289], %broadcast_in_dim3A_3 {strides = array<i32>} : memref<1792xi32, #tpu.memory_space<vmem>>, vector<16xi32>,
    %swap3A_1291 = arith.constant 1392 : index
    %swap3A_1292 = tpu.vector_load %arg9[%swap3A_1291] {strides = array<i32>} : memref<1792xi32, #tpu.memory_space<vmem>>, vector<16xi32>,
    tpu.vector_store %arg9[%swap3A_1291], %broadcast_in_dim3A_3 {strides = array<i32>} : memref<1792xi32, #tpu.memory_space<vmem>>, vector<16xi32>,
    %swap3A_1293 = arith.constant 1408 : index
    %swap3A_1294 = tpu.vector_load %arg9[%swap3A_1293] {strides = array<i32>} : memref<1792xi32, #tpu.memory_space<vmem>>, vector<16xi32>,
    tpu.vector_store %arg9[%swap3A_1293], %broadcast_in_dim3A_3 {strides = array<i32>} : memref<1792xi32, #tpu.memory_space<vmem>>, vector<16xi32>,
    %swap3A_1295 = arith.constant 1424 : index
    %swap3A_1296 = tpu.vector_load %arg9[%swap3A_1295] {strides = array<i32>} : memref<1792xi32, #tpu.memory_space<vmem>>, vector<16xi32>,
    tpu.vector_store %arg9[%swap3A_1295], %broadcast_in_dim3A_3 {strides = array<i32>} : memref<1792xi32, #tpu.memory_space<vmem>>, vector<16xi32>,
    %swap3A_1297 = arith.constant 1440 : index
    %swap3A_1298 = tpu.vector_load %arg9[%swap3A_1297] {strides = array<i32>} : memref<1792xi32, #tpu.memory_space<vmem>>, vector<16xi32>,
    tpu.vector_store %arg9[%swap3A_1297], %broadcast_in_dim3A_3 {strides = array<i32>} : memref<1792xi32, #tpu.memory_space<vmem>>, vector<16xi32>,
    %swap3A_1299 = arith.constant 1456 : index
    %swap3A_1300 = tpu.vector_load %arg9[%swap3A_1299] {strides = array<i32>} : memref<1792xi32, #tpu.memory_space<vmem>>, vector<16xi32>,
    tpu.vector_store %arg9[%swap3A_1299], %broadcast_in_dim3A_3 {strides = array<i32>} : memref<1792xi32, #tpu.memory_space<vmem>>, vector<16xi32>,
    %swap3A_1301 = arith.constant 1472 : index
    %swap3A_1302 = tpu.vector_load %arg9[%swap3A_1301] {strides = array<i32>} : memref<1792xi32, #tpu.memory_space<vmem>>, vector<16xi32>,
    tpu.vector_store %arg9[%swap3A_1301], %broadcast_in_dim3A_3 {strides = array<i32>} : memref<1792xi32, #tpu.memory_space<vmem>>, vector<16xi32>,
    %swap3A_1303 = arith.constant 1488 : index
    %swap3A_1304 = tpu.vector_load %arg9[%swap3A_1303] {strides = array<i32>} : memref<1792xi32, #tpu.memory_space<vmem>>, vector<16xi32>,
    tpu.vector_store %arg9[%swap3A_1303], %broadcast_in_dim3A_3 {strides = array<i32>} : memref<1792xi32, #tpu.memory_space<vmem>>, vector<16xi32>,
    %swap3A_1305 = arith.constant 1504 : index
    %swap3A_1306 = tpu.vector_load %arg9[%swap3A_1305] {strides = array<i32>} : memref<1792xi32, #tpu.memory_space<vmem>>, vector<16xi32>,
    tpu.vector_store %arg9[%swap3A_1305], %broadcast_in_dim3A_3 {strides = array<i32>} : memref<1792xi32, #tpu.memory_space<vmem>>, vector<16xi32>,
    %swap3A_1307 = arith.constant 1520 : index
    %swap3A_1308 = tpu.vector_load %arg9[%swap3A_1307] {strides = array<i32>} : memref<1792xi32, #tpu.memory_space<vmem>>, vector<16xi32>,
    tpu.vector_store %arg9[%swap3A_1307], %broadcast_in_dim3A_3 {strides = array<i32>} : memref<1792xi32, #tpu.memory_space<vmem>>, vector<16xi32>,
    %swap3A_1309 = arith.constant 1536 : index
    %swap3A_1310 = tpu.vector_load %arg9[%swap3A_1309] {strides = array<i32>} : memref<1792xi32, #tpu.memory_space<vmem>>, vector<16xi32>,
    tpu.vector_store %arg9[%swap3A_1309], %broadcast_in_dim3A_3 {strides = array<i32>} : memref<1792xi32, #tpu.memory_space<vmem>>, vector<16xi32>,
    %swap3A_1311 = arith.constant 1552 : index
    %swap3A_1312 = tpu.vector_load %arg9[%swap3A_1311] {strides = array<i32>} : memref<1792xi32, #tpu.memory_space<vmem>>, vector<16xi32>,
    tpu.vector_store %arg9[%swap3A_1311], %broadcast_in_dim3A_3 {strides = array<i32>} : memref<1792xi32, #tpu.memory_space<vmem>>, vector<16xi32>,
    %swap3A_1313 = arith.constant 1568 : index
    %swap3A_1314 = tpu.vector_load %arg9[%swap3A_1313] {strides = array<i32>} : memref<1792xi32, #tpu.memory_space<vmem>>, vector<16xi32>,
    tpu.vector_store %arg9[%swap3A_1313], %broadcast_in_dim3A_3 {strides = array<i32>} : memref<1792xi32, #tpu.memory_space<vmem>>, vector<16xi32>,
    %swap3A_1315 = arith.constant 1584 : index
    %swap3A_1316 = tpu.vector_load %arg9[%swap3A_1315] {strides = array<i32>} : memref<1792xi32, #tpu.memory_space<vmem>>, vector<16xi32>,
    tpu.vector_store %arg9[%swap3A_1315], %broadcast_in_dim3A_3 {strides = array<i32>} : memref<1792xi32, #tpu.memory_space<vmem>>, vector<16xi32>,
    %swap3A_1317 = arith.constant 1600 : index
    %swap3A_1318 = tpu.vector_load %arg9[%swap3A_1317] {strides = array<i32>} : memref<1792xi32, #tpu.memory_space<vmem>>, vector<16xi32>,
    tpu.vector_store %arg9[%swap3A_1317], %broadcast_in_dim3A_3 {strides = array<i32>} : memref<1792xi32, #tpu.memory_space<vmem>>, vector<16xi32>,
    %swap3A_1319 = arith.constant 1616 : index
    %swap3A_1320 = tpu.vector_load %arg9[%swap3A_1319] {strides = array<i32>} : memref<1792xi32, #tpu.memory_space<vmem>>, vector<16xi32>,
    tpu.vector_store %arg9[%swap3A_1319], %broadcast_in_dim3A_3 {strides = array<i32>} : memref<1792xi32, #tpu.memory_space<vmem>>, vector<16xi32>,
    %swap3A_1321 = arith.constant 1632 : index
    %swap3A_1322 = tpu.vector_load %arg9[%swap3A_1321] {strides = array<i32>} : memref<1792xi32, #tpu.memory_space<vmem>>, vector<16xi32>,
    tpu.vector_store %arg9[%swap3A_1321], %broadcast_in_dim3A_3 {strides = array<i32>} : memref<1792xi32, #tpu.memory_space<vmem>>, vector<16xi32>,
    %swap3A_1323 = arith.constant 1648 : index
    %swap3A_1324 = tpu.vector_load %arg9[%swap3A_1323] {strides = array<i32>} : memref<1792xi32, #tpu.memory_space<vmem>>, vector<16xi32>,
    tpu.vector_store %arg9[%swap3A_1323], %broadcast_in_dim3A_3 {strides = array<i32>} : memref<1792xi32, #tpu.memory_space<vmem>>, vector<16xi32>,
    %swap3A_1325 = arith.constant 1664 : index
    %swap3A_1326 = tpu.vector_load %arg9[%swap3A_1325] {strides = array<i32>} : memref<1792xi32, #tpu.memory_space<vmem>>, vector<16xi32>,
    tpu.vector_store %arg9[%swap3A_1325], %broadcast_in_dim3A_3 {strides = array<i32>} : memref<1792xi32, #tpu.memory_space<vmem>>, vector<16xi32>,
    %swap3A_1327 = arith.constant 1680 : index
    %swap3A_1328 = tpu.vector_load %arg9[%swap3A_1327] {strides = array<i32>} : memref<1792xi32, #tpu.memory_space<vmem>>, vector<16xi32>,
    tpu.vector_store %arg9[%swap3A_1327], %broadcast_in_dim3A_3 {strides = array<i32>} : memref<1792xi32, #tpu.memory_space<vmem>>, vector<16xi32>,
    %swap3A_1329 = arith.constant 1696 : index
    %swap3A_1330 = tpu.vector_load %arg9[%swap3A_1329] {strides = array<i32>} : memref<1792xi32, #tpu.memory_space<vmem>>, vector<16xi32>,
    tpu.vector_store %arg9[%swap3A_1329], %broadcast_in_dim3A_3 {strides = array<i32>} : memref<1792xi32, #tpu.memory_space<vmem>>, vector<16xi32>,
    %swap3A_1331 = arith.constant 1712 : index
    %swap3A_1332 = tpu.vector_load %arg9[%swap3A_1331] {strides = array<i32>} : memref<1792xi32, #tpu.memory_space<vmem>>, vector<16xi32>,
    tpu.vector_store %arg9[%swap3A_1331], %broadcast_in_dim3A_3 {strides = array<i32>} : memref<1792xi32, #tpu.memory_space<vmem>>, vector<16xi32>,
    %swap3A_1333 = arith.constant 1728 : index
    %swap3A_1334 = tpu.vector_load %arg9[%swap3A_1333] {strides = array<i32>} : memref<1792xi32, #tpu.memory_space<vmem>>, vector<16xi32>,
    tpu.vector_store %arg9[%swap3A_1333], %broadcast_in_dim3A_3 {strides = array<i32>} : memref<1792xi32, #tpu.memory_space<vmem>>, vector<16xi32>,
    %swap3A_1335 = arith.constant 1744 : index
    %swap3A_1336 = tpu.vector_load %arg9[%swap3A_1335] {strides = array<i32>} : memref<1792xi32, #tpu.memory_space<vmem>>, vector<16xi32>,
    tpu.vector_store %arg9[%swap3A_1335], %broadcast_in_dim3A_3 {strides = array<i32>} : memref<1792xi32, #tpu.memory_space<vmem>>, vector<16xi32>,
    %swap3A_1337 = arith.constant 1760 : index
    %swap3A_1338 = tpu.vector_load %arg9[%swap3A_1337] {strides = array<i32>} : memref<1792xi32, #tpu.memory_space<vmem>>, vector<16xi32>,
    tpu.vector_store %arg9[%swap3A_1337], %broadcast_in_dim3A_3 {strides = array<i32>} : memref<1792xi32, #tpu.memory_space<vmem>>, vector<16xi32>,
    %swap3A_1339 = arith.constant 1776 : index
    %swap3A_1340 = tpu.vector_load %arg9[%swap3A_1339] {strides = array<i32>} : memref<1792xi32, #tpu.memory_space<vmem>>, vector<16xi32>,
    tpu.vector_store %arg9[%swap3A_1339], %broadcast_in_dim3A_3 {strides = array<i32>} : memref<1792xi32, #tpu.memory_space<vmem>>, vector<16xi32>,
    %broadcast_in_dim3A_1341 = arith.constant 0.000000e+00 : f32
    %broadcast_in_dim3A_1342 = vector.broadcast %broadcast_in_dim3A_1341 : f32 to vector<16xf32>
    %swap3A_1343 = arith.constant 0 : index
    %swap3A_1344 = tpu.vector_load %arg10[%swap3A_1343] {strides = array<i32>} : memref<448xf32, #tpu.memory_space<vmem>>, vector<16xf32>,
    tpu.vector_store %arg10[%swap3A_1343], %broadcast_in_dim3A_1342 {strides = array<i32>} : memref<448xf32, #tpu.memory_space<vmem>>, vector<16xf32>,
    %broadcast_in_dim3A_1345 = arith.constant 0.000000e+00 : f32
    %broadcast_in_dim3A_1346 = vector.broadcast %broadcast_in_dim3A_1345 : f32 to vector<16xf32>
    %swap3A_1347 = arith.constant 16 : index
    %swap3A_1348 = tpu.vector_load %arg10[%swap3A_1347] {strides = array<i32>} : memref<448xf32, #tpu.memory_space<vmem>>, vector<16xf32>,
    tpu.vector_store %arg10[%swap3A_1347], %broadcast_in_dim3A_1346 {strides = array<i32>} : memref<448xf32, #tpu.memory_space<vmem>>, vector<16xf32>,
    %broadcast_in_dim3A_1349 = arith.constant 0.000000e+00 : f32
    %broadcast_in_dim3A_1350 = vector.broadcast %broadcast_in_dim3A_1349 : f32 to vector<16xf32>
    %swap3A_1351 = arith.constant 32 : index
    %swap3A_1352 = tpu.vector_load %arg10[%swap3A_1351] {strides = array<i32>} : memref<448xf32, #tpu.memory_space<vmem>>, vector<16xf32>,
    tpu.vector_store %arg10[%swap3A_1351], %broadcast_in_dim3A_1350 {strides = array<i32>} : memref<448xf32, #tpu.memory_space<vmem>>, vector<16xf32>,
    %broadcast_in_dim3A_1353 = arith.constant 0.000000e+00 : f32
    %broadcast_in_dim3A_1354 = vector.broadcast %broadcast_in_dim3A_1353 : f32 to vector<16xf32>
    %swap3A_1355 = arith.constant 48 : index
    %swap3A_1356 = tpu.vector_load %arg10[%swap3A_1355] {strides = array<i32>} : memref<448xf32, #tpu.memory_space<vmem>>, vector<16xf32>,
    tpu.vector_store %arg10[%swap3A_1355], %broadcast_in_dim3A_1354 {strides = array<i32>} : memref<448xf32, #tpu.memory_space<vmem>>, vector<16xf32>,
    %broadcast_in_dim3A_1357 = arith.constant 0.000000e+00 : f32
    %broadcast_in_dim3A_1358 = vector.broadcast %broadcast_in_dim3A_1357 : f32 to vector<16xf32>
    %swap3A_1359 = arith.constant 64 : index
    %swap3A_1360 = tpu.vector_load %arg10[%swap3A_1359] {strides = array<i32>} : memref<448xf32, #tpu.memory_space<vmem>>, vector<16xf32>,
    tpu.vector_store %arg10[%swap3A_1359], %broadcast_in_dim3A_1358 {strides = array<i32>} : memref<448xf32, #tpu.memory_space<vmem>>, vector<16xf32>,
    %broadcast_in_dim3A_1361 = arith.constant 0.000000e+00 : f32
    %broadcast_in_dim3A_1362 = vector.broadcast %broadcast_in_dim3A_1361 : f32 to vector<16xf32>
    %swap3A_1363 = arith.constant 80 : index
    %swap3A_1364 = tpu.vector_load %arg10[%swap3A_1363] {strides = array<i32>} : memref<448xf32, #tpu.memory_space<vmem>>, vector<16xf32>,
    tpu.vector_store %arg10[%swap3A_1363], %broadcast_in_dim3A_1362 {strides = array<i32>} : memref<448xf32, #tpu.memory_space<vmem>>, vector<16xf32>,
    %broadcast_in_dim3A_1365 = arith.constant 0.000000e+00 : f32
    %broadcast_in_dim3A_1366 = vector.broadcast %broadcast_in_dim3A_1365 : f32 to vector<16xf32>
    %swap3A_1367 = arith.constant 96 : index
    %swap3A_1368 = tpu.vector_load %arg10[%swap3A_1367] {strides = array<i32>} : memref<448xf32, #tpu.memory_space<vmem>>, vector<16xf32>,
    tpu.vector_store %arg10[%swap3A_1367], %broadcast_in_dim3A_1366 {strides = array<i32>} : memref<448xf32, #tpu.memory_space<vmem>>, vector<16xf32>,
    %broadcast_in_dim3A_1369 = arith.constant 0.000000e+00 : f32
    %broadcast_in_dim3A_1370 = vector.broadcast %broadcast_in_dim3A_1369 : f32 to vector<16xf32>
    %swap3A_1371 = arith.constant 112 : index
    %swap3A_1372 = tpu.vector_load %arg10[%swap3A_1371] {strides = array<i32>} : memref<448xf32, #tpu.memory_space<vmem>>, vector<16xf32>,
    tpu.vector_store %arg10[%swap3A_1371], %broadcast_in_dim3A_1370 {strides = array<i32>} : memref<448xf32, #tpu.memory_space<vmem>>, vector<16xf32>,
    %broadcast_in_dim3A_1373 = arith.constant 0.000000e+00 : f32
    %broadcast_in_dim3A_1374 = vector.broadcast %broadcast_in_dim3A_1373 : f32 to vector<16xf32>
    %swap3A_1375 = arith.constant 128 : index
    %swap3A_1376 = tpu.vector_load %arg10[%swap3A_1375] {strides = array<i32>} : memref<448xf32, #tpu.memory_space<vmem>>, vector<16xf32>,
    tpu.vector_store %arg10[%swap3A_1375], %broadcast_in_dim3A_1374 {strides = array<i32>} : memref<448xf32, #tpu.memory_space<vmem>>, vector<16xf32>,
    %broadcast_in_dim3A_1377 = arith.constant 0.000000e+00 : f32
    %broadcast_in_dim3A_1378 = vector.broadcast %broadcast_in_dim3A_1377 : f32 to vector<16xf32>
    %swap3A_1379 = arith.constant 144 : index
    %swap3A_1380 = tpu.vector_load %arg10[%swap3A_1379] {strides = array<i32>} : memref<448xf32, #tpu.memory_space<vmem>>, vector<16xf32>,
    tpu.vector_store %arg10[%swap3A_1379], %broadcast_in_dim3A_1378 {strides = array<i32>} : memref<448xf32, #tpu.memory_space<vmem>>, vector<16xf32>,
    %broadcast_in_dim3A_1381 = arith.constant 0.000000e+00 : f32
    %broadcast_in_dim3A_1382 = vector.broadcast %broadcast_in_dim3A_1381 : f32 to vector<16xf32>
    %swap3A_1383 = arith.constant 160 : index
    %swap3A_1384 = tpu.vector_load %arg10[%swap3A_1383] {strides = array<i32>} : memref<448xf32, #tpu.memory_space<vmem>>, vector<16xf32>,
    tpu.vector_store %arg10[%swap3A_1383], %broadcast_in_dim3A_1382 {strides = array<i32>} : memref<448xf32, #tpu.memory_space<vmem>>, vector<16xf32>,
    %broadcast_in_dim3A_1385 = arith.constant 0.000000e+00 : f32
    %broadcast_in_dim3A_1386 = vector.broadcast %broadcast_in_dim3A_1385 : f32 to vector<16xf32>
    %swap3A_1387 = arith.constant 176 : index
    %swap3A_1388 = tpu.vector_load %arg10[%swap3A_1387] {strides = array<i32>} : memref<448xf32, #tpu.memory_space<vmem>>, vector<16xf32>,
    tpu.vector_store %arg10[%swap3A_1387], %broadcast_in_dim3A_1386 {strides = array<i32>} : memref<448xf32, #tpu.memory_space<vmem>>, vector<16xf32>,
    %broadcast_in_dim3A_1389 = arith.constant 0.000000e+00 : f32
    %broadcast_in_dim3A_1390 = vector.broadcast %broadcast_in_dim3A_1389 : f32 to vector<16xf32>
    %swap3A_1391 = arith.constant 192 : index
    %swap3A_1392 = tpu.vector_load %arg10[%swap3A_1391] {strides = array<i32>} : memref<448xf32, #tpu.memory_space<vmem>>, vector<16xf32>,
    tpu.vector_store %arg10[%swap3A_1391], %broadcast_in_dim3A_1390 {strides = array<i32>} : memref<448xf32, #tpu.memory_space<vmem>>, vector<16xf32>,
    %broadcast_in_dim3A_1393 = arith.constant 0.000000e+00 : f32
    %broadcast_in_dim3A_1394 = vector.broadcast %broadcast_in_dim3A_1393 : f32 to vector<16xf32>
    %swap3A_1395 = arith.constant 208 : index
    %swap3A_1396 = tpu.vector_load %arg10[%swap3A_1395] {strides = array<i32>} : memref<448xf32, #tpu.memory_space<vmem>>, vector<16xf32>,
    tpu.vector_store %arg10[%swap3A_1395], %broadcast_in_dim3A_1394 {strides = array<i32>} : memref<448xf32, #tpu.memory_space<vmem>>, vector<16xf32>,
    %broadcast_in_dim3A_1397 = arith.constant 0.000000e+00 : f32
    %broadcast_in_dim3A_1398 = vector.broadcast %broadcast_in_dim3A_1397 : f32 to vector<16xf32>
    %swap3A_1399 = arith.constant 224 : index
    %swap3A_1400 = tpu.vector_load %arg10[%swap3A_1399] {strides = array<i32>} : memref<448xf32, #tpu.memory_space<vmem>>, vector<16xf32>,
    tpu.vector_store %arg10[%swap3A_1399], %broadcast_in_dim3A_1398 {strides = array<i32>} : memref<448xf32, #tpu.memory_space<vmem>>, vector<16xf32>,
    %broadcast_in_dim3A_1401 = arith.constant 0.000000e+00 : f32
    %broadcast_in_dim3A_1402 = vector.broadcast %broadcast_in_dim3A_1401 : f32 to vector<16xf32>
    %swap3A_1403 = arith.constant 240 : index
    %swap3A_1404 = tpu.vector_load %arg10[%swap3A_1403] {strides = array<i32>} : memref<448xf32, #tpu.memory_space<vmem>>, vector<16xf32>,
    tpu.vector_store %arg10[%swap3A_1403], %broadcast_in_dim3A_1402 {strides = array<i32>} : memref<448xf32, #tpu.memory_space<vmem>>, vector<16xf32>,
    %broadcast_in_dim3A_1405 = arith.constant 0.000000e+00 : f32
    %broadcast_in_dim3A_1406 = vector.broadcast %broadcast_in_dim3A_1405 : f32 to vector<16xf32>
    %swap3A_1407 = arith.constant 256 : index
    %swap3A_1408 = tpu.vector_load %arg10[%swap3A_1407] {strides = array<i32>} : memref<448xf32, #tpu.memory_space<vmem>>, vector<16xf32>,
    tpu.vector_store %arg10[%swap3A_1407], %broadcast_in_dim3A_1406 {strides = array<i32>} : memref<448xf32, #tpu.memory_space<vmem>>, vector<16xf32>,
    %broadcast_in_dim3A_1409 = arith.constant 0.000000e+00 : f32
    %broadcast_in_dim3A_1410 = vector.broadcast %broadcast_in_dim3A_1409 : f32 to vector<16xf32>
    %swap3A_1411 = arith.constant 272 : index
    %swap3A_1412 = tpu.vector_load %arg10[%swap3A_1411] {strides = array<i32>} : memref<448xf32, #tpu.memory_space<vmem>>, vector<16xf32>,
    tpu.vector_store %arg10[%swap3A_1411], %broadcast_in_dim3A_1410 {strides = array<i32>} : memref<448xf32, #tpu.memory_space<vmem>>, vector<16xf32>,
    %broadcast_in_dim3A_1413 = arith.constant 0.000000e+00 : f32
    %broadcast_in_dim3A_1414 = vector.broadcast %broadcast_in_dim3A_1413 : f32 to vector<16xf32>
    %swap3A_1415 = arith.constant 288 : index
    %swap3A_1416 = tpu.vector_load %arg10[%swap3A_1415] {strides = array<i32>} : memref<448xf32, #tpu.memory_space<vmem>>, vector<16xf32>,
    tpu.vector_store %arg10[%swap3A_1415], %broadcast_in_dim3A_1414 {strides = array<i32>} : memref<448xf32, #tpu.memory_space<vmem>>, vector<16xf32>,
    %broadcast_in_dim3A_1417 = arith.constant 0.000000e+00 : f32
    %broadcast_in_dim3A_1418 = vector.broadcast %broadcast_in_dim3A_1417 : f32 to vector<16xf32>
    %swap3A_1419 = arith.constant 304 : index
    %swap3A_1420 = tpu.vector_load %arg10[%swap3A_1419] {strides = array<i32>} : memref<448xf32, #tpu.memory_space<vmem>>, vector<16xf32>,
    tpu.vector_store %arg10[%swap3A_1419], %broadcast_in_dim3A_1418 {strides = array<i32>} : memref<448xf32, #tpu.memory_space<vmem>>, vector<16xf32>,
    %broadcast_in_dim3A_1421 = arith.constant 0.000000e+00 : f32
    %broadcast_in_dim3A_1422 = vector.broadcast %broadcast_in_dim3A_1421 : f32 to vector<16xf32>
    %swap3A_1423 = arith.constant 320 : index
    %swap3A_1424 = tpu.vector_load %arg10[%swap3A_1423] {strides = array<i32>} : memref<448xf32, #tpu.memory_space<vmem>>, vector<16xf32>,
    tpu.vector_store %arg10[%swap3A_1423], %broadcast_in_dim3A_1422 {strides = array<i32>} : memref<448xf32, #tpu.memory_space<vmem>>, vector<16xf32>,
    %broadcast_in_dim3A_1425 = arith.constant 0.000000e+00 : f32
    %broadcast_in_dim3A_1426 = vector.broadcast %broadcast_in_dim3A_1425 : f32 to vector<16xf32>
    %swap3A_1427 = arith.constant 336 : index
    %swap3A_1428 = tpu.vector_load %arg10[%swap3A_1427] {strides = array<i32>} : memref<448xf32, #tpu.memory_space<vmem>>, vector<16xf32>,
    tpu.vector_store %arg10[%swap3A_1427], %broadcast_in_dim3A_1426 {strides = array<i32>} : memref<448xf32, #tpu.memory_space<vmem>>, vector<16xf32>,
    %broadcast_in_dim3A_1429 = arith.constant 0.000000e+00 : f32
    %broadcast_in_dim3A_1430 = vector.broadcast %broadcast_in_dim3A_1429 : f32 to vector<16xf32>
    %swap3A_1431 = arith.constant 352 : index
    %swap3A_1432 = tpu.vector_load %arg10[%swap3A_1431] {strides = array<i32>} : memref<448xf32, #tpu.memory_space<vmem>>, vector<16xf32>,
    tpu.vector_store %arg10[%swap3A_1431], %broadcast_in_dim3A_1430 {strides = array<i32>} : memref<448xf32, #tpu.memory_space<vmem>>, vector<16xf32>,
    %broadcast_in_dim3A_1433 = arith.constant 0.000000e+00 : f32
    %broadcast_in_dim3A_1434 = vector.broadcast %broadcast_in_dim3A_1433 : f32 to vector<16xf32>
    %swap3A_1435 = arith.constant 368 : index
    %swap3A_1436 = tpu.vector_load %arg10[%swap3A_1435] {strides = array<i32>} : memref<448xf32, #tpu.memory_space<vmem>>, vector<16xf32>,
    tpu.vector_store %arg10[%swap3A_1435], %broadcast_in_dim3A_1434 {strides = array<i32>} : memref<448xf32, #tpu.memory_space<vmem>>, vector<16xf32>,
    %broadcast_in_dim3A_1437 = arith.constant 0.000000e+00 : f32
    %broadcast_in_dim3A_1438 = vector.broadcast %broadcast_in_dim3A_1437 : f32 to vector<16xf32>
    %swap3A_1439 = arith.constant 384 : index
    %swap3A_1440 = tpu.vector_load %arg10[%swap3A_1439] {strides = array<i32>} : memref<448xf32, #tpu.memory_space<vmem>>, vector<16xf32>,
    tpu.vector_store %arg10[%swap3A_1439], %broadcast_in_dim3A_1438 {strides = array<i32>} : memref<448xf32, #tpu.memory_space<vmem>>, vector<16xf32>,
    %broadcast_in_dim3A_1441 = arith.constant 0.000000e+00 : f32
    %broadcast_in_dim3A_1442 = vector.broadcast %broadcast_in_dim3A_1441 : f32 to vector<16xf32>
    %swap3A_1443 = arith.constant 400 : index
    %swap3A_1444 = tpu.vector_load %arg10[%swap3A_1443] {strides = array<i32>} : memref<448xf32, #tpu.memory_space<vmem>>, vector<16xf32>,
    tpu.vector_store %arg10[%swap3A_1443], %broadcast_in_dim3A_1442 {strides = array<i32>} : memref<448xf32, #tpu.memory_space<vmem>>, vector<16xf32>,
    %broadcast_in_dim3A_1445 = arith.constant 0.000000e+00 : f32
    %broadcast_in_dim3A_1446 = vector.broadcast %broadcast_in_dim3A_1445 : f32 to vector<16xf32>
    %swap3A_1447 = arith.constant 416 : index
    %swap3A_1448 = tpu.vector_load %arg10[%swap3A_1447] {strides = array<i32>} : memref<448xf32, #tpu.memory_space<vmem>>, vector<16xf32>,
    tpu.vector_store %arg10[%swap3A_1447], %broadcast_in_dim3A_1446 {strides = array<i32>} : memref<448xf32, #tpu.memory_space<vmem>>, vector<16xf32>,
    %broadcast_in_dim3A_1449 = arith.constant 0.000000e+00 : f32
    %broadcast_in_dim3A_1450 = vector.broadcast %broadcast_in_dim3A_1449 : f32 to vector<16xf32>
    %swap3A_1451 = arith.constant 432 : index
    %swap3A_1452 = tpu.vector_load %arg10[%swap3A_1451] {strides = array<i32>} : memref<448xf32, #tpu.memory_space<vmem>>, vector<16xf32>,
    tpu.vector_store %arg10[%swap3A_1451], %broadcast_in_dim3A_1450 {strides = array<i32>} : memref<448xf32, #tpu.memory_space<vmem>>, vector<16xf32>,
    %ge3A_1453 = arith.constant 9 : i32
    %ge3A_1454 = vector.broadcast %ge3A_1453 : i32 to vector<16xi32>
    %ge3A_1455 = arith.cmpi sge, %iota3A, %ge3A_1454 : vector<16xi32>
    %scan3A = arith.constant 0 : i32
    %scan3A_1456 = arith.constant 0 : i32
    %scan3A_1457 = arith.constant 32 : i32
    %scan3A_1458 = arith.addi %scan3A_1456, %scan3A_1457 : i32
    %scan3A_1459 = arith.constant 1 : i32
    scf.for %scan3A_1461 = %scan3A_1456 to %scan3A_1458 step %scan3A_1459  : i32 {
      %mul3A_1462 = arith.constant 4 : i32
      %mul3A_1463 = arith.muli %mul3A_1462, %scan3A_1461 : i32
      %add3A_1464 = arith.constant 0 : i32
      %add3A_1465 = arith.addi %mul3A_1463, %add3A_1464 : i32
      %mul3A_1466 = arith.constant 4 : i32
      %mul3A_1467 = arith.muli %mul3A_1466, %scan3A_1461 : i32
      %add3A_1468 = arith.constant 1 : i32
      %add3A_1469 = arith.addi %mul3A_1467, %add3A_1468 : i32
      %mul3A_1470 = arith.constant 4 : i32
      %mul3A_1471 = arith.muli %mul3A_1470, %scan3A_1461 : i32
      %add3A_1472 = arith.constant 2 : i32
      %add3A_1473 = arith.addi %mul3A_1471, %add3A_1472 : i32
      %mul3A_1474 = arith.constant 4 : i32
      %mul3A_1475 = arith.muli %mul3A_1474, %scan3A_1461 : i32
      %add3A_1476 = arith.constant 3 : i32
      %add3A_1477 = arith.addi %mul3A_1475, %add3A_1476 : i32
      %get3A = arith.index_cast %add3A_1465 : i32 to index
      %get3A_1478 = arith.constant 0 : index
      %get3A_1479 = tpu.vector_load %arg6[%get3A, %get3A_1478] {strides = array<i32>} : memref<128x200xi32, #tpu.memory_space<vmem>>, vector<16xi32>,
      %get3A_1480 = arith.index_cast %add3A_1465 : i32 to index
      %get3A_1481 = arith.constant 1 : index
      %get3A_1482 = tpu.vector_load %arg6[%get3A_1480, %get3A_1481] {strides = array<i32>} : memref<128x200xi32, #tpu.memory_space<vmem>>, vector<16xi32>,
      %mul3A_1483 = arith.constant 21 : i32
      %mul3A_1484 = vector.broadcast %mul3A_1483 : i32 to vector<16xi32>
      %mul3A_1485 = arith.muli %get3A_1479, %mul3A_1484 : vector<16xi32>
      %add3A_1486 = arith.addi %mul3A_1485, %get3A_1482 : vector<16xi32>
      %add3A_1487 = arith.constant 0 : i32
      %add3A_1488 = vector.broadcast %add3A_1487 : i32 to vector<16xi32>
      %add3A_1489 = arith.addi %add3A_1486, %add3A_1488 : vector<16xi32>
      %get3A_1490 = arith.index_cast %add3A_1469 : i32 to index
      %get3A_1491 = arith.constant 0 : index
      %get3A_1492 = tpu.vector_load %arg6[%get3A_1490, %get3A_1491] {strides = array<i32>} : memref<128x200xi32, #tpu.memory_space<vmem>>, vector<16xi32>,
      %get3A_1493 = arith.index_cast %add3A_1469 : i32 to index
      %get3A_1494 = arith.constant 1 : index
      %get3A_1495 = tpu.vector_load %arg6[%get3A_1493, %get3A_1494] {strides = array<i32>} : memref<128x200xi32, #tpu.memory_space<vmem>>, vector<16xi32>,
      %mul3A_1496 = arith.constant 21 : i32
      %mul3A_1497 = vector.broadcast %mul3A_1496 : i32 to vector<16xi32>
      %mul3A_1498 = arith.muli %get3A_1492, %mul3A_1497 : vector<16xi32>
      %add3A_1499 = arith.addi %mul3A_1498, %get3A_1495 : vector<16xi32>
      %add3A_1500 = arith.constant 448 : i32
      %add3A_1501 = vector.broadcast %add3A_1500 : i32 to vector<16xi32>
      %add3A_1502 = arith.addi %add3A_1499, %add3A_1501 : vector<16xi32>
      %get3A_1503 = arith.index_cast %add3A_1473 : i32 to index
      %get3A_1504 = arith.constant 0 : index
      %get3A_1505 = tpu.vector_load %arg6[%get3A_1503, %get3A_1504] {strides = array<i32>} : memref<128x200xi32, #tpu.memory_space<vmem>>, vector<16xi32>,
      %get3A_1506 = arith.index_cast %add3A_1473 : i32 to index
      %get3A_1507 = arith.constant 1 : index
      %get3A_1508 = tpu.vector_load %arg6[%get3A_1506, %get3A_1507] {strides = array<i32>} : memref<128x200xi32, #tpu.memory_space<vmem>>, vector<16xi32>,
      %mul3A_1509 = arith.constant 21 : i32
      %mul3A_1510 = vector.broadcast %mul3A_1509 : i32 to vector<16xi32>
      %mul3A_1511 = arith.muli %get3A_1505, %mul3A_1510 : vector<16xi32>
      %add3A_1512 = arith.addi %mul3A_1511, %get3A_1508 : vector<16xi32>
      %add3A_1513 = arith.constant 896 : i32
      %add3A_1514 = vector.broadcast %add3A_1513 : i32 to vector<16xi32>
      %add3A_1515 = arith.addi %add3A_1512, %add3A_1514 : vector<16xi32>
      %get3A_1516 = arith.index_cast %add3A_1477 : i32 to index
      %get3A_1517 = arith.constant 0 : index
      %get3A_1518 = tpu.vector_load %arg6[%get3A_1516, %get3A_1517] {strides = array<i32>} : memref<128x200xi32, #tpu.memory_space<vmem>>, vector<16xi32>,
      %get3A_1519 = arith.index_cast %add3A_1477 : i32 to index
      %get3A_1520 = arith.constant 1 : index
      %get3A_1521 = tpu.vector_load %arg6[%get3A_1519, %get3A_1520] {strides = array<i32>} : memref<128x200xi32, #tpu.memory_space<vmem>>, vector<16xi32>,
      %mul3A_1522 = arith.constant 21 : i32
      %mul3A_1523 = vector.broadcast %mul3A_1522 : i32 to vector<16xi32>
      %mul3A_1524 = arith.muli %get3A_1518, %mul3A_1523 : vector<16xi32>
      %add3A_1525 = arith.addi %mul3A_1524, %get3A_1521 : vector<16xi32>
      %add3A_1526 = arith.constant 1344 : i32
      %add3A_1527 = vector.broadcast %add3A_1526 : i32 to vector<16xi32>
      %add3A_1528 = arith.addi %add3A_1525, %add3A_1527 : vector<16xi32>
      %swap3A_1529 = arith.constant 0 : index
      %swap3A_1530 = tpu.vector_load %arg8[%swap3A_1529] {strides = array<i32>} : memref<832xi32, #tpu.memory_space<vmem>>, vector<16xi32>,
      tpu.vector_store %arg8[%swap3A_1529], %add3A_1489 {strides = array<i32>} : memref<832xi32, #tpu.memory_space<vmem>>, vector<16xi32>,
      %swap3A_1531 = arith.constant 208 : index
      %swap3A_1532 = tpu.vector_load %arg8[%swap3A_1531] {strides = array<i32>} : memref<832xi32, #tpu.memory_space<vmem>>, vector<16xi32>,
      tpu.vector_store %arg8[%swap3A_1531], %add3A_1502 {strides = array<i32>} : memref<832xi32, #tpu.memory_space<vmem>>, vector<16xi32>,
      %swap3A_1533 = arith.constant 416 : index
      %swap3A_1534 = tpu.vector_load %arg8[%swap3A_1533] {strides = array<i32>} : memref<832xi32, #tpu.memory_space<vmem>>, vector<16xi32>,
      tpu.vector_store %arg8[%swap3A_1533], %add3A_1515 {strides = array<i32>} : memref<832xi32, #tpu.memory_space<vmem>>, vector<16xi32>,
      %swap3A_1535 = arith.constant 624 : index
      %swap3A_1536 = tpu.vector_load %arg8[%swap3A_1535] {strides = array<i32>} : memref<832xi32, #tpu.memory_space<vmem>>, vector<16xi32>,
      tpu.vector_store %arg8[%swap3A_1535], %add3A_1528 {strides = array<i32>} : memref<832xi32, #tpu.memory_space<vmem>>, vector<16xi32>,
      tpu.vector_store_idx %arg9[%add3A_1489], %broadcast_in_dim3A_5 {add = true} : memref<1792xi32, #tpu.memory_space<vmem>>[vector<16xi32>], vector<16xi32>,
      tpu.vector_store_idx %arg9[%add3A_1502], %broadcast_in_dim3A_5 {add = true} : memref<1792xi32, #tpu.memory_space<vmem>>[vector<16xi32>], vector<16xi32>,
      tpu.vector_store_idx %arg9[%add3A_1515], %broadcast_in_dim3A_5 {add = true} : memref<1792xi32, #tpu.memory_space<vmem>>[vector<16xi32>], vector<16xi32>,
      tpu.vector_store_idx %arg9[%add3A_1528], %broadcast_in_dim3A_5 {add = true} : memref<1792xi32, #tpu.memory_space<vmem>>[vector<16xi32>], vector<16xi32>,
      %sub3A_1537 = arith.constant 0 : i32
      %sub3A_1538 = vector.broadcast %sub3A_1537 : i32 to vector<16xi32>
      %sub3A_1539 = arith.subi %add3A_1489, %sub3A_1538 : vector<16xi32>
      tpu.vector_store_idx %arg10[%sub3A_1539], %broadcast_in_dim3A_7 {add = true} : memref<448xf32, #tpu.memory_space<vmem>>[vector<16xi32>], vector<16xf32>,
      %sub3A_1540 = arith.constant 448 : i32
      %sub3A_1541 = vector.broadcast %sub3A_1540 : i32 to vector<16xi32>
      %sub3A_1542 = arith.subi %add3A_1502, %sub3A_1541 : vector<16xi32>
      tpu.vector_store_idx %arg10[%sub3A_1542], %broadcast_in_dim3A_7 {add = true} : memref<448xf32, #tpu.memory_space<vmem>>[vector<16xi32>], vector<16xf32>,
      %sub3A_1543 = arith.constant 896 : i32
      %sub3A_1544 = vector.broadcast %sub3A_1543 : i32 to vector<16xi32>
      %sub3A_1545 = arith.subi %add3A_1515, %sub3A_1544 : vector<16xi32>
      tpu.vector_store_idx %arg10[%sub3A_1545], %broadcast_in_dim3A_7 {add = true} : memref<448xf32, #tpu.memory_space<vmem>>[vector<16xi32>], vector<16xf32>,
      %sub3A_1546 = arith.constant 1344 : i32
      %sub3A_1547 = vector.broadcast %sub3A_1546 : i32 to vector<16xi32>
      %sub3A_1548 = arith.subi %add3A_1528, %sub3A_1547 : vector<16xi32>
      tpu.vector_store_idx %arg10[%sub3A_1548], %broadcast_in_dim3A_7 {add = true} : memref<448xf32, #tpu.memory_space<vmem>>[vector<16xi32>], vector<16xf32>,
      %get3A_1549 = arith.index_cast %add3A_1465 : i32 to index
      %get3A_1550 = arith.constant 16 : index
      %get3A_1551 = tpu.vector_load %arg6[%get3A_1549, %get3A_1550] {strides = array<i32>} : memref<128x200xi32, #tpu.memory_space<vmem>>, vector<16xi32>,
      %get3A_1552 = arith.index_cast %add3A_1465 : i32 to index
      %get3A_1553 = arith.constant 17 : index
      %get3A_1554 = tpu.vector_load %arg6[%get3A_1552, %get3A_1553] {strides = array<i32>} : memref<128x200xi32, #tpu.memory_space<vmem>>, vector<16xi32>,
      %mul3A_1555 = arith.constant 21 : i32
      %mul3A_1556 = vector.broadcast %mul3A_1555 : i32 to vector<16xi32>
      %mul3A_1557 = arith.muli %get3A_1551, %mul3A_1556 : vector<16xi32>
      %add3A_1558 = arith.addi %mul3A_1557, %get3A_1554 : vector<16xi32>
      %add3A_1559 = arith.constant 0 : i32
      %add3A_1560 = vector.broadcast %add3A_1559 : i32 to vector<16xi32>
      %add3A_1561 = arith.addi %add3A_1558, %add3A_1560 : vector<16xi32>
      %get3A_1562 = arith.index_cast %add3A_1469 : i32 to index
      %get3A_1563 = arith.constant 16 : index
      %get3A_1564 = tpu.vector_load %arg6[%get3A_1562, %get3A_1563] {strides = array<i32>} : memref<128x200xi32, #tpu.memory_space<vmem>>, vector<16xi32>,
      %get3A_1565 = arith.index_cast %add3A_1469 : i32 to index
      %get3A_1566 = arith.constant 17 : index
      %get3A_1567 = tpu.vector_load %arg6[%get3A_1565, %get3A_1566] {strides = array<i32>} : memref<128x200xi32, #tpu.memory_space<vmem>>, vector<16xi32>,
      %mul3A_1568 = arith.constant 21 : i32
      %mul3A_1569 = vector.broadcast %mul3A_1568 : i32 to vector<16xi32>
      %mul3A_1570 = arith.muli %get3A_1564, %mul3A_1569 : vector<16xi32>
      %add3A_1571 = arith.addi %mul3A_1570, %get3A_1567 : vector<16xi32>
      %add3A_1572 = arith.constant 448 : i32
      %add3A_1573 = vector.broadcast %add3A_1572 : i32 to vector<16xi32>
      %add3A_1574 = arith.addi %add3A_1571, %add3A_1573 : vector<16xi32>
      %get3A_1575 = arith.index_cast %add3A_1473 : i32 to index
      %get3A_1576 = arith.constant 16 : index
      %get3A_1577 = tpu.vector_load %arg6[%get3A_1575, %get3A_1576] {strides = array<i32>} : memref<128x200xi32, #tpu.memory_space<vmem>>, vector<16xi32>,
      %get3A_1578 = arith.index_cast %add3A_1473 : i32 to index
      %get3A_1579 = arith.constant 17 : index
      %get3A_1580 = tpu.vector_load %arg6[%get3A_1578, %get3A_1579] {strides = array<i32>} : memref<128x200xi32, #tpu.memory_space<vmem>>, vector<16xi32>,
      %mul3A_1581 = arith.constant 21 : i32
      %mul3A_1582 = vector.broadcast %mul3A_1581 : i32 to vector<16xi32>
      %mul3A_1583 = arith.muli %get3A_1577, %mul3A_1582 : vector<16xi32>
      %add3A_1584 = arith.addi %mul3A_1583, %get3A_1580 : vector<16xi32>
      %add3A_1585 = arith.constant 896 : i32
      %add3A_1586 = vector.broadcast %add3A_1585 : i32 to vector<16xi32>
      %add3A_1587 = arith.addi %add3A_1584, %add3A_1586 : vector<16xi32>
      %get3A_1588 = arith.index_cast %add3A_1477 : i32 to index
      %get3A_1589 = arith.constant 16 : index
      %get3A_1590 = tpu.vector_load %arg6[%get3A_1588, %get3A_1589] {strides = array<i32>} : memref<128x200xi32, #tpu.memory_space<vmem>>, vector<16xi32>,
      %get3A_1591 = arith.index_cast %add3A_1477 : i32 to index
      %get3A_1592 = arith.constant 17 : index
      %get3A_1593 = tpu.vector_load %arg6[%get3A_1591, %get3A_1592] {strides = array<i32>} : memref<128x200xi32, #tpu.memory_space<vmem>>, vector<16xi32>,
      %mul3A_1594 = arith.constant 21 : i32
      %mul3A_1595 = vector.broadcast %mul3A_1594 : i32 to vector<16xi32>
      %mul3A_1596 = arith.muli %get3A_1590, %mul3A_1595 : vector<16xi32>
      %add3A_1597 = arith.addi %mul3A_1596, %get3A_1593 : vector<16xi32>
      %add3A_1598 = arith.constant 1344 : i32
      %add3A_1599 = vector.broadcast %add3A_1598 : i32 to vector<16xi32>
      %add3A_1600 = arith.addi %add3A_1597, %add3A_1599 : vector<16xi32>
      %swap3A_1601 = arith.constant 16 : index
      %swap3A_1602 = tpu.vector_load %arg8[%swap3A_1601] {strides = array<i32>} : memref<832xi32, #tpu.memory_space<vmem>>, vector<16xi32>,
      tpu.vector_store %arg8[%swap3A_1601], %add3A_1561 {strides = array<i32>} : memref<832xi32, #tpu.memory_space<vmem>>, vector<16xi32>,
      %swap3A_1603 = arith.constant 224 : index
      %swap3A_1604 = tpu.vector_load %arg8[%swap3A_1603] {strides = array<i32>} : memref<832xi32, #tpu.memory_space<vmem>>, vector<16xi32>,
      tpu.vector_store %arg8[%swap3A_1603], %add3A_1574 {strides = array<i32>} : memref<832xi32, #tpu.memory_space<vmem>>, vector<16xi32>,
      %swap3A_1605 = arith.constant 432 : index
      %swap3A_1606 = tpu.vector_load %arg8[%swap3A_1605] {strides = array<i32>} : memref<832xi32, #tpu.memory_space<vmem>>, vector<16xi32>,
      tpu.vector_store %arg8[%swap3A_1605], %add3A_1587 {strides = array<i32>} : memref<832xi32, #tpu.memory_space<vmem>>, vector<16xi32>,
      %swap3A_1607 = arith.constant 640 : index
      %swap3A_1608 = tpu.vector_load %arg8[%swap3A_1607] {strides = array<i32>} : memref<832xi32, #tpu.memory_space<vmem>>, vector<16xi32>,
      tpu.vector_store %arg8[%swap3A_1607], %add3A_1600 {strides = array<i32>} : memref<832xi32, #tpu.memory_space<vmem>>, vector<16xi32>,
      tpu.vector_store_idx %arg9[%add3A_1561], %broadcast_in_dim3A_5 {add = true} : memref<1792xi32, #tpu.memory_space<vmem>>[vector<16xi32>], vector<16xi32>,
      tpu.vector_store_idx %arg9[%add3A_1574], %broadcast_in_dim3A_5 {add = true} : memref<1792xi32, #tpu.memory_space<vmem>>[vector<16xi32>], vector<16xi32>,
      tpu.vector_store_idx %arg9[%add3A_1587], %broadcast_in_dim3A_5 {add = true} : memref<1792xi32, #tpu.memory_space<vmem>>[vector<16xi32>], vector<16xi32>,
      tpu.vector_store_idx %arg9[%add3A_1600], %broadcast_in_dim3A_5 {add = true} : memref<1792xi32, #tpu.memory_space<vmem>>[vector<16xi32>], vector<16xi32>,
      %sub3A_1609 = arith.constant 0 : i32
      %sub3A_1610 = vector.broadcast %sub3A_1609 : i32 to vector<16xi32>
      %sub3A_1611 = arith.subi %add3A_1561, %sub3A_1610 : vector<16xi32>
      tpu.vector_store_idx %arg10[%sub3A_1611], %broadcast_in_dim3A_7 {add = true} : memref<448xf32, #tpu.memory_space<vmem>>[vector<16xi32>], vector<16xf32>,
      %sub3A_1612 = arith.constant 448 : i32
      %sub3A_1613 = vector.broadcast %sub3A_1612 : i32 to vector<16xi32>
      %sub3A_1614 = arith.subi %add3A_1574, %sub3A_1613 : vector<16xi32>
      tpu.vector_store_idx %arg10[%sub3A_1614], %broadcast_in_dim3A_7 {add = true} : memref<448xf32, #tpu.memory_space<vmem>>[vector<16xi32>], vector<16xf32>,
      %sub3A_1615 = arith.constant 896 : i32
      %sub3A_1616 = vector.broadcast %sub3A_1615 : i32 to vector<16xi32>
      %sub3A_1617 = arith.subi %add3A_1587, %sub3A_1616 : vector<16xi32>
      tpu.vector_store_idx %arg10[%sub3A_1617], %broadcast_in_dim3A_7 {add = true} : memref<448xf32, #tpu.memory_space<vmem>>[vector<16xi32>], vector<16xf32>,
      %sub3A_1618 = arith.constant 1344 : i32
      %sub3A_1619 = vector.broadcast %sub3A_1618 : i32 to vector<16xi32>
      %sub3A_1620 = arith.subi %add3A_1600, %sub3A_1619 : vector<16xi32>
      tpu.vector_store_idx %arg10[%sub3A_1620], %broadcast_in_dim3A_7 {add = true} : memref<448xf32, #tpu.memory_space<vmem>>[vector<16xi32>], vector<16xf32>,
      %get3A_1621 = arith.index_cast %add3A_1465 : i32 to index
      %get3A_1622 = arith.constant 32 : index
      %get3A_1623 = tpu.vector_load %arg6[%get3A_1621, %get3A_1622] {strides = array<i32>} : memref<128x200xi32, #tpu.memory_space<vmem>>, vector<16xi32>,
      %get3A_1624 = arith.index_cast %add3A_1465 : i32 to index
      %get3A_1625 = arith.constant 33 : index
      %get3A_1626 = tpu.vector_load %arg6[%get3A_1624, %get3A_1625] {strides = array<i32>} : memref<128x200xi32, #tpu.memory_space<vmem>>, vector<16xi32>,
      %mul3A_1627 = arith.constant 21 : i32
      %mul3A_1628 = vector.broadcast %mul3A_1627 : i32 to vector<16xi32>
      %mul3A_1629 = arith.muli %get3A_1623, %mul3A_1628 : vector<16xi32>
      %add3A_1630 = arith.addi %mul3A_1629, %get3A_1626 : vector<16xi32>
      %add3A_1631 = arith.constant 0 : i32
      %add3A_1632 = vector.broadcast %add3A_1631 : i32 to vector<16xi32>
      %add3A_1633 = arith.addi %add3A_1630, %add3A_1632 : vector<16xi32>
      %get3A_1634 = arith.index_cast %add3A_1469 : i32 to index
      %get3A_1635 = arith.constant 32 : index
      %get3A_1636 = tpu.vector_load %arg6[%get3A_1634, %get3A_1635] {strides = array<i32>} : memref<128x200xi32, #tpu.memory_space<vmem>>, vector<16xi32>,
      %get3A_1637 = arith.index_cast %add3A_1469 : i32 to index
      %get3A_1638 = arith.constant 33 : index
      %get3A_1639 = tpu.vector_load %arg6[%get3A_1637, %get3A_1638] {strides = array<i32>} : memref<128x200xi32, #tpu.memory_space<vmem>>, vector<16xi32>,
      %mul3A_1640 = arith.constant 21 : i32
      %mul3A_1641 = vector.broadcast %mul3A_1640 : i32 to vector<16xi32>
      %mul3A_1642 = arith.muli %get3A_1636, %mul3A_1641 : vector<16xi32>
      %add3A_1643 = arith.addi %mul3A_1642, %get3A_1639 : vector<16xi32>
      %add3A_1644 = arith.constant 448 : i32
      %add3A_1645 = vector.broadcast %add3A_1644 : i32 to vector<16xi32>
      %add3A_1646 = arith.addi %add3A_1643, %add3A_1645 : vector<16xi32>
      %get3A_1647 = arith.index_cast %add3A_1473 : i32 to index
      %get3A_1648 = arith.constant 32 : index
      %get3A_1649 = tpu.vector_load %arg6[%get3A_1647, %get3A_1648] {strides = array<i32>} : memref<128x200xi32, #tpu.memory_space<vmem>>, vector<16xi32>,
      %get3A_1650 = arith.index_cast %add3A_1473 : i32 to index
      %get3A_1651 = arith.constant 33 : index
      %get3A_1652 = tpu.vector_load %arg6[%get3A_1650, %get3A_1651] {strides = array<i32>} : memref<128x200xi32, #tpu.memory_space<vmem>>, vector<16xi32>,
      %mul3A_1653 = arith.constant 21 : i32
      %mul3A_1654 = vector.broadcast %mul3A_1653 : i32 to vector<16xi32>
      %mul3A_1655 = arith.muli %get3A_1649, %mul3A_1654 : vector<16xi32>
      %add3A_1656 = arith.addi %mul3A_1655, %get3A_1652 : vector<16xi32>
      %add3A_1657 = arith.constant 896 : i32
      %add3A_1658 = vector.broadcast %add3A_1657 : i32 to vector<16xi32>
      %add3A_1659 = arith.addi %add3A_1656, %add3A_1658 : vector<16xi32>
      %get3A_1660 = arith.index_cast %add3A_1477 : i32 to index
      %get3A_1661 = arith.constant 32 : index
      %get3A_1662 = tpu.vector_load %arg6[%get3A_1660, %get3A_1661] {strides = array<i32>} : memref<128x200xi32, #tpu.memory_space<vmem>>, vector<16xi32>,
      %get3A_1663 = arith.index_cast %add3A_1477 : i32 to index
      %get3A_1664 = arith.constant 33 : index
      %get3A_1665 = tpu.vector_load %arg6[%get3A_1663, %get3A_1664] {strides = array<i32>} : memref<128x200xi32, #tpu.memory_space<vmem>>, vector<16xi32>,
      %mul3A_1666 = arith.constant 21 : i32
      %mul3A_1667 = vector.broadcast %mul3A_1666 : i32 to vector<16xi32>
      %mul3A_1668 = arith.muli %get3A_1662, %mul3A_1667 : vector<16xi32>
      %add3A_1669 = arith.addi %mul3A_1668, %get3A_1665 : vector<16xi32>
      %add3A_1670 = arith.constant 1344 : i32
      %add3A_1671 = vector.broadcast %add3A_1670 : i32 to vector<16xi32>
      %add3A_1672 = arith.addi %add3A_1669, %add3A_1671 : vector<16xi32>
      %swap3A_1673 = arith.constant 32 : index
      %swap3A_1674 = tpu.vector_load %arg8[%swap3A_1673] {strides = array<i32>} : memref<832xi32, #tpu.memory_space<vmem>>, vector<16xi32>,
      tpu.vector_store %arg8[%swap3A_1673], %add3A_1633 {strides = array<i32>} : memref<832xi32, #tpu.memory_space<vmem>>, vector<16xi32>,
      %swap3A_1675 = arith.constant 240 : index
      %swap3A_1676 = tpu.vector_load %arg8[%swap3A_1675] {strides = array<i32>} : memref<832xi32, #tpu.memory_space<vmem>>, vector<16xi32>,
      tpu.vector_store %arg8[%swap3A_1675], %add3A_1646 {strides = array<i32>} : memref<832xi32, #tpu.memory_space<vmem>>, vector<16xi32>,
      %swap3A_1677 = arith.constant 448 : index
      %swap3A_1678 = tpu.vector_load %arg8[%swap3A_1677] {strides = array<i32>} : memref<832xi32, #tpu.memory_space<vmem>>, vector<16xi32>,
      tpu.vector_store %arg8[%swap3A_1677], %add3A_1659 {strides = array<i32>} : memref<832xi32, #tpu.memory_space<vmem>>, vector<16xi32>,
      %swap3A_1679 = arith.constant 656 : index
      %swap3A_1680 = tpu.vector_load %arg8[%swap3A_1679] {strides = array<i32>} : memref<832xi32, #tpu.memory_space<vmem>>, vector<16xi32>,
      tpu.vector_store %arg8[%swap3A_1679], %add3A_1672 {strides = array<i32>} : memref<832xi32, #tpu.memory_space<vmem>>, vector<16xi32>,
      tpu.vector_store_idx %arg9[%add3A_1633], %broadcast_in_dim3A_5 {add = true} : memref<1792xi32, #tpu.memory_space<vmem>>[vector<16xi32>], vector<16xi32>,
      tpu.vector_store_idx %arg9[%add3A_1646], %broadcast_in_dim3A_5 {add = true} : memref<1792xi32, #tpu.memory_space<vmem>>[vector<16xi32>], vector<16xi32>,
      tpu.vector_store_idx %arg9[%add3A_1659], %broadcast_in_dim3A_5 {add = true} : memref<1792xi32, #tpu.memory_space<vmem>>[vector<16xi32>], vector<16xi32>,
      tpu.vector_store_idx %arg9[%add3A_1672], %broadcast_in_dim3A_5 {add = true} : memref<1792xi32, #tpu.memory_space<vmem>>[vector<16xi32>], vector<16xi32>,
      %sub3A_1681 = arith.constant 0 : i32
      %sub3A_1682 = vector.broadcast %sub3A_1681 : i32 to vector<16xi32>
      %sub3A_1683 = arith.subi %add3A_1633, %sub3A_1682 : vector<16xi32>
      tpu.vector_store_idx %arg10[%sub3A_1683], %broadcast_in_dim3A_7 {add = true} : memref<448xf32, #tpu.memory_space<vmem>>[vector<16xi32>], vector<16xf32>,
      %sub3A_1684 = arith.constant 448 : i32
      %sub3A_1685 = vector.broadcast %sub3A_1684 : i32 to vector<16xi32>
      %sub3A_1686 = arith.subi %add3A_1646, %sub3A_1685 : vector<16xi32>
      tpu.vector_store_idx %arg10[%sub3A_1686], %broadcast_in_dim3A_7 {add = true} : memref<448xf32, #tpu.memory_space<vmem>>[vector<16xi32>], vector<16xf32>,
      %sub3A_1687 = arith.constant 896 : i32
      %sub3A_1688 = vector.broadcast %sub3A_1687 : i32 to vector<16xi32>
      %sub3A_1689 = arith.subi %add3A_1659, %sub3A_1688 : vector<16xi32>
      tpu.vector_store_idx %arg10[%sub3A_1689], %broadcast_in_dim3A_7 {add = true} : memref<448xf32, #tpu.memory_space<vmem>>[vector<16xi32>], vector<16xf32>,
      %sub3A_1690 = arith.constant 1344 : i32
      %sub3A_1691 = vector.broadcast %sub3A_1690 : i32 to vector<16xi32>
      %sub3A_1692 = arith.subi %add3A_1672, %sub3A_1691 : vector<16xi32>
      tpu.vector_store_idx %arg10[%sub3A_1692], %broadcast_in_dim3A_7 {add = true} : memref<448xf32, #tpu.memory_space<vmem>>[vector<16xi32>], vector<16xf32>,
      %get3A_1693 = arith.index_cast %add3A_1465 : i32 to index
      %get3A_1694 = arith.constant 48 : index
      %get3A_1695 = tpu.vector_load %arg6[%get3A_1693, %get3A_1694] {strides = array<i32>} : memref<128x200xi32, #tpu.memory_space<vmem>>, vector<16xi32>,
      %get3A_1696 = arith.index_cast %add3A_1465 : i32 to index
      %get3A_1697 = arith.constant 49 : index
      %get3A_1698 = tpu.vector_load %arg6[%get3A_1696, %get3A_1697] {strides = array<i32>} : memref<128x200xi32, #tpu.memory_space<vmem>>, vector<16xi32>,
      %mul3A_1699 = arith.constant 21 : i32
      %mul3A_1700 = vector.broadcast %mul3A_1699 : i32 to vector<16xi32>
      %mul3A_1701 = arith.muli %get3A_1695, %mul3A_1700 : vector<16xi32>
      %add3A_1702 = arith.addi %mul3A_1701, %get3A_1698 : vector<16xi32>
      %add3A_1703 = arith.constant 0 : i32
      %add3A_1704 = vector.broadcast %add3A_1703 : i32 to vector<16xi32>
      %add3A_1705 = arith.addi %add3A_1702, %add3A_1704 : vector<16xi32>
      %get3A_1706 = arith.index_cast %add3A_1469 : i32 to index
      %get3A_1707 = arith.constant 48 : index
      %get3A_1708 = tpu.vector_load %arg6[%get3A_1706, %get3A_1707] {strides = array<i32>} : memref<128x200xi32, #tpu.memory_space<vmem>>, vector<16xi32>,
      %get3A_1709 = arith.index_cast %add3A_1469 : i32 to index
      %get3A_1710 = arith.constant 49 : index
      %get3A_1711 = tpu.vector_load %arg6[%get3A_1709, %get3A_1710] {strides = array<i32>} : memref<128x200xi32, #tpu.memory_space<vmem>>, vector<16xi32>,
      %mul3A_1712 = arith.constant 21 : i32
      %mul3A_1713 = vector.broadcast %mul3A_1712 : i32 to vector<16xi32>
      %mul3A_1714 = arith.muli %get3A_1708, %mul3A_1713 : vector<16xi32>
      %add3A_1715 = arith.addi %mul3A_1714, %get3A_1711 : vector<16xi32>
      %add3A_1716 = arith.constant 448 : i32
      %add3A_1717 = vector.broadcast %add3A_1716 : i32 to vector<16xi32>
      %add3A_1718 = arith.addi %add3A_1715, %add3A_1717 : vector<16xi32>
      %get3A_1719 = arith.index_cast %add3A_1473 : i32 to index
      %get3A_1720 = arith.constant 48 : index
      %get3A_1721 = tpu.vector_load %arg6[%get3A_1719, %get3A_1720] {strides = array<i32>} : memref<128x200xi32, #tpu.memory_space<vmem>>, vector<16xi32>,
      %get3A_1722 = arith.index_cast %add3A_1473 : i32 to index
      %get3A_1723 = arith.constant 49 : index
      %get3A_1724 = tpu.vector_load %arg6[%get3A_1722, %get3A_1723] {strides = array<i32>} : memref<128x200xi32, #tpu.memory_space<vmem>>, vector<16xi32>,
      %mul3A_1725 = arith.constant 21 : i32
      %mul3A_1726 = vector.broadcast %mul3A_1725 : i32 to vector<16xi32>
      %mul3A_1727 = arith.muli %get3A_1721, %mul3A_1726 : vector<16xi32>
      %add3A_1728 = arith.addi %mul3A_1727, %get3A_1724 : vector<16xi32>
      %add3A_1729 = arith.constant 896 : i32
      %add3A_1730 = vector.broadcast %add3A_1729 : i32 to vector<16xi32>
      %add3A_1731 = arith.addi %add3A_1728, %add3A_1730 : vector<16xi32>
      %get3A_1732 = arith.index_cast %add3A_1477 : i32 to index
      %get3A_1733 = arith.constant 48 : index
      %get3A_1734 = tpu.vector_load %arg6[%get3A_1732, %get3A_1733] {strides = array<i32>} : memref<128x200xi32, #tpu.memory_space<vmem>>, vector<16xi32>,
      %get3A_1735 = arith.index_cast %add3A_1477 : i32 to index
      %get3A_1736 = arith.constant 49 : index
      %get3A_1737 = tpu.vector_load %arg6[%get3A_1735, %get3A_1736] {strides = array<i32>} : memref<128x200xi32, #tpu.memory_space<vmem>>, vector<16xi32>,
      %mul3A_1738 = arith.constant 21 : i32
      %mul3A_1739 = vector.broadcast %mul3A_1738 : i32 to vector<16xi32>
      %mul3A_1740 = arith.muli %get3A_1734, %mul3A_1739 : vector<16xi32>
      %add3A_1741 = arith.addi %mul3A_1740, %get3A_1737 : vector<16xi32>
      %add3A_1742 = arith.constant 1344 : i32
      %add3A_1743 = vector.broadcast %add3A_1742 : i32 to vector<16xi32>
      %add3A_1744 = arith.addi %add3A_1741, %add3A_1743 : vector<16xi32>
      %swap3A_1745 = arith.constant 48 : index
      %swap3A_1746 = tpu.vector_load %arg8[%swap3A_1745] {strides = array<i32>} : memref<832xi32, #tpu.memory_space<vmem>>, vector<16xi32>,
      tpu.vector_store %arg8[%swap3A_1745], %add3A_1705 {strides = array<i32>} : memref<832xi32, #tpu.memory_space<vmem>>, vector<16xi32>,
      %swap3A_1747 = arith.constant 256 : index
      %swap3A_1748 = tpu.vector_load %arg8[%swap3A_1747] {strides = array<i32>} : memref<832xi32, #tpu.memory_space<vmem>>, vector<16xi32>,
      tpu.vector_store %arg8[%swap3A_1747], %add3A_1718 {strides = array<i32>} : memref<832xi32, #tpu.memory_space<vmem>>, vector<16xi32>,
      %swap3A_1749 = arith.constant 464 : index
      %swap3A_1750 = tpu.vector_load %arg8[%swap3A_1749] {strides = array<i32>} : memref<832xi32, #tpu.memory_space<vmem>>, vector<16xi32>,
      tpu.vector_store %arg8[%swap3A_1749], %add3A_1731 {strides = array<i32>} : memref<832xi32, #tpu.memory_space<vmem>>, vector<16xi32>,
      %swap3A_1751 = arith.constant 672 : index
      %swap3A_1752 = tpu.vector_load %arg8[%swap3A_1751] {strides = array<i32>} : memref<832xi32, #tpu.memory_space<vmem>>, vector<16xi32>,
      tpu.vector_store %arg8[%swap3A_1751], %add3A_1744 {strides = array<i32>} : memref<832xi32, #tpu.memory_space<vmem>>, vector<16xi32>,
      tpu.vector_store_idx %arg9[%add3A_1705], %broadcast_in_dim3A_5 {add = true} : memref<1792xi32, #tpu.memory_space<vmem>>[vector<16xi32>], vector<16xi32>,
      tpu.vector_store_idx %arg9[%add3A_1718], %broadcast_in_dim3A_5 {add = true} : memref<1792xi32, #tpu.memory_space<vmem>>[vector<16xi32>], vector<16xi32>,
      tpu.vector_store_idx %arg9[%add3A_1731], %broadcast_in_dim3A_5 {add = true} : memref<1792xi32, #tpu.memory_space<vmem>>[vector<16xi32>], vector<16xi32>,
      tpu.vector_store_idx %arg9[%add3A_1744], %broadcast_in_dim3A_5 {add = true} : memref<1792xi32, #tpu.memory_space<vmem>>[vector<16xi32>], vector<16xi32>,
      %sub3A_1753 = arith.constant 0 : i32
      %sub3A_1754 = vector.broadcast %sub3A_1753 : i32 to vector<16xi32>
      %sub3A_1755 = arith.subi %add3A_1705, %sub3A_1754 : vector<16xi32>
      tpu.vector_store_idx %arg10[%sub3A_1755], %broadcast_in_dim3A_7 {add = true} : memref<448xf32, #tpu.memory_space<vmem>>[vector<16xi32>], vector<16xf32>,
      %sub3A_1756 = arith.constant 448 : i32
      %sub3A_1757 = vector.broadcast %sub3A_1756 : i32 to vector<16xi32>
      %sub3A_1758 = arith.subi %add3A_1718, %sub3A_1757 : vector<16xi32>
      tpu.vector_store_idx %arg10[%sub3A_1758], %broadcast_in_dim3A_7 {add = true} : memref<448xf32, #tpu.memory_space<vmem>>[vector<16xi32>], vector<16xf32>,
      %sub3A_1759 = arith.constant 896 : i32
      %sub3A_1760 = vector.broadcast %sub3A_1759 : i32 to vector<16xi32>
      %sub3A_1761 = arith.subi %add3A_1731, %sub3A_1760 : vector<16xi32>
      tpu.vector_store_idx %arg10[%sub3A_1761], %broadcast_in_dim3A_7 {add = true} : memref<448xf32, #tpu.memory_space<vmem>>[vector<16xi32>], vector<16xf32>,
      %sub3A_1762 = arith.constant 1344 : i32
      %sub3A_1763 = vector.broadcast %sub3A_1762 : i32 to vector<16xi32>
      %sub3A_1764 = arith.subi %add3A_1744, %sub3A_1763 : vector<16xi32>
      tpu.vector_store_idx %arg10[%sub3A_1764], %broadcast_in_dim3A_7 {add = true} : memref<448xf32, #tpu.memory_space<vmem>>[vector<16xi32>], vector<16xf32>,
      %get3A_1765 = arith.index_cast %add3A_1465 : i32 to index
      %get3A_1766 = arith.constant 64 : index
      %get3A_1767 = tpu.vector_load %arg6[%get3A_1765, %get3A_1766] {strides = array<i32>} : memref<128x200xi32, #tpu.memory_space<vmem>>, vector<16xi32>,
      %get3A_1768 = arith.index_cast %add3A_1465 : i32 to index
      %get3A_1769 = arith.constant 65 : index
      %get3A_1770 = tpu.vector_load %arg6[%get3A_1768, %get3A_1769] {strides = array<i32>} : memref<128x200xi32, #tpu.memory_space<vmem>>, vector<16xi32>,
      %mul3A_1771 = arith.constant 21 : i32
      %mul3A_1772 = vector.broadcast %mul3A_1771 : i32 to vector<16xi32>
      %mul3A_1773 = arith.muli %get3A_1767, %mul3A_1772 : vector<16xi32>
      %add3A_1774 = arith.addi %mul3A_1773, %get3A_1770 : vector<16xi32>
      %add3A_1775 = arith.constant 0 : i32
      %add3A_1776 = vector.broadcast %add3A_1775 : i32 to vector<16xi32>
      %add3A_1777 = arith.addi %add3A_1774, %add3A_1776 : vector<16xi32>
      %get3A_1778 = arith.index_cast %add3A_1469 : i32 to index
      %get3A_1779 = arith.constant 64 : index
      %get3A_1780 = tpu.vector_load %arg6[%get3A_1778, %get3A_1779] {strides = array<i32>} : memref<128x200xi32, #tpu.memory_space<vmem>>, vector<16xi32>,
      %get3A_1781 = arith.index_cast %add3A_1469 : i32 to index
      %get3A_1782 = arith.constant 65 : index
      %get3A_1783 = tpu.vector_load %arg6[%get3A_1781, %get3A_1782] {strides = array<i32>} : memref<128x200xi32, #tpu.memory_space<vmem>>, vector<16xi32>,
      %mul3A_1784 = arith.constant 21 : i32
      %mul3A_1785 = vector.broadcast %mul3A_1784 : i32 to vector<16xi32>
      %mul3A_1786 = arith.muli %get3A_1780, %mul3A_1785 : vector<16xi32>
      %add3A_1787 = arith.addi %mul3A_1786, %get3A_1783 : vector<16xi32>
      %add3A_1788 = arith.constant 448 : i32
      %add3A_1789 = vector.broadcast %add3A_1788 : i32 to vector<16xi32>
      %add3A_1790 = arith.addi %add3A_1787, %add3A_1789 : vector<16xi32>
      %get3A_1791 = arith.index_cast %add3A_1473 : i32 to index
      %get3A_1792 = arith.constant 64 : index
      %get3A_1793 = tpu.vector_load %arg6[%get3A_1791, %get3A_1792] {strides = array<i32>} : memref<128x200xi32, #tpu.memory_space<vmem>>, vector<16xi32>,
      %get3A_1794 = arith.index_cast %add3A_1473 : i32 to index
      %get3A_1795 = arith.constant 65 : index
      %get3A_1796 = tpu.vector_load %arg6[%get3A_1794, %get3A_1795] {strides = array<i32>} : memref<128x200xi32, #tpu.memory_space<vmem>>, vector<16xi32>,
      %mul3A_1797 = arith.constant 21 : i32
      %mul3A_1798 = vector.broadcast %mul3A_1797 : i32 to vector<16xi32>
      %mul3A_1799 = arith.muli %get3A_1793, %mul3A_1798 : vector<16xi32>
      %add3A_1800 = arith.addi %mul3A_1799, %get3A_1796 : vector<16xi32>
      %add3A_1801 = arith.constant 896 : i32
      %add3A_1802 = vector.broadcast %add3A_1801 : i32 to vector<16xi32>
      %add3A_1803 = arith.addi %add3A_1800, %add3A_1802 : vector<16xi32>
      %get3A_1804 = arith.index_cast %add3A_1477 : i32 to index
      %get3A_1805 = arith.constant 64 : index
      %get3A_1806 = tpu.vector_load %arg6[%get3A_1804, %get3A_1805] {strides = array<i32>} : memref<128x200xi32, #tpu.memory_space<vmem>>, vector<16xi32>,
      %get3A_1807 = arith.index_cast %add3A_1477 : i32 to index
      %get3A_1808 = arith.constant 65 : index
      %get3A_1809 = tpu.vector_load %arg6[%get3A_1807, %get3A_1808] {strides = array<i32>} : memref<128x200xi32, #tpu.memory_space<vmem>>, vector<16xi32>,
      %mul3A_1810 = arith.constant 21 : i32
      %mul3A_1811 = vector.broadcast %mul3A_1810 : i32 to vector<16xi32>
      %mul3A_1812 = arith.muli %get3A_1806, %mul3A_1811 : vector<16xi32>
      %add3A_1813 = arith.addi %mul3A_1812, %get3A_1809 : vector<16xi32>
      %add3A_1814 = arith.constant 1344 : i32
      %add3A_1815 = vector.broadcast %add3A_1814 : i32 to vector<16xi32>
      %add3A_1816 = arith.addi %add3A_1813, %add3A_1815 : vector<16xi32>
      %swap3A_1817 = arith.constant 64 : index
      %swap3A_1818 = tpu.vector_load %arg8[%swap3A_1817] {strides = array<i32>} : memref<832xi32, #tpu.memory_space<vmem>>, vector<16xi32>,
      tpu.vector_store %arg8[%swap3A_1817], %add3A_1777 {strides = array<i32>} : memref<832xi32, #tpu.memory_space<vmem>>, vector<16xi32>,
      %swap3A_1819 = arith.constant 272 : index
      %swap3A_1820 = tpu.vector_load %arg8[%swap3A_1819] {strides = array<i32>} : memref<832xi32, #tpu.memory_space<vmem>>, vector<16xi32>,
      tpu.vector_store %arg8[%swap3A_1819], %add3A_1790 {strides = array<i32>} : memref<832xi32, #tpu.memory_space<vmem>>, vector<16xi32>,
      %swap3A_1821 = arith.constant 480 : index
      %swap3A_1822 = tpu.vector_load %arg8[%swap3A_1821] {strides = array<i32>} : memref<832xi32, #tpu.memory_space<vmem>>, vector<16xi32>,
      tpu.vector_store %arg8[%swap3A_1821], %add3A_1803 {strides = array<i32>} : memref<832xi32, #tpu.memory_space<vmem>>, vector<16xi32>,
      %swap3A_1823 = arith.constant 688 : index
      %swap3A_1824 = tpu.vector_load %arg8[%swap3A_1823] {strides = array<i32>} : memref<832xi32, #tpu.memory_space<vmem>>, vector<16xi32>,
      tpu.vector_store %arg8[%swap3A_1823], %add3A_1816 {strides = array<i32>} : memref<832xi32, #tpu.memory_space<vmem>>, vector<16xi32>,
      tpu.vector_store_idx %arg9[%add3A_1777], %broadcast_in_dim3A_5 {add = true} : memref<1792xi32, #tpu.memory_space<vmem>>[vector<16xi32>], vector<16xi32>,
      tpu.vector_store_idx %arg9[%add3A_1790], %broadcast_in_dim3A_5 {add = true} : memref<1792xi32, #tpu.memory_space<vmem>>[vector<16xi32>], vector<16xi32>,
      tpu.vector_store_idx %arg9[%add3A_1803], %broadcast_in_dim3A_5 {add = true} : memref<1792xi32, #tpu.memory_space<vmem>>[vector<16xi32>], vector<16xi32>,
      tpu.vector_store_idx %arg9[%add3A_1816], %broadcast_in_dim3A_5 {add = true} : memref<1792xi32, #tpu.memory_space<vmem>>[vector<16xi32>], vector<16xi32>,
      %sub3A_1825 = arith.constant 0 : i32
      %sub3A_1826 = vector.broadcast %sub3A_1825 : i32 to vector<16xi32>
      %sub3A_1827 = arith.subi %add3A_1777, %sub3A_1826 : vector<16xi32>
      tpu.vector_store_idx %arg10[%sub3A_1827], %broadcast_in_dim3A_7 {add = true} : memref<448xf32, #tpu.memory_space<vmem>>[vector<16xi32>], vector<16xf32>,
      %sub3A_1828 = arith.constant 448 : i32
      %sub3A_1829 = vector.broadcast %sub3A_1828 : i32 to vector<16xi32>
      %sub3A_1830 = arith.subi %add3A_1790, %sub3A_1829 : vector<16xi32>
      tpu.vector_store_idx %arg10[%sub3A_1830], %broadcast_in_dim3A_7 {add = true} : memref<448xf32, #tpu.memory_space<vmem>>[vector<16xi32>], vector<16xf32>,
      %sub3A_1831 = arith.constant 896 : i32
      %sub3A_1832 = vector.broadcast %sub3A_1831 : i32 to vector<16xi32>
      %sub3A_1833 = arith.subi %add3A_1803, %sub3A_1832 : vector<16xi32>
      tpu.vector_store_idx %arg10[%sub3A_1833], %broadcast_in_dim3A_7 {add = true} : memref<448xf32, #tpu.memory_space<vmem>>[vector<16xi32>], vector<16xf32>,
      %sub3A_1834 = arith.constant 1344 : i32
      %sub3A_1835 = vector.broadcast %sub3A_1834 : i32 to vector<16xi32>
      %sub3A_1836 = arith.subi %add3A_1816, %sub3A_1835 : vector<16xi32>
      tpu.vector_store_idx %arg10[%sub3A_1836], %broadcast_in_dim3A_7 {add = true} : memref<448xf32, #tpu.memory_space<vmem>>[vector<16xi32>], vector<16xf32>,
      %get3A_1837 = arith.index_cast %add3A_1465 : i32 to index
      %get3A_1838 = arith.constant 80 : index
      %get3A_1839 = tpu.vector_load %arg6[%get3A_1837, %get3A_1838] {strides = array<i32>} : memref<128x200xi32, #tpu.memory_space<vmem>>, vector<16xi32>,
      %get3A_1840 = arith.index_cast %add3A_1465 : i32 to index
      %get3A_1841 = arith.constant 81 : index
      %get3A_1842 = tpu.vector_load %arg6[%get3A_1840, %get3A_1841] {strides = array<i32>} : memref<128x200xi32, #tpu.memory_space<vmem>>, vector<16xi32>,
      %mul3A_1843 = arith.constant 21 : i32
      %mul3A_1844 = vector.broadcast %mul3A_1843 : i32 to vector<16xi32>
      %mul3A_1845 = arith.muli %get3A_1839, %mul3A_1844 : vector<16xi32>
      %add3A_1846 = arith.addi %mul3A_1845, %get3A_1842 : vector<16xi32>
      %add3A_1847 = arith.constant 0 : i32
      %add3A_1848 = vector.broadcast %add3A_1847 : i32 to vector<16xi32>
      %add3A_1849 = arith.addi %add3A_1846, %add3A_1848 : vector<16xi32>
      %get3A_1850 = arith.index_cast %add3A_1469 : i32 to index
      %get3A_1851 = arith.constant 80 : index
      %get3A_1852 = tpu.vector_load %arg6[%get3A_1850, %get3A_1851] {strides = array<i32>} : memref<128x200xi32, #tpu.memory_space<vmem>>, vector<16xi32>,
      %get3A_1853 = arith.index_cast %add3A_1469 : i32 to index
      %get3A_1854 = arith.constant 81 : index
      %get3A_1855 = tpu.vector_load %arg6[%get3A_1853, %get3A_1854] {strides = array<i32>} : memref<128x200xi32, #tpu.memory_space<vmem>>, vector<16xi32>,
      %mul3A_1856 = arith.constant 21 : i32
      %mul3A_1857 = vector.broadcast %mul3A_1856 : i32 to vector<16xi32>
      %mul3A_1858 = arith.muli %get3A_1852, %mul3A_1857 : vector<16xi32>
      %add3A_1859 = arith.addi %mul3A_1858, %get3A_1855 : vector<16xi32>
      %add3A_1860 = arith.constant 448 : i32
      %add3A_1861 = vector.broadcast %add3A_1860 : i32 to vector<16xi32>
      %add3A_1862 = arith.addi %add3A_1859, %add3A_1861 : vector<16xi32>
      %get3A_1863 = arith.index_cast %add3A_1473 : i32 to index
      %get3A_1864 = arith.constant 80 : index
      %get3A_1865 = tpu.vector_load %arg6[%get3A_1863, %get3A_1864] {strides = array<i32>} : memref<128x200xi32, #tpu.memory_space<vmem>>, vector<16xi32>,
      %get3A_1866 = arith.index_cast %add3A_1473 : i32 to index
      %get3A_1867 = arith.constant 81 : index
      %get3A_1868 = tpu.vector_load %arg6[%get3A_1866, %get3A_1867] {strides = array<i32>} : memref<128x200xi32, #tpu.memory_space<vmem>>, vector<16xi32>,
      %mul3A_1869 = arith.constant 21 : i32
      %mul3A_1870 = vector.broadcast %mul3A_1869 : i32 to vector<16xi32>
      %mul3A_1871 = arith.muli %get3A_1865, %mul3A_1870 : vector<16xi32>
      %add3A_1872 = arith.addi %mul3A_1871, %get3A_1868 : vector<16xi32>
      %add3A_1873 = arith.constant 896 : i32
      %add3A_1874 = vector.broadcast %add3A_1873 : i32 to vector<16xi32>
      %add3A_1875 = arith.addi %add3A_1872, %add3A_1874 : vector<16xi32>
      %get3A_1876 = arith.index_cast %add3A_1477 : i32 to index
      %get3A_1877 = arith.constant 80 : index
      %get3A_1878 = tpu.vector_load %arg6[%get3A_1876, %get3A_1877] {strides = array<i32>} : memref<128x200xi32, #tpu.memory_space<vmem>>, vector<16xi32>,
      %get3A_1879 = arith.index_cast %add3A_1477 : i32 to index
      %get3A_1880 = arith.constant 81 : index
      %get3A_1881 = tpu.vector_load %arg6[%get3A_1879, %get3A_1880] {strides = array<i32>} : memref<128x200xi32, #tpu.memory_space<vmem>>, vector<16xi32>,
      %mul3A_1882 = arith.constant 21 : i32
      %mul3A_1883 = vector.broadcast %mul3A_1882 : i32 to vector<16xi32>
      %mul3A_1884 = arith.muli %get3A_1878, %mul3A_1883 : vector<16xi32>
      %add3A_1885 = arith.addi %mul3A_1884, %get3A_1881 : vector<16xi32>
      %add3A_1886 = arith.constant 1344 : i32
      %add3A_1887 = vector.broadcast %add3A_1886 : i32 to vector<16xi32>
      %add3A_1888 = arith.addi %add3A_1885, %add3A_1887 : vector<16xi32>
      %swap3A_1889 = arith.constant 80 : index
      %swap3A_1890 = tpu.vector_load %arg8[%swap3A_1889] {strides = array<i32>} : memref<832xi32, #tpu.memory_space<vmem>>, vector<16xi32>,
      tpu.vector_store %arg8[%swap3A_1889], %add3A_1849 {strides = array<i32>} : memref<832xi32, #tpu.memory_space<vmem>>, vector<16xi32>,
      %swap3A_1891 = arith.constant 288 : index
      %swap3A_1892 = tpu.vector_load %arg8[%swap3A_1891] {strides = array<i32>} : memref<832xi32, #tpu.memory_space<vmem>>, vector<16xi32>,
      tpu.vector_store %arg8[%swap3A_1891], %add3A_1862 {strides = array<i32>} : memref<832xi32, #tpu.memory_space<vmem>>, vector<16xi32>,
      %swap3A_1893 = arith.constant 496 : index
      %swap3A_1894 = tpu.vector_load %arg8[%swap3A_1893] {strides = array<i32>} : memref<832xi32, #tpu.memory_space<vmem>>, vector<16xi32>,
      tpu.vector_store %arg8[%swap3A_1893], %add3A_1875 {strides = array<i32>} : memref<832xi32, #tpu.memory_space<vmem>>, vector<16xi32>,
      %swap3A_1895 = arith.constant 704 : index
      %swap3A_1896 = tpu.vector_load %arg8[%swap3A_1895] {strides = array<i32>} : memref<832xi32, #tpu.memory_space<vmem>>, vector<16xi32>,
      tpu.vector_store %arg8[%swap3A_1895], %add3A_1888 {strides = array<i32>} : memref<832xi32, #tpu.memory_space<vmem>>, vector<16xi32>,
      tpu.vector_store_idx %arg9[%add3A_1849], %broadcast_in_dim3A_5 {add = true} : memref<1792xi32, #tpu.memory_space<vmem>>[vector<16xi32>], vector<16xi32>,
      tpu.vector_store_idx %arg9[%add3A_1862], %broadcast_in_dim3A_5 {add = true} : memref<1792xi32, #tpu.memory_space<vmem>>[vector<16xi32>], vector<16xi32>,
      tpu.vector_store_idx %arg9[%add3A_1875], %broadcast_in_dim3A_5 {add = true} : memref<1792xi32, #tpu.memory_space<vmem>>[vector<16xi32>], vector<16xi32>,
      tpu.vector_store_idx %arg9[%add3A_1888], %broadcast_in_dim3A_5 {add = true} : memref<1792xi32, #tpu.memory_space<vmem>>[vector<16xi32>], vector<16xi32>,
      %sub3A_1897 = arith.constant 0 : i32
      %sub3A_1898 = vector.broadcast %sub3A_1897 : i32 to vector<16xi32>
      %sub3A_1899 = arith.subi %add3A_1849, %sub3A_1898 : vector<16xi32>
      tpu.vector_store_idx %arg10[%sub3A_1899], %broadcast_in_dim3A_7 {add = true} : memref<448xf32, #tpu.memory_space<vmem>>[vector<16xi32>], vector<16xf32>,
      %sub3A_1900 = arith.constant 448 : i32
      %sub3A_1901 = vector.broadcast %sub3A_1900 : i32 to vector<16xi32>
      %sub3A_1902 = arith.subi %add3A_1862, %sub3A_1901 : vector<16xi32>
      tpu.vector_store_idx %arg10[%sub3A_1902], %broadcast_in_dim3A_7 {add = true} : memref<448xf32, #tpu.memory_space<vmem>>[vector<16xi32>], vector<16xf32>,
      %sub3A_1903 = arith.constant 896 : i32
      %sub3A_1904 = vector.broadcast %sub3A_1903 : i32 to vector<16xi32>
      %sub3A_1905 = arith.subi %add3A_1875, %sub3A_1904 : vector<16xi32>
      tpu.vector_store_idx %arg10[%sub3A_1905], %broadcast_in_dim3A_7 {add = true} : memref<448xf32, #tpu.memory_space<vmem>>[vector<16xi32>], vector<16xf32>,
      %sub3A_1906 = arith.constant 1344 : i32
      %sub3A_1907 = vector.broadcast %sub3A_1906 : i32 to vector<16xi32>
      %sub3A_1908 = arith.subi %add3A_1888, %sub3A_1907 : vector<16xi32>
      tpu.vector_store_idx %arg10[%sub3A_1908], %broadcast_in_dim3A_7 {add = true} : memref<448xf32, #tpu.memory_space<vmem>>[vector<16xi32>], vector<16xf32>,
      %get3A_1909 = arith.index_cast %add3A_1465 : i32 to index
      %get3A_1910 = arith.constant 96 : index
      %get3A_1911 = tpu.vector_load %arg6[%get3A_1909, %get3A_1910] {strides = array<i32>} : memref<128x200xi32, #tpu.memory_space<vmem>>, vector<16xi32>,
      %get3A_1912 = arith.index_cast %add3A_1465 : i32 to index
      %get3A_1913 = arith.constant 97 : index
      %get3A_1914 = tpu.vector_load %arg6[%get3A_1912, %get3A_1913] {strides = array<i32>} : memref<128x200xi32, #tpu.memory_space<vmem>>, vector<16xi32>,
      %mul3A_1915 = arith.constant 21 : i32
      %mul3A_1916 = vector.broadcast %mul3A_1915 : i32 to vector<16xi32>
      %mul3A_1917 = arith.muli %get3A_1911, %mul3A_1916 : vector<16xi32>
      %add3A_1918 = arith.addi %mul3A_1917, %get3A_1914 : vector<16xi32>
      %add3A_1919 = arith.constant 0 : i32
      %add3A_1920 = vector.broadcast %add3A_1919 : i32 to vector<16xi32>
      %add3A_1921 = arith.addi %add3A_1918, %add3A_1920 : vector<16xi32>
      %get3A_1922 = arith.index_cast %add3A_1469 : i32 to index
      %get3A_1923 = arith.constant 96 : index
      %get3A_1924 = tpu.vector_load %arg6[%get3A_1922, %get3A_1923] {strides = array<i32>} : memref<128x200xi32, #tpu.memory_space<vmem>>, vector<16xi32>,
      %get3A_1925 = arith.index_cast %add3A_1469 : i32 to index
      %get3A_1926 = arith.constant 97 : index
      %get3A_1927 = tpu.vector_load %arg6[%get3A_1925, %get3A_1926] {strides = array<i32>} : memref<128x200xi32, #tpu.memory_space<vmem>>, vector<16xi32>,
      %mul3A_1928 = arith.constant 21 : i32
      %mul3A_1929 = vector.broadcast %mul3A_1928 : i32 to vector<16xi32>
      %mul3A_1930 = arith.muli %get3A_1924, %mul3A_1929 : vector<16xi32>
      %add3A_1931 = arith.addi %mul3A_1930, %get3A_1927 : vector<16xi32>
      %add3A_1932 = arith.constant 448 : i32
      %add3A_1933 = vector.broadcast %add3A_1932 : i32 to vector<16xi32>
      %add3A_1934 = arith.addi %add3A_1931, %add3A_1933 : vector<16xi32>
      %get3A_1935 = arith.index_cast %add3A_1473 : i32 to index
      %get3A_1936 = arith.constant 96 : index
      %get3A_1937 = tpu.vector_load %arg6[%get3A_1935, %get3A_1936] {strides = array<i32>} : memref<128x200xi32, #tpu.memory_space<vmem>>, vector<16xi32>,
      %get3A_1938 = arith.index_cast %add3A_1473 : i32 to index
      %get3A_1939 = arith.constant 97 : index
      %get3A_1940 = tpu.vector_load %arg6[%get3A_1938, %get3A_1939] {strides = array<i32>} : memref<128x200xi32, #tpu.memory_space<vmem>>, vector<16xi32>,
      %mul3A_1941 = arith.constant 21 : i32
      %mul3A_1942 = vector.broadcast %mul3A_1941 : i32 to vector<16xi32>
      %mul3A_1943 = arith.muli %get3A_1937, %mul3A_1942 : vector<16xi32>
      %add3A_1944 = arith.addi %mul3A_1943, %get3A_1940 : vector<16xi32>
      %add3A_1945 = arith.constant 896 : i32
      %add3A_1946 = vector.broadcast %add3A_1945 : i32 to vector<16xi32>
      %add3A_1947 = arith.addi %add3A_1944, %add3A_1946 : vector<16xi32>
      %get3A_1948 = arith.index_cast %add3A_1477 : i32 to index
      %get3A_1949 = arith.constant 96 : index
      %get3A_1950 = tpu.vector_load %arg6[%get3A_1948, %get3A_1949] {strides = array<i32>} : memref<128x200xi32, #tpu.memory_space<vmem>>, vector<16xi32>,
      %get3A_1951 = arith.index_cast %add3A_1477 : i32 to index
      %get3A_1952 = arith.constant 97 : index
      %get3A_1953 = tpu.vector_load %arg6[%get3A_1951, %get3A_1952] {strides = array<i32>} : memref<128x200xi32, #tpu.memory_space<vmem>>, vector<16xi32>,
      %mul3A_1954 = arith.constant 21 : i32
      %mul3A_1955 = vector.broadcast %mul3A_1954 : i32 to vector<16xi32>
      %mul3A_1956 = arith.muli %get3A_1950, %mul3A_1955 : vector<16xi32>
      %add3A_1957 = arith.addi %mul3A_1956, %get3A_1953 : vector<16xi32>
      %add3A_1958 = arith.constant 1344 : i32
      %add3A_1959 = vector.broadcast %add3A_1958 : i32 to vector<16xi32>
      %add3A_1960 = arith.addi %add3A_1957, %add3A_1959 : vector<16xi32>
      %swap3A_1961 = arith.constant 96 : index
      %swap3A_1962 = tpu.vector_load %arg8[%swap3A_1961] {strides = array<i32>} : memref<832xi32, #tpu.memory_space<vmem>>, vector<16xi32>,
      tpu.vector_store %arg8[%swap3A_1961], %add3A_1921 {strides = array<i32>} : memref<832xi32, #tpu.memory_space<vmem>>, vector<16xi32>,
      %swap3A_1963 = arith.constant 304 : index
      %swap3A_1964 = tpu.vector_load %arg8[%swap3A_1963] {strides = array<i32>} : memref<832xi32, #tpu.memory_space<vmem>>, vector<16xi32>,
      tpu.vector_store %arg8[%swap3A_1963], %add3A_1934 {strides = array<i32>} : memref<832xi32, #tpu.memory_space<vmem>>, vector<16xi32>,
      %swap3A_1965 = arith.constant 512 : index
      %swap3A_1966 = tpu.vector_load %arg8[%swap3A_1965] {strides = array<i32>} : memref<832xi32, #tpu.memory_space<vmem>>, vector<16xi32>,
      tpu.vector_store %arg8[%swap3A_1965], %add3A_1947 {strides = array<i32>} : memref<832xi32, #tpu.memory_space<vmem>>, vector<16xi32>,
      %swap3A_1967 = arith.constant 720 : index
      %swap3A_1968 = tpu.vector_load %arg8[%swap3A_1967] {strides = array<i32>} : memref<832xi32, #tpu.memory_space<vmem>>, vector<16xi32>,
      tpu.vector_store %arg8[%swap3A_1967], %add3A_1960 {strides = array<i32>} : memref<832xi32, #tpu.memory_space<vmem>>, vector<16xi32>,
      tpu.vector_store_idx %arg9[%add3A_1921], %broadcast_in_dim3A_5 {add = true} : memref<1792xi32, #tpu.memory_space<vmem>>[vector<16xi32>], vector<16xi32>,
      tpu.vector_store_idx %arg9[%add3A_1934], %broadcast_in_dim3A_5 {add = true} : memref<1792xi32, #tpu.memory_space<vmem>>[vector<16xi32>], vector<16xi32>,
      tpu.vector_store_idx %arg9[%add3A_1947], %broadcast_in_dim3A_5 {add = true} : memref<1792xi32, #tpu.memory_space<vmem>>[vector<16xi32>], vector<16xi32>,
      tpu.vector_store_idx %arg9[%add3A_1960], %broadcast_in_dim3A_5 {add = true} : memref<1792xi32, #tpu.memory_space<vmem>>[vector<16xi32>], vector<16xi32>,
      %sub3A_1969 = arith.constant 0 : i32
      %sub3A_1970 = vector.broadcast %sub3A_1969 : i32 to vector<16xi32>
      %sub3A_1971 = arith.subi %add3A_1921, %sub3A_1970 : vector<16xi32>
      tpu.vector_store_idx %arg10[%sub3A_1971], %broadcast_in_dim3A_7 {add = true} : memref<448xf32, #tpu.memory_space<vmem>>[vector<16xi32>], vector<16xf32>,
      %sub3A_1972 = arith.constant 448 : i32
      %sub3A_1973 = vector.broadcast %sub3A_1972 : i32 to vector<16xi32>
      %sub3A_1974 = arith.subi %add3A_1934, %sub3A_1973 : vector<16xi32>
      tpu.vector_store_idx %arg10[%sub3A_1974], %broadcast_in_dim3A_7 {add = true} : memref<448xf32, #tpu.memory_space<vmem>>[vector<16xi32>], vector<16xf32>,
      %sub3A_1975 = arith.constant 896 : i32
      %sub3A_1976 = vector.broadcast %sub3A_1975 : i32 to vector<16xi32>
      %sub3A_1977 = arith.subi %add3A_1947, %sub3A_1976 : vector<16xi32>
      tpu.vector_store_idx %arg10[%sub3A_1977], %broadcast_in_dim3A_7 {add = true} : memref<448xf32, #tpu.memory_space<vmem>>[vector<16xi32>], vector<16xf32>,
      %sub3A_1978 = arith.constant 1344 : i32
      %sub3A_1979 = vector.broadcast %sub3A_1978 : i32 to vector<16xi32>
      %sub3A_1980 = arith.subi %add3A_1960, %sub3A_1979 : vector<16xi32>
      tpu.vector_store_idx %arg10[%sub3A_1980], %broadcast_in_dim3A_7 {add = true} : memref<448xf32, #tpu.memory_space<vmem>>[vector<16xi32>], vector<16xf32>,
      %get3A_1981 = arith.index_cast %add3A_1465 : i32 to index
      %get3A_1982 = arith.constant 112 : index
      %get3A_1983 = tpu.vector_load %arg6[%get3A_1981, %get3A_1982] {strides = array<i32>} : memref<128x200xi32, #tpu.memory_space<vmem>>, vector<16xi32>,
      %get3A_1984 = arith.index_cast %add3A_1465 : i32 to index
      %get3A_1985 = arith.constant 113 : index
      %get3A_1986 = tpu.vector_load %arg6[%get3A_1984, %get3A_1985] {strides = array<i32>} : memref<128x200xi32, #tpu.memory_space<vmem>>, vector<16xi32>,
      %mul3A_1987 = arith.constant 21 : i32
      %mul3A_1988 = vector.broadcast %mul3A_1987 : i32 to vector<16xi32>
      %mul3A_1989 = arith.muli %get3A_1983, %mul3A_1988 : vector<16xi32>
      %add3A_1990 = arith.addi %mul3A_1989, %get3A_1986 : vector<16xi32>
      %add3A_1991 = arith.constant 0 : i32
      %add3A_1992 = vector.broadcast %add3A_1991 : i32 to vector<16xi32>
      %add3A_1993 = arith.addi %add3A_1990, %add3A_1992 : vector<16xi32>
      %get3A_1994 = arith.index_cast %add3A_1469 : i32 to index
      %get3A_1995 = arith.constant 112 : index
      %get3A_1996 = tpu.vector_load %arg6[%get3A_1994, %get3A_1995] {strides = array<i32>} : memref<128x200xi32, #tpu.memory_space<vmem>>, vector<16xi32>,
      %get3A_1997 = arith.index_cast %add3A_1469 : i32 to index
      %get3A_1998 = arith.constant 113 : index
      %get3A_1999 = tpu.vector_load %arg6[%get3A_1997, %get3A_1998] {strides = array<i32>} : memref<128x200xi32, #tpu.memory_space<vmem>>, vector<16xi32>,
      %mul3A_2000 = arith.constant 21 : i32
      %mul3A_2001 = vector.broadcast %mul3A_2000 : i32 to vector<16xi32>
      %mul3A_2002 = arith.muli %get3A_1996, %mul3A_2001 : vector<16xi32>
      %add3A_2003 = arith.addi %mul3A_2002, %get3A_1999 : vector<16xi32>
      %add3A_2004 = arith.constant 448 : i32
      %add3A_2005 = vector.broadcast %add3A_2004 : i32 to vector<16xi32>
      %add3A_2006 = arith.addi %add3A_2003, %add3A_2005 : vector<16xi32>
      %get3A_2007 = arith.index_cast %add3A_1473 : i32 to index
      %get3A_2008 = arith.constant 112 : index
      %get3A_2009 = tpu.vector_load %arg6[%get3A_2007, %get3A_2008] {strides = array<i32>} : memref<128x200xi32, #tpu.memory_space<vmem>>, vector<16xi32>,
      %get3A_2010 = arith.index_cast %add3A_1473 : i32 to index
      %get3A_2011 = arith.constant 113 : index
      %get3A_2012 = tpu.vector_load %arg6[%get3A_2010, %get3A_2011] {strides = array<i32>} : memref<128x200xi32, #tpu.memory_space<vmem>>, vector<16xi32>,
      %mul3A_2013 = arith.constant 21 : i32
      %mul3A_2014 = vector.broadcast %mul3A_2013 : i32 to vector<16xi32>
      %mul3A_2015 = arith.muli %get3A_2009, %mul3A_2014 : vector<16xi32>
      %add3A_2016 = arith.addi %mul3A_2015, %get3A_2012 : vector<16xi32>
      %add3A_2017 = arith.constant 896 : i32
      %add3A_2018 = vector.broadcast %add3A_2017 : i32 to vector<16xi32>
      %add3A_2019 = arith.addi %add3A_2016, %add3A_2018 : vector<16xi32>
      %get3A_2020 = arith.index_cast %add3A_1477 : i32 to index
      %get3A_2021 = arith.constant 112 : index
      %get3A_2022 = tpu.vector_load %arg6[%get3A_2020, %get3A_2021] {strides = array<i32>} : memref<128x200xi32, #tpu.memory_space<vmem>>, vector<16xi32>,
      %get3A_2023 = arith.index_cast %add3A_1477 : i32 to index
      %get3A_2024 = arith.constant 113 : index
      %get3A_2025 = tpu.vector_load %arg6[%get3A_2023, %get3A_2024] {strides = array<i32>} : memref<128x200xi32, #tpu.memory_space<vmem>>, vector<16xi32>,
      %mul3A_2026 = arith.constant 21 : i32
      %mul3A_2027 = vector.broadcast %mul3A_2026 : i32 to vector<16xi32>
      %mul3A_2028 = arith.muli %get3A_2022, %mul3A_2027 : vector<16xi32>
      %add3A_2029 = arith.addi %mul3A_2028, %get3A_2025 : vector<16xi32>
      %add3A_2030 = arith.constant 1344 : i32
      %add3A_2031 = vector.broadcast %add3A_2030 : i32 to vector<16xi32>
      %add3A_2032 = arith.addi %add3A_2029, %add3A_2031 : vector<16xi32>
      %swap3A_2033 = arith.constant 112 : index
      %swap3A_2034 = tpu.vector_load %arg8[%swap3A_2033] {strides = array<i32>} : memref<832xi32, #tpu.memory_space<vmem>>, vector<16xi32>,
      tpu.vector_store %arg8[%swap3A_2033], %add3A_1993 {strides = array<i32>} : memref<832xi32, #tpu.memory_space<vmem>>, vector<16xi32>,
      %swap3A_2035 = arith.constant 320 : index
      %swap3A_2036 = tpu.vector_load %arg8[%swap3A_2035] {strides = array<i32>} : memref<832xi32, #tpu.memory_space<vmem>>, vector<16xi32>,
      tpu.vector_store %arg8[%swap3A_2035], %add3A_2006 {strides = array<i32>} : memref<832xi32, #tpu.memory_space<vmem>>, vector<16xi32>,
      %swap3A_2037 = arith.constant 528 : index
      %swap3A_2038 = tpu.vector_load %arg8[%swap3A_2037] {strides = array<i32>} : memref<832xi32, #tpu.memory_space<vmem>>, vector<16xi32>,
      tpu.vector_store %arg8[%swap3A_2037], %add3A_2019 {strides = array<i32>} : memref<832xi32, #tpu.memory_space<vmem>>, vector<16xi32>,
      %swap3A_2039 = arith.constant 736 : index
      %swap3A_2040 = tpu.vector_load %arg8[%swap3A_2039] {strides = array<i32>} : memref<832xi32, #tpu.memory_space<vmem>>, vector<16xi32>,
      tpu.vector_store %arg8[%swap3A_2039], %add3A_2032 {strides = array<i32>} : memref<832xi32, #tpu.memory_space<vmem>>, vector<16xi32>,
      tpu.vector_store_idx %arg9[%add3A_1993], %broadcast_in_dim3A_5 {add = true} : memref<1792xi32, #tpu.memory_space<vmem>>[vector<16xi32>], vector<16xi32>,
      tpu.vector_store_idx %arg9[%add3A_2006], %broadcast_in_dim3A_5 {add = true} : memref<1792xi32, #tpu.memory_space<vmem>>[vector<16xi32>], vector<16xi32>,
      tpu.vector_store_idx %arg9[%add3A_2019], %broadcast_in_dim3A_5 {add = true} : memref<1792xi32, #tpu.memory_space<vmem>>[vector<16xi32>], vector<16xi32>,
      tpu.vector_store_idx %arg9[%add3A_2032], %broadcast_in_dim3A_5 {add = true} : memref<1792xi32, #tpu.memory_space<vmem>>[vector<16xi32>], vector<16xi32>,
      %sub3A_2041 = arith.constant 0 : i32
      %sub3A_2042 = vector.broadcast %sub3A_2041 : i32 to vector<16xi32>
      %sub3A_2043 = arith.subi %add3A_1993, %sub3A_2042 : vector<16xi32>
      tpu.vector_store_idx %arg10[%sub3A_2043], %broadcast_in_dim3A_7 {add = true} : memref<448xf32, #tpu.memory_space<vmem>>[vector<16xi32>], vector<16xf32>,
      %sub3A_2044 = arith.constant 448 : i32
      %sub3A_2045 = vector.broadcast %sub3A_2044 : i32 to vector<16xi32>
      %sub3A_2046 = arith.subi %add3A_2006, %sub3A_2045 : vector<16xi32>
      tpu.vector_store_idx %arg10[%sub3A_2046], %broadcast_in_dim3A_7 {add = true} : memref<448xf32, #tpu.memory_space<vmem>>[vector<16xi32>], vector<16xf32>,
      %sub3A_2047 = arith.constant 896 : i32
      %sub3A_2048 = vector.broadcast %sub3A_2047 : i32 to vector<16xi32>
      %sub3A_2049 = arith.subi %add3A_2019, %sub3A_2048 : vector<16xi32>
      tpu.vector_store_idx %arg10[%sub3A_2049], %broadcast_in_dim3A_7 {add = true} : memref<448xf32, #tpu.memory_space<vmem>>[vector<16xi32>], vector<16xf32>,
      %sub3A_2050 = arith.constant 1344 : i32
      %sub3A_2051 = vector.broadcast %sub3A_2050 : i32 to vector<16xi32>
      %sub3A_2052 = arith.subi %add3A_2032, %sub3A_2051 : vector<16xi32>
      tpu.vector_store_idx %arg10[%sub3A_2052], %broadcast_in_dim3A_7 {add = true} : memref<448xf32, #tpu.memory_space<vmem>>[vector<16xi32>], vector<16xf32>,
      %get3A_2053 = arith.index_cast %add3A_1465 : i32 to index
      %get3A_2054 = arith.constant 128 : index
      %get3A_2055 = tpu.vector_load %arg6[%get3A_2053, %get3A_2054] {strides = array<i32>} : memref<128x200xi32, #tpu.memory_space<vmem>>, vector<16xi32>,
      %get3A_2056 = arith.index_cast %add3A_1465 : i32 to index
      %get3A_2057 = arith.constant 129 : index
      %get3A_2058 = tpu.vector_load %arg6[%get3A_2056, %get3A_2057] {strides = array<i32>} : memref<128x200xi32, #tpu.memory_space<vmem>>, vector<16xi32>,
      %mul3A_2059 = arith.constant 21 : i32
      %mul3A_2060 = vector.broadcast %mul3A_2059 : i32 to vector<16xi32>
      %mul3A_2061 = arith.muli %get3A_2055, %mul3A_2060 : vector<16xi32>
      %add3A_2062 = arith.addi %mul3A_2061, %get3A_2058 : vector<16xi32>
      %add3A_2063 = arith.constant 0 : i32
      %add3A_2064 = vector.broadcast %add3A_2063 : i32 to vector<16xi32>
      %add3A_2065 = arith.addi %add3A_2062, %add3A_2064 : vector<16xi32>
      %get3A_2066 = arith.index_cast %add3A_1469 : i32 to index
      %get3A_2067 = arith.constant 128 : index
      %get3A_2068 = tpu.vector_load %arg6[%get3A_2066, %get3A_2067] {strides = array<i32>} : memref<128x200xi32, #tpu.memory_space<vmem>>, vector<16xi32>,
      %get3A_2069 = arith.index_cast %add3A_1469 : i32 to index
      %get3A_2070 = arith.constant 129 : index
      %get3A_2071 = tpu.vector_load %arg6[%get3A_2069, %get3A_2070] {strides = array<i32>} : memref<128x200xi32, #tpu.memory_space<vmem>>, vector<16xi32>,
      %mul3A_2072 = arith.constant 21 : i32
      %mul3A_2073 = vector.broadcast %mul3A_2072 : i32 to vector<16xi32>
      %mul3A_2074 = arith.muli %get3A_2068, %mul3A_2073 : vector<16xi32>
      %add3A_2075 = arith.addi %mul3A_2074, %get3A_2071 : vector<16xi32>
      %add3A_2076 = arith.constant 448 : i32
      %add3A_2077 = vector.broadcast %add3A_2076 : i32 to vector<16xi32>
      %add3A_2078 = arith.addi %add3A_2075, %add3A_2077 : vector<16xi32>
      %get3A_2079 = arith.index_cast %add3A_1473 : i32 to index
      %get3A_2080 = arith.constant 128 : index
      %get3A_2081 = tpu.vector_load %arg6[%get3A_2079, %get3A_2080] {strides = array<i32>} : memref<128x200xi32, #tpu.memory_space<vmem>>, vector<16xi32>,
      %get3A_2082 = arith.index_cast %add3A_1473 : i32 to index
      %get3A_2083 = arith.constant 129 : index
      %get3A_2084 = tpu.vector_load %arg6[%get3A_2082, %get3A_2083] {strides = array<i32>} : memref<128x200xi32, #tpu.memory_space<vmem>>, vector<16xi32>,
      %mul3A_2085 = arith.constant 21 : i32
      %mul3A_2086 = vector.broadcast %mul3A_2085 : i32 to vector<16xi32>
      %mul3A_2087 = arith.muli %get3A_2081, %mul3A_2086 : vector<16xi32>
      %add3A_2088 = arith.addi %mul3A_2087, %get3A_2084 : vector<16xi32>
      %add3A_2089 = arith.constant 896 : i32
      %add3A_2090 = vector.broadcast %add3A_2089 : i32 to vector<16xi32>
      %add3A_2091 = arith.addi %add3A_2088, %add3A_2090 : vector<16xi32>
      %get3A_2092 = arith.index_cast %add3A_1477 : i32 to index
      %get3A_2093 = arith.constant 128 : index
      %get3A_2094 = tpu.vector_load %arg6[%get3A_2092, %get3A_2093] {strides = array<i32>} : memref<128x200xi32, #tpu.memory_space<vmem>>, vector<16xi32>,
      %get3A_2095 = arith.index_cast %add3A_1477 : i32 to index
      %get3A_2096 = arith.constant 129 : index
      %get3A_2097 = tpu.vector_load %arg6[%get3A_2095, %get3A_2096] {strides = array<i32>} : memref<128x200xi32, #tpu.memory_space<vmem>>, vector<16xi32>,
      %mul3A_2098 = arith.constant 21 : i32
      %mul3A_2099 = vector.broadcast %mul3A_2098 : i32 to vector<16xi32>
      %mul3A_2100 = arith.muli %get3A_2094, %mul3A_2099 : vector<16xi32>
      %add3A_2101 = arith.addi %mul3A_2100, %get3A_2097 : vector<16xi32>
      %add3A_2102 = arith.constant 1344 : i32
      %add3A_2103 = vector.broadcast %add3A_2102 : i32 to vector<16xi32>
      %add3A_2104 = arith.addi %add3A_2101, %add3A_2103 : vector<16xi32>
      %swap3A_2105 = arith.constant 128 : index
      %swap3A_2106 = tpu.vector_load %arg8[%swap3A_2105] {strides = array<i32>} : memref<832xi32, #tpu.memory_space<vmem>>, vector<16xi32>,
      tpu.vector_store %arg8[%swap3A_2105], %add3A_2065 {strides = array<i32>} : memref<832xi32, #tpu.memory_space<vmem>>, vector<16xi32>,
      %swap3A_2107 = arith.constant 336 : index
      %swap3A_2108 = tpu.vector_load %arg8[%swap3A_2107] {strides = array<i32>} : memref<832xi32, #tpu.memory_space<vmem>>, vector<16xi32>,
      tpu.vector_store %arg8[%swap3A_2107], %add3A_2078 {strides = array<i32>} : memref<832xi32, #tpu.memory_space<vmem>>, vector<16xi32>,
      %swap3A_2109 = arith.constant 544 : index
      %swap3A_2110 = tpu.vector_load %arg8[%swap3A_2109] {strides = array<i32>} : memref<832xi32, #tpu.memory_space<vmem>>, vector<16xi32>,
      tpu.vector_store %arg8[%swap3A_2109], %add3A_2091 {strides = array<i32>} : memref<832xi32, #tpu.memory_space<vmem>>, vector<16xi32>,
      %swap3A_2111 = arith.constant 752 : index
      %swap3A_2112 = tpu.vector_load %arg8[%swap3A_2111] {strides = array<i32>} : memref<832xi32, #tpu.memory_space<vmem>>, vector<16xi32>,
      tpu.vector_store %arg8[%swap3A_2111], %add3A_2104 {strides = array<i32>} : memref<832xi32, #tpu.memory_space<vmem>>, vector<16xi32>,
      tpu.vector_store_idx %arg9[%add3A_2065], %broadcast_in_dim3A_5 {add = true} : memref<1792xi32, #tpu.memory_space<vmem>>[vector<16xi32>], vector<16xi32>,
      tpu.vector_store_idx %arg9[%add3A_2078], %broadcast_in_dim3A_5 {add = true} : memref<1792xi32, #tpu.memory_space<vmem>>[vector<16xi32>], vector<16xi32>,
      tpu.vector_store_idx %arg9[%add3A_2091], %broadcast_in_dim3A_5 {add = true} : memref<1792xi32, #tpu.memory_space<vmem>>[vector<16xi32>], vector<16xi32>,
      tpu.vector_store_idx %arg9[%add3A_2104], %broadcast_in_dim3A_5 {add = true} : memref<1792xi32, #tpu.memory_space<vmem>>[vector<16xi32>], vector<16xi32>,
      %sub3A_2113 = arith.constant 0 : i32
      %sub3A_2114 = vector.broadcast %sub3A_2113 : i32 to vector<16xi32>
      %sub3A_2115 = arith.subi %add3A_2065, %sub3A_2114 : vector<16xi32>
      tpu.vector_store_idx %arg10[%sub3A_2115], %broadcast_in_dim3A_7 {add = true} : memref<448xf32, #tpu.memory_space<vmem>>[vector<16xi32>], vector<16xf32>,
      %sub3A_2116 = arith.constant 448 : i32
      %sub3A_2117 = vector.broadcast %sub3A_2116 : i32 to vector<16xi32>
      %sub3A_2118 = arith.subi %add3A_2078, %sub3A_2117 : vector<16xi32>
      tpu.vector_store_idx %arg10[%sub3A_2118], %broadcast_in_dim3A_7 {add = true} : memref<448xf32, #tpu.memory_space<vmem>>[vector<16xi32>], vector<16xf32>,
      %sub3A_2119 = arith.constant 896 : i32
      %sub3A_2120 = vector.broadcast %sub3A_2119 : i32 to vector<16xi32>
      %sub3A_2121 = arith.subi %add3A_2091, %sub3A_2120 : vector<16xi32>
      tpu.vector_store_idx %arg10[%sub3A_2121], %broadcast_in_dim3A_7 {add = true} : memref<448xf32, #tpu.memory_space<vmem>>[vector<16xi32>], vector<16xf32>,
      %sub3A_2122 = arith.constant 1344 : i32
      %sub3A_2123 = vector.broadcast %sub3A_2122 : i32 to vector<16xi32>
      %sub3A_2124 = arith.subi %add3A_2104, %sub3A_2123 : vector<16xi32>
      tpu.vector_store_idx %arg10[%sub3A_2124], %broadcast_in_dim3A_7 {add = true} : memref<448xf32, #tpu.memory_space<vmem>>[vector<16xi32>], vector<16xf32>,
      %get3A_2125 = arith.index_cast %add3A_1465 : i32 to index
      %get3A_2126 = arith.constant 144 : index
      %get3A_2127 = tpu.vector_load %arg6[%get3A_2125, %get3A_2126] {strides = array<i32>} : memref<128x200xi32, #tpu.memory_space<vmem>>, vector<16xi32>,
      %get3A_2128 = arith.index_cast %add3A_1465 : i32 to index
      %get3A_2129 = arith.constant 145 : index
      %get3A_2130 = tpu.vector_load %arg6[%get3A_2128, %get3A_2129] {strides = array<i32>} : memref<128x200xi32, #tpu.memory_space<vmem>>, vector<16xi32>,
      %mul3A_2131 = arith.constant 21 : i32
      %mul3A_2132 = vector.broadcast %mul3A_2131 : i32 to vector<16xi32>
      %mul3A_2133 = arith.muli %get3A_2127, %mul3A_2132 : vector<16xi32>
      %add3A_2134 = arith.addi %mul3A_2133, %get3A_2130 : vector<16xi32>
      %add3A_2135 = arith.constant 0 : i32
      %add3A_2136 = vector.broadcast %add3A_2135 : i32 to vector<16xi32>
      %add3A_2137 = arith.addi %add3A_2134, %add3A_2136 : vector<16xi32>
      %get3A_2138 = arith.index_cast %add3A_1469 : i32 to index
      %get3A_2139 = arith.constant 144 : index
      %get3A_2140 = tpu.vector_load %arg6[%get3A_2138, %get3A_2139] {strides = array<i32>} : memref<128x200xi32, #tpu.memory_space<vmem>>, vector<16xi32>,
      %get3A_2141 = arith.index_cast %add3A_1469 : i32 to index
      %get3A_2142 = arith.constant 145 : index
      %get3A_2143 = tpu.vector_load %arg6[%get3A_2141, %get3A_2142] {strides = array<i32>} : memref<128x200xi32, #tpu.memory_space<vmem>>, vector<16xi32>,
      %mul3A_2144 = arith.constant 21 : i32
      %mul3A_2145 = vector.broadcast %mul3A_2144 : i32 to vector<16xi32>
      %mul3A_2146 = arith.muli %get3A_2140, %mul3A_2145 : vector<16xi32>
      %add3A_2147 = arith.addi %mul3A_2146, %get3A_2143 : vector<16xi32>
      %add3A_2148 = arith.constant 448 : i32
      %add3A_2149 = vector.broadcast %add3A_2148 : i32 to vector<16xi32>
      %add3A_2150 = arith.addi %add3A_2147, %add3A_2149 : vector<16xi32>
      %get3A_2151 = arith.index_cast %add3A_1473 : i32 to index
      %get3A_2152 = arith.constant 144 : index
      %get3A_2153 = tpu.vector_load %arg6[%get3A_2151, %get3A_2152] {strides = array<i32>} : memref<128x200xi32, #tpu.memory_space<vmem>>, vector<16xi32>,
      %get3A_2154 = arith.index_cast %add3A_1473 : i32 to index
      %get3A_2155 = arith.constant 145 : index
      %get3A_2156 = tpu.vector_load %arg6[%get3A_2154, %get3A_2155] {strides = array<i32>} : memref<128x200xi32, #tpu.memory_space<vmem>>, vector<16xi32>,
      %mul3A_2157 = arith.constant 21 : i32
      %mul3A_2158 = vector.broadcast %mul3A_2157 : i32 to vector<16xi32>
      %mul3A_2159 = arith.muli %get3A_2153, %mul3A_2158 : vector<16xi32>
      %add3A_2160 = arith.addi %mul3A_2159, %get3A_2156 : vector<16xi32>
      %add3A_2161 = arith.constant 896 : i32
      %add3A_2162 = vector.broadcast %add3A_2161 : i32 to vector<16xi32>
      %add3A_2163 = arith.addi %add3A_2160, %add3A_2162 : vector<16xi32>
      %get3A_2164 = arith.index_cast %add3A_1477 : i32 to index
      %get3A_2165 = arith.constant 144 : index
      %get3A_2166 = tpu.vector_load %arg6[%get3A_2164, %get3A_2165] {strides = array<i32>} : memref<128x200xi32, #tpu.memory_space<vmem>>, vector<16xi32>,
      %get3A_2167 = arith.index_cast %add3A_1477 : i32 to index
      %get3A_2168 = arith.constant 145 : index
      %get3A_2169 = tpu.vector_load %arg6[%get3A_2167, %get3A_2168] {strides = array<i32>} : memref<128x200xi32, #tpu.memory_space<vmem>>, vector<16xi32>,
      %mul3A_2170 = arith.constant 21 : i32
      %mul3A_2171 = vector.broadcast %mul3A_2170 : i32 to vector<16xi32>
      %mul3A_2172 = arith.muli %get3A_2166, %mul3A_2171 : vector<16xi32>
      %add3A_2173 = arith.addi %mul3A_2172, %get3A_2169 : vector<16xi32>
      %add3A_2174 = arith.constant 1344 : i32
      %add3A_2175 = vector.broadcast %add3A_2174 : i32 to vector<16xi32>
      %add3A_2176 = arith.addi %add3A_2173, %add3A_2175 : vector<16xi32>
      %swap3A_2177 = arith.constant 144 : index
      %swap3A_2178 = tpu.vector_load %arg8[%swap3A_2177] {strides = array<i32>} : memref<832xi32, #tpu.memory_space<vmem>>, vector<16xi32>,
      tpu.vector_store %arg8[%swap3A_2177], %add3A_2137 {strides = array<i32>} : memref<832xi32, #tpu.memory_space<vmem>>, vector<16xi32>,
      %swap3A_2179 = arith.constant 352 : index
      %swap3A_2180 = tpu.vector_load %arg8[%swap3A_2179] {strides = array<i32>} : memref<832xi32, #tpu.memory_space<vmem>>, vector<16xi32>,
      tpu.vector_store %arg8[%swap3A_2179], %add3A_2150 {strides = array<i32>} : memref<832xi32, #tpu.memory_space<vmem>>, vector<16xi32>,
      %swap3A_2181 = arith.constant 560 : index
      %swap3A_2182 = tpu.vector_load %arg8[%swap3A_2181] {strides = array<i32>} : memref<832xi32, #tpu.memory_space<vmem>>, vector<16xi32>,
      tpu.vector_store %arg8[%swap3A_2181], %add3A_2163 {strides = array<i32>} : memref<832xi32, #tpu.memory_space<vmem>>, vector<16xi32>,
      %swap3A_2183 = arith.constant 768 : index
      %swap3A_2184 = tpu.vector_load %arg8[%swap3A_2183] {strides = array<i32>} : memref<832xi32, #tpu.memory_space<vmem>>, vector<16xi32>,
      tpu.vector_store %arg8[%swap3A_2183], %add3A_2176 {strides = array<i32>} : memref<832xi32, #tpu.memory_space<vmem>>, vector<16xi32>,
      tpu.vector_store_idx %arg9[%add3A_2137], %broadcast_in_dim3A_5 {add = true} : memref<1792xi32, #tpu.memory_space<vmem>>[vector<16xi32>], vector<16xi32>,
      tpu.vector_store_idx %arg9[%add3A_2150], %broadcast_in_dim3A_5 {add = true} : memref<1792xi32, #tpu.memory_space<vmem>>[vector<16xi32>], vector<16xi32>,
      tpu.vector_store_idx %arg9[%add3A_2163], %broadcast_in_dim3A_5 {add = true} : memref<1792xi32, #tpu.memory_space<vmem>>[vector<16xi32>], vector<16xi32>,
      tpu.vector_store_idx %arg9[%add3A_2176], %broadcast_in_dim3A_5 {add = true} : memref<1792xi32, #tpu.memory_space<vmem>>[vector<16xi32>], vector<16xi32>,
      %sub3A_2185 = arith.constant 0 : i32
      %sub3A_2186 = vector.broadcast %sub3A_2185 : i32 to vector<16xi32>
      %sub3A_2187 = arith.subi %add3A_2137, %sub3A_2186 : vector<16xi32>
      tpu.vector_store_idx %arg10[%sub3A_2187], %broadcast_in_dim3A_7 {add = true} : memref<448xf32, #tpu.memory_space<vmem>>[vector<16xi32>], vector<16xf32>,
      %sub3A_2188 = arith.constant 448 : i32
      %sub3A_2189 = vector.broadcast %sub3A_2188 : i32 to vector<16xi32>
      %sub3A_2190 = arith.subi %add3A_2150, %sub3A_2189 : vector<16xi32>
      tpu.vector_store_idx %arg10[%sub3A_2190], %broadcast_in_dim3A_7 {add = true} : memref<448xf32, #tpu.memory_space<vmem>>[vector<16xi32>], vector<16xf32>,
      %sub3A_2191 = arith.constant 896 : i32
      %sub3A_2192 = vector.broadcast %sub3A_2191 : i32 to vector<16xi32>
      %sub3A_2193 = arith.subi %add3A_2163, %sub3A_2192 : vector<16xi32>
      tpu.vector_store_idx %arg10[%sub3A_2193], %broadcast_in_dim3A_7 {add = true} : memref<448xf32, #tpu.memory_space<vmem>>[vector<16xi32>], vector<16xf32>,
      %sub3A_2194 = arith.constant 1344 : i32
      %sub3A_2195 = vector.broadcast %sub3A_2194 : i32 to vector<16xi32>
      %sub3A_2196 = arith.subi %add3A_2176, %sub3A_2195 : vector<16xi32>
      tpu.vector_store_idx %arg10[%sub3A_2196], %broadcast_in_dim3A_7 {add = true} : memref<448xf32, #tpu.memory_space<vmem>>[vector<16xi32>], vector<16xf32>,
      %get3A_2197 = arith.index_cast %add3A_1465 : i32 to index
      %get3A_2198 = arith.constant 160 : index
      %get3A_2199 = tpu.vector_load %arg6[%get3A_2197, %get3A_2198] {strides = array<i32>} : memref<128x200xi32, #tpu.memory_space<vmem>>, vector<16xi32>,
      %get3A_2200 = arith.index_cast %add3A_1465 : i32 to index
      %get3A_2201 = arith.constant 161 : index
      %get3A_2202 = tpu.vector_load %arg6[%get3A_2200, %get3A_2201] {strides = array<i32>} : memref<128x200xi32, #tpu.memory_space<vmem>>, vector<16xi32>,
      %mul3A_2203 = arith.constant 21 : i32
      %mul3A_2204 = vector.broadcast %mul3A_2203 : i32 to vector<16xi32>
      %mul3A_2205 = arith.muli %get3A_2199, %mul3A_2204 : vector<16xi32>
      %add3A_2206 = arith.addi %mul3A_2205, %get3A_2202 : vector<16xi32>
      %add3A_2207 = arith.constant 0 : i32
      %add3A_2208 = vector.broadcast %add3A_2207 : i32 to vector<16xi32>
      %add3A_2209 = arith.addi %add3A_2206, %add3A_2208 : vector<16xi32>
      %get3A_2210 = arith.index_cast %add3A_1469 : i32 to index
      %get3A_2211 = arith.constant 160 : index
      %get3A_2212 = tpu.vector_load %arg6[%get3A_2210, %get3A_2211] {strides = array<i32>} : memref<128x200xi32, #tpu.memory_space<vmem>>, vector<16xi32>,
      %get3A_2213 = arith.index_cast %add3A_1469 : i32 to index
      %get3A_2214 = arith.constant 161 : index
      %get3A_2215 = tpu.vector_load %arg6[%get3A_2213, %get3A_2214] {strides = array<i32>} : memref<128x200xi32, #tpu.memory_space<vmem>>, vector<16xi32>,
      %mul3A_2216 = arith.constant 21 : i32
      %mul3A_2217 = vector.broadcast %mul3A_2216 : i32 to vector<16xi32>
      %mul3A_2218 = arith.muli %get3A_2212, %mul3A_2217 : vector<16xi32>
      %add3A_2219 = arith.addi %mul3A_2218, %get3A_2215 : vector<16xi32>
      %add3A_2220 = arith.constant 448 : i32
      %add3A_2221 = vector.broadcast %add3A_2220 : i32 to vector<16xi32>
      %add3A_2222 = arith.addi %add3A_2219, %add3A_2221 : vector<16xi32>
      %get3A_2223 = arith.index_cast %add3A_1473 : i32 to index
      %get3A_2224 = arith.constant 160 : index
      %get3A_2225 = tpu.vector_load %arg6[%get3A_2223, %get3A_2224] {strides = array<i32>} : memref<128x200xi32, #tpu.memory_space<vmem>>, vector<16xi32>,
      %get3A_2226 = arith.index_cast %add3A_1473 : i32 to index
      %get3A_2227 = arith.constant 161 : index
      %get3A_2228 = tpu.vector_load %arg6[%get3A_2226, %get3A_2227] {strides = array<i32>} : memref<128x200xi32, #tpu.memory_space<vmem>>, vector<16xi32>,
      %mul3A_2229 = arith.constant 21 : i32
      %mul3A_2230 = vector.broadcast %mul3A_2229 : i32 to vector<16xi32>
      %mul3A_2231 = arith.muli %get3A_2225, %mul3A_2230 : vector<16xi32>
      %add3A_2232 = arith.addi %mul3A_2231, %get3A_2228 : vector<16xi32>
      %add3A_2233 = arith.constant 896 : i32
      %add3A_2234 = vector.broadcast %add3A_2233 : i32 to vector<16xi32>
      %add3A_2235 = arith.addi %add3A_2232, %add3A_2234 : vector<16xi32>
      %get3A_2236 = arith.index_cast %add3A_1477 : i32 to index
      %get3A_2237 = arith.constant 160 : index
      %get3A_2238 = tpu.vector_load %arg6[%get3A_2236, %get3A_2237] {strides = array<i32>} : memref<128x200xi32, #tpu.memory_space<vmem>>, vector<16xi32>,
      %get3A_2239 = arith.index_cast %add3A_1477 : i32 to index
      %get3A_2240 = arith.constant 161 : index
      %get3A_2241 = tpu.vector_load %arg6[%get3A_2239, %get3A_2240] {strides = array<i32>} : memref<128x200xi32, #tpu.memory_space<vmem>>, vector<16xi32>,
      %mul3A_2242 = arith.constant 21 : i32
      %mul3A_2243 = vector.broadcast %mul3A_2242 : i32 to vector<16xi32>
      %mul3A_2244 = arith.muli %get3A_2238, %mul3A_2243 : vector<16xi32>
      %add3A_2245 = arith.addi %mul3A_2244, %get3A_2241 : vector<16xi32>
      %add3A_2246 = arith.constant 1344 : i32
      %add3A_2247 = vector.broadcast %add3A_2246 : i32 to vector<16xi32>
      %add3A_2248 = arith.addi %add3A_2245, %add3A_2247 : vector<16xi32>
      %swap3A_2249 = arith.constant 160 : index
      %swap3A_2250 = tpu.vector_load %arg8[%swap3A_2249] {strides = array<i32>} : memref<832xi32, #tpu.memory_space<vmem>>, vector<16xi32>,
      tpu.vector_store %arg8[%swap3A_2249], %add3A_2209 {strides = array<i32>} : memref<832xi32, #tpu.memory_space<vmem>>, vector<16xi32>,
      %swap3A_2251 = arith.constant 368 : index
      %swap3A_2252 = tpu.vector_load %arg8[%swap3A_2251] {strides = array<i32>} : memref<832xi32, #tpu.memory_space<vmem>>, vector<16xi32>,
      tpu.vector_store %arg8[%swap3A_2251], %add3A_2222 {strides = array<i32>} : memref<832xi32, #tpu.memory_space<vmem>>, vector<16xi32>,
      %swap3A_2253 = arith.constant 576 : index
      %swap3A_2254 = tpu.vector_load %arg8[%swap3A_2253] {strides = array<i32>} : memref<832xi32, #tpu.memory_space<vmem>>, vector<16xi32>,
      tpu.vector_store %arg8[%swap3A_2253], %add3A_2235 {strides = array<i32>} : memref<832xi32, #tpu.memory_space<vmem>>, vector<16xi32>,
      %swap3A_2255 = arith.constant 784 : index
      %swap3A_2256 = tpu.vector_load %arg8[%swap3A_2255] {strides = array<i32>} : memref<832xi32, #tpu.memory_space<vmem>>, vector<16xi32>,
      tpu.vector_store %arg8[%swap3A_2255], %add3A_2248 {strides = array<i32>} : memref<832xi32, #tpu.memory_space<vmem>>, vector<16xi32>,
      tpu.vector_store_idx %arg9[%add3A_2209], %broadcast_in_dim3A_5 {add = true} : memref<1792xi32, #tpu.memory_space<vmem>>[vector<16xi32>], vector<16xi32>,
      tpu.vector_store_idx %arg9[%add3A_2222], %broadcast_in_dim3A_5 {add = true} : memref<1792xi32, #tpu.memory_space<vmem>>[vector<16xi32>], vector<16xi32>,
      tpu.vector_store_idx %arg9[%add3A_2235], %broadcast_in_dim3A_5 {add = true} : memref<1792xi32, #tpu.memory_space<vmem>>[vector<16xi32>], vector<16xi32>,
      tpu.vector_store_idx %arg9[%add3A_2248], %broadcast_in_dim3A_5 {add = true} : memref<1792xi32, #tpu.memory_space<vmem>>[vector<16xi32>], vector<16xi32>,
      %sub3A_2257 = arith.constant 0 : i32
      %sub3A_2258 = vector.broadcast %sub3A_2257 : i32 to vector<16xi32>
      %sub3A_2259 = arith.subi %add3A_2209, %sub3A_2258 : vector<16xi32>
      tpu.vector_store_idx %arg10[%sub3A_2259], %broadcast_in_dim3A_7 {add = true} : memref<448xf32, #tpu.memory_space<vmem>>[vector<16xi32>], vector<16xf32>,
      %sub3A_2260 = arith.constant 448 : i32
      %sub3A_2261 = vector.broadcast %sub3A_2260 : i32 to vector<16xi32>
      %sub3A_2262 = arith.subi %add3A_2222, %sub3A_2261 : vector<16xi32>
      tpu.vector_store_idx %arg10[%sub3A_2262], %broadcast_in_dim3A_7 {add = true} : memref<448xf32, #tpu.memory_space<vmem>>[vector<16xi32>], vector<16xf32>,
      %sub3A_2263 = arith.constant 896 : i32
      %sub3A_2264 = vector.broadcast %sub3A_2263 : i32 to vector<16xi32>
      %sub3A_2265 = arith.subi %add3A_2235, %sub3A_2264 : vector<16xi32>
      tpu.vector_store_idx %arg10[%sub3A_2265], %broadcast_in_dim3A_7 {add = true} : memref<448xf32, #tpu.memory_space<vmem>>[vector<16xi32>], vector<16xf32>,
      %sub3A_2266 = arith.constant 1344 : i32
      %sub3A_2267 = vector.broadcast %sub3A_2266 : i32 to vector<16xi32>
      %sub3A_2268 = arith.subi %add3A_2248, %sub3A_2267 : vector<16xi32>
      tpu.vector_store_idx %arg10[%sub3A_2268], %broadcast_in_dim3A_7 {add = true} : memref<448xf32, #tpu.memory_space<vmem>>[vector<16xi32>], vector<16xf32>,
      %get3A_2269 = arith.index_cast %add3A_1465 : i32 to index
      %get3A_2270 = arith.constant 176 : index
      %get3A_2271 = tpu.vector_load %arg6[%get3A_2269, %get3A_2270] {strides = array<i32>} : memref<128x200xi32, #tpu.memory_space<vmem>>, vector<16xi32>,
      %get3A_2272 = arith.index_cast %add3A_1465 : i32 to index
      %get3A_2273 = arith.constant 177 : index
      %get3A_2274 = tpu.vector_load %arg6[%get3A_2272, %get3A_2273] {strides = array<i32>} : memref<128x200xi32, #tpu.memory_space<vmem>>, vector<16xi32>,
      %mul3A_2275 = arith.constant 21 : i32
      %mul3A_2276 = vector.broadcast %mul3A_2275 : i32 to vector<16xi32>
      %mul3A_2277 = arith.muli %get3A_2271, %mul3A_2276 : vector<16xi32>
      %add3A_2278 = arith.addi %mul3A_2277, %get3A_2274 : vector<16xi32>
      %add3A_2279 = arith.constant 0 : i32
      %add3A_2280 = vector.broadcast %add3A_2279 : i32 to vector<16xi32>
      %add3A_2281 = arith.addi %add3A_2278, %add3A_2280 : vector<16xi32>
      %get3A_2282 = arith.index_cast %add3A_1469 : i32 to index
      %get3A_2283 = arith.constant 176 : index
      %get3A_2284 = tpu.vector_load %arg6[%get3A_2282, %get3A_2283] {strides = array<i32>} : memref<128x200xi32, #tpu.memory_space<vmem>>, vector<16xi32>,
      %get3A_2285 = arith.index_cast %add3A_1469 : i32 to index
      %get3A_2286 = arith.constant 177 : index
      %get3A_2287 = tpu.vector_load %arg6[%get3A_2285, %get3A_2286] {strides = array<i32>} : memref<128x200xi32, #tpu.memory_space<vmem>>, vector<16xi32>,
      %mul3A_2288 = arith.constant 21 : i32
      %mul3A_2289 = vector.broadcast %mul3A_2288 : i32 to vector<16xi32>
      %mul3A_2290 = arith.muli %get3A_2284, %mul3A_2289 : vector<16xi32>
      %add3A_2291 = arith.addi %mul3A_2290, %get3A_2287 : vector<16xi32>
      %add3A_2292 = arith.constant 448 : i32
      %add3A_2293 = vector.broadcast %add3A_2292 : i32 to vector<16xi32>
      %add3A_2294 = arith.addi %add3A_2291, %add3A_2293 : vector<16xi32>
      %get3A_2295 = arith.index_cast %add3A_1473 : i32 to index
      %get3A_2296 = arith.constant 176 : index
      %get3A_2297 = tpu.vector_load %arg6[%get3A_2295, %get3A_2296] {strides = array<i32>} : memref<128x200xi32, #tpu.memory_space<vmem>>, vector<16xi32>,
      %get3A_2298 = arith.index_cast %add3A_1473 : i32 to index
      %get3A_2299 = arith.constant 177 : index
      %get3A_2300 = tpu.vector_load %arg6[%get3A_2298, %get3A_2299] {strides = array<i32>} : memref<128x200xi32, #tpu.memory_space<vmem>>, vector<16xi32>,
      %mul3A_2301 = arith.constant 21 : i32
      %mul3A_2302 = vector.broadcast %mul3A_2301 : i32 to vector<16xi32>
      %mul3A_2303 = arith.muli %get3A_2297, %mul3A_2302 : vector<16xi32>
      %add3A_2304 = arith.addi %mul3A_2303, %get3A_2300 : vector<16xi32>
      %add3A_2305 = arith.constant 896 : i32
      %add3A_2306 = vector.broadcast %add3A_2305 : i32 to vector<16xi32>
      %add3A_2307 = arith.addi %add3A_2304, %add3A_2306 : vector<16xi32>
      %get3A_2308 = arith.index_cast %add3A_1477 : i32 to index
      %get3A_2309 = arith.constant 176 : index
      %get3A_2310 = tpu.vector_load %arg6[%get3A_2308, %get3A_2309] {strides = array<i32>} : memref<128x200xi32, #tpu.memory_space<vmem>>, vector<16xi32>,
      %get3A_2311 = arith.index_cast %add3A_1477 : i32 to index
      %get3A_2312 = arith.constant 177 : index
      %get3A_2313 = tpu.vector_load %arg6[%get3A_2311, %get3A_2312] {strides = array<i32>} : memref<128x200xi32, #tpu.memory_space<vmem>>, vector<16xi32>,
      %mul3A_2314 = arith.constant 21 : i32
      %mul3A_2315 = vector.broadcast %mul3A_2314 : i32 to vector<16xi32>
      %mul3A_2316 = arith.muli %get3A_2310, %mul3A_2315 : vector<16xi32>
      %add3A_2317 = arith.addi %mul3A_2316, %get3A_2313 : vector<16xi32>
      %add3A_2318 = arith.constant 1344 : i32
      %add3A_2319 = vector.broadcast %add3A_2318 : i32 to vector<16xi32>
      %add3A_2320 = arith.addi %add3A_2317, %add3A_2319 : vector<16xi32>
      %swap3A_2321 = arith.constant 176 : index
      %swap3A_2322 = tpu.vector_load %arg8[%swap3A_2321] {strides = array<i32>} : memref<832xi32, #tpu.memory_space<vmem>>, vector<16xi32>,
      tpu.vector_store %arg8[%swap3A_2321], %add3A_2281 {strides = array<i32>} : memref<832xi32, #tpu.memory_space<vmem>>, vector<16xi32>,
      %swap3A_2323 = arith.constant 384 : index
      %swap3A_2324 = tpu.vector_load %arg8[%swap3A_2323] {strides = array<i32>} : memref<832xi32, #tpu.memory_space<vmem>>, vector<16xi32>,
      tpu.vector_store %arg8[%swap3A_2323], %add3A_2294 {strides = array<i32>} : memref<832xi32, #tpu.memory_space<vmem>>, vector<16xi32>,
      %swap3A_2325 = arith.constant 592 : index
      %swap3A_2326 = tpu.vector_load %arg8[%swap3A_2325] {strides = array<i32>} : memref<832xi32, #tpu.memory_space<vmem>>, vector<16xi32>,
      tpu.vector_store %arg8[%swap3A_2325], %add3A_2307 {strides = array<i32>} : memref<832xi32, #tpu.memory_space<vmem>>, vector<16xi32>,
      %swap3A_2327 = arith.constant 800 : index
      %swap3A_2328 = tpu.vector_load %arg8[%swap3A_2327] {strides = array<i32>} : memref<832xi32, #tpu.memory_space<vmem>>, vector<16xi32>,
      tpu.vector_store %arg8[%swap3A_2327], %add3A_2320 {strides = array<i32>} : memref<832xi32, #tpu.memory_space<vmem>>, vector<16xi32>,
      tpu.vector_store_idx %arg9[%add3A_2281], %broadcast_in_dim3A_5 {add = true} : memref<1792xi32, #tpu.memory_space<vmem>>[vector<16xi32>], vector<16xi32>,
      tpu.vector_store_idx %arg9[%add3A_2294], %broadcast_in_dim3A_5 {add = true} : memref<1792xi32, #tpu.memory_space<vmem>>[vector<16xi32>], vector<16xi32>,
      tpu.vector_store_idx %arg9[%add3A_2307], %broadcast_in_dim3A_5 {add = true} : memref<1792xi32, #tpu.memory_space<vmem>>[vector<16xi32>], vector<16xi32>,
      tpu.vector_store_idx %arg9[%add3A_2320], %broadcast_in_dim3A_5 {add = true} : memref<1792xi32, #tpu.memory_space<vmem>>[vector<16xi32>], vector<16xi32>,
      %sub3A_2329 = arith.constant 0 : i32
      %sub3A_2330 = vector.broadcast %sub3A_2329 : i32 to vector<16xi32>
      %sub3A_2331 = arith.subi %add3A_2281, %sub3A_2330 : vector<16xi32>
      tpu.vector_store_idx %arg10[%sub3A_2331], %broadcast_in_dim3A_7 {add = true} : memref<448xf32, #tpu.memory_space<vmem>>[vector<16xi32>], vector<16xf32>,
      %sub3A_2332 = arith.constant 448 : i32
      %sub3A_2333 = vector.broadcast %sub3A_2332 : i32 to vector<16xi32>
      %sub3A_2334 = arith.subi %add3A_2294, %sub3A_2333 : vector<16xi32>
      tpu.vector_store_idx %arg10[%sub3A_2334], %broadcast_in_dim3A_7 {add = true} : memref<448xf32, #tpu.memory_space<vmem>>[vector<16xi32>], vector<16xf32>,
      %sub3A_2335 = arith.constant 896 : i32
      %sub3A_2336 = vector.broadcast %sub3A_2335 : i32 to vector<16xi32>
      %sub3A_2337 = arith.subi %add3A_2307, %sub3A_2336 : vector<16xi32>
      tpu.vector_store_idx %arg10[%sub3A_2337], %broadcast_in_dim3A_7 {add = true} : memref<448xf32, #tpu.memory_space<vmem>>[vector<16xi32>], vector<16xf32>,
      %sub3A_2338 = arith.constant 1344 : i32
      %sub3A_2339 = vector.broadcast %sub3A_2338 : i32 to vector<16xi32>
      %sub3A_2340 = arith.subi %add3A_2320, %sub3A_2339 : vector<16xi32>
      tpu.vector_store_idx %arg10[%sub3A_2340], %broadcast_in_dim3A_7 {add = true} : memref<448xf32, #tpu.memory_space<vmem>>[vector<16xi32>], vector<16xf32>,
      %get3A_2341 = arith.index_cast %add3A_1465 : i32 to index
      %get3A_2342 = arith.constant 183 : index
      %get3A_2343 = tpu.vector_load %arg6[%get3A_2341, %get3A_2342] {strides = array<i32>} : memref<128x200xi32, #tpu.memory_space<vmem>>, vector<16xi32>,
      %get3A_2344 = arith.index_cast %add3A_1465 : i32 to index
      %get3A_2345 = arith.constant 184 : index
      %get3A_2346 = tpu.vector_load %arg6[%get3A_2344, %get3A_2345] {strides = array<i32>} : memref<128x200xi32, #tpu.memory_space<vmem>>, vector<16xi32>,
      %mul3A_2347 = arith.constant 21 : i32
      %mul3A_2348 = vector.broadcast %mul3A_2347 : i32 to vector<16xi32>
      %mul3A_2349 = arith.muli %get3A_2343, %mul3A_2348 : vector<16xi32>
      %add3A_2350 = arith.addi %mul3A_2349, %get3A_2346 : vector<16xi32>
      %add3A_2351 = arith.constant 0 : i32
      %add3A_2352 = vector.broadcast %add3A_2351 : i32 to vector<16xi32>
      %add3A_2353 = arith.addi %add3A_2350, %add3A_2352 : vector<16xi32>
      %get3A_2354 = arith.index_cast %add3A_1469 : i32 to index
      %get3A_2355 = arith.constant 183 : index
      %get3A_2356 = tpu.vector_load %arg6[%get3A_2354, %get3A_2355] {strides = array<i32>} : memref<128x200xi32, #tpu.memory_space<vmem>>, vector<16xi32>,
      %get3A_2357 = arith.index_cast %add3A_1469 : i32 to index
      %get3A_2358 = arith.constant 184 : index
      %get3A_2359 = tpu.vector_load %arg6[%get3A_2357, %get3A_2358] {strides = array<i32>} : memref<128x200xi32, #tpu.memory_space<vmem>>, vector<16xi32>,
      %mul3A_2360 = arith.constant 21 : i32
      %mul3A_2361 = vector.broadcast %mul3A_2360 : i32 to vector<16xi32>
      %mul3A_2362 = arith.muli %get3A_2356, %mul3A_2361 : vector<16xi32>
      %add3A_2363 = arith.addi %mul3A_2362, %get3A_2359 : vector<16xi32>
      %add3A_2364 = arith.constant 448 : i32
      %add3A_2365 = vector.broadcast %add3A_2364 : i32 to vector<16xi32>
      %add3A_2366 = arith.addi %add3A_2363, %add3A_2365 : vector<16xi32>
      %get3A_2367 = arith.index_cast %add3A_1473 : i32 to index
      %get3A_2368 = arith.constant 183 : index
      %get3A_2369 = tpu.vector_load %arg6[%get3A_2367, %get3A_2368] {strides = array<i32>} : memref<128x200xi32, #tpu.memory_space<vmem>>, vector<16xi32>,
      %get3A_2370 = arith.index_cast %add3A_1473 : i32 to index
      %get3A_2371 = arith.constant 184 : index
      %get3A_2372 = tpu.vector_load %arg6[%get3A_2370, %get3A_2371] {strides = array<i32>} : memref<128x200xi32, #tpu.memory_space<vmem>>, vector<16xi32>,
      %mul3A_2373 = arith.constant 21 : i32
      %mul3A_2374 = vector.broadcast %mul3A_2373 : i32 to vector<16xi32>
      %mul3A_2375 = arith.muli %get3A_2369, %mul3A_2374 : vector<16xi32>
      %add3A_2376 = arith.addi %mul3A_2375, %get3A_2372 : vector<16xi32>
      %add3A_2377 = arith.constant 896 : i32
      %add3A_2378 = vector.broadcast %add3A_2377 : i32 to vector<16xi32>
      %add3A_2379 = arith.addi %add3A_2376, %add3A_2378 : vector<16xi32>
      %get3A_2380 = arith.index_cast %add3A_1477 : i32 to index
      %get3A_2381 = arith.constant 183 : index
      %get3A_2382 = tpu.vector_load %arg6[%get3A_2380, %get3A_2381] {strides = array<i32>} : memref<128x200xi32, #tpu.memory_space<vmem>>, vector<16xi32>,
      %get3A_2383 = arith.index_cast %add3A_1477 : i32 to index
      %get3A_2384 = arith.constant 184 : index
      %get3A_2385 = tpu.vector_load %arg6[%get3A_2383, %get3A_2384] {strides = array<i32>} : memref<128x200xi32, #tpu.memory_space<vmem>>, vector<16xi32>,
      %mul3A_2386 = arith.constant 21 : i32
      %mul3A_2387 = vector.broadcast %mul3A_2386 : i32 to vector<16xi32>
      %mul3A_2388 = arith.muli %get3A_2382, %mul3A_2387 : vector<16xi32>
      %add3A_2389 = arith.addi %mul3A_2388, %get3A_2385 : vector<16xi32>
      %add3A_2390 = arith.constant 1344 : i32
      %add3A_2391 = vector.broadcast %add3A_2390 : i32 to vector<16xi32>
      %add3A_2392 = arith.addi %add3A_2389, %add3A_2391 : vector<16xi32>
      %swap3A_2393 = arith.constant 192 : index
      %swap3A_2394 = tpu.vector_load %arg8[%swap3A_2393] {strides = array<i32>} : memref<832xi32, #tpu.memory_space<vmem>>, vector<16xi32>,
      tpu.vector_store %arg8[%swap3A_2393], %add3A_2353 {strides = array<i32>} : memref<832xi32, #tpu.memory_space<vmem>>, vector<16xi32>,
      %swap3A_2395 = arith.constant 400 : index
      %swap3A_2396 = tpu.vector_load %arg8[%swap3A_2395] {strides = array<i32>} : memref<832xi32, #tpu.memory_space<vmem>>, vector<16xi32>,
      tpu.vector_store %arg8[%swap3A_2395], %add3A_2366 {strides = array<i32>} : memref<832xi32, #tpu.memory_space<vmem>>, vector<16xi32>,
      %swap3A_2397 = arith.constant 608 : index
      %swap3A_2398 = tpu.vector_load %arg8[%swap3A_2397] {strides = array<i32>} : memref<832xi32, #tpu.memory_space<vmem>>, vector<16xi32>,
      tpu.vector_store %arg8[%swap3A_2397], %add3A_2379 {strides = array<i32>} : memref<832xi32, #tpu.memory_space<vmem>>, vector<16xi32>,
      %swap3A_2399 = arith.constant 816 : index
      %swap3A_2400 = tpu.vector_load %arg8[%swap3A_2399] {strides = array<i32>} : memref<832xi32, #tpu.memory_space<vmem>>, vector<16xi32>,
      tpu.vector_store %arg8[%swap3A_2399], %add3A_2392 {strides = array<i32>} : memref<832xi32, #tpu.memory_space<vmem>>, vector<16xi32>,
      tpu.vector_store_idx %arg9[%add3A_2353], %broadcast_in_dim3A_5 masked %ge3A_1455 {add = true} : memref<1792xi32, #tpu.memory_space<vmem>>[vector<16xi32>], vector<16xi32>, vector<16xi1>
      tpu.vector_store_idx %arg9[%add3A_2366], %broadcast_in_dim3A_5 masked %ge3A_1455 {add = true} : memref<1792xi32, #tpu.memory_space<vmem>>[vector<16xi32>], vector<16xi32>, vector<16xi1>
      tpu.vector_store_idx %arg9[%add3A_2379], %broadcast_in_dim3A_5 masked %ge3A_1455 {add = true} : memref<1792xi32, #tpu.memory_space<vmem>>[vector<16xi32>], vector<16xi32>, vector<16xi1>
      tpu.vector_store_idx %arg9[%add3A_2392], %broadcast_in_dim3A_5 masked %ge3A_1455 {add = true} : memref<1792xi32, #tpu.memory_space<vmem>>[vector<16xi32>], vector<16xi32>, vector<16xi1>
      %sub3A_2401 = arith.constant 0 : i32
      %sub3A_2402 = vector.broadcast %sub3A_2401 : i32 to vector<16xi32>
      %sub3A_2403 = arith.subi %add3A_2353, %sub3A_2402 : vector<16xi32>
      tpu.vector_store_idx %arg10[%sub3A_2403], %broadcast_in_dim3A_7 masked %ge3A_1455 {add = true} : memref<448xf32, #tpu.memory_space<vmem>>[vector<16xi32>], vector<16xf32>, vector<16xi1>
      %sub3A_2404 = arith.constant 448 : i32
      %sub3A_2405 = vector.broadcast %sub3A_2404 : i32 to vector<16xi32>
      %sub3A_2406 = arith.subi %add3A_2366, %sub3A_2405 : vector<16xi32>
      tpu.vector_store_idx %arg10[%sub3A_2406], %broadcast_in_dim3A_7 masked %ge3A_1455 {add = true} : memref<448xf32, #tpu.memory_space<vmem>>[vector<16xi32>], vector<16xf32>, vector<16xi1>
      %sub3A_2407 = arith.constant 896 : i32
      %sub3A_2408 = vector.broadcast %sub3A_2407 : i32 to vector<16xi32>
      %sub3A_2409 = arith.subi %add3A_2379, %sub3A_2408 : vector<16xi32>
      tpu.vector_store_idx %arg10[%sub3A_2409], %broadcast_in_dim3A_7 masked %ge3A_1455 {add = true} : memref<448xf32, #tpu.memory_space<vmem>>[vector<16xi32>], vector<16xf32>, vector<16xi1>
      %sub3A_2410 = arith.constant 1344 : i32
      %sub3A_2411 = vector.broadcast %sub3A_2410 : i32 to vector<16xi32>
      %sub3A_2412 = arith.subi %add3A_2392, %sub3A_2411 : vector<16xi32>
      tpu.vector_store_idx %arg10[%sub3A_2412], %broadcast_in_dim3A_7 masked %ge3A_1455 {add = true} : memref<448xf32, #tpu.memory_space<vmem>>[vector<16xi32>], vector<16xf32>, vector<16xi1>
      %broadcast_in_dim3A_2413 = arith.constant 0.000000e+00 : f32
      %broadcast_in_dim3A_2414 = vector.broadcast %broadcast_in_dim3A_2413 : f32 to vector<16xf32>
      %broadcast_in_dim3A_2415 = arith.constant 0.000000e+00 : f32
      %broadcast_in_dim3A_2416 = vector.broadcast %broadcast_in_dim3A_2415 : f32 to vector<16xf32>
      %broadcast_in_dim3A_2417 = arith.constant 0.000000e+00 : f32
      %broadcast_in_dim3A_2418 = vector.broadcast %broadcast_in_dim3A_2417 : f32 to vector<16xf32>
      %broadcast_in_dim3A_2419 = arith.constant 0.000000e+00 : f32
      %broadcast_in_dim3A_2420 = vector.broadcast %broadcast_in_dim3A_2419 : f32 to vector<16xf32>
      %get3A_2421 = arith.constant 0 : index
      %get3A_2422 = tpu.vector_load %arg8[%get3A_2421] {strides = array<i32>} : memref<832xi32, #tpu.memory_space<vmem>>, vector<16xi32>,
      %get3A_2423 = arith.constant 208 : index
      %get3A_2424 = tpu.vector_load %arg8[%get3A_2423] {strides = array<i32>} : memref<832xi32, #tpu.memory_space<vmem>>, vector<16xi32>,
      %get3A_2425 = arith.constant 416 : index
      %get3A_2426 = tpu.vector_load %arg8[%get3A_2425] {strides = array<i32>} : memref<832xi32, #tpu.memory_space<vmem>>, vector<16xi32>,
      %get3A_2427 = arith.constant 624 : index
      %get3A_2428 = tpu.vector_load %arg8[%get3A_2427] {strides = array<i32>} : memref<832xi32, #tpu.memory_space<vmem>>, vector<16xi32>,
      %gather3A = tpu.vector_load_idx %arg9[%get3A_2422] : memref<1792xi32, #tpu.memory_space<vmem>>[vector<16xi32>], vector<16xi32>,
      %gather3A_2429 = tpu.vector_load_idx %arg9[%get3A_2424] : memref<1792xi32, #tpu.memory_space<vmem>>[vector<16xi32>], vector<16xi32>,
      %gather3A_2430 = tpu.vector_load_idx %arg9[%get3A_2426] : memref<1792xi32, #tpu.memory_space<vmem>>[vector<16xi32>], vector<16xi32>,
      %gather3A_2431 = tpu.vector_load_idx %arg9[%get3A_2428] : memref<1792xi32, #tpu.memory_space<vmem>>[vector<16xi32>], vector<16xi32>,
      %gather3A_2432 = tpu.vector_load_idx %arg7[%gather3A] : memref<256xf32, #tpu.memory_space<vmem>>[vector<16xi32>], vector<16xf32>,
      %gather3A_2433 = tpu.vector_load_idx %arg7[%gather3A_2429] : memref<256xf32, #tpu.memory_space<vmem>>[vector<16xi32>], vector<16xf32>,
      %gather3A_2434 = tpu.vector_load_idx %arg7[%gather3A_2430] : memref<256xf32, #tpu.memory_space<vmem>>[vector<16xi32>], vector<16xf32>,
      %gather3A_2435 = tpu.vector_load_idx %arg7[%gather3A_2431] : memref<256xf32, #tpu.memory_space<vmem>>[vector<16xi32>], vector<16xf32>,
      %add3A_2436 = arith.addf %broadcast_in_dim3A_2414, %gather3A_2432 : vector<16xf32>
      %add3A_2437 = arith.addf %broadcast_in_dim3A_2416, %gather3A_2433 : vector<16xf32>
      %add3A_2438 = arith.addf %broadcast_in_dim3A_2418, %gather3A_2434 : vector<16xf32>
      %add3A_2439 = arith.addf %broadcast_in_dim3A_2420, %gather3A_2435 : vector<16xf32>
      %get3A_2440 = arith.constant 16 : index
      %get3A_2441 = tpu.vector_load %arg8[%get3A_2440] {strides = array<i32>} : memref<832xi32, #tpu.memory_space<vmem>>, vector<16xi32>,
      %get3A_2442 = arith.constant 224 : index
      %get3A_2443 = tpu.vector_load %arg8[%get3A_2442] {strides = array<i32>} : memref<832xi32, #tpu.memory_space<vmem>>, vector<16xi32>,
      %get3A_2444 = arith.constant 432 : index
      %get3A_2445 = tpu.vector_load %arg8[%get3A_2444] {strides = array<i32>} : memref<832xi32, #tpu.memory_space<vmem>>, vector<16xi32>,
      %get3A_2446 = arith.constant 640 : index
      %get3A_2447 = tpu.vector_load %arg8[%get3A_2446] {strides = array<i32>} : memref<832xi32, #tpu.memory_space<vmem>>, vector<16xi32>,
      %gather3A_2448 = tpu.vector_load_idx %arg9[%get3A_2441] : memref<1792xi32, #tpu.memory_space<vmem>>[vector<16xi32>], vector<16xi32>,
      %gather3A_2449 = tpu.vector_load_idx %arg9[%get3A_2443] : memref<1792xi32, #tpu.memory_space<vmem>>[vector<16xi32>], vector<16xi32>,
      %gather3A_2450 = tpu.vector_load_idx %arg9[%get3A_2445] : memref<1792xi32, #tpu.memory_space<vmem>>[vector<16xi32>], vector<16xi32>,
      %gather3A_2451 = tpu.vector_load_idx %arg9[%get3A_2447] : memref<1792xi32, #tpu.memory_space<vmem>>[vector<16xi32>], vector<16xi32>,
      %gather3A_2452 = tpu.vector_load_idx %arg7[%gather3A_2448] : memref<256xf32, #tpu.memory_space<vmem>>[vector<16xi32>], vector<16xf32>,
      %gather3A_2453 = tpu.vector_load_idx %arg7[%gather3A_2449] : memref<256xf32, #tpu.memory_space<vmem>>[vector<16xi32>], vector<16xf32>,
      %gather3A_2454 = tpu.vector_load_idx %arg7[%gather3A_2450] : memref<256xf32, #tpu.memory_space<vmem>>[vector<16xi32>], vector<16xf32>,
      %gather3A_2455 = tpu.vector_load_idx %arg7[%gather3A_2451] : memref<256xf32, #tpu.memory_space<vmem>>[vector<16xi32>], vector<16xf32>,
      %add3A_2456 = arith.addf %add3A_2436, %gather3A_2452 : vector<16xf32>
      %add3A_2457 = arith.addf %add3A_2437, %gather3A_2453 : vector<16xf32>
      %add3A_2458 = arith.addf %add3A_2438, %gather3A_2454 : vector<16xf32>
      %add3A_2459 = arith.addf %add3A_2439, %gather3A_2455 : vector<16xf32>
      %get3A_2460 = arith.constant 32 : index
      %get3A_2461 = tpu.vector_load %arg8[%get3A_2460] {strides = array<i32>} : memref<832xi32, #tpu.memory_space<vmem>>, vector<16xi32>,
      %get3A_2462 = arith.constant 240 : index
      %get3A_2463 = tpu.vector_load %arg8[%get3A_2462] {strides = array<i32>} : memref<832xi32, #tpu.memory_space<vmem>>, vector<16xi32>,
      %get3A_2464 = arith.constant 448 : index
      %get3A_2465 = tpu.vector_load %arg8[%get3A_2464] {strides = array<i32>} : memref<832xi32, #tpu.memory_space<vmem>>, vector<16xi32>,
      %get3A_2466 = arith.constant 656 : index
      %get3A_2467 = tpu.vector_load %arg8[%get3A_2466] {strides = array<i32>} : memref<832xi32, #tpu.memory_space<vmem>>, vector<16xi32>,
      %gather3A_2468 = tpu.vector_load_idx %arg9[%get3A_2461] : memref<1792xi32, #tpu.memory_space<vmem>>[vector<16xi32>], vector<16xi32>,
      %gather3A_2469 = tpu.vector_load_idx %arg9[%get3A_2463] : memref<1792xi32, #tpu.memory_space<vmem>>[vector<16xi32>], vector<16xi32>,
      %gather3A_2470 = tpu.vector_load_idx %arg9[%get3A_2465] : memref<1792xi32, #tpu.memory_space<vmem>>[vector<16xi32>], vector<16xi32>,
      %gather3A_2471 = tpu.vector_load_idx %arg9[%get3A_2467] : memref<1792xi32, #tpu.memory_space<vmem>>[vector<16xi32>], vector<16xi32>,
      %gather3A_2472 = tpu.vector_load_idx %arg7[%gather3A_2468] : memref<256xf32, #tpu.memory_space<vmem>>[vector<16xi32>], vector<16xf32>,
      %gather3A_2473 = tpu.vector_load_idx %arg7[%gather3A_2469] : memref<256xf32, #tpu.memory_space<vmem>>[vector<16xi32>], vector<16xf32>,
      %gather3A_2474 = tpu.vector_load_idx %arg7[%gather3A_2470] : memref<256xf32, #tpu.memory_space<vmem>>[vector<16xi32>], vector<16xf32>,
      %gather3A_2475 = tpu.vector_load_idx %arg7[%gather3A_2471] : memref<256xf32, #tpu.memory_space<vmem>>[vector<16xi32>], vector<16xf32>,
      %add3A_2476 = arith.addf %add3A_2456, %gather3A_2472 : vector<16xf32>
      %add3A_2477 = arith.addf %add3A_2457, %gather3A_2473 : vector<16xf32>
      %add3A_2478 = arith.addf %add3A_2458, %gather3A_2474 : vector<16xf32>
      %add3A_2479 = arith.addf %add3A_2459, %gather3A_2475 : vector<16xf32>
      %get3A_2480 = arith.constant 48 : index
      %get3A_2481 = tpu.vector_load %arg8[%get3A_2480] {strides = array<i32>} : memref<832xi32, #tpu.memory_space<vmem>>, vector<16xi32>,
      %get3A_2482 = arith.constant 256 : index
      %get3A_2483 = tpu.vector_load %arg8[%get3A_2482] {strides = array<i32>} : memref<832xi32, #tpu.memory_space<vmem>>, vector<16xi32>,
      %get3A_2484 = arith.constant 464 : index
      %get3A_2485 = tpu.vector_load %arg8[%get3A_2484] {strides = array<i32>} : memref<832xi32, #tpu.memory_space<vmem>>, vector<16xi32>,
      %get3A_2486 = arith.constant 672 : index
      %get3A_2487 = tpu.vector_load %arg8[%get3A_2486] {strides = array<i32>} : memref<832xi32, #tpu.memory_space<vmem>>, vector<16xi32>,
      %gather3A_2488 = tpu.vector_load_idx %arg9[%get3A_2481] : memref<1792xi32, #tpu.memory_space<vmem>>[vector<16xi32>], vector<16xi32>,
      %gather3A_2489 = tpu.vector_load_idx %arg9[%get3A_2483] : memref<1792xi32, #tpu.memory_space<vmem>>[vector<16xi32>], vector<16xi32>,
      %gather3A_2490 = tpu.vector_load_idx %arg9[%get3A_2485] : memref<1792xi32, #tpu.memory_space<vmem>>[vector<16xi32>], vector<16xi32>,
      %gather3A_2491 = tpu.vector_load_idx %arg9[%get3A_2487] : memref<1792xi32, #tpu.memory_space<vmem>>[vector<16xi32>], vector<16xi32>,
      %gather3A_2492 = tpu.vector_load_idx %arg7[%gather3A_2488] : memref<256xf32, #tpu.memory_space<vmem>>[vector<16xi32>], vector<16xf32>,
      %gather3A_2493 = tpu.vector_load_idx %arg7[%gather3A_2489] : memref<256xf32, #tpu.memory_space<vmem>>[vector<16xi32>], vector<16xf32>,
      %gather3A_2494 = tpu.vector_load_idx %arg7[%gather3A_2490] : memref<256xf32, #tpu.memory_space<vmem>>[vector<16xi32>], vector<16xf32>,
      %gather3A_2495 = tpu.vector_load_idx %arg7[%gather3A_2491] : memref<256xf32, #tpu.memory_space<vmem>>[vector<16xi32>], vector<16xf32>,
      %add3A_2496 = arith.addf %add3A_2476, %gather3A_2492 : vector<16xf32>
      %add3A_2497 = arith.addf %add3A_2477, %gather3A_2493 : vector<16xf32>
      %add3A_2498 = arith.addf %add3A_2478, %gather3A_2494 : vector<16xf32>
      %add3A_2499 = arith.addf %add3A_2479, %gather3A_2495 : vector<16xf32>
      %get3A_2500 = arith.constant 64 : index
      %get3A_2501 = tpu.vector_load %arg8[%get3A_2500] {strides = array<i32>} : memref<832xi32, #tpu.memory_space<vmem>>, vector<16xi32>,
      %get3A_2502 = arith.constant 272 : index
      %get3A_2503 = tpu.vector_load %arg8[%get3A_2502] {strides = array<i32>} : memref<832xi32, #tpu.memory_space<vmem>>, vector<16xi32>,
      %get3A_2504 = arith.constant 480 : index
      %get3A_2505 = tpu.vector_load %arg8[%get3A_2504] {strides = array<i32>} : memref<832xi32, #tpu.memory_space<vmem>>, vector<16xi32>,
      %get3A_2506 = arith.constant 688 : index
      %get3A_2507 = tpu.vector_load %arg8[%get3A_2506] {strides = array<i32>} : memref<832xi32, #tpu.memory_space<vmem>>, vector<16xi32>,
      %gather3A_2508 = tpu.vector_load_idx %arg9[%get3A_2501] : memref<1792xi32, #tpu.memory_space<vmem>>[vector<16xi32>], vector<16xi32>,
      %gather3A_2509 = tpu.vector_load_idx %arg9[%get3A_2503] : memref<1792xi32, #tpu.memory_space<vmem>>[vector<16xi32>], vector<16xi32>,
      %gather3A_2510 = tpu.vector_load_idx %arg9[%get3A_2505] : memref<1792xi32, #tpu.memory_space<vmem>>[vector<16xi32>], vector<16xi32>,
      %gather3A_2511 = tpu.vector_load_idx %arg9[%get3A_2507] : memref<1792xi32, #tpu.memory_space<vmem>>[vector<16xi32>], vector<16xi32>,
      %gather3A_2512 = tpu.vector_load_idx %arg7[%gather3A_2508] : memref<256xf32, #tpu.memory_space<vmem>>[vector<16xi32>], vector<16xf32>,
      %gather3A_2513 = tpu.vector_load_idx %arg7[%gather3A_2509] : memref<256xf32, #tpu.memory_space<vmem>>[vector<16xi32>], vector<16xf32>,
      %gather3A_2514 = tpu.vector_load_idx %arg7[%gather3A_2510] : memref<256xf32, #tpu.memory_space<vmem>>[vector<16xi32>], vector<16xf32>,
      %gather3A_2515 = tpu.vector_load_idx %arg7[%gather3A_2511] : memref<256xf32, #tpu.memory_space<vmem>>[vector<16xi32>], vector<16xf32>,
      %add3A_2516 = arith.addf %add3A_2496, %gather3A_2512 : vector<16xf32>
      %add3A_2517 = arith.addf %add3A_2497, %gather3A_2513 : vector<16xf32>
      %add3A_2518 = arith.addf %add3A_2498, %gather3A_2514 : vector<16xf32>
      %add3A_2519 = arith.addf %add3A_2499, %gather3A_2515 : vector<16xf32>
      %get3A_2520 = arith.constant 80 : index
      %get3A_2521 = tpu.vector_load %arg8[%get3A_2520] {strides = array<i32>} : memref<832xi32, #tpu.memory_space<vmem>>, vector<16xi32>,
      %get3A_2522 = arith.constant 288 : index
      %get3A_2523 = tpu.vector_load %arg8[%get3A_2522] {strides = array<i32>} : memref<832xi32, #tpu.memory_space<vmem>>, vector<16xi32>,
      %get3A_2524 = arith.constant 496 : index
      %get3A_2525 = tpu.vector_load %arg8[%get3A_2524] {strides = array<i32>} : memref<832xi32, #tpu.memory_space<vmem>>, vector<16xi32>,
      %get3A_2526 = arith.constant 704 : index
      %get3A_2527 = tpu.vector_load %arg8[%get3A_2526] {strides = array<i32>} : memref<832xi32, #tpu.memory_space<vmem>>, vector<16xi32>,
      %gather3A_2528 = tpu.vector_load_idx %arg9[%get3A_2521] : memref<1792xi32, #tpu.memory_space<vmem>>[vector<16xi32>], vector<16xi32>,
      %gather3A_2529 = tpu.vector_load_idx %arg9[%get3A_2523] : memref<1792xi32, #tpu.memory_space<vmem>>[vector<16xi32>], vector<16xi32>,
      %gather3A_2530 = tpu.vector_load_idx %arg9[%get3A_2525] : memref<1792xi32, #tpu.memory_space<vmem>>[vector<16xi32>], vector<16xi32>,
      %gather3A_2531 = tpu.vector_load_idx %arg9[%get3A_2527] : memref<1792xi32, #tpu.memory_space<vmem>>[vector<16xi32>], vector<16xi32>,
      %gather3A_2532 = tpu.vector_load_idx %arg7[%gather3A_2528] : memref<256xf32, #tpu.memory_space<vmem>>[vector<16xi32>], vector<16xf32>,
      %gather3A_2533 = tpu.vector_load_idx %arg7[%gather3A_2529] : memref<256xf32, #tpu.memory_space<vmem>>[vector<16xi32>], vector<16xf32>,
      %gather3A_2534 = tpu.vector_load_idx %arg7[%gather3A_2530] : memref<256xf32, #tpu.memory_space<vmem>>[vector<16xi32>], vector<16xf32>,
      %gather3A_2535 = tpu.vector_load_idx %arg7[%gather3A_2531] : memref<256xf32, #tpu.memory_space<vmem>>[vector<16xi32>], vector<16xf32>,
      %add3A_2536 = arith.addf %add3A_2516, %gather3A_2532 : vector<16xf32>
      %add3A_2537 = arith.addf %add3A_2517, %gather3A_2533 : vector<16xf32>
      %add3A_2538 = arith.addf %add3A_2518, %gather3A_2534 : vector<16xf32>
      %add3A_2539 = arith.addf %add3A_2519, %gather3A_2535 : vector<16xf32>
      %get3A_2540 = arith.constant 96 : index
      %get3A_2541 = tpu.vector_load %arg8[%get3A_2540] {strides = array<i32>} : memref<832xi32, #tpu.memory_space<vmem>>, vector<16xi32>,
      %get3A_2542 = arith.constant 304 : index
      %get3A_2543 = tpu.vector_load %arg8[%get3A_2542] {strides = array<i32>} : memref<832xi32, #tpu.memory_space<vmem>>, vector<16xi32>,
      %get3A_2544 = arith.constant 512 : index
      %get3A_2545 = tpu.vector_load %arg8[%get3A_2544] {strides = array<i32>} : memref<832xi32, #tpu.memory_space<vmem>>, vector<16xi32>,
      %get3A_2546 = arith.constant 720 : index
      %get3A_2547 = tpu.vector_load %arg8[%get3A_2546] {strides = array<i32>} : memref<832xi32, #tpu.memory_space<vmem>>, vector<16xi32>,
      %gather3A_2548 = tpu.vector_load_idx %arg9[%get3A_2541] : memref<1792xi32, #tpu.memory_space<vmem>>[vector<16xi32>], vector<16xi32>,
      %gather3A_2549 = tpu.vector_load_idx %arg9[%get3A_2543] : memref<1792xi32, #tpu.memory_space<vmem>>[vector<16xi32>], vector<16xi32>,
      %gather3A_2550 = tpu.vector_load_idx %arg9[%get3A_2545] : memref<1792xi32, #tpu.memory_space<vmem>>[vector<16xi32>], vector<16xi32>,
      %gather3A_2551 = tpu.vector_load_idx %arg9[%get3A_2547] : memref<1792xi32, #tpu.memory_space<vmem>>[vector<16xi32>], vector<16xi32>,
      %gather3A_2552 = tpu.vector_load_idx %arg7[%gather3A_2548] : memref<256xf32, #tpu.memory_space<vmem>>[vector<16xi32>], vector<16xf32>,
      %gather3A_2553 = tpu.vector_load_idx %arg7[%gather3A_2549] : memref<256xf32, #tpu.memory_space<vmem>>[vector<16xi32>], vector<16xf32>,
      %gather3A_2554 = tpu.vector_load_idx %arg7[%gather3A_2550] : memref<256xf32, #tpu.memory_space<vmem>>[vector<16xi32>], vector<16xf32>,
      %gather3A_2555 = tpu.vector_load_idx %arg7[%gather3A_2551] : memref<256xf32, #tpu.memory_space<vmem>>[vector<16xi32>], vector<16xf32>,
      %add3A_2556 = arith.addf %add3A_2536, %gather3A_2552 : vector<16xf32>
      %add3A_2557 = arith.addf %add3A_2537, %gather3A_2553 : vector<16xf32>
      %add3A_2558 = arith.addf %add3A_2538, %gather3A_2554 : vector<16xf32>
      %add3A_2559 = arith.addf %add3A_2539, %gather3A_2555 : vector<16xf32>
      %get3A_2560 = arith.constant 112 : index
      %get3A_2561 = tpu.vector_load %arg8[%get3A_2560] {strides = array<i32>} : memref<832xi32, #tpu.memory_space<vmem>>, vector<16xi32>,
      %get3A_2562 = arith.constant 320 : index
      %get3A_2563 = tpu.vector_load %arg8[%get3A_2562] {strides = array<i32>} : memref<832xi32, #tpu.memory_space<vmem>>, vector<16xi32>,
      %get3A_2564 = arith.constant 528 : index
      %get3A_2565 = tpu.vector_load %arg8[%get3A_2564] {strides = array<i32>} : memref<832xi32, #tpu.memory_space<vmem>>, vector<16xi32>,
      %get3A_2566 = arith.constant 736 : index
      %get3A_2567 = tpu.vector_load %arg8[%get3A_2566] {strides = array<i32>} : memref<832xi32, #tpu.memory_space<vmem>>, vector<16xi32>,
      %gather3A_2568 = tpu.vector_load_idx %arg9[%get3A_2561] : memref<1792xi32, #tpu.memory_space<vmem>>[vector<16xi32>], vector<16xi32>,
      %gather3A_2569 = tpu.vector_load_idx %arg9[%get3A_2563] : memref<1792xi32, #tpu.memory_space<vmem>>[vector<16xi32>], vector<16xi32>,
      %gather3A_2570 = tpu.vector_load_idx %arg9[%get3A_2565] : memref<1792xi32, #tpu.memory_space<vmem>>[vector<16xi32>], vector<16xi32>,
      %gather3A_2571 = tpu.vector_load_idx %arg9[%get3A_2567] : memref<1792xi32, #tpu.memory_space<vmem>>[vector<16xi32>], vector<16xi32>,
      %gather3A_2572 = tpu.vector_load_idx %arg7[%gather3A_2568] : memref<256xf32, #tpu.memory_space<vmem>>[vector<16xi32>], vector<16xf32>,
      %gather3A_2573 = tpu.vector_load_idx %arg7[%gather3A_2569] : memref<256xf32, #tpu.memory_space<vmem>>[vector<16xi32>], vector<16xf32>,
      %gather3A_2574 = tpu.vector_load_idx %arg7[%gather3A_2570] : memref<256xf32, #tpu.memory_space<vmem>>[vector<16xi32>], vector<16xf32>,
      %gather3A_2575 = tpu.vector_load_idx %arg7[%gather3A_2571] : memref<256xf32, #tpu.memory_space<vmem>>[vector<16xi32>], vector<16xf32>,
      %add3A_2576 = arith.addf %add3A_2556, %gather3A_2572 : vector<16xf32>
      %add3A_2577 = arith.addf %add3A_2557, %gather3A_2573 : vector<16xf32>
      %add3A_2578 = arith.addf %add3A_2558, %gather3A_2574 : vector<16xf32>
      %add3A_2579 = arith.addf %add3A_2559, %gather3A_2575 : vector<16xf32>
      %get3A_2580 = arith.constant 128 : index
      %get3A_2581 = tpu.vector_load %arg8[%get3A_2580] {strides = array<i32>} : memref<832xi32, #tpu.memory_space<vmem>>, vector<16xi32>,
      %get3A_2582 = arith.constant 336 : index
      %get3A_2583 = tpu.vector_load %arg8[%get3A_2582] {strides = array<i32>} : memref<832xi32, #tpu.memory_space<vmem>>, vector<16xi32>,
      %get3A_2584 = arith.constant 544 : index
      %get3A_2585 = tpu.vector_load %arg8[%get3A_2584] {strides = array<i32>} : memref<832xi32, #tpu.memory_space<vmem>>, vector<16xi32>,
      %get3A_2586 = arith.constant 752 : index
      %get3A_2587 = tpu.vector_load %arg8[%get3A_2586] {strides = array<i32>} : memref<832xi32, #tpu.memory_space<vmem>>, vector<16xi32>,
      %gather3A_2588 = tpu.vector_load_idx %arg9[%get3A_2581] : memref<1792xi32, #tpu.memory_space<vmem>>[vector<16xi32>], vector<16xi32>,
      %gather3A_2589 = tpu.vector_load_idx %arg9[%get3A_2583] : memref<1792xi32, #tpu.memory_space<vmem>>[vector<16xi32>], vector<16xi32>,
      %gather3A_2590 = tpu.vector_load_idx %arg9[%get3A_2585] : memref<1792xi32, #tpu.memory_space<vmem>>[vector<16xi32>], vector<16xi32>,
      %gather3A_2591 = tpu.vector_load_idx %arg9[%get3A_2587] : memref<1792xi32, #tpu.memory_space<vmem>>[vector<16xi32>], vector<16xi32>,
      %gather3A_2592 = tpu.vector_load_idx %arg7[%gather3A_2588] : memref<256xf32, #tpu.memory_space<vmem>>[vector<16xi32>], vector<16xf32>,
      %gather3A_2593 = tpu.vector_load_idx %arg7[%gather3A_2589] : memref<256xf32, #tpu.memory_space<vmem>>[vector<16xi32>], vector<16xf32>,
      %gather3A_2594 = tpu.vector_load_idx %arg7[%gather3A_2590] : memref<256xf32, #tpu.memory_space<vmem>>[vector<16xi32>], vector<16xf32>,
      %gather3A_2595 = tpu.vector_load_idx %arg7[%gather3A_2591] : memref<256xf32, #tpu.memory_space<vmem>>[vector<16xi32>], vector<16xf32>,
      %add3A_2596 = arith.addf %add3A_2576, %gather3A_2592 : vector<16xf32>
      %add3A_2597 = arith.addf %add3A_2577, %gather3A_2593 : vector<16xf32>
      %add3A_2598 = arith.addf %add3A_2578, %gather3A_2594 : vector<16xf32>
      %add3A_2599 = arith.addf %add3A_2579, %gather3A_2595 : vector<16xf32>
      %get3A_2600 = arith.constant 144 : index
      %get3A_2601 = tpu.vector_load %arg8[%get3A_2600] {strides = array<i32>} : memref<832xi32, #tpu.memory_space<vmem>>, vector<16xi32>,
      %get3A_2602 = arith.constant 352 : index
      %get3A_2603 = tpu.vector_load %arg8[%get3A_2602] {strides = array<i32>} : memref<832xi32, #tpu.memory_space<vmem>>, vector<16xi32>,
      %get3A_2604 = arith.constant 560 : index
      %get3A_2605 = tpu.vector_load %arg8[%get3A_2604] {strides = array<i32>} : memref<832xi32, #tpu.memory_space<vmem>>, vector<16xi32>,
      %get3A_2606 = arith.constant 768 : index
      %get3A_2607 = tpu.vector_load %arg8[%get3A_2606] {strides = array<i32>} : memref<832xi32, #tpu.memory_space<vmem>>, vector<16xi32>,
      %gather3A_2608 = tpu.vector_load_idx %arg9[%get3A_2601] : memref<1792xi32, #tpu.memory_space<vmem>>[vector<16xi32>], vector<16xi32>,
      %gather3A_2609 = tpu.vector_load_idx %arg9[%get3A_2603] : memref<1792xi32, #tpu.memory_space<vmem>>[vector<16xi32>], vector<16xi32>,
      %gather3A_2610 = tpu.vector_load_idx %arg9[%get3A_2605] : memref<1792xi32, #tpu.memory_space<vmem>>[vector<16xi32>], vector<16xi32>,
      %gather3A_2611 = tpu.vector_load_idx %arg9[%get3A_2607] : memref<1792xi32, #tpu.memory_space<vmem>>[vector<16xi32>], vector<16xi32>,
      %gather3A_2612 = tpu.vector_load_idx %arg7[%gather3A_2608] : memref<256xf32, #tpu.memory_space<vmem>>[vector<16xi32>], vector<16xf32>,
      %gather3A_2613 = tpu.vector_load_idx %arg7[%gather3A_2609] : memref<256xf32, #tpu.memory_space<vmem>>[vector<16xi32>], vector<16xf32>,
      %gather3A_2614 = tpu.vector_load_idx %arg7[%gather3A_2610] : memref<256xf32, #tpu.memory_space<vmem>>[vector<16xi32>], vector<16xf32>,
      %gather3A_2615 = tpu.vector_load_idx %arg7[%gather3A_2611] : memref<256xf32, #tpu.memory_space<vmem>>[vector<16xi32>], vector<16xf32>,
      %add3A_2616 = arith.addf %add3A_2596, %gather3A_2612 : vector<16xf32>
      %add3A_2617 = arith.addf %add3A_2597, %gather3A_2613 : vector<16xf32>
      %add3A_2618 = arith.addf %add3A_2598, %gather3A_2614 : vector<16xf32>
      %add3A_2619 = arith.addf %add3A_2599, %gather3A_2615 : vector<16xf32>
      %get3A_2620 = arith.constant 160 : index
      %get3A_2621 = tpu.vector_load %arg8[%get3A_2620] {strides = array<i32>} : memref<832xi32, #tpu.memory_space<vmem>>, vector<16xi32>,
      %get3A_2622 = arith.constant 368 : index
      %get3A_2623 = tpu.vector_load %arg8[%get3A_2622] {strides = array<i32>} : memref<832xi32, #tpu.memory_space<vmem>>, vector<16xi32>,
      %get3A_2624 = arith.constant 576 : index
      %get3A_2625 = tpu.vector_load %arg8[%get3A_2624] {strides = array<i32>} : memref<832xi32, #tpu.memory_space<vmem>>, vector<16xi32>,
      %get3A_2626 = arith.constant 784 : index
      %get3A_2627 = tpu.vector_load %arg8[%get3A_2626] {strides = array<i32>} : memref<832xi32, #tpu.memory_space<vmem>>, vector<16xi32>,
      %gather3A_2628 = tpu.vector_load_idx %arg9[%get3A_2621] : memref<1792xi32, #tpu.memory_space<vmem>>[vector<16xi32>], vector<16xi32>,
      %gather3A_2629 = tpu.vector_load_idx %arg9[%get3A_2623] : memref<1792xi32, #tpu.memory_space<vmem>>[vector<16xi32>], vector<16xi32>,
      %gather3A_2630 = tpu.vector_load_idx %arg9[%get3A_2625] : memref<1792xi32, #tpu.memory_space<vmem>>[vector<16xi32>], vector<16xi32>,
      %gather3A_2631 = tpu.vector_load_idx %arg9[%get3A_2627] : memref<1792xi32, #tpu.memory_space<vmem>>[vector<16xi32>], vector<16xi32>,
      %gather3A_2632 = tpu.vector_load_idx %arg7[%gather3A_2628] : memref<256xf32, #tpu.memory_space<vmem>>[vector<16xi32>], vector<16xf32>,
      %gather3A_2633 = tpu.vector_load_idx %arg7[%gather3A_2629] : memref<256xf32, #tpu.memory_space<vmem>>[vector<16xi32>], vector<16xf32>,
      %gather3A_2634 = tpu.vector_load_idx %arg7[%gather3A_2630] : memref<256xf32, #tpu.memory_space<vmem>>[vector<16xi32>], vector<16xf32>,
      %gather3A_2635 = tpu.vector_load_idx %arg7[%gather3A_2631] : memref<256xf32, #tpu.memory_space<vmem>>[vector<16xi32>], vector<16xf32>,
      %add3A_2636 = arith.addf %add3A_2616, %gather3A_2632 : vector<16xf32>
      %add3A_2637 = arith.addf %add3A_2617, %gather3A_2633 : vector<16xf32>
      %add3A_2638 = arith.addf %add3A_2618, %gather3A_2634 : vector<16xf32>
      %add3A_2639 = arith.addf %add3A_2619, %gather3A_2635 : vector<16xf32>
      %get3A_2640 = arith.constant 176 : index
      %get3A_2641 = tpu.vector_load %arg8[%get3A_2640] {strides = array<i32>} : memref<832xi32, #tpu.memory_space<vmem>>, vector<16xi32>,
      %get3A_2642 = arith.constant 384 : index
      %get3A_2643 = tpu.vector_load %arg8[%get3A_2642] {strides = array<i32>} : memref<832xi32, #tpu.memory_space<vmem>>, vector<16xi32>,
      %get3A_2644 = arith.constant 592 : index
      %get3A_2645 = tpu.vector_load %arg8[%get3A_2644] {strides = array<i32>} : memref<832xi32, #tpu.memory_space<vmem>>, vector<16xi32>,
      %get3A_2646 = arith.constant 800 : index
      %get3A_2647 = tpu.vector_load %arg8[%get3A_2646] {strides = array<i32>} : memref<832xi32, #tpu.memory_space<vmem>>, vector<16xi32>,
      %gather3A_2648 = tpu.vector_load_idx %arg9[%get3A_2641] : memref<1792xi32, #tpu.memory_space<vmem>>[vector<16xi32>], vector<16xi32>,
      %gather3A_2649 = tpu.vector_load_idx %arg9[%get3A_2643] : memref<1792xi32, #tpu.memory_space<vmem>>[vector<16xi32>], vector<16xi32>,
      %gather3A_2650 = tpu.vector_load_idx %arg9[%get3A_2645] : memref<1792xi32, #tpu.memory_space<vmem>>[vector<16xi32>], vector<16xi32>,
      %gather3A_2651 = tpu.vector_load_idx %arg9[%get3A_2647] : memref<1792xi32, #tpu.memory_space<vmem>>[vector<16xi32>], vector<16xi32>,
      %gather3A_2652 = tpu.vector_load_idx %arg7[%gather3A_2648] : memref<256xf32, #tpu.memory_space<vmem>>[vector<16xi32>], vector<16xf32>,
      %gather3A_2653 = tpu.vector_load_idx %arg7[%gather3A_2649] : memref<256xf32, #tpu.memory_space<vmem>>[vector<16xi32>], vector<16xf32>,
      %gather3A_2654 = tpu.vector_load_idx %arg7[%gather3A_2650] : memref<256xf32, #tpu.memory_space<vmem>>[vector<16xi32>], vector<16xf32>,
      %gather3A_2655 = tpu.vector_load_idx %arg7[%gather3A_2651] : memref<256xf32, #tpu.memory_space<vmem>>[vector<16xi32>], vector<16xf32>,
      %add3A_2656 = arith.addf %add3A_2636, %gather3A_2652 : vector<16xf32>
      %add3A_2657 = arith.addf %add3A_2637, %gather3A_2653 : vector<16xf32>
      %add3A_2658 = arith.addf %add3A_2638, %gather3A_2654 : vector<16xf32>
      %add3A_2659 = arith.addf %add3A_2639, %gather3A_2655 : vector<16xf32>
      %get3A_2660 = arith.constant 192 : index
      %get3A_2661 = tpu.vector_load %arg8[%get3A_2660] {strides = array<i32>} : memref<832xi32, #tpu.memory_space<vmem>>, vector<16xi32>,
      %get3A_2662 = arith.constant 400 : index
      %get3A_2663 = tpu.vector_load %arg8[%get3A_2662] {strides = array<i32>} : memref<832xi32, #tpu.memory_space<vmem>>, vector<16xi32>,
      %get3A_2664 = arith.constant 608 : index
      %get3A_2665 = tpu.vector_load %arg8[%get3A_2664] {strides = array<i32>} : memref<832xi32, #tpu.memory_space<vmem>>, vector<16xi32>,
      %get3A_2666 = arith.constant 816 : index
      %get3A_2667 = tpu.vector_load %arg8[%get3A_2666] {strides = array<i32>} : memref<832xi32, #tpu.memory_space<vmem>>, vector<16xi32>,
      %gather3A_2668 = tpu.vector_load_idx %arg9[%get3A_2661] masked %ge3A_1455 : memref<1792xi32, #tpu.memory_space<vmem>>[vector<16xi32>], vector<16xi32>, vector<16xi1>
      %gather3A_2669 = tpu.vector_load_idx %arg9[%get3A_2663] masked %ge3A_1455 : memref<1792xi32, #tpu.memory_space<vmem>>[vector<16xi32>], vector<16xi32>, vector<16xi1>
      %gather3A_2670 = tpu.vector_load_idx %arg9[%get3A_2665] masked %ge3A_1455 : memref<1792xi32, #tpu.memory_space<vmem>>[vector<16xi32>], vector<16xi32>, vector<16xi1>
      %gather3A_2671 = tpu.vector_load_idx %arg9[%get3A_2667] masked %ge3A_1455 : memref<1792xi32, #tpu.memory_space<vmem>>[vector<16xi32>], vector<16xi32>, vector<16xi1>
      %gather3A_2672 = tpu.vector_load_idx %arg7[%gather3A_2668] masked %ge3A_1455 : memref<256xf32, #tpu.memory_space<vmem>>[vector<16xi32>], vector<16xf32>, vector<16xi1>
      %gather3A_2673 = tpu.vector_load_idx %arg7[%gather3A_2669] masked %ge3A_1455 : memref<256xf32, #tpu.memory_space<vmem>>[vector<16xi32>], vector<16xf32>, vector<16xi1>
      %gather3A_2674 = tpu.vector_load_idx %arg7[%gather3A_2670] masked %ge3A_1455 : memref<256xf32, #tpu.memory_space<vmem>>[vector<16xi32>], vector<16xf32>, vector<16xi1>
      %gather3A_2675 = tpu.vector_load_idx %arg7[%gather3A_2671] masked %ge3A_1455 : memref<256xf32, #tpu.memory_space<vmem>>[vector<16xi32>], vector<16xf32>, vector<16xi1>
      %jit3A_2676 = arith.constant 0.000000e+00 : f32
      %broadcast_in_dim3A_2677 = vector.broadcast %jit3A_2676 : f32 to vector<16xf32>
      %select_n3A_2678 = arith.select %ge3A_1455, %gather3A_2672, %broadcast_in_dim3A_2677 : vector<16xi1>, vector<16xf32>
      %jit3A_2679 = arith.constant 0.000000e+00 : f32
      %broadcast_in_dim3A_2680 = vector.broadcast %jit3A_2679 : f32 to vector<16xf32>
      %select_n3A_2681 = arith.select %ge3A_1455, %gather3A_2673, %broadcast_in_dim3A_2680 : vector<16xi1>, vector<16xf32>
      %jit3A_2682 = arith.constant 0.000000e+00 : f32
      %broadcast_in_dim3A_2683 = vector.broadcast %jit3A_2682 : f32 to vector<16xf32>
      %select_n3A_2684 = arith.select %ge3A_1455, %gather3A_2674, %broadcast_in_dim3A_2683 : vector<16xi1>, vector<16xf32>
      %jit3A_2685 = arith.constant 0.000000e+00 : f32
      %broadcast_in_dim3A_2686 = vector.broadcast %jit3A_2685 : f32 to vector<16xf32>
      %select_n3A_2687 = arith.select %ge3A_1455, %gather3A_2675, %broadcast_in_dim3A_2686 : vector<16xi1>, vector<16xf32>
      %add3A_2688 = arith.addf %add3A_2656, %select_n3A_2678 : vector<16xf32>
      %add3A_2689 = arith.addf %add3A_2657, %select_n3A_2681 : vector<16xf32>
      %add3A_2690 = arith.addf %add3A_2658, %select_n3A_2684 : vector<16xf32>
      %add3A_2691 = arith.addf %add3A_2659, %select_n3A_2687 : vector<16xf32>
      %swap3A_2692 = arith.constant 0 : index
      %swap3A_2693 = tpu.vector_load %arg9[%swap3A_2692] {strides = array<i32>} : memref<1792xi32, #tpu.memory_space<vmem>>, vector<16xi32>,
      tpu.vector_store %arg9[%swap3A_2692], %broadcast_in_dim3A_3 {strides = array<i32>} : memref<1792xi32, #tpu.memory_space<vmem>>, vector<16xi32>,
      %swap3A_2694 = arith.constant 16 : index
      %swap3A_2695 = tpu.vector_load %arg9[%swap3A_2694] {strides = array<i32>} : memref<1792xi32, #tpu.memory_space<vmem>>, vector<16xi32>,
      tpu.vector_store %arg9[%swap3A_2694], %broadcast_in_dim3A_3 {strides = array<i32>} : memref<1792xi32, #tpu.memory_space<vmem>>, vector<16xi32>,
      %swap3A_2696 = arith.constant 32 : index
      %swap3A_2697 = tpu.vector_load %arg9[%swap3A_2696] {strides = array<i32>} : memref<1792xi32, #tpu.memory_space<vmem>>, vector<16xi32>,
      tpu.vector_store %arg9[%swap3A_2696], %broadcast_in_dim3A_3 {strides = array<i32>} : memref<1792xi32, #tpu.memory_space<vmem>>, vector<16xi32>,
      %swap3A_2698 = arith.constant 48 : index
      %swap3A_2699 = tpu.vector_load %arg9[%swap3A_2698] {strides = array<i32>} : memref<1792xi32, #tpu.memory_space<vmem>>, vector<16xi32>,
      tpu.vector_store %arg9[%swap3A_2698], %broadcast_in_dim3A_3 {strides = array<i32>} : memref<1792xi32, #tpu.memory_space<vmem>>, vector<16xi32>,
      %swap3A_2700 = arith.constant 64 : index
      %swap3A_2701 = tpu.vector_load %arg9[%swap3A_2700] {strides = array<i32>} : memref<1792xi32, #tpu.memory_space<vmem>>, vector<16xi32>,
      tpu.vector_store %arg9[%swap3A_2700], %broadcast_in_dim3A_3 {strides = array<i32>} : memref<1792xi32, #tpu.memory_space<vmem>>, vector<16xi32>,
      %swap3A_2702 = arith.constant 80 : index
      %swap3A_2703 = tpu.vector_load %arg9[%swap3A_2702] {strides = array<i32>} : memref<1792xi32, #tpu.memory_space<vmem>>, vector<16xi32>,
      tpu.vector_store %arg9[%swap3A_2702], %broadcast_in_dim3A_3 {strides = array<i32>} : memref<1792xi32, #tpu.memory_space<vmem>>, vector<16xi32>,
      %swap3A_2704 = arith.constant 96 : index
      %swap3A_2705 = tpu.vector_load %arg9[%swap3A_2704] {strides = array<i32>} : memref<1792xi32, #tpu.memory_space<vmem>>, vector<16xi32>,
      tpu.vector_store %arg9[%swap3A_2704], %broadcast_in_dim3A_3 {strides = array<i32>} : memref<1792xi32, #tpu.memory_space<vmem>>, vector<16xi32>,
      %swap3A_2706 = arith.constant 112 : index
      %swap3A_2707 = tpu.vector_load %arg9[%swap3A_2706] {strides = array<i32>} : memref<1792xi32, #tpu.memory_space<vmem>>, vector<16xi32>,
      tpu.vector_store %arg9[%swap3A_2706], %broadcast_in_dim3A_3 {strides = array<i32>} : memref<1792xi32, #tpu.memory_space<vmem>>, vector<16xi32>,
      %swap3A_2708 = arith.constant 128 : index
      %swap3A_2709 = tpu.vector_load %arg9[%swap3A_2708] {strides = array<i32>} : memref<1792xi32, #tpu.memory_space<vmem>>, vector<16xi32>,
      tpu.vector_store %arg9[%swap3A_2708], %broadcast_in_dim3A_3 {strides = array<i32>} : memref<1792xi32, #tpu.memory_space<vmem>>, vector<16xi32>,
      %swap3A_2710 = arith.constant 144 : index
      %swap3A_2711 = tpu.vector_load %arg9[%swap3A_2710] {strides = array<i32>} : memref<1792xi32, #tpu.memory_space<vmem>>, vector<16xi32>,
      tpu.vector_store %arg9[%swap3A_2710], %broadcast_in_dim3A_3 {strides = array<i32>} : memref<1792xi32, #tpu.memory_space<vmem>>, vector<16xi32>,
      %swap3A_2712 = arith.constant 160 : index
      %swap3A_2713 = tpu.vector_load %arg9[%swap3A_2712] {strides = array<i32>} : memref<1792xi32, #tpu.memory_space<vmem>>, vector<16xi32>,
      tpu.vector_store %arg9[%swap3A_2712], %broadcast_in_dim3A_3 {strides = array<i32>} : memref<1792xi32, #tpu.memory_space<vmem>>, vector<16xi32>,
      %swap3A_2714 = arith.constant 176 : index
      %swap3A_2715 = tpu.vector_load %arg9[%swap3A_2714] {strides = array<i32>} : memref<1792xi32, #tpu.memory_space<vmem>>, vector<16xi32>,
      tpu.vector_store %arg9[%swap3A_2714], %broadcast_in_dim3A_3 {strides = array<i32>} : memref<1792xi32, #tpu.memory_space<vmem>>, vector<16xi32>,
      %swap3A_2716 = arith.constant 192 : index
      %swap3A_2717 = tpu.vector_load %arg9[%swap3A_2716] {strides = array<i32>} : memref<1792xi32, #tpu.memory_space<vmem>>, vector<16xi32>,
      tpu.vector_store %arg9[%swap3A_2716], %broadcast_in_dim3A_3 {strides = array<i32>} : memref<1792xi32, #tpu.memory_space<vmem>>, vector<16xi32>,
      %swap3A_2718 = arith.constant 208 : index
      %swap3A_2719 = tpu.vector_load %arg9[%swap3A_2718] {strides = array<i32>} : memref<1792xi32, #tpu.memory_space<vmem>>, vector<16xi32>,
      tpu.vector_store %arg9[%swap3A_2718], %broadcast_in_dim3A_3 {strides = array<i32>} : memref<1792xi32, #tpu.memory_space<vmem>>, vector<16xi32>,
      %swap3A_2720 = arith.constant 224 : index
      %swap3A_2721 = tpu.vector_load %arg9[%swap3A_2720] {strides = array<i32>} : memref<1792xi32, #tpu.memory_space<vmem>>, vector<16xi32>,
      tpu.vector_store %arg9[%swap3A_2720], %broadcast_in_dim3A_3 {strides = array<i32>} : memref<1792xi32, #tpu.memory_space<vmem>>, vector<16xi32>,
      %swap3A_2722 = arith.constant 240 : index
      %swap3A_2723 = tpu.vector_load %arg9[%swap3A_2722] {strides = array<i32>} : memref<1792xi32, #tpu.memory_space<vmem>>, vector<16xi32>,
      tpu.vector_store %arg9[%swap3A_2722], %broadcast_in_dim3A_3 {strides = array<i32>} : memref<1792xi32, #tpu.memory_space<vmem>>, vector<16xi32>,
      %swap3A_2724 = arith.constant 256 : index
      %swap3A_2725 = tpu.vector_load %arg9[%swap3A_2724] {strides = array<i32>} : memref<1792xi32, #tpu.memory_space<vmem>>, vector<16xi32>,
      tpu.vector_store %arg9[%swap3A_2724], %broadcast_in_dim3A_3 {strides = array<i32>} : memref<1792xi32, #tpu.memory_space<vmem>>, vector<16xi32>,
      %swap3A_2726 = arith.constant 272 : index
      %swap3A_2727 = tpu.vector_load %arg9[%swap3A_2726] {strides = array<i32>} : memref<1792xi32, #tpu.memory_space<vmem>>, vector<16xi32>,
      tpu.vector_store %arg9[%swap3A_2726], %broadcast_in_dim3A_3 {strides = array<i32>} : memref<1792xi32, #tpu.memory_space<vmem>>, vector<16xi32>,
      %swap3A_2728 = arith.constant 288 : index
      %swap3A_2729 = tpu.vector_load %arg9[%swap3A_2728] {strides = array<i32>} : memref<1792xi32, #tpu.memory_space<vmem>>, vector<16xi32>,
      tpu.vector_store %arg9[%swap3A_2728], %broadcast_in_dim3A_3 {strides = array<i32>} : memref<1792xi32, #tpu.memory_space<vmem>>, vector<16xi32>,
      %swap3A_2730 = arith.constant 304 : index
      %swap3A_2731 = tpu.vector_load %arg9[%swap3A_2730] {strides = array<i32>} : memref<1792xi32, #tpu.memory_space<vmem>>, vector<16xi32>,
      tpu.vector_store %arg9[%swap3A_2730], %broadcast_in_dim3A_3 {strides = array<i32>} : memref<1792xi32, #tpu.memory_space<vmem>>, vector<16xi32>,
      %swap3A_2732 = arith.constant 320 : index
      %swap3A_2733 = tpu.vector_load %arg9[%swap3A_2732] {strides = array<i32>} : memref<1792xi32, #tpu.memory_space<vmem>>, vector<16xi32>,
      tpu.vector_store %arg9[%swap3A_2732], %broadcast_in_dim3A_3 {strides = array<i32>} : memref<1792xi32, #tpu.memory_space<vmem>>, vector<16xi32>,
      %swap3A_2734 = arith.constant 336 : index
      %swap3A_2735 = tpu.vector_load %arg9[%swap3A_2734] {strides = array<i32>} : memref<1792xi32, #tpu.memory_space<vmem>>, vector<16xi32>,
      tpu.vector_store %arg9[%swap3A_2734], %broadcast_in_dim3A_3 {strides = array<i32>} : memref<1792xi32, #tpu.memory_space<vmem>>, vector<16xi32>,
      %swap3A_2736 = arith.constant 352 : index
      %swap3A_2737 = tpu.vector_load %arg9[%swap3A_2736] {strides = array<i32>} : memref<1792xi32, #tpu.memory_space<vmem>>, vector<16xi32>,
      tpu.vector_store %arg9[%swap3A_2736], %broadcast_in_dim3A_3 {strides = array<i32>} : memref<1792xi32, #tpu.memory_space<vmem>>, vector<16xi32>,
      %swap3A_2738 = arith.constant 368 : index
      %swap3A_2739 = tpu.vector_load %arg9[%swap3A_2738] {strides = array<i32>} : memref<1792xi32, #tpu.memory_space<vmem>>, vector<16xi32>,
      tpu.vector_store %arg9[%swap3A_2738], %broadcast_in_dim3A_3 {strides = array<i32>} : memref<1792xi32, #tpu.memory_space<vmem>>, vector<16xi32>,
      %swap3A_2740 = arith.constant 384 : index
      %swap3A_2741 = tpu.vector_load %arg9[%swap3A_2740] {strides = array<i32>} : memref<1792xi32, #tpu.memory_space<vmem>>, vector<16xi32>,
      tpu.vector_store %arg9[%swap3A_2740], %broadcast_in_dim3A_3 {strides = array<i32>} : memref<1792xi32, #tpu.memory_space<vmem>>, vector<16xi32>,
      %swap3A_2742 = arith.constant 400 : index
      %swap3A_2743 = tpu.vector_load %arg9[%swap3A_2742] {strides = array<i32>} : memref<1792xi32, #tpu.memory_space<vmem>>, vector<16xi32>,
      tpu.vector_store %arg9[%swap3A_2742], %broadcast_in_dim3A_3 {strides = array<i32>} : memref<1792xi32, #tpu.memory_space<vmem>>, vector<16xi32>,
      %swap3A_2744 = arith.constant 416 : index
      %swap3A_2745 = tpu.vector_load %arg9[%swap3A_2744] {strides = array<i32>} : memref<1792xi32, #tpu.memory_space<vmem>>, vector<16xi32>,
      tpu.vector_store %arg9[%swap3A_2744], %broadcast_in_dim3A_3 {strides = array<i32>} : memref<1792xi32, #tpu.memory_space<vmem>>, vector<16xi32>,
      %swap3A_2746 = arith.constant 432 : index
      %swap3A_2747 = tpu.vector_load %arg9[%swap3A_2746] {strides = array<i32>} : memref<1792xi32, #tpu.memory_space<vmem>>, vector<16xi32>,
      tpu.vector_store %arg9[%swap3A_2746], %broadcast_in_dim3A_3 {strides = array<i32>} : memref<1792xi32, #tpu.memory_space<vmem>>, vector<16xi32>,
      %swap3A_2748 = arith.constant 448 : index
      %swap3A_2749 = tpu.vector_load %arg9[%swap3A_2748] {strides = array<i32>} : memref<1792xi32, #tpu.memory_space<vmem>>, vector<16xi32>,
      tpu.vector_store %arg9[%swap3A_2748], %broadcast_in_dim3A_3 {strides = array<i32>} : memref<1792xi32, #tpu.memory_space<vmem>>, vector<16xi32>,
      %swap3A_2750 = arith.constant 464 : index
      %swap3A_2751 = tpu.vector_load %arg9[%swap3A_2750] {strides = array<i32>} : memref<1792xi32, #tpu.memory_space<vmem>>, vector<16xi32>,
      tpu.vector_store %arg9[%swap3A_2750], %broadcast_in_dim3A_3 {strides = array<i32>} : memref<1792xi32, #tpu.memory_space<vmem>>, vector<16xi32>,
      %swap3A_2752 = arith.constant 480 : index
      %swap3A_2753 = tpu.vector_load %arg9[%swap3A_2752] {strides = array<i32>} : memref<1792xi32, #tpu.memory_space<vmem>>, vector<16xi32>,
      tpu.vector_store %arg9[%swap3A_2752], %broadcast_in_dim3A_3 {strides = array<i32>} : memref<1792xi32, #tpu.memory_space<vmem>>, vector<16xi32>,
      %swap3A_2754 = arith.constant 496 : index
      %swap3A_2755 = tpu.vector_load %arg9[%swap3A_2754] {strides = array<i32>} : memref<1792xi32, #tpu.memory_space<vmem>>, vector<16xi32>,
      tpu.vector_store %arg9[%swap3A_2754], %broadcast_in_dim3A_3 {strides = array<i32>} : memref<1792xi32, #tpu.memory_space<vmem>>, vector<16xi32>,
      %swap3A_2756 = arith.constant 512 : index
      %swap3A_2757 = tpu.vector_load %arg9[%swap3A_2756] {strides = array<i32>} : memref<1792xi32, #tpu.memory_space<vmem>>, vector<16xi32>,
      tpu.vector_store %arg9[%swap3A_2756], %broadcast_in_dim3A_3 {strides = array<i32>} : memref<1792xi32, #tpu.memory_space<vmem>>, vector<16xi32>,
      %swap3A_2758 = arith.constant 528 : index
      %swap3A_2759 = tpu.vector_load %arg9[%swap3A_2758] {strides = array<i32>} : memref<1792xi32, #tpu.memory_space<vmem>>, vector<16xi32>,
      tpu.vector_store %arg9[%swap3A_2758], %broadcast_in_dim3A_3 {strides = array<i32>} : memref<1792xi32, #tpu.memory_space<vmem>>, vector<16xi32>,
      %swap3A_2760 = arith.constant 544 : index
      %swap3A_2761 = tpu.vector_load %arg9[%swap3A_2760] {strides = array<i32>} : memref<1792xi32, #tpu.memory_space<vmem>>, vector<16xi32>,
      tpu.vector_store %arg9[%swap3A_2760], %broadcast_in_dim3A_3 {strides = array<i32>} : memref<1792xi32, #tpu.memory_space<vmem>>, vector<16xi32>,
      %swap3A_2762 = arith.constant 560 : index
      %swap3A_2763 = tpu.vector_load %arg9[%swap3A_2762] {strides = array<i32>} : memref<1792xi32, #tpu.memory_space<vmem>>, vector<16xi32>,
      tpu.vector_store %arg9[%swap3A_2762], %broadcast_in_dim3A_3 {strides = array<i32>} : memref<1792xi32, #tpu.memory_space<vmem>>, vector<16xi32>,
      %swap3A_2764 = arith.constant 576 : index
      %swap3A_2765 = tpu.vector_load %arg9[%swap3A_2764] {strides = array<i32>} : memref<1792xi32, #tpu.memory_space<vmem>>, vector<16xi32>,
      tpu.vector_store %arg9[%swap3A_2764], %broadcast_in_dim3A_3 {strides = array<i32>} : memref<1792xi32, #tpu.memory_space<vmem>>, vector<16xi32>,
      %swap3A_2766 = arith.constant 592 : index
      %swap3A_2767 = tpu.vector_load %arg9[%swap3A_2766] {strides = array<i32>} : memref<1792xi32, #tpu.memory_space<vmem>>, vector<16xi32>,
      tpu.vector_store %arg9[%swap3A_2766], %broadcast_in_dim3A_3 {strides = array<i32>} : memref<1792xi32, #tpu.memory_space<vmem>>, vector<16xi32>,
      %swap3A_2768 = arith.constant 608 : index
      %swap3A_2769 = tpu.vector_load %arg9[%swap3A_2768] {strides = array<i32>} : memref<1792xi32, #tpu.memory_space<vmem>>, vector<16xi32>,
      tpu.vector_store %arg9[%swap3A_2768], %broadcast_in_dim3A_3 {strides = array<i32>} : memref<1792xi32, #tpu.memory_space<vmem>>, vector<16xi32>,
      %swap3A_2770 = arith.constant 624 : index
      %swap3A_2771 = tpu.vector_load %arg9[%swap3A_2770] {strides = array<i32>} : memref<1792xi32, #tpu.memory_space<vmem>>, vector<16xi32>,
      tpu.vector_store %arg9[%swap3A_2770], %broadcast_in_dim3A_3 {strides = array<i32>} : memref<1792xi32, #tpu.memory_space<vmem>>, vector<16xi32>,
      %swap3A_2772 = arith.constant 640 : index
      %swap3A_2773 = tpu.vector_load %arg9[%swap3A_2772] {strides = array<i32>} : memref<1792xi32, #tpu.memory_space<vmem>>, vector<16xi32>,
      tpu.vector_store %arg9[%swap3A_2772], %broadcast_in_dim3A_3 {strides = array<i32>} : memref<1792xi32, #tpu.memory_space<vmem>>, vector<16xi32>,
      %swap3A_2774 = arith.constant 656 : index
      %swap3A_2775 = tpu.vector_load %arg9[%swap3A_2774] {strides = array<i32>} : memref<1792xi32, #tpu.memory_space<vmem>>, vector<16xi32>,
      tpu.vector_store %arg9[%swap3A_2774], %broadcast_in_dim3A_3 {strides = array<i32>} : memref<1792xi32, #tpu.memory_space<vmem>>, vector<16xi32>,
      %swap3A_2776 = arith.constant 672 : index
      %swap3A_2777 = tpu.vector_load %arg9[%swap3A_2776] {strides = array<i32>} : memref<1792xi32, #tpu.memory_space<vmem>>, vector<16xi32>,
      tpu.vector_store %arg9[%swap3A_2776], %broadcast_in_dim3A_3 {strides = array<i32>} : memref<1792xi32, #tpu.memory_space<vmem>>, vector<16xi32>,
      %swap3A_2778 = arith.constant 688 : index
      %swap3A_2779 = tpu.vector_load %arg9[%swap3A_2778] {strides = array<i32>} : memref<1792xi32, #tpu.memory_space<vmem>>, vector<16xi32>,
      tpu.vector_store %arg9[%swap3A_2778], %broadcast_in_dim3A_3 {strides = array<i32>} : memref<1792xi32, #tpu.memory_space<vmem>>, vector<16xi32>,
      %swap3A_2780 = arith.constant 704 : index
      %swap3A_2781 = tpu.vector_load %arg9[%swap3A_2780] {strides = array<i32>} : memref<1792xi32, #tpu.memory_space<vmem>>, vector<16xi32>,
      tpu.vector_store %arg9[%swap3A_2780], %broadcast_in_dim3A_3 {strides = array<i32>} : memref<1792xi32, #tpu.memory_space<vmem>>, vector<16xi32>,
      %swap3A_2782 = arith.constant 720 : index
      %swap3A_2783 = tpu.vector_load %arg9[%swap3A_2782] {strides = array<i32>} : memref<1792xi32, #tpu.memory_space<vmem>>, vector<16xi32>,
      tpu.vector_store %arg9[%swap3A_2782], %broadcast_in_dim3A_3 {strides = array<i32>} : memref<1792xi32, #tpu.memory_space<vmem>>, vector<16xi32>,
      %swap3A_2784 = arith.constant 736 : index
      %swap3A_2785 = tpu.vector_load %arg9[%swap3A_2784] {strides = array<i32>} : memref<1792xi32, #tpu.memory_space<vmem>>, vector<16xi32>,
      tpu.vector_store %arg9[%swap3A_2784], %broadcast_in_dim3A_3 {strides = array<i32>} : memref<1792xi32, #tpu.memory_space<vmem>>, vector<16xi32>,
      %swap3A_2786 = arith.constant 752 : index
      %swap3A_2787 = tpu.vector_load %arg9[%swap3A_2786] {strides = array<i32>} : memref<1792xi32, #tpu.memory_space<vmem>>, vector<16xi32>,
      tpu.vector_store %arg9[%swap3A_2786], %broadcast_in_dim3A_3 {strides = array<i32>} : memref<1792xi32, #tpu.memory_space<vmem>>, vector<16xi32>,
      %swap3A_2788 = arith.constant 768 : index
      %swap3A_2789 = tpu.vector_load %arg9[%swap3A_2788] {strides = array<i32>} : memref<1792xi32, #tpu.memory_space<vmem>>, vector<16xi32>,
      tpu.vector_store %arg9[%swap3A_2788], %broadcast_in_dim3A_3 {strides = array<i32>} : memref<1792xi32, #tpu.memory_space<vmem>>, vector<16xi32>,
      %swap3A_2790 = arith.constant 784 : index
      %swap3A_2791 = tpu.vector_load %arg9[%swap3A_2790] {strides = array<i32>} : memref<1792xi32, #tpu.memory_space<vmem>>, vector<16xi32>,
      tpu.vector_store %arg9[%swap3A_2790], %broadcast_in_dim3A_3 {strides = array<i32>} : memref<1792xi32, #tpu.memory_space<vmem>>, vector<16xi32>,
      %swap3A_2792 = arith.constant 800 : index
      %swap3A_2793 = tpu.vector_load %arg9[%swap3A_2792] {strides = array<i32>} : memref<1792xi32, #tpu.memory_space<vmem>>, vector<16xi32>,
      tpu.vector_store %arg9[%swap3A_2792], %broadcast_in_dim3A_3 {strides = array<i32>} : memref<1792xi32, #tpu.memory_space<vmem>>, vector<16xi32>,
      %swap3A_2794 = arith.constant 816 : index
      %swap3A_2795 = tpu.vector_load %arg9[%swap3A_2794] {strides = array<i32>} : memref<1792xi32, #tpu.memory_space<vmem>>, vector<16xi32>,
      tpu.vector_store %arg9[%swap3A_2794], %broadcast_in_dim3A_3 {strides = array<i32>} : memref<1792xi32, #tpu.memory_space<vmem>>, vector<16xi32>,
      %swap3A_2796 = arith.constant 832 : index
      %swap3A_2797 = tpu.vector_load %arg9[%swap3A_2796] {strides = array<i32>} : memref<1792xi32, #tpu.memory_space<vmem>>, vector<16xi32>,
      tpu.vector_store %arg9[%swap3A_2796], %broadcast_in_dim3A_3 {strides = array<i32>} : memref<1792xi32, #tpu.memory_space<vmem>>, vector<16xi32>,
      %swap3A_2798 = arith.constant 848 : index
      %swap3A_2799 = tpu.vector_load %arg9[%swap3A_2798] {strides = array<i32>} : memref<1792xi32, #tpu.memory_space<vmem>>, vector<16xi32>,
      tpu.vector_store %arg9[%swap3A_2798], %broadcast_in_dim3A_3 {strides = array<i32>} : memref<1792xi32, #tpu.memory_space<vmem>>, vector<16xi32>,
      %swap3A_2800 = arith.constant 864 : index
      %swap3A_2801 = tpu.vector_load %arg9[%swap3A_2800] {strides = array<i32>} : memref<1792xi32, #tpu.memory_space<vmem>>, vector<16xi32>,
      tpu.vector_store %arg9[%swap3A_2800], %broadcast_in_dim3A_3 {strides = array<i32>} : memref<1792xi32, #tpu.memory_space<vmem>>, vector<16xi32>,
      %swap3A_2802 = arith.constant 880 : index
      %swap3A_2803 = tpu.vector_load %arg9[%swap3A_2802] {strides = array<i32>} : memref<1792xi32, #tpu.memory_space<vmem>>, vector<16xi32>,
      tpu.vector_store %arg9[%swap3A_2802], %broadcast_in_dim3A_3 {strides = array<i32>} : memref<1792xi32, #tpu.memory_space<vmem>>, vector<16xi32>,
      %swap3A_2804 = arith.constant 896 : index
      %swap3A_2805 = tpu.vector_load %arg9[%swap3A_2804] {strides = array<i32>} : memref<1792xi32, #tpu.memory_space<vmem>>, vector<16xi32>,
      tpu.vector_store %arg9[%swap3A_2804], %broadcast_in_dim3A_3 {strides = array<i32>} : memref<1792xi32, #tpu.memory_space<vmem>>, vector<16xi32>,
      %swap3A_2806 = arith.constant 912 : index
      %swap3A_2807 = tpu.vector_load %arg9[%swap3A_2806] {strides = array<i32>} : memref<1792xi32, #tpu.memory_space<vmem>>, vector<16xi32>,
      tpu.vector_store %arg9[%swap3A_2806], %broadcast_in_dim3A_3 {strides = array<i32>} : memref<1792xi32, #tpu.memory_space<vmem>>, vector<16xi32>,
      %swap3A_2808 = arith.constant 928 : index
      %swap3A_2809 = tpu.vector_load %arg9[%swap3A_2808] {strides = array<i32>} : memref<1792xi32, #tpu.memory_space<vmem>>, vector<16xi32>,
      tpu.vector_store %arg9[%swap3A_2808], %broadcast_in_dim3A_3 {strides = array<i32>} : memref<1792xi32, #tpu.memory_space<vmem>>, vector<16xi32>,
      %swap3A_2810 = arith.constant 944 : index
      %swap3A_2811 = tpu.vector_load %arg9[%swap3A_2810] {strides = array<i32>} : memref<1792xi32, #tpu.memory_space<vmem>>, vector<16xi32>,
      tpu.vector_store %arg9[%swap3A_2810], %broadcast_in_dim3A_3 {strides = array<i32>} : memref<1792xi32, #tpu.memory_space<vmem>>, vector<16xi32>,
      %swap3A_2812 = arith.constant 960 : index
      %swap3A_2813 = tpu.vector_load %arg9[%swap3A_2812] {strides = array<i32>} : memref<1792xi32, #tpu.memory_space<vmem>>, vector<16xi32>,
      tpu.vector_store %arg9[%swap3A_2812], %broadcast_in_dim3A_3 {strides = array<i32>} : memref<1792xi32, #tpu.memory_space<vmem>>, vector<16xi32>,
      %swap3A_2814 = arith.constant 976 : index
      %swap3A_2815 = tpu.vector_load %arg9[%swap3A_2814] {strides = array<i32>} : memref<1792xi32, #tpu.memory_space<vmem>>, vector<16xi32>,
      tpu.vector_store %arg9[%swap3A_2814], %broadcast_in_dim3A_3 {strides = array<i32>} : memref<1792xi32, #tpu.memory_space<vmem>>, vector<16xi32>,
      %swap3A_2816 = arith.constant 992 : index
      %swap3A_2817 = tpu.vector_load %arg9[%swap3A_2816] {strides = array<i32>} : memref<1792xi32, #tpu.memory_space<vmem>>, vector<16xi32>,
      tpu.vector_store %arg9[%swap3A_2816], %broadcast_in_dim3A_3 {strides = array<i32>} : memref<1792xi32, #tpu.memory_space<vmem>>, vector<16xi32>,
      %swap3A_2818 = arith.constant 1008 : index
      %swap3A_2819 = tpu.vector_load %arg9[%swap3A_2818] {strides = array<i32>} : memref<1792xi32, #tpu.memory_space<vmem>>, vector<16xi32>,
      tpu.vector_store %arg9[%swap3A_2818], %broadcast_in_dim3A_3 {strides = array<i32>} : memref<1792xi32, #tpu.memory_space<vmem>>, vector<16xi32>,
      %swap3A_2820 = arith.constant 1024 : index
      %swap3A_2821 = tpu.vector_load %arg9[%swap3A_2820] {strides = array<i32>} : memref<1792xi32, #tpu.memory_space<vmem>>, vector<16xi32>,
      tpu.vector_store %arg9[%swap3A_2820], %broadcast_in_dim3A_3 {strides = array<i32>} : memref<1792xi32, #tpu.memory_space<vmem>>, vector<16xi32>,
      %swap3A_2822 = arith.constant 1040 : index
      %swap3A_2823 = tpu.vector_load %arg9[%swap3A_2822] {strides = array<i32>} : memref<1792xi32, #tpu.memory_space<vmem>>, vector<16xi32>,
      tpu.vector_store %arg9[%swap3A_2822], %broadcast_in_dim3A_3 {strides = array<i32>} : memref<1792xi32, #tpu.memory_space<vmem>>, vector<16xi32>,
      %swap3A_2824 = arith.constant 1056 : index
      %swap3A_2825 = tpu.vector_load %arg9[%swap3A_2824] {strides = array<i32>} : memref<1792xi32, #tpu.memory_space<vmem>>, vector<16xi32>,
      tpu.vector_store %arg9[%swap3A_2824], %broadcast_in_dim3A_3 {strides = array<i32>} : memref<1792xi32, #tpu.memory_space<vmem>>, vector<16xi32>,
      %swap3A_2826 = arith.constant 1072 : index
      %swap3A_2827 = tpu.vector_load %arg9[%swap3A_2826] {strides = array<i32>} : memref<1792xi32, #tpu.memory_space<vmem>>, vector<16xi32>,
      tpu.vector_store %arg9[%swap3A_2826], %broadcast_in_dim3A_3 {strides = array<i32>} : memref<1792xi32, #tpu.memory_space<vmem>>, vector<16xi32>,
      %swap3A_2828 = arith.constant 1088 : index
      %swap3A_2829 = tpu.vector_load %arg9[%swap3A_2828] {strides = array<i32>} : memref<1792xi32, #tpu.memory_space<vmem>>, vector<16xi32>,
      tpu.vector_store %arg9[%swap3A_2828], %broadcast_in_dim3A_3 {strides = array<i32>} : memref<1792xi32, #tpu.memory_space<vmem>>, vector<16xi32>,
      %swap3A_2830 = arith.constant 1104 : index
      %swap3A_2831 = tpu.vector_load %arg9[%swap3A_2830] {strides = array<i32>} : memref<1792xi32, #tpu.memory_space<vmem>>, vector<16xi32>,
      tpu.vector_store %arg9[%swap3A_2830], %broadcast_in_dim3A_3 {strides = array<i32>} : memref<1792xi32, #tpu.memory_space<vmem>>, vector<16xi32>,
      %swap3A_2832 = arith.constant 1120 : index
      %swap3A_2833 = tpu.vector_load %arg9[%swap3A_2832] {strides = array<i32>} : memref<1792xi32, #tpu.memory_space<vmem>>, vector<16xi32>,
      tpu.vector_store %arg9[%swap3A_2832], %broadcast_in_dim3A_3 {strides = array<i32>} : memref<1792xi32, #tpu.memory_space<vmem>>, vector<16xi32>,
      %swap3A_2834 = arith.constant 1136 : index
      %swap3A_2835 = tpu.vector_load %arg9[%swap3A_2834] {strides = array<i32>} : memref<1792xi32, #tpu.memory_space<vmem>>, vector<16xi32>,
      tpu.vector_store %arg9[%swap3A_2834], %broadcast_in_dim3A_3 {strides = array<i32>} : memref<1792xi32, #tpu.memory_space<vmem>>, vector<16xi32>,
      %swap3A_2836 = arith.constant 1152 : index
      %swap3A_2837 = tpu.vector_load %arg9[%swap3A_2836] {strides = array<i32>} : memref<1792xi32, #tpu.memory_space<vmem>>, vector<16xi32>,
      tpu.vector_store %arg9[%swap3A_2836], %broadcast_in_dim3A_3 {strides = array<i32>} : memref<1792xi32, #tpu.memory_space<vmem>>, vector<16xi32>,
      %swap3A_2838 = arith.constant 1168 : index
      %swap3A_2839 = tpu.vector_load %arg9[%swap3A_2838] {strides = array<i32>} : memref<1792xi32, #tpu.memory_space<vmem>>, vector<16xi32>,
      tpu.vector_store %arg9[%swap3A_2838], %broadcast_in_dim3A_3 {strides = array<i32>} : memref<1792xi32, #tpu.memory_space<vmem>>, vector<16xi32>,
      %swap3A_2840 = arith.constant 1184 : index
      %swap3A_2841 = tpu.vector_load %arg9[%swap3A_2840] {strides = array<i32>} : memref<1792xi32, #tpu.memory_space<vmem>>, vector<16xi32>,
      tpu.vector_store %arg9[%swap3A_2840], %broadcast_in_dim3A_3 {strides = array<i32>} : memref<1792xi32, #tpu.memory_space<vmem>>, vector<16xi32>,
      %swap3A_2842 = arith.constant 1200 : index
      %swap3A_2843 = tpu.vector_load %arg9[%swap3A_2842] {strides = array<i32>} : memref<1792xi32, #tpu.memory_space<vmem>>, vector<16xi32>,
      tpu.vector_store %arg9[%swap3A_2842], %broadcast_in_dim3A_3 {strides = array<i32>} : memref<1792xi32, #tpu.memory_space<vmem>>, vector<16xi32>,
      %swap3A_2844 = arith.constant 1216 : index
      %swap3A_2845 = tpu.vector_load %arg9[%swap3A_2844] {strides = array<i32>} : memref<1792xi32, #tpu.memory_space<vmem>>, vector<16xi32>,
      tpu.vector_store %arg9[%swap3A_2844], %broadcast_in_dim3A_3 {strides = array<i32>} : memref<1792xi32, #tpu.memory_space<vmem>>, vector<16xi32>,
      %swap3A_2846 = arith.constant 1232 : index
      %swap3A_2847 = tpu.vector_load %arg9[%swap3A_2846] {strides = array<i32>} : memref<1792xi32, #tpu.memory_space<vmem>>, vector<16xi32>,
      tpu.vector_store %arg9[%swap3A_2846], %broadcast_in_dim3A_3 {strides = array<i32>} : memref<1792xi32, #tpu.memory_space<vmem>>, vector<16xi32>,
      %swap3A_2848 = arith.constant 1248 : index
      %swap3A_2849 = tpu.vector_load %arg9[%swap3A_2848] {strides = array<i32>} : memref<1792xi32, #tpu.memory_space<vmem>>, vector<16xi32>,
      tpu.vector_store %arg9[%swap3A_2848], %broadcast_in_dim3A_3 {strides = array<i32>} : memref<1792xi32, #tpu.memory_space<vmem>>, vector<16xi32>,
      %swap3A_2850 = arith.constant 1264 : index
      %swap3A_2851 = tpu.vector_load %arg9[%swap3A_2850] {strides = array<i32>} : memref<1792xi32, #tpu.memory_space<vmem>>, vector<16xi32>,
      tpu.vector_store %arg9[%swap3A_2850], %broadcast_in_dim3A_3 {strides = array<i32>} : memref<1792xi32, #tpu.memory_space<vmem>>, vector<16xi32>,
      %swap3A_2852 = arith.constant 1280 : index
      %swap3A_2853 = tpu.vector_load %arg9[%swap3A_2852] {strides = array<i32>} : memref<1792xi32, #tpu.memory_space<vmem>>, vector<16xi32>,
      tpu.vector_store %arg9[%swap3A_2852], %broadcast_in_dim3A_3 {strides = array<i32>} : memref<1792xi32, #tpu.memory_space<vmem>>, vector<16xi32>,
      %swap3A_2854 = arith.constant 1296 : index
      %swap3A_2855 = tpu.vector_load %arg9[%swap3A_2854] {strides = array<i32>} : memref<1792xi32, #tpu.memory_space<vmem>>, vector<16xi32>,
      tpu.vector_store %arg9[%swap3A_2854], %broadcast_in_dim3A_3 {strides = array<i32>} : memref<1792xi32, #tpu.memory_space<vmem>>, vector<16xi32>,
      %swap3A_2856 = arith.constant 1312 : index
      %swap3A_2857 = tpu.vector_load %arg9[%swap3A_2856] {strides = array<i32>} : memref<1792xi32, #tpu.memory_space<vmem>>, vector<16xi32>,
      tpu.vector_store %arg9[%swap3A_2856], %broadcast_in_dim3A_3 {strides = array<i32>} : memref<1792xi32, #tpu.memory_space<vmem>>, vector<16xi32>,
      %swap3A_2858 = arith.constant 1328 : index
      %swap3A_2859 = tpu.vector_load %arg9[%swap3A_2858] {strides = array<i32>} : memref<1792xi32, #tpu.memory_space<vmem>>, vector<16xi32>,
      tpu.vector_store %arg9[%swap3A_2858], %broadcast_in_dim3A_3 {strides = array<i32>} : memref<1792xi32, #tpu.memory_space<vmem>>, vector<16xi32>,
      %swap3A_2860 = arith.constant 1344 : index
      %swap3A_2861 = tpu.vector_load %arg9[%swap3A_2860] {strides = array<i32>} : memref<1792xi32, #tpu.memory_space<vmem>>, vector<16xi32>,
      tpu.vector_store %arg9[%swap3A_2860], %broadcast_in_dim3A_3 {strides = array<i32>} : memref<1792xi32, #tpu.memory_space<vmem>>, vector<16xi32>,
      %swap3A_2862 = arith.constant 1360 : index
      %swap3A_2863 = tpu.vector_load %arg9[%swap3A_2862] {strides = array<i32>} : memref<1792xi32, #tpu.memory_space<vmem>>, vector<16xi32>,
      tpu.vector_store %arg9[%swap3A_2862], %broadcast_in_dim3A_3 {strides = array<i32>} : memref<1792xi32, #tpu.memory_space<vmem>>, vector<16xi32>,
      %swap3A_2864 = arith.constant 1376 : index
      %swap3A_2865 = tpu.vector_load %arg9[%swap3A_2864] {strides = array<i32>} : memref<1792xi32, #tpu.memory_space<vmem>>, vector<16xi32>,
      tpu.vector_store %arg9[%swap3A_2864], %broadcast_in_dim3A_3 {strides = array<i32>} : memref<1792xi32, #tpu.memory_space<vmem>>, vector<16xi32>,
      %swap3A_2866 = arith.constant 1392 : index
      %swap3A_2867 = tpu.vector_load %arg9[%swap3A_2866] {strides = array<i32>} : memref<1792xi32, #tpu.memory_space<vmem>>, vector<16xi32>,
      tpu.vector_store %arg9[%swap3A_2866], %broadcast_in_dim3A_3 {strides = array<i32>} : memref<1792xi32, #tpu.memory_space<vmem>>, vector<16xi32>,
      %swap3A_2868 = arith.constant 1408 : index
      %swap3A_2869 = tpu.vector_load %arg9[%swap3A_2868] {strides = array<i32>} : memref<1792xi32, #tpu.memory_space<vmem>>, vector<16xi32>,
      tpu.vector_store %arg9[%swap3A_2868], %broadcast_in_dim3A_3 {strides = array<i32>} : memref<1792xi32, #tpu.memory_space<vmem>>, vector<16xi32>,
      %swap3A_2870 = arith.constant 1424 : index
      %swap3A_2871 = tpu.vector_load %arg9[%swap3A_2870] {strides = array<i32>} : memref<1792xi32, #tpu.memory_space<vmem>>, vector<16xi32>,
      tpu.vector_store %arg9[%swap3A_2870], %broadcast_in_dim3A_3 {strides = array<i32>} : memref<1792xi32, #tpu.memory_space<vmem>>, vector<16xi32>,
      %swap3A_2872 = arith.constant 1440 : index
      %swap3A_2873 = tpu.vector_load %arg9[%swap3A_2872] {strides = array<i32>} : memref<1792xi32, #tpu.memory_space<vmem>>, vector<16xi32>,
      tpu.vector_store %arg9[%swap3A_2872], %broadcast_in_dim3A_3 {strides = array<i32>} : memref<1792xi32, #tpu.memory_space<vmem>>, vector<16xi32>,
      %swap3A_2874 = arith.constant 1456 : index
      %swap3A_2875 = tpu.vector_load %arg9[%swap3A_2874] {strides = array<i32>} : memref<1792xi32, #tpu.memory_space<vmem>>, vector<16xi32>,
      tpu.vector_store %arg9[%swap3A_2874], %broadcast_in_dim3A_3 {strides = array<i32>} : memref<1792xi32, #tpu.memory_space<vmem>>, vector<16xi32>,
      %swap3A_2876 = arith.constant 1472 : index
      %swap3A_2877 = tpu.vector_load %arg9[%swap3A_2876] {strides = array<i32>} : memref<1792xi32, #tpu.memory_space<vmem>>, vector<16xi32>,
      tpu.vector_store %arg9[%swap3A_2876], %broadcast_in_dim3A_3 {strides = array<i32>} : memref<1792xi32, #tpu.memory_space<vmem>>, vector<16xi32>,
      %swap3A_2878 = arith.constant 1488 : index
      %swap3A_2879 = tpu.vector_load %arg9[%swap3A_2878] {strides = array<i32>} : memref<1792xi32, #tpu.memory_space<vmem>>, vector<16xi32>,
      tpu.vector_store %arg9[%swap3A_2878], %broadcast_in_dim3A_3 {strides = array<i32>} : memref<1792xi32, #tpu.memory_space<vmem>>, vector<16xi32>,
      %swap3A_2880 = arith.constant 1504 : index
      %swap3A_2881 = tpu.vector_load %arg9[%swap3A_2880] {strides = array<i32>} : memref<1792xi32, #tpu.memory_space<vmem>>, vector<16xi32>,
      tpu.vector_store %arg9[%swap3A_2880], %broadcast_in_dim3A_3 {strides = array<i32>} : memref<1792xi32, #tpu.memory_space<vmem>>, vector<16xi32>,
      %swap3A_2882 = arith.constant 1520 : index
      %swap3A_2883 = tpu.vector_load %arg9[%swap3A_2882] {strides = array<i32>} : memref<1792xi32, #tpu.memory_space<vmem>>, vector<16xi32>,
      tpu.vector_store %arg9[%swap3A_2882], %broadcast_in_dim3A_3 {strides = array<i32>} : memref<1792xi32, #tpu.memory_space<vmem>>, vector<16xi32>,
      %swap3A_2884 = arith.constant 1536 : index
      %swap3A_2885 = tpu.vector_load %arg9[%swap3A_2884] {strides = array<i32>} : memref<1792xi32, #tpu.memory_space<vmem>>, vector<16xi32>,
      tpu.vector_store %arg9[%swap3A_2884], %broadcast_in_dim3A_3 {strides = array<i32>} : memref<1792xi32, #tpu.memory_space<vmem>>, vector<16xi32>,
      %swap3A_2886 = arith.constant 1552 : index
      %swap3A_2887 = tpu.vector_load %arg9[%swap3A_2886] {strides = array<i32>} : memref<1792xi32, #tpu.memory_space<vmem>>, vector<16xi32>,
      tpu.vector_store %arg9[%swap3A_2886], %broadcast_in_dim3A_3 {strides = array<i32>} : memref<1792xi32, #tpu.memory_space<vmem>>, vector<16xi32>,
      %swap3A_2888 = arith.constant 1568 : index
      %swap3A_2889 = tpu.vector_load %arg9[%swap3A_2888] {strides = array<i32>} : memref<1792xi32, #tpu.memory_space<vmem>>, vector<16xi32>,
      tpu.vector_store %arg9[%swap3A_2888], %broadcast_in_dim3A_3 {strides = array<i32>} : memref<1792xi32, #tpu.memory_space<vmem>>, vector<16xi32>,
      %swap3A_2890 = arith.constant 1584 : index
      %swap3A_2891 = tpu.vector_load %arg9[%swap3A_2890] {strides = array<i32>} : memref<1792xi32, #tpu.memory_space<vmem>>, vector<16xi32>,
      tpu.vector_store %arg9[%swap3A_2890], %broadcast_in_dim3A_3 {strides = array<i32>} : memref<1792xi32, #tpu.memory_space<vmem>>, vector<16xi32>,
      %swap3A_2892 = arith.constant 1600 : index
      %swap3A_2893 = tpu.vector_load %arg9[%swap3A_2892] {strides = array<i32>} : memref<1792xi32, #tpu.memory_space<vmem>>, vector<16xi32>,
      tpu.vector_store %arg9[%swap3A_2892], %broadcast_in_dim3A_3 {strides = array<i32>} : memref<1792xi32, #tpu.memory_space<vmem>>, vector<16xi32>,
      %swap3A_2894 = arith.constant 1616 : index
      %swap3A_2895 = tpu.vector_load %arg9[%swap3A_2894] {strides = array<i32>} : memref<1792xi32, #tpu.memory_space<vmem>>, vector<16xi32>,
      tpu.vector_store %arg9[%swap3A_2894], %broadcast_in_dim3A_3 {strides = array<i32>} : memref<1792xi32, #tpu.memory_space<vmem>>, vector<16xi32>,
      %swap3A_2896 = arith.constant 1632 : index
      %swap3A_2897 = tpu.vector_load %arg9[%swap3A_2896] {strides = array<i32>} : memref<1792xi32, #tpu.memory_space<vmem>>, vector<16xi32>,
      tpu.vector_store %arg9[%swap3A_2896], %broadcast_in_dim3A_3 {strides = array<i32>} : memref<1792xi32, #tpu.memory_space<vmem>>, vector<16xi32>,
      %swap3A_2898 = arith.constant 1648 : index
      %swap3A_2899 = tpu.vector_load %arg9[%swap3A_2898] {strides = array<i32>} : memref<1792xi32, #tpu.memory_space<vmem>>, vector<16xi32>,
      tpu.vector_store %arg9[%swap3A_2898], %broadcast_in_dim3A_3 {strides = array<i32>} : memref<1792xi32, #tpu.memory_space<vmem>>, vector<16xi32>,
      %swap3A_2900 = arith.constant 1664 : index
      %swap3A_2901 = tpu.vector_load %arg9[%swap3A_2900] {strides = array<i32>} : memref<1792xi32, #tpu.memory_space<vmem>>, vector<16xi32>,
      tpu.vector_store %arg9[%swap3A_2900], %broadcast_in_dim3A_3 {strides = array<i32>} : memref<1792xi32, #tpu.memory_space<vmem>>, vector<16xi32>,
      %swap3A_2902 = arith.constant 1680 : index
      %swap3A_2903 = tpu.vector_load %arg9[%swap3A_2902] {strides = array<i32>} : memref<1792xi32, #tpu.memory_space<vmem>>, vector<16xi32>,
      tpu.vector_store %arg9[%swap3A_2902], %broadcast_in_dim3A_3 {strides = array<i32>} : memref<1792xi32, #tpu.memory_space<vmem>>, vector<16xi32>,
      %swap3A_2904 = arith.constant 1696 : index
      %swap3A_2905 = tpu.vector_load %arg9[%swap3A_2904] {strides = array<i32>} : memref<1792xi32, #tpu.memory_space<vmem>>, vector<16xi32>,
      tpu.vector_store %arg9[%swap3A_2904], %broadcast_in_dim3A_3 {strides = array<i32>} : memref<1792xi32, #tpu.memory_space<vmem>>, vector<16xi32>,
      %swap3A_2906 = arith.constant 1712 : index
      %swap3A_2907 = tpu.vector_load %arg9[%swap3A_2906] {strides = array<i32>} : memref<1792xi32, #tpu.memory_space<vmem>>, vector<16xi32>,
      tpu.vector_store %arg9[%swap3A_2906], %broadcast_in_dim3A_3 {strides = array<i32>} : memref<1792xi32, #tpu.memory_space<vmem>>, vector<16xi32>,
      %swap3A_2908 = arith.constant 1728 : index
      %swap3A_2909 = tpu.vector_load %arg9[%swap3A_2908] {strides = array<i32>} : memref<1792xi32, #tpu.memory_space<vmem>>, vector<16xi32>,
      tpu.vector_store %arg9[%swap3A_2908], %broadcast_in_dim3A_3 {strides = array<i32>} : memref<1792xi32, #tpu.memory_space<vmem>>, vector<16xi32>,
      %swap3A_2910 = arith.constant 1744 : index
      %swap3A_2911 = tpu.vector_load %arg9[%swap3A_2910] {strides = array<i32>} : memref<1792xi32, #tpu.memory_space<vmem>>, vector<16xi32>,
      tpu.vector_store %arg9[%swap3A_2910], %broadcast_in_dim3A_3 {strides = array<i32>} : memref<1792xi32, #tpu.memory_space<vmem>>, vector<16xi32>,
      %swap3A_2912 = arith.constant 1760 : index
      %swap3A_2913 = tpu.vector_load %arg9[%swap3A_2912] {strides = array<i32>} : memref<1792xi32, #tpu.memory_space<vmem>>, vector<16xi32>,
      tpu.vector_store %arg9[%swap3A_2912], %broadcast_in_dim3A_3 {strides = array<i32>} : memref<1792xi32, #tpu.memory_space<vmem>>, vector<16xi32>,
      %swap3A_2914 = arith.constant 1776 : index
      %swap3A_2915 = tpu.vector_load %arg9[%swap3A_2914] {strides = array<i32>} : memref<1792xi32, #tpu.memory_space<vmem>>, vector<16xi32>,
      tpu.vector_store %arg9[%swap3A_2914], %broadcast_in_dim3A_3 {strides = array<i32>} : memref<1792xi32, #tpu.memory_space<vmem>>, vector<16xi32>,
      %broadcast_in_dim3A_2916 = vector.broadcast %add3A_1465 : i32 to vector<16xi32>
      %reduce_sum3A = arith.constant true
      %reduce_sum3A_2917 = vector.broadcast %reduce_sum3A : i1 to vector<16xi1>
      %reduce_sum3A_2918 = tpu.scan <sum>, %add3A_2688 masked %reduce_sum3A_2917 : vector<16xf32>, vector<16xi1> -> vector<16xf32>
      %reduce_sum3A_2919 = vector.extract %reduce_sum3A_2918[15] : f32 from vector<16xf32>
      %broadcast_in_dim3A_2920 = vector.broadcast %reduce_sum3A_2919 : f32 to vector<16xf32>
      %eq3A = arith.constant 0 : i32
      %eq3A_2921 = vector.broadcast %eq3A : i32 to vector<16xi32>
      %eq3A_2922 = arith.cmpi eq, %iota3A, %eq3A_2921 : vector<16xi32>
      tpu.vector_store_idx %arg11[%broadcast_in_dim3A_2916], %broadcast_in_dim3A_2920 masked %eq3A_2922 : memref<128xf32, #tpu.memory_space<vmem>>[vector<16xi32>], vector<16xf32>, vector<16xi1>
      %broadcast_in_dim3A_2923 = vector.broadcast %add3A_1469 : i32 to vector<16xi32>
      %reduce_sum3A_2924 = arith.constant true
      %reduce_sum3A_2925 = vector.broadcast %reduce_sum3A_2924 : i1 to vector<16xi1>
      %reduce_sum3A_2926 = tpu.scan <sum>, %add3A_2689 masked %reduce_sum3A_2925 : vector<16xf32>, vector<16xi1> -> vector<16xf32>
      %reduce_sum3A_2927 = vector.extract %reduce_sum3A_2926[15] : f32 from vector<16xf32>
      %broadcast_in_dim3A_2928 = vector.broadcast %reduce_sum3A_2927 : f32 to vector<16xf32>
      %eq3A_2929 = arith.constant 0 : i32
      %eq3A_2930 = vector.broadcast %eq3A_2929 : i32 to vector<16xi32>
      %eq3A_2931 = arith.cmpi eq, %iota3A, %eq3A_2930 : vector<16xi32>
      tpu.vector_store_idx %arg11[%broadcast_in_dim3A_2923], %broadcast_in_dim3A_2928 masked %eq3A_2931 : memref<128xf32, #tpu.memory_space<vmem>>[vector<16xi32>], vector<16xf32>, vector<16xi1>
      %broadcast_in_dim3A_2932 = vector.broadcast %add3A_1473 : i32 to vector<16xi32>
      %reduce_sum3A_2933 = arith.constant true
      %reduce_sum3A_2934 = vector.broadcast %reduce_sum3A_2933 : i1 to vector<16xi1>
      %reduce_sum3A_2935 = tpu.scan <sum>, %add3A_2690 masked %reduce_sum3A_2934 : vector<16xf32>, vector<16xi1> -> vector<16xf32>
      %reduce_sum3A_2936 = vector.extract %reduce_sum3A_2935[15] : f32 from vector<16xf32>
      %broadcast_in_dim3A_2937 = vector.broadcast %reduce_sum3A_2936 : f32 to vector<16xf32>
      %eq3A_2938 = arith.constant 0 : i32
      %eq3A_2939 = vector.broadcast %eq3A_2938 : i32 to vector<16xi32>
      %eq3A_2940 = arith.cmpi eq, %iota3A, %eq3A_2939 : vector<16xi32>
      tpu.vector_store_idx %arg11[%broadcast_in_dim3A_2932], %broadcast_in_dim3A_2937 masked %eq3A_2940 : memref<128xf32, #tpu.memory_space<vmem>>[vector<16xi32>], vector<16xf32>, vector<16xi1>
      %broadcast_in_dim3A_2941 = vector.broadcast %add3A_1477 : i32 to vector<16xi32>
      %reduce_sum3A_2942 = arith.constant true
      %reduce_sum3A_2943 = vector.broadcast %reduce_sum3A_2942 : i1 to vector<16xi1>
      %reduce_sum3A_2944 = tpu.scan <sum>, %add3A_2691 masked %reduce_sum3A_2943 : vector<16xf32>, vector<16xi1> -> vector<16xf32>
      %reduce_sum3A_2945 = vector.extract %reduce_sum3A_2944[15] : f32 from vector<16xf32>
      %broadcast_in_dim3A_2946 = vector.broadcast %reduce_sum3A_2945 : f32 to vector<16xf32>
      %eq3A_2947 = arith.constant 0 : i32
      %eq3A_2948 = vector.broadcast %eq3A_2947 : i32 to vector<16xi32>
      %eq3A_2949 = arith.cmpi eq, %iota3A, %eq3A_2948 : vector<16xi32>
      tpu.vector_store_idx %arg11[%broadcast_in_dim3A_2941], %broadcast_in_dim3A_2946 masked %eq3A_2949 : memref<128xf32, #tpu.memory_space<vmem>>[vector<16xi32>], vector<16xf32>, vector<16xi1>
    }
    %scan3A_1460 = arith.constant 32 : i32
    "tpu.region"() ({
      %run_scoped3A = tpu.sem_alloc : memref<!tpu.dma_semaphore, #tpu.memory_space<semaphore_mem>>
      %dma_start3A = tpu.memref_slice %arg3[%mul3A_2] : memref<4096xf32, #tpu.memory_space<hbm>> -> memref<128xf32, #tpu.memory_space<hbm>>
      %dma_start3A_1461 = tpu.memref_slice %arg3[%mul3A_2] : memref<4096xf32, #tpu.memory_space<hbm>> -> memref<128xf32, #tpu.memory_space<hbm>>
      tpu.enqueue_dma source(%arg11 : memref<128xf32, #tpu.memory_space<vmem>>) target(%dma_start3A_1461 : memref<128xf32, #tpu.memory_space<hbm>>) target_semaphore(%run_scoped3A : memref<!tpu.dma_semaphore, #tpu.memory_space<semaphore_mem>>)
      %dma_wait3A = tpu.memref_slice %arg3[%mul3A_2] : memref<4096xf32, #tpu.memory_space<hbm>> -> memref<128xf32, #tpu.memory_space<hbm>>
      %dma_wait3A_1462 = tpu.memref_slice %arg3[%mul3A_2] : memref<4096xf32, #tpu.memory_space<hbm>> -> memref<128xf32, #tpu.memory_space<hbm>>
      tpu.wait_dma2 semaphore(%run_scoped3A : memref<!tpu.dma_semaphore, #tpu.memory_space<semaphore_mem>>) src(%arg11 : memref<128xf32, #tpu.memory_space<vmem>>) dst(%dma_wait3A_1462 : memref<128xf32, #tpu.memory_space<hbm>>)
      tpu.yield
    }) : () -> ()
    "tpu.region"() ({
      %run_scoped3A = tpu.sem_alloc : memref<!tpu.dma_semaphore, #tpu.memory_space<semaphore_mem>>
      %dma_start3A = arith.constant 0 : i32
      %dma_start3A_1461 = tpu.memref_slice %arg4[%add3A, %dma_start3A] : memref<32x128xf32, #tpu.memory_space<hbm>> -> memref<1x128xf32, #tpu.memory_space<hbm>>
      %dma_start3A_1462 = tpu.memref_squeeze %dma_start3A_1461 : memref<1x128xf32, #tpu.memory_space<hbm>> -> memref<128xf32, #tpu.memory_space<hbm>>
      %dma_start3A_1463 = arith.constant 0 : i32
      %dma_start3A_1464 = tpu.memref_slice %arg4[%add3A, %dma_start3A_1463] : memref<32x128xf32, #tpu.memory_space<hbm>> -> memref<1x128xf32, #tpu.memory_space<hbm>>
      %dma_start3A_1465 = tpu.memref_squeeze %dma_start3A_1464 : memref<1x128xf32, #tpu.memory_space<hbm>> -> memref<128xf32, #tpu.memory_space<hbm>>
      tpu.enqueue_dma source(%arg11 : memref<128xf32, #tpu.memory_space<vmem>>) target(%dma_start3A_1465 : memref<128xf32, #tpu.memory_space<hbm>>) target_semaphore(%run_scoped3A : memref<!tpu.dma_semaphore, #tpu.memory_space<semaphore_mem>>)
      %dma_wait3A = arith.constant 0 : i32
      %dma_wait3A_1466 = tpu.memref_slice %arg4[%add3A, %dma_wait3A] : memref<32x128xf32, #tpu.memory_space<hbm>> -> memref<1x128xf32, #tpu.memory_space<hbm>>
      %dma_wait3A_1467 = tpu.memref_squeeze %dma_wait3A_1466 : memref<1x128xf32, #tpu.memory_space<hbm>> -> memref<128xf32, #tpu.memory_space<hbm>>
      %dma_wait3A_1468 = arith.constant 0 : i32
      %dma_wait3A_1469 = tpu.memref_slice %arg4[%add3A, %dma_wait3A_1468] : memref<32x128xf32, #tpu.memory_space<hbm>> -> memref<1x128xf32, #tpu.memory_space<hbm>>
      %dma_wait3A_1470 = tpu.memref_squeeze %dma_wait3A_1469 : memref<1x128xf32, #tpu.memory_space<hbm>> -> memref<128xf32, #tpu.memory_space<hbm>>
      tpu.wait_dma2 semaphore(%run_scoped3A : memref<!tpu.dma_semaphore, #tpu.memory_space<semaphore_mem>>) src(%arg11 : memref<128xf32, #tpu.memory_space<vmem>>) dst(%dma_wait3A_1470 : memref<128xf32, #tpu.memory_space<hbm>>)
      tpu.yield
    }) : () -> ()
    "tpu.region"() ({
      %run_scoped3A = tpu.sem_alloc : memref<!tpu.dma_semaphore, #tpu.memory_space<semaphore_mem>>
      %dma_start3A = arith.constant 0 : i32
      %dma_start3A_1461 = tpu.memref_slice %arg5[%add3A, %dma_start3A] : memref<32x448xf32, #tpu.memory_space<hbm>> -> memref<1x448xf32, #tpu.memory_space<hbm>>
      %dma_start3A_1462 = tpu.memref_squeeze %dma_start3A_1461 : memref<1x448xf32, #tpu.memory_space<hbm>> -> memref<448xf32, #tpu.memory_space<hbm>>
      %dma_start3A_1463 = arith.constant 0 : i32
      %dma_start3A_1464 = tpu.memref_slice %arg5[%add3A, %dma_start3A_1463] : memref<32x448xf32, #tpu.memory_space<hbm>> -> memref<1x448xf32, #tpu.memory_space<hbm>>
      %dma_start3A_1465 = tpu.memref_squeeze %dma_start3A_1464 : memref<1x448xf32, #tpu.memory_space<hbm>> -> memref<448xf32, #tpu.memory_space<hbm>>
      tpu.enqueue_dma source(%arg10 : memref<448xf32, #tpu.memory_space<vmem>>) target(%dma_start3A_1465 : memref<448xf32, #tpu.memory_space<hbm>>) target_semaphore(%run_scoped3A : memref<!tpu.dma_semaphore, #tpu.memory_space<semaphore_mem>>)
      %dma_wait3A = arith.constant 0 : i32
      %dma_wait3A_1466 = tpu.memref_slice %arg5[%add3A, %dma_wait3A] : memref<32x448xf32, #tpu.memory_space<hbm>> -> memref<1x448xf32, #tpu.memory_space<hbm>>
      %dma_wait3A_1467 = tpu.memref_squeeze %dma_wait3A_1466 : memref<1x448xf32, #tpu.memory_space<hbm>> -> memref<448xf32, #tpu.memory_space<hbm>>
      %dma_wait3A_1468 = arith.constant 0 : i32
      %dma_wait3A_1469 = tpu.memref_slice %arg5[%add3A, %dma_wait3A_1468] : memref<32x448xf32, #tpu.memory_space<hbm>> -> memref<1x448xf32, #tpu.memory_space<hbm>>
      %dma_wait3A_1470 = tpu.memref_squeeze %dma_wait3A_1469 : memref<1x448xf32, #tpu.memory_space<hbm>> -> memref<448xf32, #tpu.memory_space<hbm>>
      tpu.wait_dma2 semaphore(%run_scoped3A : memref<!tpu.dma_semaphore, #tpu.memory_space<semaphore_mem>>) src(%arg10 : memref<448xf32, #tpu.memory_space<vmem>>) dst(%dma_wait3A_1470 : memref<448xf32, #tpu.memory_space<hbm>>)
      tpu.yield
    }) : () -> ()
    return
  }
}

module attributes {stable_mosaic.version = 14 : i64} {
  func.func @_graph_body(%arg0: memref<32x448xf32, #tpu.memory_space<vmem>>, %arg1: memref<32x128xf32, #tpu.memory_space<vmem>>, %arg2: memref<21x128xf32, #tpu.memory_space<vmem>>, %arg3: memref<128x256xf32, #tpu.memory_space<vmem>>, %arg4: memref<4x64xf32, #tpu.memory_space<vmem>>, %arg5: memref<4x64xf32, #tpu.memory_space<vmem>>, %arg6: memref<1x256xf32, #tpu.memory_space<vmem>>, %arg7: memref<256x128xf32, #tpu.memory_space<vmem>>, %arg8: memref<1x128xf32, #tpu.memory_space<vmem>>, %arg9: memref<1x128xf32, #tpu.memory_space<vmem>>, %arg10: memref<1x128xf32, #tpu.memory_space<vmem>>, %arg11: memref<2688x256xf32, #tpu.memory_space<vmem>>, %arg12: memref<1x256xf32, #tpu.memory_space<vmem>>, %arg13: memref<256x128xf32, #tpu.memory_space<vmem>>, %arg14: memref<1x128xf32, #tpu.memory_space<vmem>>, %arg15: memref<1x32xf32, #tpu.memory_space<vmem>>, %arg16: memref<1x32xf32, #tpu.memory_space<vmem>>, %arg17: memref<128x128xf32, #tpu.memory_space<vmem>>, %arg18: memref<32x128xf32, #tpu.memory_space<vmem>>, %arg19: memref<1x128xf32, #tpu.memory_space<vmem>>, %arg20: memref<4096x128xf32, #tpu.memory_space<vmem>>) attributes {dimension_semantics = [], scalar_prefetch = 0 : i64, scratch_operands = 0 : i64, tpu.core_type = #tpu.core_type<tc>} {
    %get3A = arith.constant 0 : index
    %get3A_0 = arith.constant 0 : index
    %get3A_1 = vector.load %arg0[%get3A, %get3A_0] : memref<32x448xf32, #tpu.memory_space<vmem>>, vector<1x448xf32>
    %get3A_2 = arith.constant 1 : index
    %get3A_3 = arith.constant 0 : index
    %get3A_4 = vector.load %arg0[%get3A_2, %get3A_3] : memref<32x448xf32, #tpu.memory_space<vmem>>, vector<1x448xf32>
    %add3A = arith.addf %get3A_1, %get3A_4 : vector<1x448xf32>
    %get3A_5 = arith.constant 2 : index
    %get3A_6 = arith.constant 0 : index
    %get3A_7 = vector.load %arg0[%get3A_5, %get3A_6] : memref<32x448xf32, #tpu.memory_space<vmem>>, vector<1x448xf32>
    %add3A_8 = arith.addf %add3A, %get3A_7 : vector<1x448xf32>
    %get3A_9 = arith.constant 3 : index
    %get3A_10 = arith.constant 0 : index
    %get3A_11 = vector.load %arg0[%get3A_9, %get3A_10] : memref<32x448xf32, #tpu.memory_space<vmem>>, vector<1x448xf32>
    %add3A_12 = arith.addf %add3A_8, %get3A_11 : vector<1x448xf32>
    %get3A_13 = arith.constant 4 : index
    %get3A_14 = arith.constant 0 : index
    %get3A_15 = vector.load %arg0[%get3A_13, %get3A_14] : memref<32x448xf32, #tpu.memory_space<vmem>>, vector<1x448xf32>
    %add3A_16 = arith.addf %add3A_12, %get3A_15 : vector<1x448xf32>
    %get3A_17 = arith.constant 5 : index
    %get3A_18 = arith.constant 0 : index
    %get3A_19 = vector.load %arg0[%get3A_17, %get3A_18] : memref<32x448xf32, #tpu.memory_space<vmem>>, vector<1x448xf32>
    %add3A_20 = arith.addf %add3A_16, %get3A_19 : vector<1x448xf32>
    %get3A_21 = arith.constant 6 : index
    %get3A_22 = arith.constant 0 : index
    %get3A_23 = vector.load %arg0[%get3A_21, %get3A_22] : memref<32x448xf32, #tpu.memory_space<vmem>>, vector<1x448xf32>
    %add3A_24 = arith.addf %add3A_20, %get3A_23 : vector<1x448xf32>
    %get3A_25 = arith.constant 7 : index
    %get3A_26 = arith.constant 0 : index
    %get3A_27 = vector.load %arg0[%get3A_25, %get3A_26] : memref<32x448xf32, #tpu.memory_space<vmem>>, vector<1x448xf32>
    %add3A_28 = arith.addf %add3A_24, %get3A_27 : vector<1x448xf32>
    %get3A_29 = arith.constant 8 : index
    %get3A_30 = arith.constant 0 : index
    %get3A_31 = vector.load %arg0[%get3A_29, %get3A_30] : memref<32x448xf32, #tpu.memory_space<vmem>>, vector<1x448xf32>
    %add3A_32 = arith.addf %add3A_28, %get3A_31 : vector<1x448xf32>
    %get3A_33 = arith.constant 9 : index
    %get3A_34 = arith.constant 0 : index
    %get3A_35 = vector.load %arg0[%get3A_33, %get3A_34] : memref<32x448xf32, #tpu.memory_space<vmem>>, vector<1x448xf32>
    %add3A_36 = arith.addf %add3A_32, %get3A_35 : vector<1x448xf32>
    %get3A_37 = arith.constant 10 : index
    %get3A_38 = arith.constant 0 : index
    %get3A_39 = vector.load %arg0[%get3A_37, %get3A_38] : memref<32x448xf32, #tpu.memory_space<vmem>>, vector<1x448xf32>
    %add3A_40 = arith.addf %add3A_36, %get3A_39 : vector<1x448xf32>
    %get3A_41 = arith.constant 11 : index
    %get3A_42 = arith.constant 0 : index
    %get3A_43 = vector.load %arg0[%get3A_41, %get3A_42] : memref<32x448xf32, #tpu.memory_space<vmem>>, vector<1x448xf32>
    %add3A_44 = arith.addf %add3A_40, %get3A_43 : vector<1x448xf32>
    %get3A_45 = arith.constant 12 : index
    %get3A_46 = arith.constant 0 : index
    %get3A_47 = vector.load %arg0[%get3A_45, %get3A_46] : memref<32x448xf32, #tpu.memory_space<vmem>>, vector<1x448xf32>
    %add3A_48 = arith.addf %add3A_44, %get3A_47 : vector<1x448xf32>
    %get3A_49 = arith.constant 13 : index
    %get3A_50 = arith.constant 0 : index
    %get3A_51 = vector.load %arg0[%get3A_49, %get3A_50] : memref<32x448xf32, #tpu.memory_space<vmem>>, vector<1x448xf32>
    %add3A_52 = arith.addf %add3A_48, %get3A_51 : vector<1x448xf32>
    %get3A_53 = arith.constant 14 : index
    %get3A_54 = arith.constant 0 : index
    %get3A_55 = vector.load %arg0[%get3A_53, %get3A_54] : memref<32x448xf32, #tpu.memory_space<vmem>>, vector<1x448xf32>
    %add3A_56 = arith.addf %add3A_52, %get3A_55 : vector<1x448xf32>
    %get3A_57 = arith.constant 15 : index
    %get3A_58 = arith.constant 0 : index
    %get3A_59 = vector.load %arg0[%get3A_57, %get3A_58] : memref<32x448xf32, #tpu.memory_space<vmem>>, vector<1x448xf32>
    %add3A_60 = arith.addf %add3A_56, %get3A_59 : vector<1x448xf32>
    %get3A_61 = arith.constant 16 : index
    %get3A_62 = arith.constant 0 : index
    %get3A_63 = vector.load %arg0[%get3A_61, %get3A_62] : memref<32x448xf32, #tpu.memory_space<vmem>>, vector<1x448xf32>
    %add3A_64 = arith.addf %add3A_60, %get3A_63 : vector<1x448xf32>
    %get3A_65 = arith.constant 17 : index
    %get3A_66 = arith.constant 0 : index
    %get3A_67 = vector.load %arg0[%get3A_65, %get3A_66] : memref<32x448xf32, #tpu.memory_space<vmem>>, vector<1x448xf32>
    %add3A_68 = arith.addf %add3A_64, %get3A_67 : vector<1x448xf32>
    %get3A_69 = arith.constant 18 : index
    %get3A_70 = arith.constant 0 : index
    %get3A_71 = vector.load %arg0[%get3A_69, %get3A_70] : memref<32x448xf32, #tpu.memory_space<vmem>>, vector<1x448xf32>
    %add3A_72 = arith.addf %add3A_68, %get3A_71 : vector<1x448xf32>
    %get3A_73 = arith.constant 19 : index
    %get3A_74 = arith.constant 0 : index
    %get3A_75 = vector.load %arg0[%get3A_73, %get3A_74] : memref<32x448xf32, #tpu.memory_space<vmem>>, vector<1x448xf32>
    %add3A_76 = arith.addf %add3A_72, %get3A_75 : vector<1x448xf32>
    %get3A_77 = arith.constant 20 : index
    %get3A_78 = arith.constant 0 : index
    %get3A_79 = vector.load %arg0[%get3A_77, %get3A_78] : memref<32x448xf32, #tpu.memory_space<vmem>>, vector<1x448xf32>
    %add3A_80 = arith.addf %add3A_76, %get3A_79 : vector<1x448xf32>
    %get3A_81 = arith.constant 21 : index
    %get3A_82 = arith.constant 0 : index
    %get3A_83 = vector.load %arg0[%get3A_81, %get3A_82] : memref<32x448xf32, #tpu.memory_space<vmem>>, vector<1x448xf32>
    %add3A_84 = arith.addf %add3A_80, %get3A_83 : vector<1x448xf32>
    %get3A_85 = arith.constant 22 : index
    %get3A_86 = arith.constant 0 : index
    %get3A_87 = vector.load %arg0[%get3A_85, %get3A_86] : memref<32x448xf32, #tpu.memory_space<vmem>>, vector<1x448xf32>
    %add3A_88 = arith.addf %add3A_84, %get3A_87 : vector<1x448xf32>
    %get3A_89 = arith.constant 23 : index
    %get3A_90 = arith.constant 0 : index
    %get3A_91 = vector.load %arg0[%get3A_89, %get3A_90] : memref<32x448xf32, #tpu.memory_space<vmem>>, vector<1x448xf32>
    %add3A_92 = arith.addf %add3A_88, %get3A_91 : vector<1x448xf32>
    %get3A_93 = arith.constant 24 : index
    %get3A_94 = arith.constant 0 : index
    %get3A_95 = vector.load %arg0[%get3A_93, %get3A_94] : memref<32x448xf32, #tpu.memory_space<vmem>>, vector<1x448xf32>
    %add3A_96 = arith.addf %add3A_92, %get3A_95 : vector<1x448xf32>
    %get3A_97 = arith.constant 25 : index
    %get3A_98 = arith.constant 0 : index
    %get3A_99 = vector.load %arg0[%get3A_97, %get3A_98] : memref<32x448xf32, #tpu.memory_space<vmem>>, vector<1x448xf32>
    %add3A_100 = arith.addf %add3A_96, %get3A_99 : vector<1x448xf32>
    %get3A_101 = arith.constant 26 : index
    %get3A_102 = arith.constant 0 : index
    %get3A_103 = vector.load %arg0[%get3A_101, %get3A_102] : memref<32x448xf32, #tpu.memory_space<vmem>>, vector<1x448xf32>
    %add3A_104 = arith.addf %add3A_100, %get3A_103 : vector<1x448xf32>
    %get3A_105 = arith.constant 27 : index
    %get3A_106 = arith.constant 0 : index
    %get3A_107 = vector.load %arg0[%get3A_105, %get3A_106] : memref<32x448xf32, #tpu.memory_space<vmem>>, vector<1x448xf32>
    %add3A_108 = arith.addf %add3A_104, %get3A_107 : vector<1x448xf32>
    %get3A_109 = arith.constant 28 : index
    %get3A_110 = arith.constant 0 : index
    %get3A_111 = vector.load %arg0[%get3A_109, %get3A_110] : memref<32x448xf32, #tpu.memory_space<vmem>>, vector<1x448xf32>
    %add3A_112 = arith.addf %add3A_108, %get3A_111 : vector<1x448xf32>
    %get3A_113 = arith.constant 29 : index
    %get3A_114 = arith.constant 0 : index
    %get3A_115 = vector.load %arg0[%get3A_113, %get3A_114] : memref<32x448xf32, #tpu.memory_space<vmem>>, vector<1x448xf32>
    %add3A_116 = arith.addf %add3A_112, %get3A_115 : vector<1x448xf32>
    %get3A_117 = arith.constant 30 : index
    %get3A_118 = arith.constant 0 : index
    %get3A_119 = vector.load %arg0[%get3A_117, %get3A_118] : memref<32x448xf32, #tpu.memory_space<vmem>>, vector<1x448xf32>
    %add3A_120 = arith.addf %add3A_116, %get3A_119 : vector<1x448xf32>
    %get3A_121 = arith.constant 31 : index
    %get3A_122 = arith.constant 0 : index
    %get3A_123 = vector.load %arg0[%get3A_121, %get3A_122] : memref<32x448xf32, #tpu.memory_space<vmem>>, vector<1x448xf32>
    %add3A_124 = arith.addf %add3A_120, %get3A_123 : vector<1x448xf32>
    %slice3A = vector.extract_strided_slice %add3A_124 {offsets = [0, 0], sizes = [1, 21], strides = [1, 1]} : vector<1x448xf32> to vector<1x21xf32>
    %slice3A_125 = vector.extract_strided_slice %add3A_124 {offsets = [0, 21], sizes = [1, 21], strides = [1, 1]} : vector<1x448xf32> to vector<1x21xf32>
    %slice3A_126 = vector.extract_strided_slice %add3A_124 {offsets = [0, 42], sizes = [1, 21], strides = [1, 1]} : vector<1x448xf32> to vector<1x21xf32>
    %slice3A_127 = vector.extract_strided_slice %add3A_124 {offsets = [0, 63], sizes = [1, 21], strides = [1, 1]} : vector<1x448xf32> to vector<1x21xf32>
    %slice3A_128 = vector.extract_strided_slice %add3A_124 {offsets = [0, 84], sizes = [1, 21], strides = [1, 1]} : vector<1x448xf32> to vector<1x21xf32>
    %slice3A_129 = vector.extract_strided_slice %add3A_124 {offsets = [0, 105], sizes = [1, 21], strides = [1, 1]} : vector<1x448xf32> to vector<1x21xf32>
    %slice3A_130 = vector.extract_strided_slice %add3A_124 {offsets = [0, 126], sizes = [1, 21], strides = [1, 1]} : vector<1x448xf32> to vector<1x21xf32>
    %slice3A_131 = vector.extract_strided_slice %add3A_124 {offsets = [0, 147], sizes = [1, 21], strides = [1, 1]} : vector<1x448xf32> to vector<1x21xf32>
    %slice3A_132 = vector.extract_strided_slice %add3A_124 {offsets = [0, 168], sizes = [1, 21], strides = [1, 1]} : vector<1x448xf32> to vector<1x21xf32>
    %slice3A_133 = vector.extract_strided_slice %add3A_124 {offsets = [0, 189], sizes = [1, 21], strides = [1, 1]} : vector<1x448xf32> to vector<1x21xf32>
    %slice3A_134 = vector.extract_strided_slice %add3A_124 {offsets = [0, 210], sizes = [1, 21], strides = [1, 1]} : vector<1x448xf32> to vector<1x21xf32>
    %slice3A_135 = vector.extract_strided_slice %add3A_124 {offsets = [0, 231], sizes = [1, 21], strides = [1, 1]} : vector<1x448xf32> to vector<1x21xf32>
    %slice3A_136 = vector.extract_strided_slice %add3A_124 {offsets = [0, 252], sizes = [1, 21], strides = [1, 1]} : vector<1x448xf32> to vector<1x21xf32>
    %slice3A_137 = vector.extract_strided_slice %add3A_124 {offsets = [0, 273], sizes = [1, 21], strides = [1, 1]} : vector<1x448xf32> to vector<1x21xf32>
    %slice3A_138 = vector.extract_strided_slice %add3A_124 {offsets = [0, 294], sizes = [1, 21], strides = [1, 1]} : vector<1x448xf32> to vector<1x21xf32>
    %slice3A_139 = vector.extract_strided_slice %add3A_124 {offsets = [0, 315], sizes = [1, 21], strides = [1, 1]} : vector<1x448xf32> to vector<1x21xf32>
    %slice3A_140 = vector.extract_strided_slice %add3A_124 {offsets = [0, 336], sizes = [1, 21], strides = [1, 1]} : vector<1x448xf32> to vector<1x21xf32>
    %slice3A_141 = vector.extract_strided_slice %add3A_124 {offsets = [0, 357], sizes = [1, 21], strides = [1, 1]} : vector<1x448xf32> to vector<1x21xf32>
    %slice3A_142 = vector.extract_strided_slice %add3A_124 {offsets = [0, 378], sizes = [1, 21], strides = [1, 1]} : vector<1x448xf32> to vector<1x21xf32>
    %slice3A_143 = vector.extract_strided_slice %add3A_124 {offsets = [0, 399], sizes = [1, 21], strides = [1, 1]} : vector<1x448xf32> to vector<1x21xf32>
    %slice3A_144 = vector.extract_strided_slice %add3A_124 {offsets = [0, 420], sizes = [1, 21], strides = [1, 1]} : vector<1x448xf32> to vector<1x21xf32>
    %concatenate3A = tpu.concatenate %slice3A, %slice3A_125, %slice3A_126, %slice3A_127, %slice3A_128, %slice3A_129, %slice3A_130, %slice3A_131, %slice3A_132, %slice3A_133, %slice3A_134, %slice3A_135, %slice3A_136, %slice3A_137, %slice3A_138, %slice3A_139, %slice3A_140, %slice3A_141, %slice3A_142, %slice3A_143, %slice3A_144 in 0 : vector<1x21xf32>, vector<1x21xf32>, vector<1x21xf32>, vector<1x21xf32>, vector<1x21xf32>, vector<1x21xf32>, vector<1x21xf32>, vector<1x21xf32>, vector<1x21xf32>, vector<1x21xf32>, vector<1x21xf32>, vector<1x21xf32>, vector<1x21xf32>, vector<1x21xf32>, vector<1x21xf32>, vector<1x21xf32>, vector<1x21xf32>, vector<1x21xf32>, vector<1x21xf32>, vector<1x21xf32>, vector<1x21xf32> -> vector<21x21xf32>
    %iota3A = tpu.iota {dimensions = array<i32: 0>} : vector<21x21xi32>
    %iota3A_145 = tpu.iota {dimensions = array<i32: 1>} : vector<21x21xi32>
    %gt3A = arith.constant 0.000000e+00 : f32
    %gt3A_146 = vector.broadcast %gt3A : f32 to vector<21x21xf32>
    %gt3A_147 = arith.cmpf ogt, %concatenate3A, %gt3A_146 : vector<21x21xf32>
    %eq3A = arith.cmpi eq, %iota3A, %iota3A_145 : vector<21x21xi32>
    %or3A = arith.ori %gt3A_147, %eq3A : vector<21x21xi1>
    %get3A_148 = arith.constant 0 : index
    %get3A_149 = arith.constant 0 : index
    %get3A_150 = vector.load %arg2[%get3A_148, %get3A_149] : memref<21x128xf32, #tpu.memory_space<vmem>>, vector<21x128xf32>
    %get3A_151 = arith.constant 0 : index
    %get3A_152 = arith.constant 0 : index
    %get3A_153 = vector.load %arg3[%get3A_151, %get3A_152] : memref<128x256xf32, #tpu.memory_space<vmem>>, vector<128x256xf32>
    %dot_general3A = arith.constant dense<0.000000e+00> : vector<21x256xf32>
    %dot_general3A_154 = tpu.matmul %get3A_150, %get3A_153, %dot_general3A {dimension_numbers = #tpu.dot_dimension_numbers<[1], [0], [0], [1], [0, 0, 1, 1], [], []>, transpose_lhs_hint = false} : vector<21x128xf32>, vector<128x256xf32>, vector<21x256xf32> -> vector<21x256xf32>
    %slice3A_155 = vector.extract_strided_slice %dot_general3A_154 {offsets = [0, 0], sizes = [21, 64], strides = [1, 1]} : vector<21x256xf32> to vector<21x64xf32>
    %get3A_156 = arith.constant 0 : index
    %get3A_157 = arith.constant 0 : index
    %get3A_158 = vector.load %arg4[%get3A_156, %get3A_157] : memref<4x64xf32, #tpu.memory_space<vmem>>, vector<1x64xf32>
    %dot_general3A_159 = arith.constant dense<0.000000e+00> : vector<21x1xf32>
    %dot_general3A_160 = tpu.matmul %slice3A_155, %get3A_158, %dot_general3A_159 {dimension_numbers = #tpu.dot_dimension_numbers<[1], [1], [0], [0], [0, 0, 1, 0], [], []>, transpose_lhs_hint = false} : vector<21x64xf32>, vector<1x64xf32>, vector<21x1xf32> -> vector<21x1xf32>
    %get3A_161 = arith.constant 0 : index
    %get3A_162 = arith.constant 0 : index
    %get3A_163 = vector.load %arg5[%get3A_161, %get3A_162] : memref<4x64xf32, #tpu.memory_space<vmem>>, vector<1x64xf32>
    %dot_general3A_164 = arith.constant dense<0.000000e+00> : vector<1x21xf32>
    %dot_general3A_165 = tpu.matmul %get3A_163, %slice3A_155, %dot_general3A_164 {dimension_numbers = #tpu.dot_dimension_numbers<[1], [1], [0], [0], [0, 0, 1, 0], [], []>, transpose_lhs_hint = false} : vector<1x64xf32>, vector<21x64xf32>, vector<1x21xf32> -> vector<1x21xf32>
    %add3A_166 = vector.broadcast %dot_general3A_160 : vector<21x1xf32> to vector<21x21xf32>
    %add3A_167 = vector.broadcast %dot_general3A_165 : vector<1x21xf32> to vector<21x21xf32>
    %add3A_168 = arith.addf %add3A_166, %add3A_167 : vector<21x21xf32>
    %ge3A = arith.constant 0.000000e+00 : f32
    %ge3A_169 = vector.broadcast %ge3A : f32 to vector<21x21xf32>
    %ge3A_170 = arith.cmpf oge, %add3A_168, %ge3A_169 : vector<21x21xf32>
    %mul3A = arith.constant 2.000000e-01 : f32
    %mul3A_171 = vector.broadcast %mul3A : f32 to vector<21x21xf32>
    %mul3A_172 = arith.mulf %mul3A_171, %add3A_168 : vector<21x21xf32>
    %select_n3A = arith.select %ge3A_170, %add3A_168, %mul3A_172 : vector<21x21xi1>, vector<21x21xf32>
    %jit3A = arith.constant -1.000000e+09 : f32
    %broadcast_in_dim3A = vector.broadcast %jit3A : f32 to vector<21x21xf32>
    %select_n3A_173 = arith.select %or3A, %select_n3A, %broadcast_in_dim3A : vector<21x21xi1>, vector<21x21xf32>
    %reduce_max3A = arith.constant dense<0xFF800000> : vector<21xf32>
    %reduce_max3A_174 = vector.multi_reduction <maximumf>, %select_n3A_173, %reduce_max3A [0] : vector<21x21xf32> to vector<21xf32>
    %broadcast_in_dim3A_175 = vector.shape_cast %reduce_max3A_174 : vector<21xf32> to vector<1x21xf32>
    %sub3A = vector.broadcast %broadcast_in_dim3A_175 : vector<1x21xf32> to vector<21x21xf32>
    %sub3A_176 = arith.subf %select_n3A_173, %sub3A : vector<21x21xf32>
    %exp3A = math.exp %sub3A_176 : vector<21x21xf32>
    %reduce_sum3A = arith.constant dense<0.000000e+00> : vector<21xf32>
    %reduce_sum3A_177 = vector.multi_reduction <add>, %exp3A, %reduce_sum3A [0] : vector<21x21xf32> to vector<21xf32>
    %broadcast_in_dim3A_178 = vector.shape_cast %reduce_sum3A_177 : vector<21xf32> to vector<1x21xf32>
    %div3A = vector.broadcast %broadcast_in_dim3A_178 : vector<1x21xf32> to vector<21x21xf32>
    %div3A_179 = arith.divf %exp3A, %div3A : vector<21x21xf32>
    %dot_general3A_180 = arith.constant dense<0.000000e+00> : vector<21x64xf32>
    %dot_general3A_181 = tpu.matmul %div3A_179, %slice3A_155, %dot_general3A_180 {dimension_numbers = #tpu.dot_dimension_numbers<[0], [0], [1], [1], [0, 1, 1, 1], [], []>, transpose_lhs_hint = false} : vector<21x21xf32>, vector<21x64xf32>, vector<21x64xf32> -> vector<21x64xf32>
    %slice3A_182 = vector.extract_strided_slice %dot_general3A_154 {offsets = [0, 64], sizes = [21, 64], strides = [1, 1]} : vector<21x256xf32> to vector<21x64xf32>
    %get3A_183 = arith.constant 1 : index
    %get3A_184 = arith.constant 0 : index
    %get3A_185 = vector.load %arg4[%get3A_183, %get3A_184] : memref<4x64xf32, #tpu.memory_space<vmem>>, vector<1x64xf32>
    %dot_general3A_186 = arith.constant dense<0.000000e+00> : vector<21x1xf32>
    %dot_general3A_187 = tpu.matmul %slice3A_182, %get3A_185, %dot_general3A_186 {dimension_numbers = #tpu.dot_dimension_numbers<[1], [1], [0], [0], [0, 0, 1, 0], [], []>, transpose_lhs_hint = false} : vector<21x64xf32>, vector<1x64xf32>, vector<21x1xf32> -> vector<21x1xf32>
    %get3A_188 = arith.constant 1 : index
    %get3A_189 = arith.constant 0 : index
    %get3A_190 = vector.load %arg5[%get3A_188, %get3A_189] : memref<4x64xf32, #tpu.memory_space<vmem>>, vector<1x64xf32>
    %dot_general3A_191 = arith.constant dense<0.000000e+00> : vector<1x21xf32>
    %dot_general3A_192 = tpu.matmul %get3A_190, %slice3A_182, %dot_general3A_191 {dimension_numbers = #tpu.dot_dimension_numbers<[1], [1], [0], [0], [0, 0, 1, 0], [], []>, transpose_lhs_hint = false} : vector<1x64xf32>, vector<21x64xf32>, vector<1x21xf32> -> vector<1x21xf32>
    %add3A_193 = vector.broadcast %dot_general3A_187 : vector<21x1xf32> to vector<21x21xf32>
    %add3A_194 = vector.broadcast %dot_general3A_192 : vector<1x21xf32> to vector<21x21xf32>
    %add3A_195 = arith.addf %add3A_193, %add3A_194 : vector<21x21xf32>
    %ge3A_196 = arith.constant 0.000000e+00 : f32
    %ge3A_197 = vector.broadcast %ge3A_196 : f32 to vector<21x21xf32>
    %ge3A_198 = arith.cmpf oge, %add3A_195, %ge3A_197 : vector<21x21xf32>
    %mul3A_199 = arith.constant 2.000000e-01 : f32
    %mul3A_200 = vector.broadcast %mul3A_199 : f32 to vector<21x21xf32>
    %mul3A_201 = arith.mulf %mul3A_200, %add3A_195 : vector<21x21xf32>
    %select_n3A_202 = arith.select %ge3A_198, %add3A_195, %mul3A_201 : vector<21x21xi1>, vector<21x21xf32>
    %jit3A_203 = arith.constant -1.000000e+09 : f32
    %broadcast_in_dim3A_204 = vector.broadcast %jit3A_203 : f32 to vector<21x21xf32>
    %select_n3A_205 = arith.select %or3A, %select_n3A_202, %broadcast_in_dim3A_204 : vector<21x21xi1>, vector<21x21xf32>
    %reduce_max3A_206 = arith.constant dense<0xFF800000> : vector<21xf32>
    %reduce_max3A_207 = vector.multi_reduction <maximumf>, %select_n3A_205, %reduce_max3A_206 [0] : vector<21x21xf32> to vector<21xf32>
    %broadcast_in_dim3A_208 = vector.shape_cast %reduce_max3A_207 : vector<21xf32> to vector<1x21xf32>
    %sub3A_209 = vector.broadcast %broadcast_in_dim3A_208 : vector<1x21xf32> to vector<21x21xf32>
    %sub3A_210 = arith.subf %select_n3A_205, %sub3A_209 : vector<21x21xf32>
    %exp3A_211 = math.exp %sub3A_210 : vector<21x21xf32>
    %reduce_sum3A_212 = arith.constant dense<0.000000e+00> : vector<21xf32>
    %reduce_sum3A_213 = vector.multi_reduction <add>, %exp3A_211, %reduce_sum3A_212 [0] : vector<21x21xf32> to vector<21xf32>
    %broadcast_in_dim3A_214 = vector.shape_cast %reduce_sum3A_213 : vector<21xf32> to vector<1x21xf32>
    %div3A_215 = vector.broadcast %broadcast_in_dim3A_214 : vector<1x21xf32> to vector<21x21xf32>
    %div3A_216 = arith.divf %exp3A_211, %div3A_215 : vector<21x21xf32>
    %dot_general3A_217 = arith.constant dense<0.000000e+00> : vector<21x64xf32>
    %dot_general3A_218 = tpu.matmul %div3A_216, %slice3A_182, %dot_general3A_217 {dimension_numbers = #tpu.dot_dimension_numbers<[0], [0], [1], [1], [0, 1, 1, 1], [], []>, transpose_lhs_hint = false} : vector<21x21xf32>, vector<21x64xf32>, vector<21x64xf32> -> vector<21x64xf32>
    %slice3A_219 = vector.extract_strided_slice %dot_general3A_154 {offsets = [0, 128], sizes = [21, 64], strides = [1, 1]} : vector<21x256xf32> to vector<21x64xf32>
    %get3A_220 = arith.constant 2 : index
    %get3A_221 = arith.constant 0 : index
    %get3A_222 = vector.load %arg4[%get3A_220, %get3A_221] : memref<4x64xf32, #tpu.memory_space<vmem>>, vector<1x64xf32>
    %dot_general3A_223 = arith.constant dense<0.000000e+00> : vector<21x1xf32>
    %dot_general3A_224 = tpu.matmul %slice3A_219, %get3A_222, %dot_general3A_223 {dimension_numbers = #tpu.dot_dimension_numbers<[1], [1], [0], [0], [0, 0, 1, 0], [], []>, transpose_lhs_hint = false} : vector<21x64xf32>, vector<1x64xf32>, vector<21x1xf32> -> vector<21x1xf32>
    %get3A_225 = arith.constant 2 : index
    %get3A_226 = arith.constant 0 : index
    %get3A_227 = vector.load %arg5[%get3A_225, %get3A_226] : memref<4x64xf32, #tpu.memory_space<vmem>>, vector<1x64xf32>
    %dot_general3A_228 = arith.constant dense<0.000000e+00> : vector<1x21xf32>
    %dot_general3A_229 = tpu.matmul %get3A_227, %slice3A_219, %dot_general3A_228 {dimension_numbers = #tpu.dot_dimension_numbers<[1], [1], [0], [0], [0, 0, 1, 0], [], []>, transpose_lhs_hint = false} : vector<1x64xf32>, vector<21x64xf32>, vector<1x21xf32> -> vector<1x21xf32>
    %add3A_230 = vector.broadcast %dot_general3A_224 : vector<21x1xf32> to vector<21x21xf32>
    %add3A_231 = vector.broadcast %dot_general3A_229 : vector<1x21xf32> to vector<21x21xf32>
    %add3A_232 = arith.addf %add3A_230, %add3A_231 : vector<21x21xf32>
    %ge3A_233 = arith.constant 0.000000e+00 : f32
    %ge3A_234 = vector.broadcast %ge3A_233 : f32 to vector<21x21xf32>
    %ge3A_235 = arith.cmpf oge, %add3A_232, %ge3A_234 : vector<21x21xf32>
    %mul3A_236 = arith.constant 2.000000e-01 : f32
    %mul3A_237 = vector.broadcast %mul3A_236 : f32 to vector<21x21xf32>
    %mul3A_238 = arith.mulf %mul3A_237, %add3A_232 : vector<21x21xf32>
    %select_n3A_239 = arith.select %ge3A_235, %add3A_232, %mul3A_238 : vector<21x21xi1>, vector<21x21xf32>
    %jit3A_240 = arith.constant -1.000000e+09 : f32
    %broadcast_in_dim3A_241 = vector.broadcast %jit3A_240 : f32 to vector<21x21xf32>
    %select_n3A_242 = arith.select %or3A, %select_n3A_239, %broadcast_in_dim3A_241 : vector<21x21xi1>, vector<21x21xf32>
    %reduce_max3A_243 = arith.constant dense<0xFF800000> : vector<21xf32>
    %reduce_max3A_244 = vector.multi_reduction <maximumf>, %select_n3A_242, %reduce_max3A_243 [0] : vector<21x21xf32> to vector<21xf32>
    %broadcast_in_dim3A_245 = vector.shape_cast %reduce_max3A_244 : vector<21xf32> to vector<1x21xf32>
    %sub3A_246 = vector.broadcast %broadcast_in_dim3A_245 : vector<1x21xf32> to vector<21x21xf32>
    %sub3A_247 = arith.subf %select_n3A_242, %sub3A_246 : vector<21x21xf32>
    %exp3A_248 = math.exp %sub3A_247 : vector<21x21xf32>
    %reduce_sum3A_249 = arith.constant dense<0.000000e+00> : vector<21xf32>
    %reduce_sum3A_250 = vector.multi_reduction <add>, %exp3A_248, %reduce_sum3A_249 [0] : vector<21x21xf32> to vector<21xf32>
    %broadcast_in_dim3A_251 = vector.shape_cast %reduce_sum3A_250 : vector<21xf32> to vector<1x21xf32>
    %div3A_252 = vector.broadcast %broadcast_in_dim3A_251 : vector<1x21xf32> to vector<21x21xf32>
    %div3A_253 = arith.divf %exp3A_248, %div3A_252 : vector<21x21xf32>
    %dot_general3A_254 = arith.constant dense<0.000000e+00> : vector<21x64xf32>
    %dot_general3A_255 = tpu.matmul %div3A_253, %slice3A_219, %dot_general3A_254 {dimension_numbers = #tpu.dot_dimension_numbers<[0], [0], [1], [1], [0, 1, 1, 1], [], []>, transpose_lhs_hint = false} : vector<21x21xf32>, vector<21x64xf32>, vector<21x64xf32> -> vector<21x64xf32>
    %slice3A_256 = vector.extract_strided_slice %dot_general3A_154 {offsets = [0, 192], sizes = [21, 64], strides = [1, 1]} : vector<21x256xf32> to vector<21x64xf32>
    %get3A_257 = arith.constant 3 : index
    %get3A_258 = arith.constant 0 : index
    %get3A_259 = vector.load %arg4[%get3A_257, %get3A_258] : memref<4x64xf32, #tpu.memory_space<vmem>>, vector<1x64xf32>
    %dot_general3A_260 = arith.constant dense<0.000000e+00> : vector<21x1xf32>
    %dot_general3A_261 = tpu.matmul %slice3A_256, %get3A_259, %dot_general3A_260 {dimension_numbers = #tpu.dot_dimension_numbers<[1], [1], [0], [0], [0, 0, 1, 0], [], []>, transpose_lhs_hint = false} : vector<21x64xf32>, vector<1x64xf32>, vector<21x1xf32> -> vector<21x1xf32>
    %get3A_262 = arith.constant 3 : index
    %get3A_263 = arith.constant 0 : index
    %get3A_264 = vector.load %arg5[%get3A_262, %get3A_263] : memref<4x64xf32, #tpu.memory_space<vmem>>, vector<1x64xf32>
    %dot_general3A_265 = arith.constant dense<0.000000e+00> : vector<1x21xf32>
    %dot_general3A_266 = tpu.matmul %get3A_264, %slice3A_256, %dot_general3A_265 {dimension_numbers = #tpu.dot_dimension_numbers<[1], [1], [0], [0], [0, 0, 1, 0], [], []>, transpose_lhs_hint = false} : vector<1x64xf32>, vector<21x64xf32>, vector<1x21xf32> -> vector<1x21xf32>
    %add3A_267 = vector.broadcast %dot_general3A_261 : vector<21x1xf32> to vector<21x21xf32>
    %add3A_268 = vector.broadcast %dot_general3A_266 : vector<1x21xf32> to vector<21x21xf32>
    %add3A_269 = arith.addf %add3A_267, %add3A_268 : vector<21x21xf32>
    %ge3A_270 = arith.constant 0.000000e+00 : f32
    %ge3A_271 = vector.broadcast %ge3A_270 : f32 to vector<21x21xf32>
    %ge3A_272 = arith.cmpf oge, %add3A_269, %ge3A_271 : vector<21x21xf32>
    %mul3A_273 = arith.constant 2.000000e-01 : f32
    %mul3A_274 = vector.broadcast %mul3A_273 : f32 to vector<21x21xf32>
    %mul3A_275 = arith.mulf %mul3A_274, %add3A_269 : vector<21x21xf32>
    %select_n3A_276 = arith.select %ge3A_272, %add3A_269, %mul3A_275 : vector<21x21xi1>, vector<21x21xf32>
    %jit3A_277 = arith.constant -1.000000e+09 : f32
    %broadcast_in_dim3A_278 = vector.broadcast %jit3A_277 : f32 to vector<21x21xf32>
    %select_n3A_279 = arith.select %or3A, %select_n3A_276, %broadcast_in_dim3A_278 : vector<21x21xi1>, vector<21x21xf32>
    %reduce_max3A_280 = arith.constant dense<0xFF800000> : vector<21xf32>
    %reduce_max3A_281 = vector.multi_reduction <maximumf>, %select_n3A_279, %reduce_max3A_280 [0] : vector<21x21xf32> to vector<21xf32>
    %broadcast_in_dim3A_282 = vector.shape_cast %reduce_max3A_281 : vector<21xf32> to vector<1x21xf32>
    %sub3A_283 = vector.broadcast %broadcast_in_dim3A_282 : vector<1x21xf32> to vector<21x21xf32>
    %sub3A_284 = arith.subf %select_n3A_279, %sub3A_283 : vector<21x21xf32>
    %exp3A_285 = math.exp %sub3A_284 : vector<21x21xf32>
    %reduce_sum3A_286 = arith.constant dense<0.000000e+00> : vector<21xf32>
    %reduce_sum3A_287 = vector.multi_reduction <add>, %exp3A_285, %reduce_sum3A_286 [0] : vector<21x21xf32> to vector<21xf32>
    %broadcast_in_dim3A_288 = vector.shape_cast %reduce_sum3A_287 : vector<21xf32> to vector<1x21xf32>
    %div3A_289 = vector.broadcast %broadcast_in_dim3A_288 : vector<1x21xf32> to vector<21x21xf32>
    %div3A_290 = arith.divf %exp3A_285, %div3A_289 : vector<21x21xf32>
    %dot_general3A_291 = arith.constant dense<0.000000e+00> : vector<21x64xf32>
    %dot_general3A_292 = tpu.matmul %div3A_290, %slice3A_256, %dot_general3A_291 {dimension_numbers = #tpu.dot_dimension_numbers<[0], [0], [1], [1], [0, 1, 1, 1], [], []>, transpose_lhs_hint = false} : vector<21x21xf32>, vector<21x64xf32>, vector<21x64xf32> -> vector<21x64xf32>
    %concatenate3A_293 = tpu.concatenate %dot_general3A_181, %dot_general3A_218, %dot_general3A_255, %dot_general3A_292 in 1 : vector<21x64xf32>, vector<21x64xf32>, vector<21x64xf32>, vector<21x64xf32> -> vector<21x256xf32>
    %get3A_294 = arith.constant 0 : index
    %get3A_295 = arith.constant 0 : index
    %get3A_296 = vector.load %arg6[%get3A_294, %get3A_295] : memref<1x256xf32, #tpu.memory_space<vmem>>, vector<1x256xf32>
    %add3A_297 = vector.broadcast %get3A_296 : vector<1x256xf32> to vector<21x256xf32>
    %add3A_298 = arith.addf %concatenate3A_293, %add3A_297 : vector<21x256xf32>
    %gt3A_299 = arith.constant 0.000000e+00 : f32
    %gt3A_300 = vector.broadcast %gt3A_299 : f32 to vector<21x256xf32>
    %gt3A_301 = arith.cmpf ogt, %add3A_298, %gt3A_300 : vector<21x256xf32>
    %exp3A_302 = math.exp %add3A_298 : vector<21x256xf32>
    %sub3A_303 = arith.constant 1.000000e+00 : f32
    %sub3A_304 = vector.broadcast %sub3A_303 : f32 to vector<21x256xf32>
    %sub3A_305 = arith.subf %exp3A_302, %sub3A_304 : vector<21x256xf32>
    %select_n3A_306 = arith.select %gt3A_301, %add3A_298, %sub3A_305 : vector<21x256xi1>, vector<21x256xf32>
    %get3A_307 = arith.constant 0 : index
    %get3A_308 = arith.constant 0 : index
    %get3A_309 = vector.load %arg7[%get3A_307, %get3A_308] : memref<256x128xf32, #tpu.memory_space<vmem>>, vector<256x128xf32>
    %dot_general3A_310 = arith.constant dense<0.000000e+00> : vector<21x128xf32>
    %dot_general3A_311 = tpu.matmul %select_n3A_306, %get3A_309, %dot_general3A_310 {dimension_numbers = #tpu.dot_dimension_numbers<[1], [0], [0], [1], [0, 0, 1, 1], [], []>, transpose_lhs_hint = false} : vector<21x256xf32>, vector<256x128xf32>, vector<21x128xf32> -> vector<21x128xf32>
    %get3A_312 = arith.constant 0 : index
    %get3A_313 = arith.constant 0 : index
    %get3A_314 = vector.load %arg8[%get3A_312, %get3A_313] : memref<1x128xf32, #tpu.memory_space<vmem>>, vector<1x128xf32>
    %dot_general3A_315 = arith.constant dense<0.000000e+00> : vector<21x1xf32>
    %dot_general3A_316 = tpu.matmul %dot_general3A_311, %get3A_314, %dot_general3A_315 {dimension_numbers = #tpu.dot_dimension_numbers<[1], [1], [0], [0], [0, 0, 1, 0], [], []>, transpose_lhs_hint = false} : vector<21x128xf32>, vector<1x128xf32>, vector<21x1xf32> -> vector<21x1xf32>
    %get3A_317 = arith.constant 0 : index
    %get3A_318 = arith.constant 0 : index
    %get3A_319 = vector.load %arg9[%get3A_317, %get3A_318] : memref<1x128xf32, #tpu.memory_space<vmem>>, vector<1x128xf32>
    %dot_general3A_320 = arith.constant dense<0.000000e+00> : vector<1x21xf32>
    %dot_general3A_321 = tpu.matmul %get3A_319, %dot_general3A_311, %dot_general3A_320 {dimension_numbers = #tpu.dot_dimension_numbers<[1], [1], [0], [0], [0, 0, 1, 0], [], []>, transpose_lhs_hint = false} : vector<1x128xf32>, vector<21x128xf32>, vector<1x21xf32> -> vector<1x21xf32>
    %add3A_322 = vector.broadcast %dot_general3A_316 : vector<21x1xf32> to vector<21x21xf32>
    %add3A_323 = vector.broadcast %dot_general3A_321 : vector<1x21xf32> to vector<21x21xf32>
    %add3A_324 = arith.addf %add3A_322, %add3A_323 : vector<21x21xf32>
    %ge3A_325 = arith.constant 0.000000e+00 : f32
    %ge3A_326 = vector.broadcast %ge3A_325 : f32 to vector<21x21xf32>
    %ge3A_327 = arith.cmpf oge, %add3A_324, %ge3A_326 : vector<21x21xf32>
    %mul3A_328 = arith.constant 2.000000e-01 : f32
    %mul3A_329 = vector.broadcast %mul3A_328 : f32 to vector<21x21xf32>
    %mul3A_330 = arith.mulf %mul3A_329, %add3A_324 : vector<21x21xf32>
    %select_n3A_331 = arith.select %ge3A_327, %add3A_324, %mul3A_330 : vector<21x21xi1>, vector<21x21xf32>
    %jit3A_332 = arith.constant -1.000000e+09 : f32
    %broadcast_in_dim3A_333 = vector.broadcast %jit3A_332 : f32 to vector<21x21xf32>
    %select_n3A_334 = arith.select %or3A, %select_n3A_331, %broadcast_in_dim3A_333 : vector<21x21xi1>, vector<21x21xf32>
    %reduce_max3A_335 = arith.constant dense<0xFF800000> : vector<21xf32>
    %reduce_max3A_336 = vector.multi_reduction <maximumf>, %select_n3A_334, %reduce_max3A_335 [0] : vector<21x21xf32> to vector<21xf32>
    %broadcast_in_dim3A_337 = vector.shape_cast %reduce_max3A_336 : vector<21xf32> to vector<1x21xf32>
    %sub3A_338 = vector.broadcast %broadcast_in_dim3A_337 : vector<1x21xf32> to vector<21x21xf32>
    %sub3A_339 = arith.subf %select_n3A_334, %sub3A_338 : vector<21x21xf32>
    %exp3A_340 = math.exp %sub3A_339 : vector<21x21xf32>
    %reduce_sum3A_341 = arith.constant dense<0.000000e+00> : vector<21xf32>
    %reduce_sum3A_342 = vector.multi_reduction <add>, %exp3A_340, %reduce_sum3A_341 [0] : vector<21x21xf32> to vector<21xf32>
    %broadcast_in_dim3A_343 = vector.shape_cast %reduce_sum3A_342 : vector<21xf32> to vector<1x21xf32>
    %div3A_344 = vector.broadcast %broadcast_in_dim3A_343 : vector<1x21xf32> to vector<21x21xf32>
    %div3A_345 = arith.divf %exp3A_340, %div3A_344 : vector<21x21xf32>
    %dot_general3A_346 = arith.constant dense<0.000000e+00> : vector<21x128xf32>
    %dot_general3A_347 = tpu.matmul %div3A_345, %dot_general3A_311, %dot_general3A_346 {dimension_numbers = #tpu.dot_dimension_numbers<[0], [0], [1], [1], [0, 1, 1, 1], [], []>, transpose_lhs_hint = false} : vector<21x21xf32>, vector<21x128xf32>, vector<21x128xf32> -> vector<21x128xf32>
    %get3A_348 = arith.constant 0 : index
    %get3A_349 = arith.constant 0 : index
    %get3A_350 = vector.load %arg10[%get3A_348, %get3A_349] : memref<1x128xf32, #tpu.memory_space<vmem>>, vector<1x128xf32>
    %add3A_351 = vector.broadcast %get3A_350 : vector<1x128xf32> to vector<21x128xf32>
    %add3A_352 = arith.addf %dot_general3A_347, %add3A_351 : vector<21x128xf32>
    %slice3A_353 = vector.extract_strided_slice %add3A_352 {offsets = [0, 0], sizes = [1, 128], strides = [1, 1]} : vector<21x128xf32> to vector<1x128xf32>
    %slice3A_354 = vector.extract_strided_slice %add3A_352 {offsets = [1, 0], sizes = [1, 128], strides = [1, 1]} : vector<21x128xf32> to vector<1x128xf32>
    %slice3A_355 = vector.extract_strided_slice %add3A_352 {offsets = [2, 0], sizes = [1, 128], strides = [1, 1]} : vector<21x128xf32> to vector<1x128xf32>
    %slice3A_356 = vector.extract_strided_slice %add3A_352 {offsets = [3, 0], sizes = [1, 128], strides = [1, 1]} : vector<21x128xf32> to vector<1x128xf32>
    %slice3A_357 = vector.extract_strided_slice %add3A_352 {offsets = [4, 0], sizes = [1, 128], strides = [1, 1]} : vector<21x128xf32> to vector<1x128xf32>
    %slice3A_358 = vector.extract_strided_slice %add3A_352 {offsets = [5, 0], sizes = [1, 128], strides = [1, 1]} : vector<21x128xf32> to vector<1x128xf32>
    %slice3A_359 = vector.extract_strided_slice %add3A_352 {offsets = [6, 0], sizes = [1, 128], strides = [1, 1]} : vector<21x128xf32> to vector<1x128xf32>
    %slice3A_360 = vector.extract_strided_slice %add3A_352 {offsets = [7, 0], sizes = [1, 128], strides = [1, 1]} : vector<21x128xf32> to vector<1x128xf32>
    %slice3A_361 = vector.extract_strided_slice %add3A_352 {offsets = [8, 0], sizes = [1, 128], strides = [1, 1]} : vector<21x128xf32> to vector<1x128xf32>
    %slice3A_362 = vector.extract_strided_slice %add3A_352 {offsets = [9, 0], sizes = [1, 128], strides = [1, 1]} : vector<21x128xf32> to vector<1x128xf32>
    %slice3A_363 = vector.extract_strided_slice %add3A_352 {offsets = [10, 0], sizes = [1, 128], strides = [1, 1]} : vector<21x128xf32> to vector<1x128xf32>
    %slice3A_364 = vector.extract_strided_slice %add3A_352 {offsets = [11, 0], sizes = [1, 128], strides = [1, 1]} : vector<21x128xf32> to vector<1x128xf32>
    %slice3A_365 = vector.extract_strided_slice %add3A_352 {offsets = [12, 0], sizes = [1, 128], strides = [1, 1]} : vector<21x128xf32> to vector<1x128xf32>
    %slice3A_366 = vector.extract_strided_slice %add3A_352 {offsets = [13, 0], sizes = [1, 128], strides = [1, 1]} : vector<21x128xf32> to vector<1x128xf32>
    %slice3A_367 = vector.extract_strided_slice %add3A_352 {offsets = [14, 0], sizes = [1, 128], strides = [1, 1]} : vector<21x128xf32> to vector<1x128xf32>
    %slice3A_368 = vector.extract_strided_slice %add3A_352 {offsets = [15, 0], sizes = [1, 128], strides = [1, 1]} : vector<21x128xf32> to vector<1x128xf32>
    %slice3A_369 = vector.extract_strided_slice %add3A_352 {offsets = [16, 0], sizes = [1, 128], strides = [1, 1]} : vector<21x128xf32> to vector<1x128xf32>
    %slice3A_370 = vector.extract_strided_slice %add3A_352 {offsets = [17, 0], sizes = [1, 128], strides = [1, 1]} : vector<21x128xf32> to vector<1x128xf32>
    %slice3A_371 = vector.extract_strided_slice %add3A_352 {offsets = [18, 0], sizes = [1, 128], strides = [1, 1]} : vector<21x128xf32> to vector<1x128xf32>
    %slice3A_372 = vector.extract_strided_slice %add3A_352 {offsets = [19, 0], sizes = [1, 128], strides = [1, 1]} : vector<21x128xf32> to vector<1x128xf32>
    %slice3A_373 = vector.extract_strided_slice %add3A_352 {offsets = [20, 0], sizes = [1, 128], strides = [1, 1]} : vector<21x128xf32> to vector<1x128xf32>
    %concatenate3A_374 = tpu.concatenate %slice3A_353, %slice3A_354, %slice3A_355, %slice3A_356, %slice3A_357, %slice3A_358, %slice3A_359, %slice3A_360, %slice3A_361, %slice3A_362, %slice3A_363, %slice3A_364, %slice3A_365, %slice3A_366, %slice3A_367, %slice3A_368, %slice3A_369, %slice3A_370, %slice3A_371, %slice3A_372, %slice3A_373 in 1 : vector<1x128xf32>, vector<1x128xf32>, vector<1x128xf32>, vector<1x128xf32>, vector<1x128xf32>, vector<1x128xf32>, vector<1x128xf32>, vector<1x128xf32>, vector<1x128xf32>, vector<1x128xf32>, vector<1x128xf32>, vector<1x128xf32>, vector<1x128xf32>, vector<1x128xf32>, vector<1x128xf32>, vector<1x128xf32>, vector<1x128xf32>, vector<1x128xf32>, vector<1x128xf32>, vector<1x128xf32>, vector<1x128xf32> -> vector<1x2688xf32>
    %get3A_375 = arith.constant 0 : index
    %get3A_376 = arith.constant 0 : index
    %get3A_377 = vector.load %arg11[%get3A_375, %get3A_376] : memref<2688x256xf32, #tpu.memory_space<vmem>>, vector<2688x256xf32>
    %dot_general3A_378 = arith.constant dense<0.000000e+00> : vector<1x256xf32>
    %dot_general3A_379 = tpu.matmul %concatenate3A_374, %get3A_377, %dot_general3A_378 {dimension_numbers = #tpu.dot_dimension_numbers<[1], [0], [0], [1], [0, 0, 1, 1], [], []>, transpose_lhs_hint = false} : vector<1x2688xf32>, vector<2688x256xf32>, vector<1x256xf32> -> vector<1x256xf32>
    %get3A_380 = arith.constant 0 : index
    %get3A_381 = arith.constant 0 : index
    %get3A_382 = vector.load %arg12[%get3A_380, %get3A_381] : memref<1x256xf32, #tpu.memory_space<vmem>>, vector<1x256xf32>
    %add3A_383 = arith.addf %dot_general3A_379, %get3A_382 : vector<1x256xf32>
    %max3A = arith.constant 0.000000e+00 : f32
    %max3A_384 = vector.broadcast %max3A : f32 to vector<1x256xf32>
    %max3A_385 = arith.maximumf %add3A_383, %max3A_384 : vector<1x256xf32>
    %get3A_386 = arith.constant 0 : index
    %get3A_387 = arith.constant 0 : index
    %get3A_388 = vector.load %arg13[%get3A_386, %get3A_387] : memref<256x128xf32, #tpu.memory_space<vmem>>, vector<256x128xf32>
    %dot_general3A_389 = arith.constant dense<0.000000e+00> : vector<1x128xf32>
    %dot_general3A_390 = tpu.matmul %max3A_385, %get3A_388, %dot_general3A_389 {dimension_numbers = #tpu.dot_dimension_numbers<[1], [0], [0], [1], [0, 0, 1, 1], [], []>, transpose_lhs_hint = false} : vector<1x256xf32>, vector<256x128xf32>, vector<1x128xf32> -> vector<1x128xf32>
    %get3A_391 = arith.constant 0 : index
    %get3A_392 = arith.constant 0 : index
    %get3A_393 = vector.load %arg14[%get3A_391, %get3A_392] : memref<1x128xf32, #tpu.memory_space<vmem>>, vector<1x128xf32>
    %add3A_394 = arith.addf %dot_general3A_390, %get3A_393 : vector<1x128xf32>
    %get3A_395 = arith.constant 0 : index
    %get3A_396 = arith.constant 0 : index
    %get3A_397 = vector.load %arg17[%get3A_395, %get3A_396] : memref<128x128xf32, #tpu.memory_space<vmem>>, vector<128x128xf32>
    %dot_general3A_398 = arith.constant dense<0.000000e+00> : vector<1x128xf32>
    %dot_general3A_399 = tpu.matmul %add3A_394, %get3A_397, %dot_general3A_398 {dimension_numbers = #tpu.dot_dimension_numbers<[1], [0], [0], [1], [0, 0, 1, 1], [], []>, transpose_lhs_hint = false} : vector<1x128xf32>, vector<128x128xf32>, vector<1x128xf32> -> vector<1x128xf32>
    %get3A_400 = arith.constant 0 : index
    %get3A_401 = arith.constant 0 : index
    %get3A_402 = vector.load %arg16[%get3A_400, %get3A_401] : memref<1x32xf32, #tpu.memory_space<vmem>>, vector<1x32xf32>
    %get3A_403 = arith.constant 0 : index
    %get3A_404 = arith.constant 0 : index
    %get3A_405 = vector.load %arg18[%get3A_403, %get3A_404] : memref<32x128xf32, #tpu.memory_space<vmem>>, vector<32x128xf32>
    %dot_general3A_406 = arith.constant dense<0.000000e+00> : vector<1x128xf32>
    %dot_general3A_407 = tpu.matmul %get3A_402, %get3A_405, %dot_general3A_406 {dimension_numbers = #tpu.dot_dimension_numbers<[1], [0], [0], [1], [0, 0, 1, 1], [], []>, transpose_lhs_hint = false} : vector<1x32xf32>, vector<32x128xf32>, vector<1x128xf32> -> vector<1x128xf32>
    %add3A_408 = arith.addf %dot_general3A_399, %dot_general3A_407 : vector<1x128xf32>
    %get3A_409 = arith.constant 0 : index
    %get3A_410 = arith.constant 0 : index
    %get3A_411 = vector.load %arg19[%get3A_409, %get3A_410] : memref<1x128xf32, #tpu.memory_space<vmem>>, vector<1x128xf32>
    %add3A_412 = arith.addf %add3A_408, %get3A_411 : vector<1x128xf32>
    %get3A_413 = arith.constant 0 : index
    %get3A_414 = arith.constant 0 : index
    %get3A_415 = vector.load %arg15[%get3A_413, %get3A_414] : memref<1x32xf32, #tpu.memory_space<vmem>>, vector<1x32xf32>
    %get3A_416 = arith.constant 0 : index
    %get3A_417 = arith.constant 0 : index
    %get3A_418 = vector.load %arg18[%get3A_416, %get3A_417] : memref<32x128xf32, #tpu.memory_space<vmem>>, vector<32x128xf32>
    %dot_general3A_419 = arith.constant dense<0.000000e+00> : vector<1x128xf32>
    %dot_general3A_420 = tpu.matmul %get3A_415, %get3A_418, %dot_general3A_419 {dimension_numbers = #tpu.dot_dimension_numbers<[1], [0], [0], [1], [0, 0, 1, 1], [], []>, transpose_lhs_hint = false} : vector<1x32xf32>, vector<32x128xf32>, vector<1x128xf32> -> vector<1x128xf32>
    %get3A_421 = arith.constant 0 : index
    %get3A_422 = arith.constant 0 : index
    %get3A_423 = vector.load %arg1[%get3A_421, %get3A_422] : memref<32x128xf32, #tpu.memory_space<vmem>>, vector<1x128xf32>
    %dot_general3A_424 = arith.constant dense<0.000000e+00> : vector<128x128xf32>
    %dot_general3A_425 = tpu.matmul %get3A_423, %dot_general3A_420, %dot_general3A_424 {dimension_numbers = #tpu.dot_dimension_numbers<[0], [0], [1], [1], [0, 1, 1, 1], [], []>, transpose_lhs_hint = false} : vector<1x128xf32>, vector<1x128xf32>, vector<128x128xf32> -> vector<128x128xf32>
    %add3A_426 = vector.broadcast %add3A_412 : vector<1x128xf32> to vector<128x128xf32>
    %add3A_427 = arith.addf %add3A_426, %dot_general3A_425 : vector<128x128xf32>
    %swap3A = arith.constant 0 : index
    %swap3A_428 = arith.constant 0 : index
    %swap3A_429 = vector.load %arg20[%swap3A, %swap3A_428] : memref<4096x128xf32, #tpu.memory_space<vmem>>, vector<128x128xf32>
    tpu.vector_store %arg20[%swap3A, %swap3A_428], %add3A_427 {strides = array<i32>} : memref<4096x128xf32, #tpu.memory_space<vmem>>, vector<128x128xf32>,
    %get3A_430 = arith.constant 1 : index
    %get3A_431 = arith.constant 0 : index
    %get3A_432 = vector.load %arg1[%get3A_430, %get3A_431] : memref<32x128xf32, #tpu.memory_space<vmem>>, vector<1x128xf32>
    %dot_general3A_433 = arith.constant dense<0.000000e+00> : vector<128x128xf32>
    %dot_general3A_434 = tpu.matmul %get3A_432, %dot_general3A_420, %dot_general3A_433 {dimension_numbers = #tpu.dot_dimension_numbers<[0], [0], [1], [1], [0, 1, 1, 1], [], []>, transpose_lhs_hint = false} : vector<1x128xf32>, vector<1x128xf32>, vector<128x128xf32> -> vector<128x128xf32>
    %add3A_435 = vector.broadcast %add3A_412 : vector<1x128xf32> to vector<128x128xf32>
    %add3A_436 = arith.addf %add3A_435, %dot_general3A_434 : vector<128x128xf32>
    %swap3A_437 = arith.constant 128 : index
    %swap3A_438 = arith.constant 0 : index
    %swap3A_439 = vector.load %arg20[%swap3A_437, %swap3A_438] : memref<4096x128xf32, #tpu.memory_space<vmem>>, vector<128x128xf32>
    tpu.vector_store %arg20[%swap3A_437, %swap3A_438], %add3A_436 {strides = array<i32>} : memref<4096x128xf32, #tpu.memory_space<vmem>>, vector<128x128xf32>,
    %get3A_440 = arith.constant 2 : index
    %get3A_441 = arith.constant 0 : index
    %get3A_442 = vector.load %arg1[%get3A_440, %get3A_441] : memref<32x128xf32, #tpu.memory_space<vmem>>, vector<1x128xf32>
    %dot_general3A_443 = arith.constant dense<0.000000e+00> : vector<128x128xf32>
    %dot_general3A_444 = tpu.matmul %get3A_442, %dot_general3A_420, %dot_general3A_443 {dimension_numbers = #tpu.dot_dimension_numbers<[0], [0], [1], [1], [0, 1, 1, 1], [], []>, transpose_lhs_hint = false} : vector<1x128xf32>, vector<1x128xf32>, vector<128x128xf32> -> vector<128x128xf32>
    %add3A_445 = vector.broadcast %add3A_412 : vector<1x128xf32> to vector<128x128xf32>
    %add3A_446 = arith.addf %add3A_445, %dot_general3A_444 : vector<128x128xf32>
    %swap3A_447 = arith.constant 256 : index
    %swap3A_448 = arith.constant 0 : index
    %swap3A_449 = vector.load %arg20[%swap3A_447, %swap3A_448] : memref<4096x128xf32, #tpu.memory_space<vmem>>, vector<128x128xf32>
    tpu.vector_store %arg20[%swap3A_447, %swap3A_448], %add3A_446 {strides = array<i32>} : memref<4096x128xf32, #tpu.memory_space<vmem>>, vector<128x128xf32>,
    %get3A_450 = arith.constant 3 : index
    %get3A_451 = arith.constant 0 : index
    %get3A_452 = vector.load %arg1[%get3A_450, %get3A_451] : memref<32x128xf32, #tpu.memory_space<vmem>>, vector<1x128xf32>
    %dot_general3A_453 = arith.constant dense<0.000000e+00> : vector<128x128xf32>
    %dot_general3A_454 = tpu.matmul %get3A_452, %dot_general3A_420, %dot_general3A_453 {dimension_numbers = #tpu.dot_dimension_numbers<[0], [0], [1], [1], [0, 1, 1, 1], [], []>, transpose_lhs_hint = false} : vector<1x128xf32>, vector<1x128xf32>, vector<128x128xf32> -> vector<128x128xf32>
    %add3A_455 = vector.broadcast %add3A_412 : vector<1x128xf32> to vector<128x128xf32>
    %add3A_456 = arith.addf %add3A_455, %dot_general3A_454 : vector<128x128xf32>
    %swap3A_457 = arith.constant 384 : index
    %swap3A_458 = arith.constant 0 : index
    %swap3A_459 = vector.load %arg20[%swap3A_457, %swap3A_458] : memref<4096x128xf32, #tpu.memory_space<vmem>>, vector<128x128xf32>
    tpu.vector_store %arg20[%swap3A_457, %swap3A_458], %add3A_456 {strides = array<i32>} : memref<4096x128xf32, #tpu.memory_space<vmem>>, vector<128x128xf32>,
    %get3A_460 = arith.constant 4 : index
    %get3A_461 = arith.constant 0 : index
    %get3A_462 = vector.load %arg1[%get3A_460, %get3A_461] : memref<32x128xf32, #tpu.memory_space<vmem>>, vector<1x128xf32>
    %dot_general3A_463 = arith.constant dense<0.000000e+00> : vector<128x128xf32>
    %dot_general3A_464 = tpu.matmul %get3A_462, %dot_general3A_420, %dot_general3A_463 {dimension_numbers = #tpu.dot_dimension_numbers<[0], [0], [1], [1], [0, 1, 1, 1], [], []>, transpose_lhs_hint = false} : vector<1x128xf32>, vector<1x128xf32>, vector<128x128xf32> -> vector<128x128xf32>
    %add3A_465 = vector.broadcast %add3A_412 : vector<1x128xf32> to vector<128x128xf32>
    %add3A_466 = arith.addf %add3A_465, %dot_general3A_464 : vector<128x128xf32>
    %swap3A_467 = arith.constant 512 : index
    %swap3A_468 = arith.constant 0 : index
    %swap3A_469 = vector.load %arg20[%swap3A_467, %swap3A_468] : memref<4096x128xf32, #tpu.memory_space<vmem>>, vector<128x128xf32>
    tpu.vector_store %arg20[%swap3A_467, %swap3A_468], %add3A_466 {strides = array<i32>} : memref<4096x128xf32, #tpu.memory_space<vmem>>, vector<128x128xf32>,
    %get3A_470 = arith.constant 5 : index
    %get3A_471 = arith.constant 0 : index
    %get3A_472 = vector.load %arg1[%get3A_470, %get3A_471] : memref<32x128xf32, #tpu.memory_space<vmem>>, vector<1x128xf32>
    %dot_general3A_473 = arith.constant dense<0.000000e+00> : vector<128x128xf32>
    %dot_general3A_474 = tpu.matmul %get3A_472, %dot_general3A_420, %dot_general3A_473 {dimension_numbers = #tpu.dot_dimension_numbers<[0], [0], [1], [1], [0, 1, 1, 1], [], []>, transpose_lhs_hint = false} : vector<1x128xf32>, vector<1x128xf32>, vector<128x128xf32> -> vector<128x128xf32>
    %add3A_475 = vector.broadcast %add3A_412 : vector<1x128xf32> to vector<128x128xf32>
    %add3A_476 = arith.addf %add3A_475, %dot_general3A_474 : vector<128x128xf32>
    %swap3A_477 = arith.constant 640 : index
    %swap3A_478 = arith.constant 0 : index
    %swap3A_479 = vector.load %arg20[%swap3A_477, %swap3A_478] : memref<4096x128xf32, #tpu.memory_space<vmem>>, vector<128x128xf32>
    tpu.vector_store %arg20[%swap3A_477, %swap3A_478], %add3A_476 {strides = array<i32>} : memref<4096x128xf32, #tpu.memory_space<vmem>>, vector<128x128xf32>,
    %get3A_480 = arith.constant 6 : index
    %get3A_481 = arith.constant 0 : index
    %get3A_482 = vector.load %arg1[%get3A_480, %get3A_481] : memref<32x128xf32, #tpu.memory_space<vmem>>, vector<1x128xf32>
    %dot_general3A_483 = arith.constant dense<0.000000e+00> : vector<128x128xf32>
    %dot_general3A_484 = tpu.matmul %get3A_482, %dot_general3A_420, %dot_general3A_483 {dimension_numbers = #tpu.dot_dimension_numbers<[0], [0], [1], [1], [0, 1, 1, 1], [], []>, transpose_lhs_hint = false} : vector<1x128xf32>, vector<1x128xf32>, vector<128x128xf32> -> vector<128x128xf32>
    %add3A_485 = vector.broadcast %add3A_412 : vector<1x128xf32> to vector<128x128xf32>
    %add3A_486 = arith.addf %add3A_485, %dot_general3A_484 : vector<128x128xf32>
    %swap3A_487 = arith.constant 768 : index
    %swap3A_488 = arith.constant 0 : index
    %swap3A_489 = vector.load %arg20[%swap3A_487, %swap3A_488] : memref<4096x128xf32, #tpu.memory_space<vmem>>, vector<128x128xf32>
    tpu.vector_store %arg20[%swap3A_487, %swap3A_488], %add3A_486 {strides = array<i32>} : memref<4096x128xf32, #tpu.memory_space<vmem>>, vector<128x128xf32>,
    %get3A_490 = arith.constant 7 : index
    %get3A_491 = arith.constant 0 : index
    %get3A_492 = vector.load %arg1[%get3A_490, %get3A_491] : memref<32x128xf32, #tpu.memory_space<vmem>>, vector<1x128xf32>
    %dot_general3A_493 = arith.constant dense<0.000000e+00> : vector<128x128xf32>
    %dot_general3A_494 = tpu.matmul %get3A_492, %dot_general3A_420, %dot_general3A_493 {dimension_numbers = #tpu.dot_dimension_numbers<[0], [0], [1], [1], [0, 1, 1, 1], [], []>, transpose_lhs_hint = false} : vector<1x128xf32>, vector<1x128xf32>, vector<128x128xf32> -> vector<128x128xf32>
    %add3A_495 = vector.broadcast %add3A_412 : vector<1x128xf32> to vector<128x128xf32>
    %add3A_496 = arith.addf %add3A_495, %dot_general3A_494 : vector<128x128xf32>
    %swap3A_497 = arith.constant 896 : index
    %swap3A_498 = arith.constant 0 : index
    %swap3A_499 = vector.load %arg20[%swap3A_497, %swap3A_498] : memref<4096x128xf32, #tpu.memory_space<vmem>>, vector<128x128xf32>
    tpu.vector_store %arg20[%swap3A_497, %swap3A_498], %add3A_496 {strides = array<i32>} : memref<4096x128xf32, #tpu.memory_space<vmem>>, vector<128x128xf32>,
    %get3A_500 = arith.constant 8 : index
    %get3A_501 = arith.constant 0 : index
    %get3A_502 = vector.load %arg1[%get3A_500, %get3A_501] : memref<32x128xf32, #tpu.memory_space<vmem>>, vector<1x128xf32>
    %dot_general3A_503 = arith.constant dense<0.000000e+00> : vector<128x128xf32>
    %dot_general3A_504 = tpu.matmul %get3A_502, %dot_general3A_420, %dot_general3A_503 {dimension_numbers = #tpu.dot_dimension_numbers<[0], [0], [1], [1], [0, 1, 1, 1], [], []>, transpose_lhs_hint = false} : vector<1x128xf32>, vector<1x128xf32>, vector<128x128xf32> -> vector<128x128xf32>
    %add3A_505 = vector.broadcast %add3A_412 : vector<1x128xf32> to vector<128x128xf32>
    %add3A_506 = arith.addf %add3A_505, %dot_general3A_504 : vector<128x128xf32>
    %swap3A_507 = arith.constant 1024 : index
    %swap3A_508 = arith.constant 0 : index
    %swap3A_509 = vector.load %arg20[%swap3A_507, %swap3A_508] : memref<4096x128xf32, #tpu.memory_space<vmem>>, vector<128x128xf32>
    tpu.vector_store %arg20[%swap3A_507, %swap3A_508], %add3A_506 {strides = array<i32>} : memref<4096x128xf32, #tpu.memory_space<vmem>>, vector<128x128xf32>,
    %get3A_510 = arith.constant 9 : index
    %get3A_511 = arith.constant 0 : index
    %get3A_512 = vector.load %arg1[%get3A_510, %get3A_511] : memref<32x128xf32, #tpu.memory_space<vmem>>, vector<1x128xf32>
    %dot_general3A_513 = arith.constant dense<0.000000e+00> : vector<128x128xf32>
    %dot_general3A_514 = tpu.matmul %get3A_512, %dot_general3A_420, %dot_general3A_513 {dimension_numbers = #tpu.dot_dimension_numbers<[0], [0], [1], [1], [0, 1, 1, 1], [], []>, transpose_lhs_hint = false} : vector<1x128xf32>, vector<1x128xf32>, vector<128x128xf32> -> vector<128x128xf32>
    %add3A_515 = vector.broadcast %add3A_412 : vector<1x128xf32> to vector<128x128xf32>
    %add3A_516 = arith.addf %add3A_515, %dot_general3A_514 : vector<128x128xf32>
    %swap3A_517 = arith.constant 1152 : index
    %swap3A_518 = arith.constant 0 : index
    %swap3A_519 = vector.load %arg20[%swap3A_517, %swap3A_518] : memref<4096x128xf32, #tpu.memory_space<vmem>>, vector<128x128xf32>
    tpu.vector_store %arg20[%swap3A_517, %swap3A_518], %add3A_516 {strides = array<i32>} : memref<4096x128xf32, #tpu.memory_space<vmem>>, vector<128x128xf32>,
    %get3A_520 = arith.constant 10 : index
    %get3A_521 = arith.constant 0 : index
    %get3A_522 = vector.load %arg1[%get3A_520, %get3A_521] : memref<32x128xf32, #tpu.memory_space<vmem>>, vector<1x128xf32>
    %dot_general3A_523 = arith.constant dense<0.000000e+00> : vector<128x128xf32>
    %dot_general3A_524 = tpu.matmul %get3A_522, %dot_general3A_420, %dot_general3A_523 {dimension_numbers = #tpu.dot_dimension_numbers<[0], [0], [1], [1], [0, 1, 1, 1], [], []>, transpose_lhs_hint = false} : vector<1x128xf32>, vector<1x128xf32>, vector<128x128xf32> -> vector<128x128xf32>
    %add3A_525 = vector.broadcast %add3A_412 : vector<1x128xf32> to vector<128x128xf32>
    %add3A_526 = arith.addf %add3A_525, %dot_general3A_524 : vector<128x128xf32>
    %swap3A_527 = arith.constant 1280 : index
    %swap3A_528 = arith.constant 0 : index
    %swap3A_529 = vector.load %arg20[%swap3A_527, %swap3A_528] : memref<4096x128xf32, #tpu.memory_space<vmem>>, vector<128x128xf32>
    tpu.vector_store %arg20[%swap3A_527, %swap3A_528], %add3A_526 {strides = array<i32>} : memref<4096x128xf32, #tpu.memory_space<vmem>>, vector<128x128xf32>,
    %get3A_530 = arith.constant 11 : index
    %get3A_531 = arith.constant 0 : index
    %get3A_532 = vector.load %arg1[%get3A_530, %get3A_531] : memref<32x128xf32, #tpu.memory_space<vmem>>, vector<1x128xf32>
    %dot_general3A_533 = arith.constant dense<0.000000e+00> : vector<128x128xf32>
    %dot_general3A_534 = tpu.matmul %get3A_532, %dot_general3A_420, %dot_general3A_533 {dimension_numbers = #tpu.dot_dimension_numbers<[0], [0], [1], [1], [0, 1, 1, 1], [], []>, transpose_lhs_hint = false} : vector<1x128xf32>, vector<1x128xf32>, vector<128x128xf32> -> vector<128x128xf32>
    %add3A_535 = vector.broadcast %add3A_412 : vector<1x128xf32> to vector<128x128xf32>
    %add3A_536 = arith.addf %add3A_535, %dot_general3A_534 : vector<128x128xf32>
    %swap3A_537 = arith.constant 1408 : index
    %swap3A_538 = arith.constant 0 : index
    %swap3A_539 = vector.load %arg20[%swap3A_537, %swap3A_538] : memref<4096x128xf32, #tpu.memory_space<vmem>>, vector<128x128xf32>
    tpu.vector_store %arg20[%swap3A_537, %swap3A_538], %add3A_536 {strides = array<i32>} : memref<4096x128xf32, #tpu.memory_space<vmem>>, vector<128x128xf32>,
    %get3A_540 = arith.constant 12 : index
    %get3A_541 = arith.constant 0 : index
    %get3A_542 = vector.load %arg1[%get3A_540, %get3A_541] : memref<32x128xf32, #tpu.memory_space<vmem>>, vector<1x128xf32>
    %dot_general3A_543 = arith.constant dense<0.000000e+00> : vector<128x128xf32>
    %dot_general3A_544 = tpu.matmul %get3A_542, %dot_general3A_420, %dot_general3A_543 {dimension_numbers = #tpu.dot_dimension_numbers<[0], [0], [1], [1], [0, 1, 1, 1], [], []>, transpose_lhs_hint = false} : vector<1x128xf32>, vector<1x128xf32>, vector<128x128xf32> -> vector<128x128xf32>
    %add3A_545 = vector.broadcast %add3A_412 : vector<1x128xf32> to vector<128x128xf32>
    %add3A_546 = arith.addf %add3A_545, %dot_general3A_544 : vector<128x128xf32>
    %swap3A_547 = arith.constant 1536 : index
    %swap3A_548 = arith.constant 0 : index
    %swap3A_549 = vector.load %arg20[%swap3A_547, %swap3A_548] : memref<4096x128xf32, #tpu.memory_space<vmem>>, vector<128x128xf32>
    tpu.vector_store %arg20[%swap3A_547, %swap3A_548], %add3A_546 {strides = array<i32>} : memref<4096x128xf32, #tpu.memory_space<vmem>>, vector<128x128xf32>,
    %get3A_550 = arith.constant 13 : index
    %get3A_551 = arith.constant 0 : index
    %get3A_552 = vector.load %arg1[%get3A_550, %get3A_551] : memref<32x128xf32, #tpu.memory_space<vmem>>, vector<1x128xf32>
    %dot_general3A_553 = arith.constant dense<0.000000e+00> : vector<128x128xf32>
    %dot_general3A_554 = tpu.matmul %get3A_552, %dot_general3A_420, %dot_general3A_553 {dimension_numbers = #tpu.dot_dimension_numbers<[0], [0], [1], [1], [0, 1, 1, 1], [], []>, transpose_lhs_hint = false} : vector<1x128xf32>, vector<1x128xf32>, vector<128x128xf32> -> vector<128x128xf32>
    %add3A_555 = vector.broadcast %add3A_412 : vector<1x128xf32> to vector<128x128xf32>
    %add3A_556 = arith.addf %add3A_555, %dot_general3A_554 : vector<128x128xf32>
    %swap3A_557 = arith.constant 1664 : index
    %swap3A_558 = arith.constant 0 : index
    %swap3A_559 = vector.load %arg20[%swap3A_557, %swap3A_558] : memref<4096x128xf32, #tpu.memory_space<vmem>>, vector<128x128xf32>
    tpu.vector_store %arg20[%swap3A_557, %swap3A_558], %add3A_556 {strides = array<i32>} : memref<4096x128xf32, #tpu.memory_space<vmem>>, vector<128x128xf32>,
    %get3A_560 = arith.constant 14 : index
    %get3A_561 = arith.constant 0 : index
    %get3A_562 = vector.load %arg1[%get3A_560, %get3A_561] : memref<32x128xf32, #tpu.memory_space<vmem>>, vector<1x128xf32>
    %dot_general3A_563 = arith.constant dense<0.000000e+00> : vector<128x128xf32>
    %dot_general3A_564 = tpu.matmul %get3A_562, %dot_general3A_420, %dot_general3A_563 {dimension_numbers = #tpu.dot_dimension_numbers<[0], [0], [1], [1], [0, 1, 1, 1], [], []>, transpose_lhs_hint = false} : vector<1x128xf32>, vector<1x128xf32>, vector<128x128xf32> -> vector<128x128xf32>
    %add3A_565 = vector.broadcast %add3A_412 : vector<1x128xf32> to vector<128x128xf32>
    %add3A_566 = arith.addf %add3A_565, %dot_general3A_564 : vector<128x128xf32>
    %swap3A_567 = arith.constant 1792 : index
    %swap3A_568 = arith.constant 0 : index
    %swap3A_569 = vector.load %arg20[%swap3A_567, %swap3A_568] : memref<4096x128xf32, #tpu.memory_space<vmem>>, vector<128x128xf32>
    tpu.vector_store %arg20[%swap3A_567, %swap3A_568], %add3A_566 {strides = array<i32>} : memref<4096x128xf32, #tpu.memory_space<vmem>>, vector<128x128xf32>,
    %get3A_570 = arith.constant 15 : index
    %get3A_571 = arith.constant 0 : index
    %get3A_572 = vector.load %arg1[%get3A_570, %get3A_571] : memref<32x128xf32, #tpu.memory_space<vmem>>, vector<1x128xf32>
    %dot_general3A_573 = arith.constant dense<0.000000e+00> : vector<128x128xf32>
    %dot_general3A_574 = tpu.matmul %get3A_572, %dot_general3A_420, %dot_general3A_573 {dimension_numbers = #tpu.dot_dimension_numbers<[0], [0], [1], [1], [0, 1, 1, 1], [], []>, transpose_lhs_hint = false} : vector<1x128xf32>, vector<1x128xf32>, vector<128x128xf32> -> vector<128x128xf32>
    %add3A_575 = vector.broadcast %add3A_412 : vector<1x128xf32> to vector<128x128xf32>
    %add3A_576 = arith.addf %add3A_575, %dot_general3A_574 : vector<128x128xf32>
    %swap3A_577 = arith.constant 1920 : index
    %swap3A_578 = arith.constant 0 : index
    %swap3A_579 = vector.load %arg20[%swap3A_577, %swap3A_578] : memref<4096x128xf32, #tpu.memory_space<vmem>>, vector<128x128xf32>
    tpu.vector_store %arg20[%swap3A_577, %swap3A_578], %add3A_576 {strides = array<i32>} : memref<4096x128xf32, #tpu.memory_space<vmem>>, vector<128x128xf32>,
    %get3A_580 = arith.constant 16 : index
    %get3A_581 = arith.constant 0 : index
    %get3A_582 = vector.load %arg1[%get3A_580, %get3A_581] : memref<32x128xf32, #tpu.memory_space<vmem>>, vector<1x128xf32>
    %dot_general3A_583 = arith.constant dense<0.000000e+00> : vector<128x128xf32>
    %dot_general3A_584 = tpu.matmul %get3A_582, %dot_general3A_420, %dot_general3A_583 {dimension_numbers = #tpu.dot_dimension_numbers<[0], [0], [1], [1], [0, 1, 1, 1], [], []>, transpose_lhs_hint = false} : vector<1x128xf32>, vector<1x128xf32>, vector<128x128xf32> -> vector<128x128xf32>
    %add3A_585 = vector.broadcast %add3A_412 : vector<1x128xf32> to vector<128x128xf32>
    %add3A_586 = arith.addf %add3A_585, %dot_general3A_584 : vector<128x128xf32>
    %swap3A_587 = arith.constant 2048 : index
    %swap3A_588 = arith.constant 0 : index
    %swap3A_589 = vector.load %arg20[%swap3A_587, %swap3A_588] : memref<4096x128xf32, #tpu.memory_space<vmem>>, vector<128x128xf32>
    tpu.vector_store %arg20[%swap3A_587, %swap3A_588], %add3A_586 {strides = array<i32>} : memref<4096x128xf32, #tpu.memory_space<vmem>>, vector<128x128xf32>,
    %get3A_590 = arith.constant 17 : index
    %get3A_591 = arith.constant 0 : index
    %get3A_592 = vector.load %arg1[%get3A_590, %get3A_591] : memref<32x128xf32, #tpu.memory_space<vmem>>, vector<1x128xf32>
    %dot_general3A_593 = arith.constant dense<0.000000e+00> : vector<128x128xf32>
    %dot_general3A_594 = tpu.matmul %get3A_592, %dot_general3A_420, %dot_general3A_593 {dimension_numbers = #tpu.dot_dimension_numbers<[0], [0], [1], [1], [0, 1, 1, 1], [], []>, transpose_lhs_hint = false} : vector<1x128xf32>, vector<1x128xf32>, vector<128x128xf32> -> vector<128x128xf32>
    %add3A_595 = vector.broadcast %add3A_412 : vector<1x128xf32> to vector<128x128xf32>
    %add3A_596 = arith.addf %add3A_595, %dot_general3A_594 : vector<128x128xf32>
    %swap3A_597 = arith.constant 2176 : index
    %swap3A_598 = arith.constant 0 : index
    %swap3A_599 = vector.load %arg20[%swap3A_597, %swap3A_598] : memref<4096x128xf32, #tpu.memory_space<vmem>>, vector<128x128xf32>
    tpu.vector_store %arg20[%swap3A_597, %swap3A_598], %add3A_596 {strides = array<i32>} : memref<4096x128xf32, #tpu.memory_space<vmem>>, vector<128x128xf32>,
    %get3A_600 = arith.constant 18 : index
    %get3A_601 = arith.constant 0 : index
    %get3A_602 = vector.load %arg1[%get3A_600, %get3A_601] : memref<32x128xf32, #tpu.memory_space<vmem>>, vector<1x128xf32>
    %dot_general3A_603 = arith.constant dense<0.000000e+00> : vector<128x128xf32>
    %dot_general3A_604 = tpu.matmul %get3A_602, %dot_general3A_420, %dot_general3A_603 {dimension_numbers = #tpu.dot_dimension_numbers<[0], [0], [1], [1], [0, 1, 1, 1], [], []>, transpose_lhs_hint = false} : vector<1x128xf32>, vector<1x128xf32>, vector<128x128xf32> -> vector<128x128xf32>
    %add3A_605 = vector.broadcast %add3A_412 : vector<1x128xf32> to vector<128x128xf32>
    %add3A_606 = arith.addf %add3A_605, %dot_general3A_604 : vector<128x128xf32>
    %swap3A_607 = arith.constant 2304 : index
    %swap3A_608 = arith.constant 0 : index
    %swap3A_609 = vector.load %arg20[%swap3A_607, %swap3A_608] : memref<4096x128xf32, #tpu.memory_space<vmem>>, vector<128x128xf32>
    tpu.vector_store %arg20[%swap3A_607, %swap3A_608], %add3A_606 {strides = array<i32>} : memref<4096x128xf32, #tpu.memory_space<vmem>>, vector<128x128xf32>,
    %get3A_610 = arith.constant 19 : index
    %get3A_611 = arith.constant 0 : index
    %get3A_612 = vector.load %arg1[%get3A_610, %get3A_611] : memref<32x128xf32, #tpu.memory_space<vmem>>, vector<1x128xf32>
    %dot_general3A_613 = arith.constant dense<0.000000e+00> : vector<128x128xf32>
    %dot_general3A_614 = tpu.matmul %get3A_612, %dot_general3A_420, %dot_general3A_613 {dimension_numbers = #tpu.dot_dimension_numbers<[0], [0], [1], [1], [0, 1, 1, 1], [], []>, transpose_lhs_hint = false} : vector<1x128xf32>, vector<1x128xf32>, vector<128x128xf32> -> vector<128x128xf32>
    %add3A_615 = vector.broadcast %add3A_412 : vector<1x128xf32> to vector<128x128xf32>
    %add3A_616 = arith.addf %add3A_615, %dot_general3A_614 : vector<128x128xf32>
    %swap3A_617 = arith.constant 2432 : index
    %swap3A_618 = arith.constant 0 : index
    %swap3A_619 = vector.load %arg20[%swap3A_617, %swap3A_618] : memref<4096x128xf32, #tpu.memory_space<vmem>>, vector<128x128xf32>
    tpu.vector_store %arg20[%swap3A_617, %swap3A_618], %add3A_616 {strides = array<i32>} : memref<4096x128xf32, #tpu.memory_space<vmem>>, vector<128x128xf32>,
    %get3A_620 = arith.constant 20 : index
    %get3A_621 = arith.constant 0 : index
    %get3A_622 = vector.load %arg1[%get3A_620, %get3A_621] : memref<32x128xf32, #tpu.memory_space<vmem>>, vector<1x128xf32>
    %dot_general3A_623 = arith.constant dense<0.000000e+00> : vector<128x128xf32>
    %dot_general3A_624 = tpu.matmul %get3A_622, %dot_general3A_420, %dot_general3A_623 {dimension_numbers = #tpu.dot_dimension_numbers<[0], [0], [1], [1], [0, 1, 1, 1], [], []>, transpose_lhs_hint = false} : vector<1x128xf32>, vector<1x128xf32>, vector<128x128xf32> -> vector<128x128xf32>
    %add3A_625 = vector.broadcast %add3A_412 : vector<1x128xf32> to vector<128x128xf32>
    %add3A_626 = arith.addf %add3A_625, %dot_general3A_624 : vector<128x128xf32>
    %swap3A_627 = arith.constant 2560 : index
    %swap3A_628 = arith.constant 0 : index
    %swap3A_629 = vector.load %arg20[%swap3A_627, %swap3A_628] : memref<4096x128xf32, #tpu.memory_space<vmem>>, vector<128x128xf32>
    tpu.vector_store %arg20[%swap3A_627, %swap3A_628], %add3A_626 {strides = array<i32>} : memref<4096x128xf32, #tpu.memory_space<vmem>>, vector<128x128xf32>,
    %get3A_630 = arith.constant 21 : index
    %get3A_631 = arith.constant 0 : index
    %get3A_632 = vector.load %arg1[%get3A_630, %get3A_631] : memref<32x128xf32, #tpu.memory_space<vmem>>, vector<1x128xf32>
    %dot_general3A_633 = arith.constant dense<0.000000e+00> : vector<128x128xf32>
    %dot_general3A_634 = tpu.matmul %get3A_632, %dot_general3A_420, %dot_general3A_633 {dimension_numbers = #tpu.dot_dimension_numbers<[0], [0], [1], [1], [0, 1, 1, 1], [], []>, transpose_lhs_hint = false} : vector<1x128xf32>, vector<1x128xf32>, vector<128x128xf32> -> vector<128x128xf32>
    %add3A_635 = vector.broadcast %add3A_412 : vector<1x128xf32> to vector<128x128xf32>
    %add3A_636 = arith.addf %add3A_635, %dot_general3A_634 : vector<128x128xf32>
    %swap3A_637 = arith.constant 2688 : index
    %swap3A_638 = arith.constant 0 : index
    %swap3A_639 = vector.load %arg20[%swap3A_637, %swap3A_638] : memref<4096x128xf32, #tpu.memory_space<vmem>>, vector<128x128xf32>
    tpu.vector_store %arg20[%swap3A_637, %swap3A_638], %add3A_636 {strides = array<i32>} : memref<4096x128xf32, #tpu.memory_space<vmem>>, vector<128x128xf32>,
    %get3A_640 = arith.constant 22 : index
    %get3A_641 = arith.constant 0 : index
    %get3A_642 = vector.load %arg1[%get3A_640, %get3A_641] : memref<32x128xf32, #tpu.memory_space<vmem>>, vector<1x128xf32>
    %dot_general3A_643 = arith.constant dense<0.000000e+00> : vector<128x128xf32>
    %dot_general3A_644 = tpu.matmul %get3A_642, %dot_general3A_420, %dot_general3A_643 {dimension_numbers = #tpu.dot_dimension_numbers<[0], [0], [1], [1], [0, 1, 1, 1], [], []>, transpose_lhs_hint = false} : vector<1x128xf32>, vector<1x128xf32>, vector<128x128xf32> -> vector<128x128xf32>
    %add3A_645 = vector.broadcast %add3A_412 : vector<1x128xf32> to vector<128x128xf32>
    %add3A_646 = arith.addf %add3A_645, %dot_general3A_644 : vector<128x128xf32>
    %swap3A_647 = arith.constant 2816 : index
    %swap3A_648 = arith.constant 0 : index
    %swap3A_649 = vector.load %arg20[%swap3A_647, %swap3A_648] : memref<4096x128xf32, #tpu.memory_space<vmem>>, vector<128x128xf32>
    tpu.vector_store %arg20[%swap3A_647, %swap3A_648], %add3A_646 {strides = array<i32>} : memref<4096x128xf32, #tpu.memory_space<vmem>>, vector<128x128xf32>,
    %get3A_650 = arith.constant 23 : index
    %get3A_651 = arith.constant 0 : index
    %get3A_652 = vector.load %arg1[%get3A_650, %get3A_651] : memref<32x128xf32, #tpu.memory_space<vmem>>, vector<1x128xf32>
    %dot_general3A_653 = arith.constant dense<0.000000e+00> : vector<128x128xf32>
    %dot_general3A_654 = tpu.matmul %get3A_652, %dot_general3A_420, %dot_general3A_653 {dimension_numbers = #tpu.dot_dimension_numbers<[0], [0], [1], [1], [0, 1, 1, 1], [], []>, transpose_lhs_hint = false} : vector<1x128xf32>, vector<1x128xf32>, vector<128x128xf32> -> vector<128x128xf32>
    %add3A_655 = vector.broadcast %add3A_412 : vector<1x128xf32> to vector<128x128xf32>
    %add3A_656 = arith.addf %add3A_655, %dot_general3A_654 : vector<128x128xf32>
    %swap3A_657 = arith.constant 2944 : index
    %swap3A_658 = arith.constant 0 : index
    %swap3A_659 = vector.load %arg20[%swap3A_657, %swap3A_658] : memref<4096x128xf32, #tpu.memory_space<vmem>>, vector<128x128xf32>
    tpu.vector_store %arg20[%swap3A_657, %swap3A_658], %add3A_656 {strides = array<i32>} : memref<4096x128xf32, #tpu.memory_space<vmem>>, vector<128x128xf32>,
    %get3A_660 = arith.constant 24 : index
    %get3A_661 = arith.constant 0 : index
    %get3A_662 = vector.load %arg1[%get3A_660, %get3A_661] : memref<32x128xf32, #tpu.memory_space<vmem>>, vector<1x128xf32>
    %dot_general3A_663 = arith.constant dense<0.000000e+00> : vector<128x128xf32>
    %dot_general3A_664 = tpu.matmul %get3A_662, %dot_general3A_420, %dot_general3A_663 {dimension_numbers = #tpu.dot_dimension_numbers<[0], [0], [1], [1], [0, 1, 1, 1], [], []>, transpose_lhs_hint = false} : vector<1x128xf32>, vector<1x128xf32>, vector<128x128xf32> -> vector<128x128xf32>
    %add3A_665 = vector.broadcast %add3A_412 : vector<1x128xf32> to vector<128x128xf32>
    %add3A_666 = arith.addf %add3A_665, %dot_general3A_664 : vector<128x128xf32>
    %swap3A_667 = arith.constant 3072 : index
    %swap3A_668 = arith.constant 0 : index
    %swap3A_669 = vector.load %arg20[%swap3A_667, %swap3A_668] : memref<4096x128xf32, #tpu.memory_space<vmem>>, vector<128x128xf32>
    tpu.vector_store %arg20[%swap3A_667, %swap3A_668], %add3A_666 {strides = array<i32>} : memref<4096x128xf32, #tpu.memory_space<vmem>>, vector<128x128xf32>,
    %get3A_670 = arith.constant 25 : index
    %get3A_671 = arith.constant 0 : index
    %get3A_672 = vector.load %arg1[%get3A_670, %get3A_671] : memref<32x128xf32, #tpu.memory_space<vmem>>, vector<1x128xf32>
    %dot_general3A_673 = arith.constant dense<0.000000e+00> : vector<128x128xf32>
    %dot_general3A_674 = tpu.matmul %get3A_672, %dot_general3A_420, %dot_general3A_673 {dimension_numbers = #tpu.dot_dimension_numbers<[0], [0], [1], [1], [0, 1, 1, 1], [], []>, transpose_lhs_hint = false} : vector<1x128xf32>, vector<1x128xf32>, vector<128x128xf32> -> vector<128x128xf32>
    %add3A_675 = vector.broadcast %add3A_412 : vector<1x128xf32> to vector<128x128xf32>
    %add3A_676 = arith.addf %add3A_675, %dot_general3A_674 : vector<128x128xf32>
    %swap3A_677 = arith.constant 3200 : index
    %swap3A_678 = arith.constant 0 : index
    %swap3A_679 = vector.load %arg20[%swap3A_677, %swap3A_678] : memref<4096x128xf32, #tpu.memory_space<vmem>>, vector<128x128xf32>
    tpu.vector_store %arg20[%swap3A_677, %swap3A_678], %add3A_676 {strides = array<i32>} : memref<4096x128xf32, #tpu.memory_space<vmem>>, vector<128x128xf32>,
    %get3A_680 = arith.constant 26 : index
    %get3A_681 = arith.constant 0 : index
    %get3A_682 = vector.load %arg1[%get3A_680, %get3A_681] : memref<32x128xf32, #tpu.memory_space<vmem>>, vector<1x128xf32>
    %dot_general3A_683 = arith.constant dense<0.000000e+00> : vector<128x128xf32>
    %dot_general3A_684 = tpu.matmul %get3A_682, %dot_general3A_420, %dot_general3A_683 {dimension_numbers = #tpu.dot_dimension_numbers<[0], [0], [1], [1], [0, 1, 1, 1], [], []>, transpose_lhs_hint = false} : vector<1x128xf32>, vector<1x128xf32>, vector<128x128xf32> -> vector<128x128xf32>
    %add3A_685 = vector.broadcast %add3A_412 : vector<1x128xf32> to vector<128x128xf32>
    %add3A_686 = arith.addf %add3A_685, %dot_general3A_684 : vector<128x128xf32>
    %swap3A_687 = arith.constant 3328 : index
    %swap3A_688 = arith.constant 0 : index
    %swap3A_689 = vector.load %arg20[%swap3A_687, %swap3A_688] : memref<4096x128xf32, #tpu.memory_space<vmem>>, vector<128x128xf32>
    tpu.vector_store %arg20[%swap3A_687, %swap3A_688], %add3A_686 {strides = array<i32>} : memref<4096x128xf32, #tpu.memory_space<vmem>>, vector<128x128xf32>,
    %get3A_690 = arith.constant 27 : index
    %get3A_691 = arith.constant 0 : index
    %get3A_692 = vector.load %arg1[%get3A_690, %get3A_691] : memref<32x128xf32, #tpu.memory_space<vmem>>, vector<1x128xf32>
    %dot_general3A_693 = arith.constant dense<0.000000e+00> : vector<128x128xf32>
    %dot_general3A_694 = tpu.matmul %get3A_692, %dot_general3A_420, %dot_general3A_693 {dimension_numbers = #tpu.dot_dimension_numbers<[0], [0], [1], [1], [0, 1, 1, 1], [], []>, transpose_lhs_hint = false} : vector<1x128xf32>, vector<1x128xf32>, vector<128x128xf32> -> vector<128x128xf32>
    %add3A_695 = vector.broadcast %add3A_412 : vector<1x128xf32> to vector<128x128xf32>
    %add3A_696 = arith.addf %add3A_695, %dot_general3A_694 : vector<128x128xf32>
    %swap3A_697 = arith.constant 3456 : index
    %swap3A_698 = arith.constant 0 : index
    %swap3A_699 = vector.load %arg20[%swap3A_697, %swap3A_698] : memref<4096x128xf32, #tpu.memory_space<vmem>>, vector<128x128xf32>
    tpu.vector_store %arg20[%swap3A_697, %swap3A_698], %add3A_696 {strides = array<i32>} : memref<4096x128xf32, #tpu.memory_space<vmem>>, vector<128x128xf32>,
    %get3A_700 = arith.constant 28 : index
    %get3A_701 = arith.constant 0 : index
    %get3A_702 = vector.load %arg1[%get3A_700, %get3A_701] : memref<32x128xf32, #tpu.memory_space<vmem>>, vector<1x128xf32>
    %dot_general3A_703 = arith.constant dense<0.000000e+00> : vector<128x128xf32>
    %dot_general3A_704 = tpu.matmul %get3A_702, %dot_general3A_420, %dot_general3A_703 {dimension_numbers = #tpu.dot_dimension_numbers<[0], [0], [1], [1], [0, 1, 1, 1], [], []>, transpose_lhs_hint = false} : vector<1x128xf32>, vector<1x128xf32>, vector<128x128xf32> -> vector<128x128xf32>
    %add3A_705 = vector.broadcast %add3A_412 : vector<1x128xf32> to vector<128x128xf32>
    %add3A_706 = arith.addf %add3A_705, %dot_general3A_704 : vector<128x128xf32>
    %swap3A_707 = arith.constant 3584 : index
    %swap3A_708 = arith.constant 0 : index
    %swap3A_709 = vector.load %arg20[%swap3A_707, %swap3A_708] : memref<4096x128xf32, #tpu.memory_space<vmem>>, vector<128x128xf32>
    tpu.vector_store %arg20[%swap3A_707, %swap3A_708], %add3A_706 {strides = array<i32>} : memref<4096x128xf32, #tpu.memory_space<vmem>>, vector<128x128xf32>,
    %get3A_710 = arith.constant 29 : index
    %get3A_711 = arith.constant 0 : index
    %get3A_712 = vector.load %arg1[%get3A_710, %get3A_711] : memref<32x128xf32, #tpu.memory_space<vmem>>, vector<1x128xf32>
    %dot_general3A_713 = arith.constant dense<0.000000e+00> : vector<128x128xf32>
    %dot_general3A_714 = tpu.matmul %get3A_712, %dot_general3A_420, %dot_general3A_713 {dimension_numbers = #tpu.dot_dimension_numbers<[0], [0], [1], [1], [0, 1, 1, 1], [], []>, transpose_lhs_hint = false} : vector<1x128xf32>, vector<1x128xf32>, vector<128x128xf32> -> vector<128x128xf32>
    %add3A_715 = vector.broadcast %add3A_412 : vector<1x128xf32> to vector<128x128xf32>
    %add3A_716 = arith.addf %add3A_715, %dot_general3A_714 : vector<128x128xf32>
    %swap3A_717 = arith.constant 3712 : index
    %swap3A_718 = arith.constant 0 : index
    %swap3A_719 = vector.load %arg20[%swap3A_717, %swap3A_718] : memref<4096x128xf32, #tpu.memory_space<vmem>>, vector<128x128xf32>
    tpu.vector_store %arg20[%swap3A_717, %swap3A_718], %add3A_716 {strides = array<i32>} : memref<4096x128xf32, #tpu.memory_space<vmem>>, vector<128x128xf32>,
    %get3A_720 = arith.constant 30 : index
    %get3A_721 = arith.constant 0 : index
    %get3A_722 = vector.load %arg1[%get3A_720, %get3A_721] : memref<32x128xf32, #tpu.memory_space<vmem>>, vector<1x128xf32>
    %dot_general3A_723 = arith.constant dense<0.000000e+00> : vector<128x128xf32>
    %dot_general3A_724 = tpu.matmul %get3A_722, %dot_general3A_420, %dot_general3A_723 {dimension_numbers = #tpu.dot_dimension_numbers<[0], [0], [1], [1], [0, 1, 1, 1], [], []>, transpose_lhs_hint = false} : vector<1x128xf32>, vector<1x128xf32>, vector<128x128xf32> -> vector<128x128xf32>
    %add3A_725 = vector.broadcast %add3A_412 : vector<1x128xf32> to vector<128x128xf32>
    %add3A_726 = arith.addf %add3A_725, %dot_general3A_724 : vector<128x128xf32>
    %swap3A_727 = arith.constant 3840 : index
    %swap3A_728 = arith.constant 0 : index
    %swap3A_729 = vector.load %arg20[%swap3A_727, %swap3A_728] : memref<4096x128xf32, #tpu.memory_space<vmem>>, vector<128x128xf32>
    tpu.vector_store %arg20[%swap3A_727, %swap3A_728], %add3A_726 {strides = array<i32>} : memref<4096x128xf32, #tpu.memory_space<vmem>>, vector<128x128xf32>,
    %get3A_730 = arith.constant 31 : index
    %get3A_731 = arith.constant 0 : index
    %get3A_732 = vector.load %arg1[%get3A_730, %get3A_731] : memref<32x128xf32, #tpu.memory_space<vmem>>, vector<1x128xf32>
    %dot_general3A_733 = arith.constant dense<0.000000e+00> : vector<128x128xf32>
    %dot_general3A_734 = tpu.matmul %get3A_732, %dot_general3A_420, %dot_general3A_733 {dimension_numbers = #tpu.dot_dimension_numbers<[0], [0], [1], [1], [0, 1, 1, 1], [], []>, transpose_lhs_hint = false} : vector<1x128xf32>, vector<1x128xf32>, vector<128x128xf32> -> vector<128x128xf32>
    %add3A_735 = vector.broadcast %add3A_412 : vector<1x128xf32> to vector<128x128xf32>
    %add3A_736 = arith.addf %add3A_735, %dot_general3A_734 : vector<128x128xf32>
    %swap3A_737 = arith.constant 3968 : index
    %swap3A_738 = arith.constant 0 : index
    %swap3A_739 = vector.load %arg20[%swap3A_737, %swap3A_738] : memref<4096x128xf32, #tpu.memory_space<vmem>>, vector<128x128xf32>
    tpu.vector_store %arg20[%swap3A_737, %swap3A_738], %add3A_736 {strides = array<i32>} : memref<4096x128xf32, #tpu.memory_space<vmem>>, vector<128x128xf32>,
    return
  }
}

</mosaic_0001>

<sc_bundles>
// kernel: kernel.4.cloned.1.call-start
scs
__scs_entry_jumppad:
0x0: {  	(pc) =	sbr.rel $0x88, $3  }
0x1: {  	(tag) =	ssettag $0x0;
	lr =	simm.s32 $0x1  }
0x2: {  	[smem:$0x3F8F] =	sst lr;
	_ =	strace $0xD0000000  }
0x3: {  	_ = 	snop  }
0x4: {  	_ = 	snop  }
0x5: {  	_ = 	snop  }
0x6: {  	_ = 	snop  }
0x7: {  	_ = 	snop  }
__scs_overlays_trampoline_lowered:
0x8: {  	[smem:$0x3F9E] =	sst s0  }
0x9: {  	[smem:$0x3F9F] =	sst s1  }
0xa: {  	[smem:$0x3FA0] =	sst s2  }
0xb: {  	[smem:$0x3FA1] =	sst s3  }
0xc: {  	[smem:$0x3FA2] =	sst s4  }
0xd: {  	[smem:$0x3FA3] =	sst s5  }
0xe: {  	[smem:$0x3FA4] =	sst s6  }
0xf: {  	[smem:$0x3FA5] =	sst s7  }
0x10: {  	[smem:$0x3FA6] =	sst s8  }
0x11: {  	[smem:$0x3FA7] =	sst s9;
	s0 =	simm.s32 @!p0 $0x0  }
0x12: {  	s1 =	sld [smem:$0x3F8D];
	s0 =	simm.s32 @p0 $0x1  }
0x13: {  	[smem:$0x3FA8] =	sst s0;
	s0 =	simm.s32 @!p1 $0x0  }
0x14: {  	s2 =	sld [smem:$0x3F8C];
	s0 =	simm.s32 @p1 $0x1  }
0x15: {  	[smem:$0x3FA9] =	sst s0;
	s0 =	simm.s32 @!p2 $0x0  }
0x16: {  	s3 =	sld [smem:$0x3FDB];
	s0 =	simm.s32 @p2 $0x1  }
0x17: {  	s4 =	simm.s32 $0x1BF5;
	[smem:$0x3FAB] =	sst s0  }
0x18: {  	s0 =	sld [smem:$0x3F8E];
	_ =	swait.ge [sflag:s4], $0x0  }
0x19: {  	s7 =	sld [smem:$0x3F8F]  }
0x1a: {  	s8 =	sadd.s32 $0xFFFFE003, lr  }
0x1b: {  	s9 =	sadd.s32 $0xFFFFFEF7, lr;
	s5 =	simm.s32 $0xFFFFFFFF;
	p2 =	slt.u32 s8, $0xFFFFF086  }
0x1c: {  	p1 =	slt.u32 s9, $0xF7A;
	s5 =	simm.s32 @!p2 $0x0  }
0x1d: {  	s5 =	simm.s32 @p1 $0x1;
	p0 =	seq.s32 s7, s2  }
0x1e: {  	s7 =	smul.u32 @!p0 $0xF7A, s2;
	p2 =	seq.s32 @!p0 s5, $0x0  }
0x1f: {  	s9 =	smul.u32 $0xF7A, s1;
	s8 =	simm.s32 @!p0 $0x1BF5;
	p2 =	por !p2, p0  }
0x20: {  	[sflag:s8] =	ssyncset.s32 @!p0 $0xFFFFF086;
	s6 =	sadd.s32 @!p0 s3, s7;
	s7 =	simm.s32 @!p0 $0x108  }
0x21: {  	s3 =	sadd.s32 s3, s9;
	s6 =	sadd.s32 @!p0 $0x88, s6;
	s7 =	simm.s32 @p2 $0x1082  }
0x22: {  	[simem:s7], [sflag:s8] =	dma.local @!p0 [hbm:s6], $0xF7A  }
0x23: {  	s9 =	sor.u32 $0xD0000000, s2;
	s6 =	simm.s32 $0x108;
	_ =	swait.ge @!p0 [sflag:s8], $0x0  }
0x24: {  	s3 =	sadd.s32 $0x88, s3;
	s6 =	simm.s32 @!p1 $0x1082;
	[sflag:s4] =	ssyncset.s32 $0xFFFFF086  }
0x25: {  	[simem:s6], [sflag:s4] =	dma.local [hbm:s3], $0xF7A  }
0x26: {  	[smem:$0x3F8F] =	sst s1;
	(tag) =	ssettag s2;
	_ =	strace s9  }
0x27: {  	s1 =	sld [smem:$0x3F9F]  }
0x28: {  	s2 =	sld [smem:$0x3FA0]  }
0x29: {  	s4 =	sld [smem:$0x3FA2]  }
0x2a: {  	p0 =	seq.s32 s5, $0x0;
	s5 =	sld [smem:$0x3FA3]  }
0x2b: {  	s6 =	sld [smem:$0x3FA4]  }
0x2c: {  	s7 =	sld [smem:$0x3FA5]  }
0x2d: {  	s3 =	simm.s32 $0x108;
	s8 =	sld [smem:$0x3FA6]  }
0x2e: {  	s3 =	simm.s32 @!p0 $0x1082;
	s9 =	sld [smem:$0x3FA7]  }
0x2f: {  	lr =	sadd.s32 s0, s3;
	s0 =	sld [smem:$0x3F9E]  }
0x30: {  	s3 =	sld [smem:$0x3FA1]  }
0x31: {  	[smem:$0x3FAA] =	sst s10  }
0x32: {  	s10 =	sld [smem:$0x3FA8];
	_ =	sdelay $0x3  }
0x33: {  	p0 =	seq.s32 s10, $0x1;
	s10 =	sld [smem:$0x3FAA];
	_ =	sdelay $0x3  }
0x34: {  	[smem:$0x3FAA] =	sst s10  }
0x35: {  	s10 =	sld [smem:$0x3FA9];
	_ =	sdelay $0x3  }
0x36: {  	p1 =	seq.s32 s10, $0x1;
	s10 =	sld [smem:$0x3FAA];
	_ =	sdelay $0x3  }
0x37: {  	[smem:$0x3FAA] =	sst s10  }
0x38: {  	s10 =	sld [smem:$0x3FAB]  }
0x39: {  	_ = 	snop;
	(pc) =	sbr.ind lr, $3  }
0x3a: {  	_ = 	snop  }
0x3b: {  	_ = 	snop  }
0x3c: {  	p2 =	seq.s32 s10, $0x1;
	s10 =	sld [smem:$0x3FAA]  }
0x3d: {  	_ =	shalt  }
0x3e: {  	_ =	shalt  }
0x3f: {  	_ =	shalt  }
0x40: {  	_ =	shalt  }
0x41: {  	_ =	shalt  }
0x42: {  	_ =	shalt  }
0x43: {  	_ =	shalt  }
0x44: {  	_ =	shalt  }
0x45: {  	_ =	shalt  }
0x46: {  	_ =	shalt  }
0x47: {  	_ =	shalt  }
0x48: {  	_ =	shalt  }
0x49: {  	_ =	shalt  }
0x4a: {  	_ =	shalt  }
0x4b: {  	_ =	shalt  }
0x4c: {  	_ =	shalt  }
0x4d: {  	_ =	shalt  }
0x4e: {  	_ =	shalt  }
0x4f: {  	_ =	shalt  }
0x50: {  	_ =	shalt  }
0x51: {  	_ =	shalt  }
0x52: {  	_ =	shalt  }
0x53: {  	_ =	shalt  }
0x54: {  	_ =	shalt  }
0x55: {  	_ =	shalt  }
0x56: {  	_ =	shalt  }
0x57: {  	_ =	shalt  }
0x58: {  	_ =	shalt  }
0x59: {  	_ =	shalt  }
0x5a: {  	_ =	shalt  }
0x5b: {  	_ =	shalt  }
0x5c: {  	_ =	shalt  }
0x5d: {  	_ =	shalt  }
0x5e: {  	_ =	shalt  }
0x5f: {  	_ =	shalt  }
0x60: {  	_ =	shalt  }
0x61: {  	_ =	shalt  }
0x62: {  	_ =	shalt  }
0x63: {  	_ =	shalt  }
0x64: {  	_ =	shalt  }
0x65: {  	_ =	shalt  }
0x66: {  	_ =	shalt  }
0x67: {  	_ =	shalt  }
0x68: {  	_ =	shalt  }
0x69: {  	_ =	shalt  }
0x6a: {  	_ =	shalt  }
0x6b: {  	_ =	shalt  }
0x6c: {  	_ =	shalt  }
0x6d: {  	_ =	shalt  }
0x6e: {  	_ =	shalt  }
0x6f: {  	_ =	shalt  }
0x70: {  	_ =	shalt  }
0x71: {  	_ =	shalt  }
0x72: {  	_ =	shalt  }
0x73: {  	_ =	shalt  }
0x74: {  	_ =	shalt  }
0x75: {  	_ =	shalt  }
0x76: {  	_ =	shalt  }
0x77: {  	_ =	shalt  }
0x78: {  	_ =	shalt  }
0x79: {  	_ =	shalt  }
0x7a: {  	_ =	shalt  }
0x7b: {  	_ =	shalt  }
0x7c: {  	_ =	shalt  }
0x7d: {  	_ =	shalt  }
0x7e: {  	_ =	shalt  }
0x7f: {  	_ =	shalt  }
0x80: {  	_ =	shalt  }
0x81: {  	_ =	shalt  }
0x82: {  	_ =	shalt  }
0x83: {  	_ =	shalt  }
0x84: {  	_ =	shalt  }
0x85: {  	_ =	shalt  }
0x86: {  	_ =	shalt  }
0x87: {  	_ =	shalt  }
.Lfunc_end0:
.L_simem_size_0:
called_computation_lowered:
.L_overlay_start_0:
0x88: {  	s2 =	sld [smem:$0x3FD9]  }
0x89: {  	s3 =	sld [smem:$0x3FFE];
	_ =	sdelay $0x1  }
0x8a: {  	s1 =	srdreg.scid  }
0x8b: {  	s0 =	sand.u32 $0x1, s1  }
0x8c: {  	s14 =	sshll.u32 s0, $0xA;
	s2 =	sadd.s32 s3, s2  }
0x8d: {  	s2 =	sadd.s32 s2, s14  }
0x8e: {  	[smem:$0x3FB6] =	sst s2  }
0x8f: {  	_ = 	snop  }
0x90: {  	s2 =	sld [smem:$0x3FD0];
	_ =	sdelay $0x2  }
0x91: {  	s15 =	simm.s32 $0xA;
	s4 =	simm.s32 $0x10  }
0x92: {  	[smem:s4], [sflag:s15] =	dma.local [hbm:s2], $0x1  }
0x93: {  	_ =	swait.eq [sflag:s15], $0x1  }
0x94: {  	[sflag:s15] =	ssyncset.done $0x0  }
0x95: {  	s16 =	sld [smem:$0x10];
	[sflag:s15] =	ssyncadd.s32 $0xFFFFFFFF  }
0x96: {  	s17 =	sld [smem:$0x11];
	(tm) =	ssettm $0x1  }
0x97: {  	s18 =	sld [smem:$0x3FFB];
	_ =	sdelay $0x3  }
0x98: {  	_ =	strace s18  }
0x99: {  	s4 =	sld [smem:$0x3FFC];
	_ =	sdelay $0x3  }
0x9a: {  	_ =	strace s4  }
0x9b: {  	s4 =	sld [smem:$0x3FFD];
	_ =	sdelay $0x3  }
0x9c: {  	_ =	strace s4  }
0x9d: {  	_ =	strace $0x8FFFFFFF  }
0x9e: {  	s19 =	sld [smem:$0x3FDB];
	_ =	sdelay $0x1  }
0x9f: {  	s5 =	simm.s32 $_scs_section_size  }
0xa0: {  	s6 =	simm.s32 $_size__tile_overlayer_lowered;
	s7 =	simm.s32 $_tile_overlayer_lowered  }
0xa1: {  	s22 =	simm.s32 $0x1BFF;
	s21 =	sshll.u32 s7, $0x1;
	s4 =	sadd.s32 s5, s19  }
0xa2: {  	s8 =	simm.s32 $0x0;
	s20 =	sshll.u32 s6, $0x1;
	s6 =	sadd.s32 s21, s4  }
0xa3: {  	[timem:s8], [sflag:s22] =	dma.local [hbm:s6], s20  }
0xa4: {  	_ =	swait.ge [sflag:s22], s20  }
0xa5: {  	s5 =	ssub.s32 $0x0, s20;
	[sflag:s22] =	ssyncset.done $0x0  }
0xa6: {  	[sflag:s22] =	ssyncadd.s32 s5;
	_ =	sdelay $0x1  }
0xa7: {  	s23 =	simm.s32 $0x1B8B  }
0xa8: {  	_ =	swait.ge [sflag:s23], $0x1  }
0xa9: {  	[sflag:s23] =	ssyncset.done $0x0  }
0xaa: {  	s25 =	simm.s32 $0x1B8E;
	s24 =	sld [smem:$0x3FFE];
	[sflag:s23] =	ssyncadd.s32 $0xFFFFFFFF  }
0xab: {  	s26 =	simm.s32 $execute0_lowered;
	[smem:$0x3FD2] =	sst s25  }
0xac: {  	s6 =	sshll.u32 s26, $0x1;
	_ =	strace $0x80000046;
	[dreg:$0x1] =	wrdreg $0xFFFFFFFF  }
0xad: {  	s28 =	simm.s32 $_size_execute0_lowered;
	s4 =	sadd.s32 s4, s6;
	[dreg:$0x0] =	wrdreg $0x0  }
0xae: {  	s6 =	sshll.u32 s28, $0x1;
	[dreg:$0x2] =	wrdreg s4  }
0xaf: {  	[dreg:$0x3] =	wrdreg s6  }
0xb0: {  	[dreg:$0x4] =	wrdreg $0xC0  }
0xb1: {  	_ =	task [dreg:s8], $0x5FFFF  }
0xb2: {  	[dreg:$0x1] =	wrdreg $0xFFFFFFFF  }
0xb3: {  	[dreg:$0x0] =	wrdreg $0x60  }
0xb4: {  	[dreg:$0x2] =	wrdreg s24  }
0xb5: {  	[dreg:$0x3] =	wrdreg s17  }
0xb6: {  	[dreg:$0x4] =	wrdreg s16  }
0xb7: {  	[dreg:$0x5] =	wrdreg $0x9  }
0xb8: {  	_ =	task.clear_ibuf [dreg:s8], $0x6FFFF;
	_ =	strace $0x90000046  }
0xb9: {  	s29 =	simm.s32 $0x9;
	_ =	strace $0x80000048  }
0xba: {  	_ =	swait.ge [sflag:s29], $0x1  }
0xbb: {  	[sflag:s29] =	ssyncadd.s32 $0xFFFFFFFF  }
0xbc: {  	_ =	strace $0x90000048  }
0xbd: {  	_ =	sfence  }
0xbe: {  	s30 =	sld [smem:$0x0];
	_ =	sdelay $0x2  }
0xbf: {  	s31 =	sshll.u32 s1, $0xD;
	s1 =	sshrl.u32 s1, $0x2  }
0xc0: {  	s3 =	sand.u32 $0x4000, s31;
	s1 =	sadd.s32 s1, s30  }
0xc1: {  	s0 =	sor.u32 s3, s0;
	s1 =	sshll.u32 s1, $0x11  }
0xc2: {  	s0 =	sor.u32 s1, s0  }
0xc3: {  	s0 =	sadd.s32 $0x8F2B, s0  }
0xc4: {  	[sflag:s0] =	ssyncadd.remote.s32 $0x1  }
0xc5: {  	_ =	sfence.sel $0xFFFF  }
0xc6: {  	[dreg:$0x0] =	wrdreg $0xFFFFFFFF;
	(pc) =	sbr.abs _section_cstart, $3  }
0xc7: {  	[dreg:$0x1] =	wrdreg $0xFFFFFFFF  }
0xc8: {  	_ =	task.clear_ibuf [dreg:s8], $0x2FFFF;
	_ =	strace $0x9FFFFFFF  }
0xc9: {  	(tm) =	ssettm $0x7FFFFFFF  }
tec
execute0_lowered:
.L_overlay_start_1:
0x0: {  	(tag) =	ssettag $0x1  }
0x1: {  	vm12 =	vcmask $0x300;
	v0 =	vimm.f32 $2.206030130e+00;
	vm11 =	vcmask $0xB04  }
0x2: {  	vm10 =	vcmask $0xF0C;
	vm6 =	vcmask $0x1310;
	vm4 =	vcmask $0x1714  }
0x3: {  	vm0 =	vcmask $0x1B18;
	vm1 =	vcmask $0x1F1C;
	vm2 =	vcmask $0x2320  }
0x4: {  	vm3 =	vcmask $0x2724;
	vm5 =	vcmask $0x2B28;
	v1 =	vimm.f32 $2.246231080e+00  }
0x5: {  	vm13 =	vcmask $0x704;
	vm7 =	vcmask $0x2F2C;
	vm14 =	vcmask $0xB08  }
0x6: {  	vm8 =	vcmask $0x3330;
	v2 =	vimm.f32 $2.060301300e-01;
	vm9 =	vcmask $0x3734  }
0x7: {  	v5 =	vimm.f32 $1.944723610e+00;
	v45 =	vimm.f32 $-2.772588730e+00;
	v47 =	vimm.f32 $2.266331670e+00  }
0x8: {  	v48 =	vimm.f32 $-5.527639390e-02;
	v50 =	vimm.f32 $2.663316730e-01;
	v52 =	vimm.f32 $1.793969870e+00  }
0x9: {  	v53 =	vimm.f32 $-2.079441550e+00;
	v57 =	vimm.f32 $-2.060301300e-01;
	v9 =	vimm.f32 $1.954773900e+00  }
0xa: {  	v60 =	vimm.f32 $2.115577940e+00;
	v10 =	vimm.f32 $-4.522615670e-02;
	v0 =	vsel vm12, $0x3FEDF380, v0  }
0xb: {  	v62 =	vimm.f32 $1.155779360e-01;
	v35 =	vimm.f32 $2.763818500e-01;
	v0 =	vsel vm11, $0x401254E8, v0  }
0xc: {  	v36 =	vimm.f32 $1.718592880e+00;
	v39 =	vimm.f32 $-2.814070580e-01;
	v0 =	vsel vm10, $0x3FFB7F5B, v0  }
0xd: {  	v40 =	vimm.f32 $1.798995020e+00;
	v15 =	vimm.f32 $1.879396920e+00;
	v0 =	vsel vm6, $0x401254E8, v0  }
0xe: {  	s1 =	simm.s32 $0x0;
	v16 =	vimm.f32 $4.020094870e-02;
	v18 =	vimm.f32 $-6.931471820e-01;
	v0 =	vsel vm4, $0x3FE6EA22, v0  }
0xf: {  	vm15 =	vcmask $0x130C;
	[smem:$0x7FF] =	sst s1;
	v1 =	vsel vm12, $0x401254E8, v1;
	v0 =	vsel vm0, $0x3FFB7F5B, v0  }
0x10: {  	s3 =	rddreg [dreg:$0x0];
	v2 =	vsel vm12, $0xBE106404, v2;
	v5 =	vsel vm12, $0x401254E8, v5;
	v0 =	vsel vm1, $0x40080A4A, v0  }
0x11: {  	s4 =	rddreg [dreg:$0x1];
	v9 =	vsel vm12, $0x3FE6EA22, v9;
	v10 =	vsel vm12, $0xBE48AEF4, v10;
	v0 =	vsel vm2, $0x401254E8, v0  }
0x12: {  	s6 =	rddreg [dreg:$0x2];
	v16 =	vsel vm12, $0xBD1014A0, v16;
	v1 =	vsel vm13, $0x40177A36, v1;
	v0 =	vsel vm3, $0x3FDC9F84, v0  }
0x13: {  	s0 =	rddreg [dreg:$0x3];
	v15 =	vsel vm12, $0x3FE6EA22, v15;
	_ =	strace $0x80000047;
	v1 =	vsel vm14, $0x3FDC9F84, v1;
	v0 =	vsel vm5, $0x3FE6EA22, v0  }
0x14: {  	v2 =	vsel vm11, $0x3E92A73C, v2;
	v1 =	vsel vm10, $0x3FE1C4D3, v1;
	v0 =	vsel vm7, $0x3FF134BE, v0  }
0x15: {  	vm11 =	vcmask $0x3B38;
	v1 =	vsel vm6, $0x3FE6EA22, v1;
	v0 =	vsel vm8, $0x3FFB7F5B, v0  }
0x16: {  	v2 =	vsel vm10, $0xBD1014A0, v2;
	v1 =	vsel vm4, $0x3FEC0F70, v1;
	v0 =	vsel vm9, $0x4002E4FC, v0  }
0x17: {  	v2 =	vsel vm6, $0x3E92A73C, v2;
	v1 =	vsel vm0, $0x3FF134BE, v1;
	v0 =	vsel vm11, $0x40080A4A, v0  }
0x18: {  	v1 =	vsel vm1, $0x3FF65A0D, v1;
	(erf) = vrcp.f32 v0;
	v0 =	vsel vm4, $0xBE48AEF4, v2  }
0x19: {  	v1 =	vsel vm2, $0x3FFB7F5B, v1;
	v2 =	vimm.f32 $2.462311980e-01;
	v0 =	vsel vm0, $0xBD1014A0, v0  }
0x1a: {  	v1 =	vsel vm3, $0x40005255, v1;
	v2 =	vsel vm12, $0x3E92A73C, v2;
	v0 =	vsel vm1, $0x3E00A4A8, v0  }
0x1b: {  	v1 =	vsel vm5, $0x4002E4FC, v1;
	v2 =	vsel vm13, $0x3EBBD1B0, v2;
	v0 =	vsel vm2, $0x3E92A73C, v0  }
0x1c: {  	v1 =	vsel vm7, $0x400577A4, v1;
	v2 =	vsel vm14, $0xBE8D81EE, v2;
	v0 =	vsel vm3, $0xBE8D81EE, v0  }
0x1d: {  	v1 =	vsel vm8, $0x40080A4A, v1;
	v2 =	vsel vm10, $0xBE71D968, v2;
	v0 =	vsel vm5, $0xBE48AEF4, v0  }
0x1e: {  	v1 =	vsel vm9, $0x400A9CF2, v1;
	v2 =	vsel vm6, $0xBE48AEF4, v2;
	v0 =	vsel vm7, $0xBDECB418, v0  }
0x1f: {  	v9 =	vsel vm13, $0x3FE83375, v9;
	v1 =	vsel vm11, $0x400D2F99, v1;
	v0 =	vsel vm8, $0xBD1014A0, v0  }
0x20: {  	(erf) = vrcp.f32 v1;
	v1 =	vsel vm4, $0xBE1F8480, v2;
	v0 =	vsel vm9, $0x3D393F00, v0  }
0x21: {  	v10 =	vsel vm13, $0xBE3E6458, v10;
	v1 =	vsel vm0, $0xBDECB418, v1;
	v2 =	vpop (erf);
	v0 =	vsel vm11, $0x3E00A4A8, v0  }
0x22: {  	v15 =	vsel vm13, $0x3FE78ECB, v15;
	v1 =	vsel vm1, $0xBD9A5F30, v1;
	v0 =	vmul.f32 v0, v2  }
0x23: {  	v16 =	vsel vm13, $0xBCF6FEC0, v16;
	v9 =	vsel vm14, $0x3FE97CC8, v9;
	v1 =	vsel vm2, $0xBD1014A0, v1  }
0x24: {  	v10 =	vsel vm14, $0xBE3419BC, v10;
	v1 =	vsel vm3, $0x3BA4AA00, v1;
	v2 =	vmul.f32 v0, v0  }
0x25: {  	v15 =	vsel vm14, $0x3FE83375, v15;
	v9 =	vsel vm10, $0x3FEAC61C, v9;
	v1 =	vsel vm5, $0x3D393F00, v1  }
0x26: {  	v9 =	vsel vm6, $0x3FEC0F70, v9;
	v1 =	vsel vm7, $0x3DAEF470, v1;
	v3 =	vmul.f32 $2.857142980e-01, v2  }
0x27: {  	v59 =	vsel vm4, $0x3FED58C4, v9;
	v9 =	vsel vm12, $0x3FFB7F5B, v60;
	v1 =	vsel vm8, $0x3E00A4A8, v1  }
0x28: {  	v9 =	vsel vm13, $0x3FFCC8AF, v9;
	v1 =	vsel vm9, $0x3E29CF20, v1;
	v3 =	vadd.f32 $4.000000060e-01, v3  }
0x29: {  	v10 =	vsel vm10, $0xBE29CF20, v10;
	v9 =	vsel vm14, $0x3FFE1202, v9;
	v4 =	vpop (erf);
	v1 =	vsel vm11, $0x3E52F990, v1  }
0x2a: {  	v9 =	vsel vm10, $0x3FFF5B56, v9;
	v4 =	vmul.f32 v1, v4;
	v1 =	vmul.f32 v3, v2  }
0x2b: {  	v61 =	vsel vm6, $0xBE1F8480, v10;
	v10 =	vsel vm12, $0xBD1014A0, v62;
	v9 =	vsel vm6, $0x40005255, v9  }
0x2c: {  	v9 =	vsel vm4, $0x4000F6FE, v9;
	v3 =	vmul.f32 v4, v4;
	v1 =	vadd.f32 $6.666666860e-01, v1  }
0x2d: {  	v16 =	vsel vm14, $0xBCCDD440, v16;
	v10 =	vsel vm13, $0xBCCDD440, v10;
	v9 =	vsel vm0, $0x40019BA8, v9  }
0x2e: {  	v6 =	vmul.f32 $2.857142980e-01, v3;
	v1 =	vmul.f32 v1, v2;
	v2 =	vsel vm13, $0x4014E78E, v5  }
0x2f: {  	v10 =	vsel vm14, $0xBC76FEC0, v10;
	v9 =	vsel vm1, $0x40024052, v9;
	v2 =	vsel vm14, $0x40177A36, v2  }
0x30: {  	v9 =	vsel vm2, $0x4002E4FC, v9;
	v6 =	vadd.f32 $4.000000060e-01, v6;
	v2 =	vsel vm10, $0x401A0CDD, v2  }
0x31: {  	v9 =	vsel vm3, $0x400389A6, v9;
	v1 =	vadd.f32 $2.000000000e+00, v1;
	v2 =	vsel vm6, $0x3FDC9F84, v2  }
0x32: {  	v5 =	vsel vm12, $0xC1B6FDA9, v45;
	v6 =	vmul.f32 v6, v3;
	v2 =	vsel vm4, $0x3FDF322C, v2  }
0x33: {  	v5 =	vsel vm13, $0xC0B17218, v5;
	v0 =	vmul.f32 v1, v0;
	v2 =	vsel vm0, $0x3FE1C4D3, v2  }
0x34: {  	v1 =	vsel vm14, $0xC09B43D5, v5;
	v46 =	vadd.f32 $6.666666860e-01, v6;
	v2 =	vsel vm1, $0x3FE4577A, v2  }
0x35: {  	v5 =	vsel vm12, $0x3FFB7F5B, v47;
	v6 =	vsel vm12, $0x3E92A73C, v48;
	v2 =	vsel vm2, $0x3FE6EA22, v2  }
0x36: {  	v1 =	vsel vm15, $0xC0851592, v1;
	vm15 =	vcmask $0x2314;
	v2 =	vsel vm3, $0x3FE97CC8, v2  }
0x37: {  	v5 =	vsel vm13, $0x3FFE1202, v5;
	v6 =	vsel vm13, $0x3EA73C74, v6;
	v2 =	vsel vm5, $0x3FEC0F70, v2  }
0x38: {  	v3 =	vmul.f32 v46, v3;
	v5 =	vsel vm14, $0x40005255, v5;
	v2 =	vsel vm7, $0x3FEEA217, v2  }
0x39: {  	v6 =	vsel vm14, $0x3EBBD1B0, v6;
	v1 =	vsel vm15, $0xC05DCE9E, v1;
	v2 =	vsel vm8, $0x3FF134BE, v2  }
0x3a: {  	v5 =	vsel vm10, $0x40019BA8, v5;
	v6 =	vsel vm10, $0x3ED066E8, v6;
	v2 =	vsel vm9, $0x3FF3C766, v2  }
0x3b: {  	v5 =	vsel vm6, $0x4002E4FC, v5;
	v6 =	vsel vm6, $0xBE8D81EE, v6;
	v2 =	vsel vm11, $0x3FF65A0D, v2  }
0x3c: {  	v5 =	vsel vm4, $0x40042E50, v5;
	(erf) = vrcp.f32 v2;
	v2 =	vsel vm4, $0xBE833752, v6  }
0x3d: {  	v1 =	vadd.f32 v1, v0;
	v5 =	vsel vm0, $0x400577A4, v5;
	v2 =	vsel vm0, $0xBE71D968, v2  }
0x3e: {  	v49 =	vadd.f32 $2.000000000e+00, v3;
	v5 =	vsel vm1, $0x4006C0F7, v5;
	v2 =	vsel vm1, $0xBE5D4430, v2  }
0x3f: {  	v3 =	vsel vm2, $0x40080A4A, v5;
	v5 =	vsel vm12, $0xBD1014A0, v50;
	v2 =	vsel vm2, $0xBE48AEF4, v2  }
0x40: {  	v3 =	vsel vm3, $0x4009539E, v3;
	v5 =	vsel vm13, $0xBC76FEC0, v5;
	v2 =	vsel vm3, $0xBE3419BC, v2  }
0x41: {  	v3 =	vsel vm5, $0x400A9CF2, v3;
	v5 =	vsel vm14, $0x3BA4AA00, v5;
	v2 =	vsel vm5, $0xBE1F8480, v2  }
0x42: {  	v3 =	vsel vm7, $0x400BE646, v3;
	v5 =	vsel vm10, $0x3CCDD440, v5;
	v2 =	vsel vm7, $0xBE0AEF48, v2  }
0x43: {  	v3 =	vsel vm8, $0x400D2F99, v3;
	v5 =	vsel vm6, $0x3D393F00, v5;
	v2 =	vsel vm8, $0xBDECB418, v2  }
0x44: {  	v3 =	vsel vm9, $0x400E78EC, v3;
	v5 =	vsel vm4, $0x3D85C9F0, v5;
	v2 =	vsel vm9, $0xBDC389A8, v2  }
0x45: {  	v3 =	vsel vm11, $0x400FC240, v3;
	v0 =	vsel vm0, $0x3DAEF470, v5;
	v7 =	vpop (erf);
	v2 =	vsel vm11, $0xBD9A5F30, v2  }
0x46: {  	v5 =	vsel vm12, $0x401254E8, v52;
	(erf) = vrcp.f32 v3;
	v3 =	vmul.f32 v2, v7  }
0x47: {  	v10 =	vsel vm10, $0xBBA4AA00, v10;
	v9 =	vsel vm5, $0x40042E50, v9;
	v5 =	vsel vm13, $0x40139E3B, v5  }
0x48: {  	v9 =	vsel vm7, $0x4004D2FA, v9;
	v5 =	vsel vm14, $0x4014E78E, v5;
	v51 =	vmul.f32 v3, v3  }
0x49: {  	v10 =	vsel vm6, $0x3BA4AA00, v10;
	v9 =	vsel vm8, $0x400577A4, v9;
	v5 =	vsel vm10, $0x401630E2, v5  }
0x4a: {  	v9 =	vsel vm9, $0x40061C4D, v9;
	v5 =	vsel vm6, $0x40177A36, v5;
	v54 =	vmul.f32 $2.857142980e-01, v51  }
0x4b: {  	v63 =	vsel vm4, $0x3C76FE80, v10;
	v9 =	vsel vm11, $0x4006C0F7, v9;
	v5 =	vsel vm4, $0x4018C38A, v5  }
0x4c: {  	vm15 =	vcmask $0x700;
	v5 =	vsel vm0, $0x401A0CDD, v5;
	v7 =	vadd.f32 $4.000000060e-01, v54  }
0x4d: {  	v1 =	vmul.f32 $-5.025125570e-03, v1;
	v6 =	vsel vm15, $0xC0317218, v53;
	v5 =	vsel vm1, $0x3FDB5631, v5  }
0x4e: {  	v5 =	vsel vm2, $0x3FDC9F84, v5;
	v55 =	vmul.f32 v7, v51;
	v7 =	vsel vm12, $0x3E92A73C, v57  }
0x4f: {  	vm15 =	vcmask $0xF00;
	v5 =	vsel vm3, $0x3FDDE8D8, v5;
	v7 =	vsel vm13, $0x3E9CF1D8, v7  }
0x50: {  	v0 =	vsel vm1, $0x3DD81EE0, v0;
	v5 =	vsel vm5, $0x3FDF322C, v5;
	v7 =	vsel vm14, $0x3EA73C74, v7  }
0x51: {  	v0 =	vsel vm2, $0x3E00A4A8, v0;
	v5 =	vsel vm7, $0x3FE07B80, v5;
	v7 =	vsel vm10, $0x3EB18714, v7  }
0x52: {  	v0 =	vsel vm3, $0x3E1539E0, v0;
	v5 =	vsel vm8, $0x3FE1C4D3, v5;
	v7 =	vsel vm6, $0x3EBBD1B0, v7  }
0x53: {  	v0 =	vsel vm5, $0x3E29CF20, v0;
	v5 =	vsel vm9, $0x3FE30E26, v5;
	v7 =	vsel vm4, $0x3EC61C4C, v7  }
0x54: {  	v0 =	vsel vm7, $0x3E3E6458, v0;
	v5 =	vsel vm11, $0x3FE4577A, v5;
	v7 =	vsel vm0, $0x3ED066E8, v7  }
0x55: {  	v2 =	vmul.f32 v49, v4;
	(erf) = vrcp.f32 v5;
	v7 =	vsel vm1, $0xBE92A73C, v7  }
0x56: {  	v0 =	vsel vm8, $0x3E52F990, v0;
	v58 =	vsel vm2, $0xBE8D81EE, v7;
	v7 =	vsel vm0, $0x3FEEA217, v59  }
0x57: {  	v52 =	vimm.f32 $-4.020100830e-02;
	v0 =	vsel vm9, $0x3E678EC8, v0;
	v7 =	vsel vm1, $0x3FEFEB6A, v7  }
0x58: {  	v2 =	vadd.f32 v6, v2;
	v0 =	vsel vm11, $0x3E7C2408, v0;
	v56 =	vpop (erf);
	v7 =	vsel vm2, $0x3FF134BE, v7  }
0x59: {  	[tilespmem:$0x1FF40] =	vst v1;
	v0 =	vmul.f32 v0, v56;
	v5 =	vsel vm3, $0xBE885CA0, v58;
	v7 =	vsel vm3, $0x3FF27E12, v7  }
0x5a: {  	v1 =	vmul.f32 $-5.025125570e-03, v2;
	v5 =	vsel vm5, $0xBE833752, v5;
	v7 =	vsel vm5, $0x3FF3C766, v7  }
0x5b: {  	v8 =	vmul.f32 v0, v0;
	v5 =	vsel vm7, $0xBE7C2404, v5;
	v7 =	vsel vm7, $0x3FF510B9, v7  }
0x5c: {  	v6 =	vadd.f32 $6.666666860e-01, v55;
	v5 =	vsel vm8, $0xBE71D968, v5;
	v7 =	vsel vm8, $0x3FF65A0D, v7  }
0x5d: {  	v24 =	vmul.f32 $2.857142980e-01, v8;
	v5 =	vsel vm9, $0xBE678ECC, v5;
	v7 =	vsel vm9, $0x3FF7A360, v7  }
0x5e: {  	v4 =	vmul.f32 v6, v51;
	v21 =	vpop (erf);
	v5 =	vsel vm11, $0xBE5D4430, v5;
	v7 =	vsel vm11, $0x3FF8ECB4, v7  }
0x5f: {  	v5 =	vmul.f32 v5, v21;
	(erf) = vrcp.f32 v7;
	v7 =	vsel vm4, $0xBE1539E4, v61  }
0x60: {  	v4 =	vadd.f32 $2.000000000e+00, v4;
	v7 =	vsel vm0, $0xBE0AEF48, v7;
	(erf) = vrcp.f32 v9  }
0x61: {  	v25 =	vmul.f32 v5, v5;
	v9 =	vsel vm0, $0x3CCDD440, v63;
	v7 =	vsel vm1, $0xBE00A4AC, v7  }
0x62: {  	v3 =	vmul.f32 v4, v3;
	v9 =	vsel vm1, $0x3D1014A0, v9;
	v7 =	vsel vm2, $0xBDECB418, v7  }
0x63: {  	v12 =	vmul.f32 $2.857142980e-01, v25;
	v9 =	vsel vm2, $0x3D393F00, v9;
	v7 =	vsel vm3, $0xBDD81EE0, v7  }
0x64: {  	v23 =	vsel vm3, $0x3D626980, v9;
	v9 =	vadd.f32 $4.000000060e-01, v24;
	v7 =	vsel vm5, $0xBDC389A8, v7  }
0x65: {  	v12 =	vadd.f32 $4.000000060e-01, v12;
	v6 =	vsel vm5, $0x3D85C9F0, v23;
	v7 =	vsel vm7, $0xBDAEF470, v7  }
0x66: {  	v6 =	vsel vm7, $0x3D9A5F30, v6;
	v9 =	vmul.f32 v9, v8;
	v7 =	vsel vm8, $0xBD9A5F30, v7  }
0x67: {  	v12 =	vmul.f32 v12, v25;
	v6 =	vsel vm8, $0x3DAEF470, v6;
	v7 =	vsel vm9, $0xBD85C9F8, v7  }
0x68: {  	v6 =	vsel vm9, $0x3DC389A0, v6;
	v9 =	vadd.f32 $6.666666860e-01, v9;
	v22 =	vpop (erf);
	v7 =	vsel vm11, $0xBD626980, v7  }
0x69: {  	v27 =	vadd.f32 $6.666666860e-01, v12;
	v6 =	vsel vm11, $0x3DD81EE0, v6;
	v7 =	vmul.f32 v7, v22;
	v13 =	vpop (erf)  }
0x6a: {  	v8 =	vmul.f32 v9, v8;
	v6 =	vmul.f32 v6, v13;
	v13 =	vimm.f32 $-1.386294360e+00  }
0x6b: {  	v9 =	vmul.f32 v27, v25;
	v11 =	vmul.f32 v7, v7;
	v13 =	vsel vm15, $0xC0051592, v13  }
0x6c: {  	v8 =	vadd.f32 $2.000000000e+00, v8;
	vm15 =	vcmask $0x1B00;
	v14 =	vmul.f32 v6, v6  }
0x6d: {  	v3 =	vadd.f32 v13, v3;
	v13 =	vimm.f32 $2.276381970e+00;
	v18 =	vsel vm15, $0xBFB17218, v18  }
0x6e: {  	v26 =	vmul.f32 $2.857142980e-01, v11;
	v28 =	vsel vm12, $0x40080A4A, v13;
	v29 =	vmul.f32 v8, v0  }
0x6f: {  	v0 =	vadd.f32 $2.000000000e+00, v9;
	v9 =	vsel vm12, $0x3E00A4A8, v35;
	v12 =	vmul.f32 $2.857142980e-01, v14  }
0x70: {  	v10 =	vsel vm13, $0x4008AEF4, v28;
	v9 =	vsel vm13, $0x3E0AEF48, v9;
	v2 =	vmul.f32 $-5.025125570e-03, v3  }
0x71: {  	[tilespmem:$0x1FF50] =	vst v1;
	v4 =	vadd.f32 $4.000000060e-01, v26;
	v30 =	vsel vm14, $0x4009539E, v10;
	v0 =	vmul.f32 v0, v5  }
0x72: {  	v10 =	vsel vm12, $0x401254E8, v36;
	v9 =	vsel vm14, $0x3E1539E0, v9;
	v1 =	vadd.f32 $-1.386294360e+00, v29  }
0x73: {  	v12 =	vadd.f32 $4.000000060e-01, v12;
	v8 =	vsel vm10, $0x4009F848, v30;
	v10 =	vsel vm13, $0x4012F992, v10  }
0x74: {  	v9 =	vsel vm10, $0x3E1F8480, v9;
	v4 =	vmul.f32 v4, v11;
	v8 =	vsel vm6, $0x400A9CF2, v8  }
0x75: {  	v10 =	vsel vm14, $0x40139E3B, v10;
	v9 =	vsel vm6, $0x3E29CF20, v9;
	v32 =	vmul.f32 v12, v14  }
0x76: {  	v8 =	vsel vm4, $0x400B419C, v8;
	v10 =	vsel vm10, $0x401442E5, v10;
	v9 =	vsel vm4, $0x3E3419B8, v9  }
0x77: {  	v12 =	vimm.f32 $-2.010050420e-01;
	v4 =	vadd.f32 $6.666666860e-01, v4;
	v8 =	vsel vm0, $0x400BE646, v8  }
0x78: {  	v10 =	vsel vm6, $0x4014E78E, v10;
	v9 =	vsel vm0, $0x3E3E6458, v9;
	v12 =	vsel vm12, $0xBE8D81EE, v12  }
0x79: {  	v34 =	vadd.f32 $6.666666860e-01, v32;
	v8 =	vsel vm1, $0x400C8AEF, v8;
	v10 =	vsel vm4, $0x40158C38, v10  }
0x7a: {  	v9 =	vsel vm1, $0x3E48AEF0, v9;
	v12 =	vsel vm13, $0xBE8AEF48, v12;
	v11 =	vmul.f32 v4, v11  }
0x7b: {  	v8 =	vsel vm2, $0x400D2F99, v8;
	v10 =	vsel vm0, $0x401630E2, v10;
	v37 =	vsel vm2, $0x3E52F990, v9  }
0x7c: {  	v12 =	vsel vm14, $0xBE885CA0, v12;
	v8 =	vsel vm3, $0x400DD443, v8;
	v10 =	vsel vm1, $0x4016D58C, v10  }
0x7d: {  	v31 =	vadd.f32 $2.000000000e+00, v11;
	v8 =	vsel vm5, $0x400E78EC, v8;
	v38 =	vsel vm2, $0x40177A36, v10  }
0x7e: {  	v10 =	vsel vm12, $0x3E92A73C, v39;
	v11 =	vsel vm12, $0x3FDC9F84, v40;
	v8 =	vsel vm7, $0x400F1D96, v8  }
0x7f: {  	v9 =	vsel vm3, $0x40181EE0, v38;
	v10 =	vsel vm13, $0x3E97CC8C, v10;
	v11 =	vsel vm13, $0x3FDD442E, v11  }
0x80: {  	v8 =	vsel vm8, $0x400FC240, v8;
	v9 =	vsel vm5, $0x4018C38A, v9;
	v10 =	vsel vm14, $0x3E9CF1D8, v10  }
0x81: {  	v42 =	vsel vm14, $0x3FDDE8D8, v11;
	v8 =	vsel vm9, $0x401066EA, v8;
	v9 =	vsel vm7, $0x40196834, v9  }
0x82: {  	v10 =	vsel vm10, $0x3EA21728, v10;
	v8 =	vsel vm11, $0x40110B94, v8;
	v9 =	vsel vm8, $0x401A0CDD, v9  }
0x83: {  	v10 =	vsel vm6, $0x3EA73C74, v10;
	(erf) = vrcp.f32 v8;
	v9 =	vsel vm9, $0x3FDAB187, v9  }
0x84: {  	v41 =	vsel vm4, $0x3EAC61C4, v10;
	v10 =	vsel vm10, $0x3FDE8D82, v42;
	v9 =	vsel vm11, $0x3FDB5631, v9  }
0x85: {  	v12 =	vsel vm10, $0xBE85C9F8, v12;
	v10 =	vsel vm6, $0x3FDF322C, v10;
	(erf) = vrcp.f32 v9  }
0x86: {  	v12 =	vsel vm6, $0xBE833752, v12;
	v9 =	vsel vm0, $0x3EB18714, v41;
	v10 =	vsel vm4, $0x3FDFD6D6, v10  }
0x87: {  	v8 =	vsel vm3, $0x3E5D4430, v37;
	v9 =	vsel vm1, $0x3EB6AC60, v9;
	v10 =	vsel vm0, $0x3FE07B80, v10  }
0x88: {  	v8 =	vsel vm5, $0x3E678EC8, v8;
	v9 =	vsel vm2, $0x3EBBD1B0, v9;
	v10 =	vsel vm1, $0x3FE12029, v10  }
0x89: {  	v8 =	vsel vm7, $0x3E71D968, v8;
	v9 =	vsel vm3, $0x3EC0F700, v9;
	v10 =	vsel vm2, $0x3FE1C4D3, v10  }
0x8a: {  	v8 =	vsel vm8, $0x3E7C2408, v8;
	v9 =	vsel vm5, $0x3EC61C4C, v9;
	v10 =	vsel vm3, $0x3FE2697C, v10  }
0x8b: {  	v8 =	vsel vm9, $0x3E833750, v8;
	v9 =	vsel vm7, $0x3ECB419C, v9;
	v10 =	vsel vm5, $0x3FE30E26, v10  }
0x8c: {  	v8 =	vsel vm11, $0x3E885CA0, v8;
	v9 =	vsel vm8, $0x3ED066E8, v9;
	v10 =	vsel vm7, $0x3FE3B2D0, v10;
	v43 =	vpop (erf)  }
0x8d: {  	v9 =	vsel vm9, $0xBE9539E4, v9;
	v10 =	vsel vm8, $0x3FE4577A, v10;
	v8 =	vmul.f32 v8, v43  }
0x8e: {  	v33 =	vmul.f32 v31, v7;
	v9 =	vsel vm11, $0xBE92A73C, v9;
	v10 =	vsel vm9, $0x3FE4FC24, v10;
	v13 =	vpop (erf)  }
0x8f: {  	v10 =	vsel vm11, $0x3FE5A0CE, v10;
	v11 =	vmul.f32 v8, v8;
	v9 =	vmul.f32 v9, v13  }
0x90: {  	v44 =	vsel vm4, $0xBE80A4AA, v12;
	v7 =	vmul.f32 v34, v14;
	(erf) = vrcp.f32 v10  }
0x91: {  	v10 =	vsel vm0, $0xBE7C2404, v44;
	v13 =	vmul.f32 $2.857142980e-01, v11;
	v14 =	vmul.f32 v9, v9  }
0x92: {  	v18 =	vadd.f32 v18, v0;
	v1 =	vmul.f32 $-5.025125570e-03, v1;
	v10 =	vsel vm1, $0xBE76FEB8, v10  }
0x93: {  	v10 =	vsel vm2, $0xBE71D968, v10;
	v13 =	vadd.f32 $4.000000060e-01, v13;
	v12 =	vmul.f32 $2.857142980e-01, v14  }
0x94: {  	[tilespmem:$0x1FF60] =	vst v2;
	v7 =	vadd.f32 $2.000000000e+00, v7;
	v2 =	vadd.f32 $-6.931471820e-01, v33;
	v10 =	vsel vm3, $0xBE6CB41C, v10  }
0x95: {  	v10 =	vsel vm5, $0xBE678ECC, v10;
	v13 =	vmul.f32 v13, v11;
	v12 =	vadd.f32 $4.000000060e-01, v12  }
0x96: {  	v7 =	vmul.f32 v7, v6;
	v2 =	vmul.f32 $-5.025125570e-03, v2;
	v10 =	vsel vm7, $0xBE62697C, v10  }
0x97: {  	[tilespmem:$0x1FF70] =	vst v1;
	v10 =	vsel vm8, $0xBE5D4430, v10;
	v13 =	vadd.f32 $6.666666860e-01, v13;
	v12 =	vmul.f32 v12, v14  }
0x98: {  	v1 =	vmul.f32 $-5.025125570e-03, v18;
	v3 =	vadd.f32 $-6.931471820e-01, v7;
	v10 =	vsel vm9, $0xBE581EE0, v10  }
0x99: {  	[tilespmem:$0x1FF90] =	vst v2;
	v11 =	vmul.f32 v13, v11;
	v13 =	vsel vm10, $0x3FE8D81F, v15;
	v12 =	vadd.f32 $6.666666860e-01, v12  }
0x9a: {  	v2 =	vmul.f32 $-5.025125570e-03, v3;
	v10 =	vsel vm11, $0xBE52F990, v10;
	v13 =	vsel vm6, $0x3FE97CC8, v13  }
0x9b: {  	v11 =	vadd.f32 $2.000000000e+00, v11;
	v13 =	vsel vm4, $0x3FEA2172, v13;
	v12 =	vmul.f32 v12, v14;
	v14 =	vpop (erf)  }
0x9c: {  	v13 =	vsel vm0, $0x3FEAC61C, v13;
	v10 =	vmul.f32 v10, v14;
	v14 =	vimm.f32 $1.959799050e+00  }
0x9d: {  	v13 =	vsel vm1, $0x3FEB6AC6, v13;
	v45 =	vmul.f32 v11, v8;
	v46 =	vadd.f32 $2.000000000e+00, v12  }
0x9e: {  	v14 =	vsel vm12, $0x3FF134BE, v14;
	v47 =	vsel vm2, $0x3FEC0F70, v13;
	v12 =	vmul.f32 v10, v10  }
0x9f: {  	v13 =	vimm.f32 $-1.206030250e-01;
	v14 =	vsel vm13, $0x3FF1D968, v14;
	v11 =	vsel vm3, $0x3FECB41A, v47  }
0xa0: {  	v8 =	vmul.f32 v46, v9;
	v49 =	vsel vm12, $0xBE48AEF4, v13;
	v51 =	vsel vm14, $0x3FF27E12, v14  }
0xa1: {  	v14 =	vimm.f32 $2.040200950e+00;
	v48 =	vsel vm5, $0x3FED58C4, v11;
	v11 =	vsel vm13, $0xBE4389A8, v49  }
0xa2: {  	v13 =	vmul.f32 $2.857142980e-01, v12;
	v14 =	vsel vm12, $0x3FFB7F5B, v14;
	v11 =	vsel vm14, $0xBE3E6458, v11  }
0xa3: {  	v9 =	vsel vm7, $0x3FEDFD6E, v48;
	v14 =	vsel vm13, $0x3FFC2405, v14;
	v11 =	vsel vm10, $0xBE393F08, v11  }
0xa4: {  	v9 =	vsel vm8, $0x3FEEA217, v9;
	v13 =	vadd.f32 $4.000000060e-01, v13;
	v11 =	vsel vm6, $0xBE3419BC, v11  }
0xa5: {  	v9 =	vsel vm9, $0x3FEF46C1, v9;
	v50 =	vsel vm4, $0xBE2EF46C, v11;
	v11 =	vsel vm10, $0x3FF322BC, v51  }
0xa6: {  	v14 =	vsel vm14, $0x3FFCC8AF, v14;
	v9 =	vsel vm11, $0x3FEFEB6A, v9;
	v11 =	vsel vm6, $0x3FF3C766, v11  }
0xa7: {  	v14 =	vsel vm10, $0x3FFD6D58, v14;
	(erf) = vrcp.f32 v9;
	v11 =	vsel vm4, $0x3FF46C10, v11  }
0xa8: {  	v14 =	vsel vm6, $0x3FFE1202, v14;
	v9 =	vsel vm0, $0xBE29CF20, v50;
	v11 =	vsel vm0, $0x3FF510B9, v11  }
0xa9: {  	v14 =	vsel vm4, $0x3FFEB6AC, v14;
	v9 =	vsel vm1, $0xBE24A9D0, v9;
	v11 =	vsel vm1, $0x3FF5B563, v11  }
0xaa: {  	v14 =	vsel vm0, $0x3FFF5B56, v14;
	v9 =	vsel vm2, $0xBE1F8480, v9;
	v11 =	vsel vm2, $0x3FF65A0D, v11  }
0xab: {  	v14 =	vsel vm1, $0x40000000, v14;
	v9 =	vsel vm3, $0xBE1A5F34, v9;
	v11 =	vsel vm3, $0x3FF6FEB6, v11  }
0xac: {  	v14 =	vsel vm2, $0x40005255, v14;
	v9 =	vsel vm5, $0xBE1539E4, v9;
	v11 =	vsel vm5, $0x3FF7A360, v11  }
0xad: {  	v14 =	vsel vm3, $0x4000A4AA, v14;
	v9 =	vsel vm7, $0xBE101494, v9;
	v11 =	vsel vm7, $0x3FF8480A, v11  }
0xae: {  	v14 =	vsel vm5, $0x4000F6FE, v14;
	v9 =	vsel vm8, $0xBE0AEF48, v9;
	v11 =	vsel vm8, $0x3FF8ECB4, v11  }
0xaf: {  	v14 =	vsel vm7, $0x40014954, v14;
	v9 =	vsel vm9, $0xBE05C9F8, v9;
	v11 =	vsel vm9, $0x3FF9915E, v11  }
0xb0: {  	v14 =	vsel vm8, $0x40019BA8, v14;
	v9 =	vsel vm11, $0xBE00A4AC, v9;
	v15 =	vpop (erf);
	v11 =	vsel vm11, $0x3FFA3608, v11  }
0xb1: {  	v9 =	vmul.f32 v9, v15;
	(erf) = vrcp.f32 v11;
	v11 =	vsel vm12, $0xBDECB418, v52  }
0xb2: {  	v13 =	vmul.f32 v13, v12;
	v14 =	vsel vm9, $0x4001EDFE, v14;
	v11 =	vsel vm13, $0xBDE26980, v11  }
0xb3: {  	v14 =	vsel vm11, $0x40024052, v14;
	v15 =	vmul.f32 v9, v9;
	v11 =	vsel vm14, $0xBDD81EE0, v11  }
0xb4: {  	v13 =	vadd.f32 $6.666666860e-01, v13;
	(erf) = vrcp.f32 v14;
	v11 =	vsel vm10, $0xBDCDD448, v11  }
0xb5: {  	v14 =	vsel vm10, $0xBCA4A9E0, v16;
	v16 =	vmul.f32 $2.857142980e-01, v15;
	v11 =	vsel vm6, $0xBDC389A8, v11  }
0xb6: {  	v12 =	vmul.f32 v13, v12;
	v14 =	vsel vm6, $0xBC76FEC0, v14;
	v11 =	vsel vm4, $0xBDB93F08, v11  }
0xb7: {  	v14 =	vsel vm4, $0xBC24A9C0, v14;
	v16 =	vadd.f32 $4.000000060e-01, v16;
	v11 =	vsel vm0, $0xBDAEF470, v11  }
0xb8: {  	v12 =	vadd.f32 $2.000000000e+00, v12;
	v14 =	vsel vm0, $0xBBA4AA00, v14;
	v11 =	vsel vm1, $0xBDA4A9D0, v11  }
0xb9: {  	v13 =	vsel vm1, $0x0, v14;
	v14 =	vmul.f32 v16, v15;
	v11 =	vsel vm2, $0xBD9A5F30, v11  }
0xba: {  	[tilespmem:$0x1FF80] =	vst v1;
	v1 =	vadd.f32 $-6.931471820e-01, v45;
	v10 =	vmul.f32 v12, v10;
	v11 =	vsel vm3, $0xBD901498, v11  }
0xbb: {  	v13 =	vsel vm2, $0x3BA4AA00, v13;
	v14 =	vadd.f32 $6.666666860e-01, v14;
	v11 =	vsel vm5, $0xBD85C9F8, v11  }
0xbc: {  	[tilespmem:$0x1FFA0] =	vst v2;
	v2 =	vadd.f32 $0.0e+00, v10;
	v13 =	vsel vm3, $0x3C24AA00, v13;
	v11 =	vsel vm7, $0xBD76FEC0, v11  }
0xbd: {  	v1 =	vmul.f32 $-5.025125570e-03, v1;
	v13 =	vsel vm5, $0x3C76FE80, v13;
	v11 =	vsel vm8, $0xBD626980, v11  }
0xbe: {  	v2 =	vmul.f32 $-5.025125570e-03, v2;
	v12 =	vsel vm7, $0x3CA4A9C0, v13;
	v11 =	vsel vm9, $0xBD4DD440, v11  }
0xbf: {  	v12 =	vsel vm8, $0x3CCDD440, v12;
	v13 =	vmul.f32 v14, v15;
	v14 =	vpop (erf);
	v11 =	vsel vm11, $0xBD393F10, v11  }
0xc0: {  	v16 =	vimm.f32 $2.120603080e+00;
	v15 =	vsel vm9, $0x3CF6FEC0, v12;
	v12 =	vmul.f32 v11, v14  }
0xc1: {  	v53 =	vpop (erf);
	v14 =	vsel vm11, $0x3D1014A0, v15;
	v15 =	vsel vm12, $0x4002E4FC, v16;
	v16 =	vimm.f32 $2.281406880e+00  }
0xc2: {  	v11 =	vmul.f32 v14, v53;
	v14 =	vsel vm13, $0x40033751, v15;
	v15 =	vimm.f32 $2.201004980e+00  }
0xc3: {  	v16 =	vsel vm12, $0x400D2F99, v16;
	v14 =	vsel vm14, $0x400389A6, v14;
	v15 =	vsel vm12, $0x40080A4A, v15  }
0xc4: {  	v16 =	vsel vm13, $0x400D81EE, v16;
	v17 =	vmul.f32 v12, v12;
	v14 =	vsel vm10, $0x4003DBFB, v14  }
0xc5: {  	v15 =	vsel vm13, $0x40085CA0, v15;
	v16 =	vsel vm14, $0x400DD443, v16;
	v20 =	vmul.f32 v11, v11  }
0xc6: {  	v14 =	vsel vm6, $0x40042E50, v14;
	v15 =	vsel vm14, $0x4008AEF4, v15;
	v16 =	vsel vm10, $0x400E2698, v16  }
0xc7: {  	v19 =	vmul.f32 $2.857142980e-01, v17;
	v14 =	vsel vm4, $0x400480A4, v14;
	v15 =	vsel vm10, $0x4009014A, v15  }
0xc8: {  	v16 =	vsel vm6, $0x400E78EC, v16;
	v21 =	vmul.f32 $2.857142980e-01, v20;
	v14 =	vsel vm0, $0x4004D2FA, v14  }
0xc9: {  	v15 =	vsel vm6, $0x4009539E, v15;
	v16 =	vsel vm4, $0x400ECB42, v16;
	v19 =	vadd.f32 $4.000000060e-01, v19  }
0xca: {  	v14 =	vsel vm1, $0x4005254E, v14;
	v15 =	vsel vm4, $0x4009A5F3, v15;
	v16 =	vsel vm0, $0x400F1D96, v16  }
0xcb: {  	v21 =	vadd.f32 $4.000000060e-01, v21;
	v14 =	vsel vm2, $0x400577A4, v14;
	v15 =	vsel vm0, $0x4009F848, v15  }
0xcc: {  	v16 =	vsel vm1, $0x400F6FEC, v16;
	v14 =	vsel vm3, $0x4005C9F8, v14;
	v15 =	vsel vm1, $0x400A4A9D, v15  }
0xcd: {  	v19 =	vmul.f32 v19, v17;
	v14 =	vsel vm5, $0x40061C4D, v14;
	v15 =	vsel vm2, $0x400A9CF2, v15  }
0xce: {  	v16 =	vsel vm2, $0x400FC240, v16;
	v14 =	vsel vm7, $0x40066EA2, v14;
	v15 =	vsel vm3, $0x400AEF46, v15  }
0xcf: {  	v16 =	vsel vm3, $0x40101495, v16;
	v14 =	vsel vm8, $0x4006C0F7, v14;
	v15 =	vsel vm5, $0x400B419C, v15  }
0xd0: {  	v16 =	vsel vm5, $0x401066EA, v16;
	v14 =	vsel vm9, $0x4007134C, v14;
	v15 =	vsel vm7, $0x400B93F0, v15  }
0xd1: {  	v16 =	vsel vm7, $0x4010B93F, v16;
	v14 =	vsel vm11, $0x400765A1, v14;
	v15 =	vsel vm8, $0x400BE646, v15  }
0xd2: {  	(erf) = vrcp.f32 v14;
	v14 =	vsel vm9, $0x400C389A, v15;
	v15 =	vsel vm8, $0x40110B94, v16  }
0xd3: {  	v16 =	vimm.f32 $1.206029650e-01;
	v14 =	vsel vm11, $0x400C8AEF, v14;
	v15 =	vsel vm9, $0x40115DE9, v15  }
0xd4: {  	v16 =	vsel vm12, $0x3D393F00, v16;
	(erf) = vrcp.f32 v14;
	v14 =	vsel vm11, $0x4011B03E, v15  }
0xd5: {  	v15 =	vimm.f32 $2.010049820e-01;
	(erf) = vrcp.f32 v14;
	v14 =	vimm.f32 $2.814069990e-01  }
0xd6: {  	v16 =	vsel vm13, $0x3D4DD440, v16;
	v15 =	vsel vm12, $0x3E00A4A8, v15;
	v14 =	vsel vm12, $0x3E52F990, v14  }
0xd7: {  	v16 =	vsel vm14, $0x3D626980, v16;
	v15 =	vsel vm13, $0x3E05C9F8, v15;
	v14 =	vsel vm13, $0x3E581EE0, v14  }
0xd8: {  	v16 =	vsel vm10, $0x3D76FEC0, v16;
	v15 =	vsel vm14, $0x3E0AEF48, v15;
	v14 =	vsel vm14, $0x3E5D4430, v14  }
0xd9: {  	v16 =	vsel vm6, $0x3D85C9F0, v16;
	v15 =	vsel vm10, $0x3E101498, v15;
	v14 =	vsel vm10, $0x3E626978, v14  }
0xda: {  	v16 =	vsel vm4, $0x3D901490, v16;
	v15 =	vsel vm6, $0x3E1539E0, v15;
	v14 =	vsel vm6, $0x3E678EC8, v14  }
0xdb: {  	v16 =	vsel vm0, $0x3D9A5F30, v16;
	v15 =	vsel vm4, $0x3E1A5F30, v15;
	v14 =	vsel vm4, $0x3E6CB418, v14  }
0xdc: {  	v16 =	vsel vm1, $0x3DA4A9D0, v16;
	v15 =	vsel vm0, $0x3E1F8480, v15;
	v14 =	vsel vm0, $0x3E71D968, v14  }
0xdd: {  	v16 =	vsel vm2, $0x3DAEF470, v16;
	v15 =	vsel vm1, $0x3E24A9D0, v15;
	v14 =	vsel vm1, $0x3E76FEB8, v14  }
0xde: {  	v16 =	vsel vm3, $0x3DB93F00, v16;
	v15 =	vsel vm2, $0x3E29CF20, v15;
	v14 =	vsel vm2, $0x3E7C2408, v14  }
0xdf: {  	v16 =	vsel vm5, $0x3DC389A0, v16;
	v15 =	vsel vm3, $0x3E2EF468, v15;
	v14 =	vsel vm3, $0x3E80A4A8, v14  }
0xe0: {  	v16 =	vsel vm7, $0x3DCDD440, v16;
	v15 =	vsel vm5, $0x3E3419B8, v15;
	v14 =	vsel vm5, $0x3E833750, v14  }
0xe1: {  	v16 =	vsel vm8, $0x3DD81EE0, v16;
	v15 =	vsel vm7, $0x3E393F08, v15;
	v14 =	vsel vm7, $0x3E85C9F8, v14  }
0xe2: {  	v22 =	vpop (erf);
	v16 =	vsel vm9, $0x3DE26980, v16;
	v15 =	vsel vm8, $0x3E3E6458, v15;
	v14 =	vsel vm8, $0x3E885CA0, v14  }
0xe3: {  	v23 =	vpop (erf);
	v16 =	vsel vm11, $0x3DECB420, v16;
	v15 =	vsel vm9, $0x3E4389A8, v15;
	v14 =	vsel vm9, $0x3E8AEF48, v14  }
0xe4: {  	v54 =	vpop (erf);
	v16 =	vmul.f32 v16, v22;
	v15 =	vsel vm11, $0x3E48AEF0, v15;
	v14 =	vsel vm11, $0x3E8D81EC, v14  }
0xe5: {  	v15 =	vmul.f32 v15, v23;
	v14 =	vmul.f32 v14, v54  }
0xe6: {  	v0 =	vadd.f32 $6.666666860e-01, v19;
	v19 =	vmul.f32 v21, v20;
	v55 =	vmul.f32 v16, v16  }
0xe7: {  	v23 =	vmul.f32 v15, v15;
	v24 =	vmul.f32 v14, v14  }
0xe8: {  	v13 =	vadd.f32 $2.000000000e+00, v13;
	v0 =	vmul.f32 v0, v17;
	v56 =	vmul.f32 $2.857142980e-01, v55  }
0xe9: {  	v17 =	vadd.f32 $6.666666860e-01, v19;
	v25 =	vmul.f32 $2.857142980e-01, v23;
	v26 =	vmul.f32 $2.857142980e-01, v24  }
0xea: {  	v13 =	vmul.f32 v13, v9;
	v0 =	vadd.f32 $2.000000000e+00, v0;
	v19 =	vadd.f32 $4.000000060e-01, v56  }
0xeb: {  	v17 =	vmul.f32 v17, v20;
	v57 =	vadd.f32 $4.000000060e-01, v25;
	v58 =	vadd.f32 $4.000000060e-01, v26  }
0xec: {  	v12 =	vmul.f32 v0, v12;
	v19 =	vmul.f32 v19, v55  }
0xed: {  	v60 =	vadd.f32 $0.0e+00, v13;
	v9 =	vmul.f32 v57, v23;
	v20 =	vmul.f32 v58, v24  }
0xee: {  	s5 =	srdreg.scid;
	v17 =	vadd.f32 $2.000000000e+00, v17;
	v0 =	vimm.f32 $0.0e+00;
	v19 =	vadd.f32 $6.666666860e-01, v19  }
0xef: {  	s2 =	stileid.u32;
	s13 =	simm.s32 $0x80;
	s14 =	simm.s32 $0x400;
	vm0 =	vcmask $0x3300;
	v9 =	vadd.f32 $6.666666860e-01, v9;
	v20 =	vadd.f32 $6.666666860e-01, v20  }
0xf0: {  	s5 =	sand.u32 $0x1, s5;
	s7 =	sshll.u32 s2, $0x1;
	s9 =	sshrl.u32 s2, $0x2;
	v11 =	vmul.f32 v17, v11;
	v17 =	vmul.f32 v19, v55;
	v19 =	vsel vm0, $0xBF317218, v0  }
0xf1: {  	s15 =	simm.s32 $0x0;
	s7 =	sor.u32 s5, s7;
	s11 =	sshll.u32 s9, $0xA;
	v8 =	vadd.f32 v19, v8;
	v9 =	vmul.f32 v9, v23;
	v19 =	vmul.f32 v20, v24  }
0xf2: {  	s5 =	ssub.s32 $0x2, s5;
	s9 =	sshll.u32 s9, $0xC;
	s8 =	sshll.u32 s7, $0xC;
	[tilespmem:$0x1FFB0] =	vst v1;
	v61 =	vadd.f32 $0.0e+00, v12;
	v1 =	vadd.f32 $2.000000000e+00, v17  }
0xf3: {  	s10 =	sshll.u32 s7, $0x7;
	s12 =	sshrl.u32 s5, $0x1;
	s7 =	sshll.u32 s7, $0x4;
	[tilespmem:$0x1FFD0] =	vst v2;
	v4 =	vmul.f32 $-5.025125570e-03, v60;
	v3 =	vadd.f32 $2.000000000e+00, v9;
	v2 =	vadd.f32 $2.000000000e+00, v19  }
0xf4: {  	s10 =	sand.u32 $0x380, s10;
	s8 =	sadd.s32 s8, s3;
	s12 =	ssub.s32 s5, s12;
	v62 =	vadd.f32 $0.0e+00, v11;
	v63 =	vmul.f32 $-5.025125570e-03, v61;
	v1 =	vmul.f32 v1, v16  }
0xf5: {  	s4 =	sadd.s32 s4, s7;
	s11 =	sor.u32 s11, s10;
	s30 =	sor.u32 s9, s10;
	v18 =	vimm.s32 $0x1;
	v3 =	vmul.f32 v3, v15;
	v2 =	vmul.f32 v2, v14  }
0xf6: {  	s7 =	smax.u32 s12, $0x1;
	s9 =	simm.s32 $0x8480;
	s10 =	simm.s32 $0x8B80;
	v13 =	vmul.f32 $-5.025125570e-03, v62;
	vm1 =	vmmov $0x1ff;
	v1 =	vadd.f32 $0.0e+00, v1  }
0xf7: {  	s12 =	simm.s32 $0x8D80;
	s11 =	sshrl.u32 s11, $0x3;
	s31 =	sshrl.u32 s30, $0x3;
	[tilespmem:$0x1FFE0] =	vst v4;
	v59 =	vmul.f32 $-5.025125570e-03, v8;
	v3 =	vadd.f32 $0.0e+00, v3;
	v2 =	vadd.f32 $0.0e+00, v2  }
0xf8: {  	s11 =	sadd.s32 s11, s3;
	s3 =	sadd.s32 $0x2E00, s8;
	s6 =	sadd.s32 s6, s31;
	[tilespmem:$0x1FFF0] =	vst v63;
	vm0 =	vcmask $0x3F24;
	v17 =	vimm.s32 $0x0;
	v14 =	vmul.f32 $-5.025125570e-03, v1  }
0xf9: {  	s8 =	simm.s32 $0x1;
	s5 =	sadd.s32 $0x22E00, s11;
	s11 =	simm.s32 $0x8000;
	[tilespmem:$0x1FFC0] =	vst v59;
	v19 =	vimm.f32 $1.000000000e+00;
	v15 =	vmul.f32 $-5.025125570e-03, v3;
	v16 =	vmul.f32 $-5.025125570e-03, v2  }
.LBB2_1:
0xfa: {  	[tilespmem:s1], [sflag:$0x1] =	stream.linear.gather [hbm4b:s3+s1], $0x8000, $0x38;
	[tilespmem:$0x8E00] =	vst v63  }
0xfb: {  	_ =	swait.ge [sflag:s8], $0x8000  }
0xfc: {  	[sflag:s8] =	ssyncset.done $0x0  }
0xfd: {  	[sflag:s8] =	ssyncadd.s32 $0xFFFF8000  }
0xfe: {  	[tilespmem:$0x80C0] =	vst v13  }
0xff: {  	[tilespmem:$0x80D0] =	vst v14  }
0x100: {  	[tilespmem:$0x80E0] =	vst v15  }
0x101: {  	[tilespmem:$0x80F0] =	vst v16  }
0x102: {  	[tilespmem:$0x8480] =	vst v17  }
0x103: {  	[tilespmem:$0x8490] =	vst v17  }
0x104: {  	[tilespmem:$0x84A0] =	vst v17  }
0x105: {  	[tilespmem:$0x84B0] =	vst v17  }
0x106: {  	[tilespmem:$0x84C0] =	vst v17  }
0x107: {  	[tilespmem:$0x84D0] =	vst v17  }
0x108: {  	[tilespmem:$0x84E0] =	vst v17  }
0x109: {  	[tilespmem:$0x84F0] =	vst v17  }
0x10a: {  	[tilespmem:$0x8500] =	vst v17  }
0x10b: {  	[tilespmem:$0x8510] =	vst v17  }
0x10c: {  	[tilespmem:$0x8520] =	vst v17  }
0x10d: {  	[tilespmem:$0x8530] =	vst v17  }
0x10e: {  	[tilespmem:$0x8540] =	vst v17  }
0x10f: {  	[tilespmem:$0x8550] =	vst v17  }
0x110: {  	[tilespmem:$0x8560] =	vst v17  }
0x111: {  	[tilespmem:$0x8570] =	vst v17  }
0x112: {  	[tilespmem:$0x8580] =	vst v17  }
0x113: {  	[tilespmem:$0x8590] =	vst v17  }
0x114: {  	[tilespmem:$0x85A0] =	vst v17  }
0x115: {  	[tilespmem:$0x85B0] =	vst v17  }
0x116: {  	[tilespmem:$0x85C0] =	vst v17  }
0x117: {  	[tilespmem:$0x85D0] =	vst v17  }
0x118: {  	[tilespmem:$0x85E0] =	vst v17  }
0x119: {  	[tilespmem:$0x85F0] =	vst v17  }
0x11a: {  	[tilespmem:$0x8600] =	vst v17  }
0x11b: {  	[tilespmem:$0x8610] =	vst v17  }
0x11c: {  	[tilespmem:$0x8620] =	vst v17  }
0x11d: {  	[tilespmem:$0x8630] =	vst v17  }
0x11e: {  	[tilespmem:$0x8640] =	vst v17  }
0x11f: {  	[tilespmem:$0x8650] =	vst v17  }
0x120: {  	[tilespmem:$0x8660] =	vst v17  }
0x121: {  	[tilespmem:$0x8670] =	vst v17  }
0x122: {  	[tilespmem:$0x8680] =	vst v17  }
0x123: {  	[tilespmem:$0x8690] =	vst v17  }
0x124: {  	[tilespmem:$0x86A0] =	vst v17  }
0x125: {  	[tilespmem:$0x86B0] =	vst v17  }
0x126: {  	[tilespmem:$0x86C0] =	vst v17  }
0x127: {  	[tilespmem:$0x86D0] =	vst v17  }
0x128: {  	[tilespmem:$0x86E0] =	vst v17  }
0x129: {  	[tilespmem:$0x86F0] =	vst v17  }
0x12a: {  	[tilespmem:$0x8700] =	vst v17  }
0x12b: {  	[tilespmem:$0x8710] =	vst v17  }
0x12c: {  	[tilespmem:$0x8720] =	vst v17  }
0x12d: {  	[tilespmem:$0x8730] =	vst v17  }
0x12e: {  	[tilespmem:$0x8740] =	vst v17  }
0x12f: {  	[tilespmem:$0x8750] =	vst v17  }
0x130: {  	[tilespmem:$0x8760] =	vst v17  }
0x131: {  	[tilespmem:$0x8770] =	vst v17  }
0x132: {  	[tilespmem:$0x8780] =	vst v17  }
0x133: {  	[tilespmem:$0x8790] =	vst v17  }
0x134: {  	[tilespmem:$0x87A0] =	vst v17  }
0x135: {  	[tilespmem:$0x87B0] =	vst v17  }
0x136: {  	[tilespmem:$0x87C0] =	vst v17  }
0x137: {  	[tilespmem:$0x87D0] =	vst v17  }
0x138: {  	[tilespmem:$0x87E0] =	vst v17  }
0x139: {  	[tilespmem:$0x87F0] =	vst v17  }
0x13a: {  	[tilespmem:$0x8800] =	vst v17  }
0x13b: {  	[tilespmem:$0x8810] =	vst v17  }
0x13c: {  	[tilespmem:$0x8820] =	vst v17  }
0x13d: {  	[tilespmem:$0x8830] =	vst v17  }
0x13e: {  	[tilespmem:$0x8840] =	vst v17  }
0x13f: {  	[tilespmem:$0x8850] =	vst v17  }
0x140: {  	[tilespmem:$0x8860] =	vst v17  }
0x141: {  	[tilespmem:$0x8870] =	vst v17  }
0x142: {  	[tilespmem:$0x8880] =	vst v17  }
0x143: {  	[tilespmem:$0x8890] =	vst v17  }
0x144: {  	[tilespmem:$0x88A0] =	vst v17  }
0x145: {  	[tilespmem:$0x88B0] =	vst v17  }
0x146: {  	[tilespmem:$0x88C0] =	vst v17  }
0x147: {  	[tilespmem:$0x88D0] =	vst v17  }
0x148: {  	[tilespmem:$0x88E0] =	vst v17  }
0x149: {  	[tilespmem:$0x88F0] =	vst v17  }
0x14a: {  	[tilespmem:$0x8900] =	vst v17  }
0x14b: {  	[tilespmem:$0x8910] =	vst v17  }
0x14c: {  	[tilespmem:$0x8920] =	vst v17  }
0x14d: {  	[tilespmem:$0x8930] =	vst v17  }
0x14e: {  	[tilespmem:$0x8940] =	vst v17  }
0x14f: {  	[tilespmem:$0x8950] =	vst v17  }
0x150: {  	[tilespmem:$0x8960] =	vst v17  }
0x151: {  	[tilespmem:$0x8970] =	vst v17  }
0x152: {  	[tilespmem:$0x8980] =	vst v17  }
0x153: {  	[tilespmem:$0x8990] =	vst v17  }
0x154: {  	[tilespmem:$0x89A0] =	vst v17  }
0x155: {  	[tilespmem:$0x89B0] =	vst v17  }
0x156: {  	[tilespmem:$0x89C0] =	vst v17  }
0x157: {  	[tilespmem:$0x89D0] =	vst v17  }
0x158: {  	[tilespmem:$0x89E0] =	vst v17  }
0x159: {  	[tilespmem:$0x89F0] =	vst v17  }
0x15a: {  	[tilespmem:$0x8A00] =	vst v17  }
0x15b: {  	[tilespmem:$0x8A10] =	vst v17  }
0x15c: {  	[tilespmem:$0x8A20] =	vst v17  }
0x15d: {  	v1 =	vld [tilespmem:$0x1FF40];
	[tilespmem:$0x8A30] =	vst v17  }
0x15e: {  	[tilespmem:$0x8A40] =	vst v17  }
0x15f: {  	[tilespmem:$0x8A50] =	vst v17  }
0x160: {  	[tilespmem:$0x8A60] =	vst v17  }
0x161: {  	[tilespmem:$0x8A70] =	vst v17  }
0x162: {  	[tilespmem:$0x8000] =	vst v1;
	v1 =	vld [tilespmem:$0x1FF50]  }
0x163: {  	[tilespmem:$0x8A80] =	vst v17  }
0x164: {  	[tilespmem:$0x8A90] =	vst v17  }
0x165: {  	[tilespmem:$0x8AA0] =	vst v17  }
0x166: {  	[tilespmem:$0x8AB0] =	vst v17  }
0x167: {  	[tilespmem:$0x8010] =	vst v1;
	v1 =	vld [tilespmem:$0x1FF60]  }
0x168: {  	[tilespmem:$0x8AC0] =	vst v17  }
0x169: {  	[tilespmem:$0x8AD0] =	vst v17  }
0x16a: {  	[tilespmem:$0x8AE0] =	vst v17  }
0x16b: {  	[tilespmem:$0x8AF0] =	vst v17  }
0x16c: {  	[tilespmem:$0x8020] =	vst v1;
	v1 =	vld [tilespmem:$0x1FF70]  }
0x16d: {  	[tilespmem:$0x8B00] =	vst v17  }
0x16e: {  	[tilespmem:$0x8B10] =	vst v17  }
0x16f: {  	[tilespmem:$0x8B20] =	vst v17  }
0x170: {  	[tilespmem:$0x8B30] =	vst v17  }
0x171: {  	[tilespmem:$0x8030] =	vst v1;
	v1 =	vld [tilespmem:$0x1FF80]  }
0x172: {  	[tilespmem:$0x8B40] =	vst v17  }
0x173: {  	[tilespmem:$0x8B50] =	vst v17  }
0x174: {  	[tilespmem:$0x8B60] =	vst v17  }
0x175: {  	[tilespmem:$0x8B70] =	vst v17  }
0x176: {  	[tilespmem:$0x8040] =	vst v1;
	v1 =	vld [tilespmem:$0x1FF90]  }
0x177: {  	[tilespmem:$0x8B80] =	vst v0  }
0x178: {  	[tilespmem:$0x8B90] =	vst v0  }
0x179: {  	[tilespmem:$0x8BA0] =	vst v0  }
0x17a: {  	[tilespmem:$0x8BB0] =	vst v0  }
0x17b: {  	[tilespmem:$0x8050] =	vst v1;
	v1 =	vld [tilespmem:$0x1FFA0]  }
0x17c: {  	[tilespmem:$0x8BC0] =	vst v0  }
0x17d: {  	[tilespmem:$0x8BD0] =	vst v0  }
0x17e: {  	[tilespmem:$0x8BE0] =	vst v0  }
0x17f: {  	[tilespmem:$0x8BF0] =	vst v0  }
0x180: {  	[tilespmem:$0x8060] =	vst v1;
	v1 =	vld [tilespmem:$0x1FFB0]  }
0x181: {  	[tilespmem:$0x8C00] =	vst v0  }
0x182: {  	[tilespmem:$0x8C10] =	vst v0  }
0x183: {  	[tilespmem:$0x8C20] =	vst v0  }
0x184: {  	[tilespmem:$0x8C30] =	vst v0  }
0x185: {  	[tilespmem:$0x8070] =	vst v1;
	v1 =	vld [tilespmem:$0x1FFC0]  }
0x186: {  	[tilespmem:$0x8C40] =	vst v0  }
0x187: {  	[tilespmem:$0x8C50] =	vst v0  }
0x188: {  	[tilespmem:$0x8C60] =	vst v0  }
0x189: {  	[tilespmem:$0x8C70] =	vst v0  }
0x18a: {  	[tilespmem:$0x8080] =	vst v1;
	v1 =	vld [tilespmem:$0x1FFD0]  }
0x18b: {  	[tilespmem:$0x8C80] =	vst v0  }
0x18c: {  	[tilespmem:$0x8C90] =	vst v0  }
0x18d: {  	[tilespmem:$0x8CA0] =	vst v0  }
0x18e: {  	[tilespmem:$0x8CB0] =	vst v0  }
0x18f: {  	[tilespmem:$0x8090] =	vst v1;
	v1 =	vld [tilespmem:$0x1FFE0]  }
0x190: {  	[tilespmem:$0x8CC0] =	vst v0  }
0x191: {  	[tilespmem:$0x8CD0] =	vst v0  }
0x192: {  	[tilespmem:$0x8CE0] =	vst v0  }
0x193: {  	[tilespmem:$0x8CF0] =	vst v0  }
0x194: {  	[tilespmem:$0x80A0] =	vst v1;
	v1 =	vld [tilespmem:$0x1FFF0]  }
0x195: {  	[tilespmem:$0x8D00] =	vst v0  }
0x196: {  	[tilespmem:$0x8D10] =	vst v0  }
0x197: {  	[tilespmem:$0x8D20] =	vst v0  }
0x198: {  	p0 =	por $0x0, $0x0;
	s16 =	simm.s32 $0x3;
	s17 =	simm.s32 $0x0;
	[tilespmem:$0x8D30] =	vst v0  }
0x199: {  	s18 =	simm.s32 $0x0;
	s19 =	simm.s32 $0x0;
	s20 =	simm.s32 $0x0;
	[tilespmem:$0x80B0] =	vst v1  }
.LBB2_2:
0x19a: {  	s24 =	sand.u32 $0x7800, s20;
	s21 =	sand.u32 $0x200, s19  }
0x19b: {  	s22 =	sadd.s32 $0x80, s19;
	s21 =	sor.u32 s21, s24  }
0x19c: {  	s22 =	sand.u32 $0x280, s22;
	v1 =	vld [tilespmem:s21+$0x0]  }
0x19d: {  	s23 =	sadd.s32 $0x100, s19;
	v2 =	vld [tilespmem:s21+$0x1];
	s22 =	sor.u32 s22, s24  }
0x19e: {  	s25 =	sadd.s32 $0x180, s19;
	s23 =	sand.u32 $0x300, s23;
	v3 =	vld [tilespmem:s22+$0x0]  }
0x19f: {  	s25 =	sand.u32 $0x380, s25;
	s23 =	sor.u32 s23, s24;
	v4 =	vld [tilespmem:s22+$0x1]  }
0x1a0: {  	s24 =	sor.u32 s25, s24;
	v5 =	vld [tilespmem:s23+$0x0]  }
0x1a1: {  	v6 =	vld [tilespmem:s24+$0x0]  }
0x1a2: {  	v7 =	vld [tilespmem:s23+$0x1]  }
0x1a3: {  	v8 =	vld [tilespmem:s24+$0x1]  }
0x1a4: {  	v1 =	vmul.u32 $0x15, v1;
	v3 =	vmul.u32 $0x15, v3  }
0x1a5: {  	v5 =	vmul.u32 $0x15, v5  }
0x1a6: {  	v1 =	vadd.s32 v2, v1;
	v2 =	vadd.s32 v4, v3;
	v3 =	vmul.u32 $0x15, v6  }
0x1a7: {  	v5 =	vadd.s32 v7, v5;
	[tilespmem:$0x8100] =	vst v1;
	v4 =	vadd.s32 $0x1C0, v2  }
0x1a8: {  	v45 =	vadd.s32 $0x380, v5;
	v3 =	vadd.s32 v8, v3;
	[tilespmem:$0x81D0] =	vst v4  }
0x1a9: {  	[tilespmem:$0x82A0] =	vst v45;
	v46 =	vadd.s32 $0x540, v3  }
0x1aa: {  	[tilespmem:$0x8370] =	vst v46  }
0x1ab: {  	[tilespmem:v1+s9+$0x0] =	vst.idx.add.s32.msk $0xffff, v18  }
0x1ac: {  	[tilespmem:v4+s9+$0x0] =	vst.idx.add.s32.msk $0xffff, v18  }
0x1ad: {  	[tilespmem:v45+s9+$0x0] =	vst.idx.add.s32.msk $0xffff, v18  }
0x1ae: {  	[tilespmem:v46+s9+$0x0] =	vst.idx.add.s32.msk $0xffff, v18  }
0x1af: {  	[tilespmem:v1+s10+$0x0] =	vst.idx.add.f32.msk $0xffff, v19  }
0x1b0: {  	[tilespmem:v2+s10+$0x0] =	vst.idx.add.f32.msk $0xffff, v19  }
0x1b1: {  	[tilespmem:v5+s10+$0x0] =	vst.idx.add.f32.msk $0xffff, v19  }
0x1b2: {  	[tilespmem:v3+s10+$0x0] =	vst.idx.add.f32.msk $0xffff, v19  }
0x1b3: {  	v1 =	vld [tilespmem:s21+$0x10]  }
0x1b4: {  	v2 =	vld [tilespmem:s21+$0x11]  }
0x1b5: {  	v3 =	vld [tilespmem:s22+$0x10]  }
0x1b6: {  	v4 =	vld [tilespmem:s22+$0x11]  }
0x1b7: {  	v5 =	vld [tilespmem:s23+$0x10]  }
0x1b8: {  	v6 =	vld [tilespmem:s24+$0x10]  }
0x1b9: {  	v7 =	vld [tilespmem:s23+$0x11]  }
0x1ba: {  	v47 =	vld [tilespmem:s24+$0x11]  }
0x1bb: {  	v1 =	vmul.u32 $0x15, v1;
	v3 =	vmul.u32 $0x15, v3  }
0x1bc: {  	v5 =	vmul.u32 $0x15, v5  }
0x1bd: {  	v1 =	vadd.s32 v2, v1;
	v2 =	vadd.s32 v4, v3;
	v3 =	vmul.u32 $0x15, v6  }
0x1be: {  	v5 =	vadd.s32 v7, v5;
	v4 =	vadd.s32 $0x1C0, v2;
	[tilespmem:$0x8110] =	vst v1  }
0x1bf: {  	v48 =	vadd.s32 $0x380, v5;
	v3 =	vadd.s32 v47, v3;
	[tilespmem:$0x81E0] =	vst v4  }
0x1c0: {  	[tilespmem:$0x82B0] =	vst v48;
	v49 =	vadd.s32 $0x540, v3  }
0x1c1: {  	[tilespmem:$0x8380] =	vst v49  }
0x1c2: {  	[tilespmem:v1+s9+$0x0] =	vst.idx.add.s32.msk $0xffff, v18  }
0x1c3: {  	[tilespmem:v4+s9+$0x0] =	vst.idx.add.s32.msk $0xffff, v18  }
0x1c4: {  	[tilespmem:v48+s9+$0x0] =	vst.idx.add.s32.msk $0xffff, v18  }
0x1c5: {  	[tilespmem:v49+s9+$0x0] =	vst.idx.add.s32.msk $0xffff, v18  }
0x1c6: {  	[tilespmem:v1+s10+$0x0] =	vst.idx.add.f32.msk $0xffff, v19  }
0x1c7: {  	[tilespmem:v2+s10+$0x0] =	vst.idx.add.f32.msk $0xffff, v19  }
0x1c8: {  	[tilespmem:v5+s10+$0x0] =	vst.idx.add.f32.msk $0xffff, v19  }
0x1c9: {  	[tilespmem:v3+s10+$0x0] =	vst.idx.add.f32.msk $0xffff, v19  }
0x1ca: {  	v1 =	vld [tilespmem:s21+$0x20]  }
0x1cb: {  	v2 =	vld [tilespmem:s21+$0x21]  }
0x1cc: {  	v3 =	vld [tilespmem:s22+$0x20]  }
0x1cd: {  	v50 =	vld [tilespmem:s22+$0x21]  }
0x1ce: {  	v51 =	vld [tilespmem:s23+$0x20]  }
0x1cf: {  	v52 =	vld [tilespmem:s24+$0x20]  }
0x1d0: {  	v53 =	vld [tilespmem:s23+$0x21]  }
0x1d1: {  	v54 =	vld [tilespmem:s24+$0x21]  }
0x1d2: {  	v1 =	vmul.u32 $0x15, v1;
	v3 =	vmul.u32 $0x15, v3  }
0x1d3: {  	v5 =	vmul.u32 $0x15, v51  }
0x1d4: {  	v1 =	vadd.s32 v2, v1;
	v2 =	vadd.s32 v50, v3;
	v3 =	vmul.u32 $0x15, v52  }
0x1d5: {  	v5 =	vadd.s32 v53, v5;
	v4 =	vadd.s32 $0x1C0, v2;
	[tilespmem:$0x8120] =	vst v1  }
0x1d6: {  	v55 =	vadd.s32 $0x380, v5;
	v3 =	vadd.s32 v54, v3;
	[tilespmem:$0x81F0] =	vst v4  }
0x1d7: {  	[tilespmem:$0x82C0] =	vst v55;
	v56 =	vadd.s32 $0x540, v3  }
0x1d8: {  	[tilespmem:$0x8390] =	vst v56  }
0x1d9: {  	[tilespmem:v1+s9+$0x0] =	vst.idx.add.s32.msk $0xffff, v18  }
0x1da: {  	[tilespmem:v4+s9+$0x0] =	vst.idx.add.s32.msk $0xffff, v18  }
0x1db: {  	[tilespmem:v55+s9+$0x0] =	vst.idx.add.s32.msk $0xffff, v18  }
0x1dc: {  	[tilespmem:v56+s9+$0x0] =	vst.idx.add.s32.msk $0xffff, v18  }
0x1dd: {  	[tilespmem:v1+s10+$0x0] =	vst.idx.add.f32.msk $0xffff, v19  }
0x1de: {  	[tilespmem:v2+s10+$0x0] =	vst.idx.add.f32.msk $0xffff, v19  }
0x1df: {  	[tilespmem:v5+s10+$0x0] =	vst.idx.add.f32.msk $0xffff, v19  }
0x1e0: {  	[tilespmem:v3+s10+$0x0] =	vst.idx.add.f32.msk $0xffff, v19  }
0x1e1: {  	v1 =	vld [tilespmem:s21+$0x30]  }
0x1e2: {  	v2 =	vld [tilespmem:s21+$0x31]  }
0x1e3: {  	v3 =	vld [tilespmem:s22+$0x30]  }
0x1e4: {  	v4 =	vld [tilespmem:s22+$0x31]  }
0x1e5: {  	v5 =	vld [tilespmem:s23+$0x30]  }
0x1e6: {  	v6 =	vld [tilespmem:s24+$0x30]  }
0x1e7: {  	v7 =	vld [tilespmem:s23+$0x31]  }
0x1e8: {  	v57 =	vld [tilespmem:s24+$0x31]  }
0x1e9: {  	v1 =	vmul.u32 $0x15, v1;
	v3 =	vmul.u32 $0x15, v3  }
0x1ea: {  	v5 =	vmul.u32 $0x15, v5  }
0x1eb: {  	v1 =	vadd.s32 v2, v1;
	v2 =	vadd.s32 v4, v3;
	v3 =	vmul.u32 $0x15, v6  }
0x1ec: {  	v5 =	vadd.s32 v7, v5;
	v4 =	vadd.s32 $0x1C0, v2;
	[tilespmem:$0x8130] =	vst v1  }
0x1ed: {  	v58 =	vadd.s32 $0x380, v5;
	v3 =	vadd.s32 v57, v3;
	[tilespmem:$0x8200] =	vst v4  }
0x1ee: {  	[tilespmem:$0x82D0] =	vst v58;
	v59 =	vadd.s32 $0x540, v3  }
0x1ef: {  	[tilespmem:$0x83A0] =	vst v59  }
0x1f0: {  	[tilespmem:v1+s9+$0x0] =	vst.idx.add.s32.msk $0xffff, v18  }
0x1f1: {  	[tilespmem:v4+s9+$0x0] =	vst.idx.add.s32.msk $0xffff, v18  }
0x1f2: {  	[tilespmem:v58+s9+$0x0] =	vst.idx.add.s32.msk $0xffff, v18  }
0x1f3: {  	[tilespmem:v59+s9+$0x0] =	vst.idx.add.s32.msk $0xffff, v18  }
0x1f4: {  	[tilespmem:v1+s10+$0x0] =	vst.idx.add.f32.msk $0xffff, v19  }
0x1f5: {  	[tilespmem:v2+s10+$0x0] =	vst.idx.add.f32.msk $0xffff, v19  }
0x1f6: {  	[tilespmem:v5+s10+$0x0] =	vst.idx.add.f32.msk $0xffff, v19  }
0x1f7: {  	[tilespmem:v3+s10+$0x0] =	vst.idx.add.f32.msk $0xffff, v19  }
0x1f8: {  	v1 =	vld [tilespmem:s21+$0x40]  }
0x1f9: {  	v2 =	vld [tilespmem:s21+$0x41]  }
0x1fa: {  	v3 =	vld [tilespmem:s22+$0x40]  }
0x1fb: {  	v4 =	vld [tilespmem:s22+$0x41]  }
0x1fc: {  	v5 =	vld [tilespmem:s23+$0x40]  }
0x1fd: {  	v6 =	vld [tilespmem:s24+$0x40]  }
0x1fe: {  	v7 =	vld [tilespmem:s23+$0x41]  }
0x1ff: {  	v60 =	vld [tilespmem:s24+$0x41]  }
0x200: {  	v1 =	vmul.u32 $0x15, v1;
	v3 =	vmul.u32 $0x15, v3  }
0x201: {  	v5 =	vmul.u32 $0x15, v5  }
0x202: {  	v1 =	vadd.s32 v2, v1;
	v2 =	vadd.s32 v4, v3;
	v3 =	vmul.u32 $0x15, v6  }
0x203: {  	v5 =	vadd.s32 v7, v5;
	v4 =	vadd.s32 $0x1C0, v2;
	[tilespmem:$0x8140] =	vst v1  }
0x204: {  	v61 =	vadd.s32 $0x380, v5;
	v3 =	vadd.s32 v60, v3;
	[tilespmem:$0x8210] =	vst v4  }
0x205: {  	[tilespmem:$0x82E0] =	vst v61;
	v62 =	vadd.s32 $0x540, v3  }
0x206: {  	[tilespmem:$0x83B0] =	vst v62  }
0x207: {  	[tilespmem:v1+s9+$0x0] =	vst.idx.add.s32.msk $0xffff, v18  }
0x208: {  	[tilespmem:v4+s9+$0x0] =	vst.idx.add.s32.msk $0xffff, v18  }
0x209: {  	[tilespmem:v61+s9+$0x0] =	vst.idx.add.s32.msk $0xffff, v18  }
0x20a: {  	[tilespmem:v62+s9+$0x0] =	vst.idx.add.s32.msk $0xffff, v18  }
0x20b: {  	[tilespmem:v1+s10+$0x0] =	vst.idx.add.f32.msk $0xffff, v19  }
0x20c: {  	[tilespmem:v2+s10+$0x0] =	vst.idx.add.f32.msk $0xffff, v19  }
0x20d: {  	[tilespmem:v5+s10+$0x0] =	vst.idx.add.f32.msk $0xffff, v19  }
0x20e: {  	[tilespmem:v3+s10+$0x0] =	vst.idx.add.f32.msk $0xffff, v19  }
0x20f: {  	v1 =	vld [tilespmem:s21+$0x50]  }
0x210: {  	v2 =	vld [tilespmem:s21+$0x51]  }
0x211: {  	v3 =	vld [tilespmem:s22+$0x50]  }
0x212: {  	v4 =	vld [tilespmem:s22+$0x51]  }
0x213: {  	v5 =	vld [tilespmem:s23+$0x50]  }
0x214: {  	v6 =	vld [tilespmem:s24+$0x50]  }
0x215: {  	v7 =	vld [tilespmem:s23+$0x51]  }
0x216: {  	v63 =	vld [tilespmem:s24+$0x51]  }
0x217: {  	v1 =	vmul.u32 $0x15, v1;
	v3 =	vmul.u32 $0x15, v3  }
0x218: {  	v5 =	vmul.u32 $0x15, v5  }
0x219: {  	v1 =	vadd.s32 v2, v1;
	v2 =	vadd.s32 v4, v3;
	v3 =	vmul.u32 $0x15, v6  }
0x21a: {  	v5 =	vadd.s32 v7, v5;
	v4 =	vadd.s32 $0x1C0, v2;
	[tilespmem:$0x8150] =	vst v1  }
0x21b: {  	v10 =	vadd.s32 $0x380, v5;
	v3 =	vadd.s32 v63, v3;
	[tilespmem:$0x8220] =	vst v4  }
0x21c: {  	[tilespmem:$0x82F0] =	vst v10;
	v11 =	vadd.s32 $0x540, v3  }
0x21d: {  	[tilespmem:$0x83C0] =	vst v11  }
0x21e: {  	[tilespmem:v1+s9+$0x0] =	vst.idx.add.s32.msk $0xffff, v18  }
0x21f: {  	[tilespmem:v4+s9+$0x0] =	vst.idx.add.s32.msk $0xffff, v18  }
0x220: {  	[tilespmem:v10+s9+$0x0] =	vst.idx.add.s32.msk $0xffff, v18  }
0x221: {  	[tilespmem:v11+s9+$0x0] =	vst.idx.add.s32.msk $0xffff, v18  }
0x222: {  	[tilespmem:v1+s10+$0x0] =	vst.idx.add.f32.msk $0xffff, v19  }
0x223: {  	[tilespmem:v2+s10+$0x0] =	vst.idx.add.f32.msk $0xffff, v19  }
0x224: {  	[tilespmem:v5+s10+$0x0] =	vst.idx.add.f32.msk $0xffff, v19  }
0x225: {  	[tilespmem:v3+s10+$0x0] =	vst.idx.add.f32.msk $0xffff, v19  }
0x226: {  	v1 =	vld [tilespmem:s21+$0x60]  }
0x227: {  	v2 =	vld [tilespmem:s21+$0x61]  }
0x228: {  	v3 =	vld [tilespmem:s22+$0x60]  }
0x229: {  	v4 =	vld [tilespmem:s22+$0x61]  }
0x22a: {  	v5 =	vld [tilespmem:s23+$0x60]  }
0x22b: {  	v6 =	vld [tilespmem:s24+$0x60]  }
0x22c: {  	v7 =	vld [tilespmem:s23+$0x61]  }
0x22d: {  	v21 =	vld [tilespmem:s24+$0x61]  }
0x22e: {  	v1 =	vmul.u32 $0x15, v1;
	v3 =	vmul.u32 $0x15, v3  }
0x22f: {  	v5 =	vmul.u32 $0x15, v5  }
0x230: {  	v1 =	vadd.s32 v2, v1;
	v2 =	vadd.s32 v4, v3;
	v3 =	vmul.u32 $0x15, v6  }
0x231: {  	v5 =	vadd.s32 v7, v5;
	v4 =	vadd.s32 $0x1C0, v2;
	[tilespmem:$0x8160] =	vst v1  }
0x232: {  	v22 =	vadd.s32 $0x380, v5;
	v3 =	vadd.s32 v21, v3;
	[tilespmem:$0x8230] =	vst v4  }
0x233: {  	[tilespmem:$0x8300] =	vst v22;
	v23 =	vadd.s32 $0x540, v3  }
0x234: {  	[tilespmem:$0x83D0] =	vst v23  }
0x235: {  	[tilespmem:v1+s9+$0x0] =	vst.idx.add.s32.msk $0xffff, v18  }
0x236: {  	[tilespmem:v4+s9+$0x0] =	vst.idx.add.s32.msk $0xffff, v18  }
0x237: {  	[tilespmem:v22+s9+$0x0] =	vst.idx.add.s32.msk $0xffff, v18  }
0x238: {  	[tilespmem:v23+s9+$0x0] =	vst.idx.add.s32.msk $0xffff, v18  }
0x239: {  	[tilespmem:v1+s10+$0x0] =	vst.idx.add.f32.msk $0xffff, v19  }
0x23a: {  	[tilespmem:v2+s10+$0x0] =	vst.idx.add.f32.msk $0xffff, v19  }
0x23b: {  	[tilespmem:v5+s10+$0x0] =	vst.idx.add.f32.msk $0xffff, v19  }
0x23c: {  	[tilespmem:v3+s10+$0x0] =	vst.idx.add.f32.msk $0xffff, v19  }
0x23d: {  	v1 =	vld [tilespmem:s21+$0x70]  }
0x23e: {  	v2 =	vld [tilespmem:s21+$0x71]  }
0x23f: {  	v3 =	vld [tilespmem:s22+$0x70]  }
0x240: {  	v4 =	vld [tilespmem:s22+$0x71]  }
0x241: {  	v5 =	vld [tilespmem:s23+$0x70]  }
0x242: {  	v6 =	vld [tilespmem:s24+$0x70]  }
0x243: {  	v7 =	vld [tilespmem:s23+$0x71]  }
0x244: {  	v24 =	vld [tilespmem:s24+$0x71]  }
0x245: {  	v1 =	vmul.u32 $0x15, v1;
	v3 =	vmul.u32 $0x15, v3  }
0x246: {  	v5 =	vmul.u32 $0x15, v5  }
0x247: {  	v1 =	vadd.s32 v2, v1;
	v2 =	vadd.s32 v4, v3;
	v3 =	vmul.u32 $0x15, v6  }
0x248: {  	v5 =	vadd.s32 v7, v5;
	v4 =	vadd.s32 $0x1C0, v2;
	[tilespmem:$0x8170] =	vst v1  }
0x249: {  	v25 =	vadd.s32 $0x380, v5;
	v3 =	vadd.s32 v24, v3;
	[tilespmem:$0x8240] =	vst v4  }
0x24a: {  	[tilespmem:$0x8310] =	vst v25;
	v26 =	vadd.s32 $0x540, v3  }
0x24b: {  	[tilespmem:$0x83E0] =	vst v26  }
0x24c: {  	[tilespmem:v1+s9+$0x0] =	vst.idx.add.s32.msk $0xffff, v18  }
0x24d: {  	[tilespmem:v4+s9+$0x0] =	vst.idx.add.s32.msk $0xffff, v18  }
0x24e: {  	[tilespmem:v25+s9+$0x0] =	vst.idx.add.s32.msk $0xffff, v18  }
0x24f: {  	s21 =	simm.s32 $0x1;
	[tilespmem:v26+s9+$0x0] =	vst.idx.add.s32.msk $0xffff, v18  }
0x250: {  	s21 =	simm.s32 @!p0 $0x0;
	[tilespmem:v1+s10+$0x0] =	vst.idx.add.f32.msk $0xffff, v19  }
0x251: {  	s30 =	sand.u32 $0x7, s18;
	s21 =	sshll.u32 s21, $0x9;
	[tilespmem:v2+s10+$0x0] =	vst.idx.add.f32.msk $0xffff, v19  }
0x252: {  	s22 =	sshll.u32 s30, $0x7;
	s21 =	sadd.s32 s21, s20;
	[tilespmem:v5+s10+$0x0] =	vst.idx.add.f32.msk $0xffff, v19  }
0x253: {  	s31 =	sadd.s32 s20, s22;
	s25 =	sor.u32 $0x400, s21;
	[tilespmem:v3+s10+$0x0] =	vst.idx.add.f32.msk $0xffff, v19  }
0x254: {  	s23 =	sand.u32 $0x3, s17;
	s22 =	sadd.s32 $0x80, s31;
	s28 =	sor.u32 $0x401, s21;
	v1 =	vld [tilespmem:s25+$0x0]  }
0x255: {  	s26 =	sshll.u32 s23, $0x8;
	s24 =	sadd.s32 $0x180, s31;
	s29 =	sor.u32 $0x400, s22;
	v2 =	vld [tilespmem:s28+$0x0]  }
0x256: {  	s30 =	sor.u32 $0x400, s24;
	s25 =	sadd.s32 s20, s26;
	v3 =	vld [tilespmem:s29+$0x0]  }
0x257: {  	s26 =	sor.u32 $0x401, s22;
	v6 =	vld [tilespmem:s30+$0x0];
	s23 =	sadd.s32 $0x100, s25  }
0x258: {  	v4 =	vld [tilespmem:s26+$0x0];
	s25 =	sor.u32 $0x400, s23  }
0x259: {  	s28 =	sor.u32 $0x401, s24;
	v5 =	vld [tilespmem:s25+$0x0]  }
0x25a: {  	v27 =	vld [tilespmem:s28+$0x0];
	s31 =	sor.u32 $0x401, s23  }
0x25b: {  	v7 =	vld [tilespmem:s31+$0x0];
	v1 =	vmul.u32 $0x15, v1  }
0x25c: {  	v3 =	vmul.u32 $0x15, v3  }
0x25d: {  	v1 =	vadd.s32 v2, v1  }
0x25e: {  	v2 =	vadd.s32 v4, v3;
	v3 =	vmul.u32 $0x15, v6;
	v5 =	vmul.u32 $0x15, v5;
	_ =	sdelay $0x1  }
0x25f: {  	v4 =	vadd.s32 $0x1C0, v2;
	[tilespmem:$0x8180] =	vst v1;
	v3 =	vadd.s32 v27, v3;
	v5 =	vadd.s32 v7, v5  }
0x260: {  	[tilespmem:$0x8250] =	vst v4;
	v29 =	vadd.s32 $0x540, v3;
	v28 =	vadd.s32 $0x380, v5  }
0x261: {  	[tilespmem:$0x83F0] =	vst v29  }
0x262: {  	[tilespmem:$0x8320] =	vst v28  }
0x263: {  	[tilespmem:v1+s9+$0x0] =	vst.idx.add.s32.msk $0xffff, v18  }
0x264: {  	[tilespmem:v4+s9+$0x0] =	vst.idx.add.s32.msk $0xffff, v18  }
0x265: {  	[tilespmem:v28+s9+$0x0] =	vst.idx.add.s32.msk $0xffff, v18  }
0x266: {  	[tilespmem:v29+s9+$0x0] =	vst.idx.add.s32.msk $0xffff, v18  }
0x267: {  	[tilespmem:v1+s10+$0x0] =	vst.idx.add.f32.msk $0xffff, v19  }
0x268: {  	[tilespmem:v2+s10+$0x0] =	vst.idx.add.f32.msk $0xffff, v19  }
0x269: {  	[tilespmem:v5+s10+$0x0] =	vst.idx.add.f32.msk $0xffff, v19  }
0x26a: {  	s29 =	sor.u32 $0x410, s21;
	[tilespmem:v3+s10+$0x0] =	vst.idx.add.f32.msk $0xffff, v19  }
0x26b: {  	s30 =	sor.u32 $0x411, s21;
	v1 =	vld [tilespmem:s29+$0x0]  }
0x26c: {  	s31 =	sor.u32 $0x410, s22;
	v2 =	vld [tilespmem:s30+$0x0]  }
0x26d: {  	s26 =	sor.u32 $0x411, s22;
	v3 =	vld [tilespmem:s31+$0x0]  }
0x26e: {  	s28 =	sor.u32 $0x410, s23;
	v4 =	vld [tilespmem:s26+$0x0]  }
0x26f: {  	v5 =	vld [tilespmem:s28+$0x0];
	s29 =	sor.u32 $0x410, s24  }
0x270: {  	s30 =	sor.u32 $0x411, s23;
	v6 =	vld [tilespmem:s29+$0x0]  }
0x271: {  	s31 =	sor.u32 $0x411, s24;
	v7 =	vld [tilespmem:s30+$0x0]  }
0x272: {  	v30 =	vld [tilespmem:s31+$0x0]  }
0x273: {  	v1 =	vmul.u32 $0x15, v1;
	v3 =	vmul.u32 $0x15, v3  }
0x274: {  	v5 =	vmul.u32 $0x15, v5  }
0x275: {  	v1 =	vadd.s32 v2, v1;
	v2 =	vadd.s32 v4, v3;
	v3 =	vmul.u32 $0x15, v6  }
0x276: {  	v5 =	vadd.s32 v7, v5;
	v4 =	vadd.s32 $0x1C0, v2;
	[tilespmem:$0x8190] =	vst v1  }
0x277: {  	v31 =	vadd.s32 $0x380, v5;
	v3 =	vadd.s32 v30, v3;
	[tilespmem:$0x8260] =	vst v4  }
0x278: {  	[tilespmem:$0x8330] =	vst v31;
	v32 =	vadd.s32 $0x540, v3  }
0x279: {  	[tilespmem:$0x8400] =	vst v32  }
0x27a: {  	[tilespmem:v1+s9+$0x0] =	vst.idx.add.s32.msk $0xffff, v18  }
0x27b: {  	[tilespmem:v4+s9+$0x0] =	vst.idx.add.s32.msk $0xffff, v18  }
0x27c: {  	[tilespmem:v31+s9+$0x0] =	vst.idx.add.s32.msk $0xffff, v18  }
0x27d: {  	[tilespmem:v32+s9+$0x0] =	vst.idx.add.s32.msk $0xffff, v18  }
0x27e: {  	[tilespmem:v1+s10+$0x0] =	vst.idx.add.f32.msk $0xffff, v19  }
0x27f: {  	[tilespmem:v2+s10+$0x0] =	vst.idx.add.f32.msk $0xffff, v19  }
0x280: {  	[tilespmem:v5+s10+$0x0] =	vst.idx.add.f32.msk $0xffff, v19  }
0x281: {  	s26 =	sor.u32 $0x420, s21;
	[tilespmem:v3+s10+$0x0] =	vst.idx.add.f32.msk $0xffff, v19  }
0x282: {  	s28 =	sor.u32 $0x421, s21;
	v1 =	vld [tilespmem:s26+$0x0]  }
0x283: {  	s29 =	sor.u32 $0x420, s22;
	v2 =	vld [tilespmem:s28+$0x0]  }
0x284: {  	s30 =	sor.u32 $0x421, s22;
	v3 =	vld [tilespmem:s29+$0x0]  }
0x285: {  	s31 =	sor.u32 $0x420, s23;
	v4 =	vld [tilespmem:s30+$0x0]  }
0x286: {  	v5 =	vld [tilespmem:s31+$0x0];
	s26 =	sor.u32 $0x420, s24  }
0x287: {  	s28 =	sor.u32 $0x421, s23;
	v6 =	vld [tilespmem:s26+$0x0]  }
0x288: {  	s29 =	sor.u32 $0x421, s24;
	v7 =	vld [tilespmem:s28+$0x0]  }
0x289: {  	v33 =	vld [tilespmem:s29+$0x0]  }
0x28a: {  	v1 =	vmul.u32 $0x15, v1;
	v3 =	vmul.u32 $0x15, v3  }
0x28b: {  	v5 =	vmul.u32 $0x15, v5  }
0x28c: {  	v1 =	vadd.s32 v2, v1;
	v2 =	vadd.s32 v4, v3;
	v3 =	vmul.u32 $0x15, v6  }
0x28d: {  	v5 =	vadd.s32 v7, v5;
	v4 =	vadd.s32 $0x1C0, v2;
	[tilespmem:$0x81A0] =	vst v1  }
0x28e: {  	v34 =	vadd.s32 $0x380, v5;
	v3 =	vadd.s32 v33, v3;
	[tilespmem:$0x8270] =	vst v4  }
0x28f: {  	[tilespmem:$0x8340] =	vst v34;
	v35 =	vadd.s32 $0x540, v3  }
0x290: {  	[tilespmem:$0x8410] =	vst v35  }
0x291: {  	[tilespmem:v1+s9+$0x0] =	vst.idx.add.s32.msk $0xffff, v18  }
0x292: {  	[tilespmem:v4+s9+$0x0] =	vst.idx.add.s32.msk $0xffff, v18  }
0x293: {  	[tilespmem:v34+s9+$0x0] =	vst.idx.add.s32.msk $0xffff, v18  }
0x294: {  	[tilespmem:v35+s9+$0x0] =	vst.idx.add.s32.msk $0xffff, v18  }
0x295: {  	[tilespmem:v1+s10+$0x0] =	vst.idx.add.f32.msk $0xffff, v19  }
0x296: {  	[tilespmem:v2+s10+$0x0] =	vst.idx.add.f32.msk $0xffff, v19  }
0x297: {  	[tilespmem:v5+s10+$0x0] =	vst.idx.add.f32.msk $0xffff, v19  }
0x298: {  	s30 =	sor.u32 $0x430, s21;
	[tilespmem:v3+s10+$0x0] =	vst.idx.add.f32.msk $0xffff, v19  }
0x299: {  	s31 =	sor.u32 $0x431, s21;
	v1 =	vld [tilespmem:s30+$0x0]  }
0x29a: {  	s26 =	sor.u32 $0x430, s22;
	v2 =	vld [tilespmem:s31+$0x0]  }
0x29b: {  	s28 =	sor.u32 $0x431, s22;
	v3 =	vld [tilespmem:s26+$0x0]  }
0x29c: {  	s29 =	sor.u32 $0x430, s23;
	v4 =	vld [tilespmem:s28+$0x0]  }
0x29d: {  	v5 =	vld [tilespmem:s29+$0x0];
	s30 =	sor.u32 $0x430, s24  }
0x29e: {  	s31 =	sor.u32 $0x431, s23;
	v6 =	vld [tilespmem:s30+$0x0]  }
0x29f: {  	s28 =	sor.u32 $0x431, s24;
	v7 =	vld [tilespmem:s31+$0x0]  }
0x2a0: {  	v36 =	vld [tilespmem:s28+$0x0]  }
0x2a1: {  	v1 =	vmul.u32 $0x15, v1;
	v3 =	vmul.u32 $0x15, v3  }
0x2a2: {  	v5 =	vmul.u32 $0x15, v5  }
0x2a3: {  	v1 =	vadd.s32 v2, v1;
	v2 =	vadd.s32 v4, v3;
	v3 =	vmul.u32 $0x15, v6  }
0x2a4: {  	v5 =	vadd.s32 v7, v5;
	v4 =	vadd.s32 $0x1C0, v2;
	[tilespmem:$0x81B0] =	vst v1  }
0x2a5: {  	v37 =	vadd.s32 $0x380, v5;
	v3 =	vadd.s32 v36, v3;
	[tilespmem:$0x8280] =	vst v4  }
0x2a6: {  	[tilespmem:$0x8350] =	vst v37;
	v38 =	vadd.s32 $0x540, v3  }
0x2a7: {  	[tilespmem:$0x8420] =	vst v38  }
0x2a8: {  	[tilespmem:v1+s9+$0x0] =	vst.idx.add.s32.msk $0xffff, v18  }
0x2a9: {  	[tilespmem:v4+s9+$0x0] =	vst.idx.add.s32.msk $0xffff, v18  }
0x2aa: {  	[tilespmem:v37+s9+$0x0] =	vst.idx.add.s32.msk $0xffff, v18  }
0x2ab: {  	[tilespmem:v38+s9+$0x0] =	vst.idx.add.s32.msk $0xffff, v18  }
0x2ac: {  	[tilespmem:v1+s10+$0x0] =	vst.idx.add.f32.msk $0xffff, v19  }
0x2ad: {  	[tilespmem:v2+s10+$0x0] =	vst.idx.add.f32.msk $0xffff, v19  }
0x2ae: {  	[tilespmem:v5+s10+$0x0] =	vst.idx.add.f32.msk $0xffff, v19  }
0x2af: {  	s29 =	sor.u32 $0x437, s21;
	[tilespmem:v3+s10+$0x0] =	vst.idx.add.f32.msk $0xffff, v19  }
0x2b0: {  	s21 =	sor.u32 $0x438, s21;
	v1 =	vld [tilespmem:s29+$0x0]  }
0x2b1: {  	s30 =	sor.u32 $0x437, s22;
	v2 =	vld [tilespmem:s21+$0x0]  }
0x2b2: {  	s31 =	sor.u32 $0x438, s22;
	v3 =	vld [tilespmem:s30+$0x0]  }
0x2b3: {  	s22 =	sor.u32 $0x437, s23;
	v4 =	vld [tilespmem:s31+$0x0]  }
0x2b4: {  	s25 =	sor.u32 $0x437, s24;
	v5 =	vld [tilespmem:s22+$0x0]  }
0x2b5: {  	s26 =	sor.u32 $0x438, s23;
	v6 =	vld [tilespmem:s25+$0x0]  }
0x2b6: {  	s28 =	sor.u32 $0x438, s24;
	v7 =	vld [tilespmem:s26+$0x0]  }
0x2b7: {  	v39 =	vld [tilespmem:s28+$0x0]  }
0x2b8: {  	v1 =	vmul.u32 $0x15, v1;
	v3 =	vmul.u32 $0x15, v3  }
0x2b9: {  	v5 =	vmul.u32 $0x15, v5  }
0x2ba: {  	v1 =	vadd.s32 v2, v1;
	v2 =	vadd.s32 v4, v3;
	v3 =	vmul.u32 $0x15, v6  }
0x2bb: {  	v5 =	vadd.s32 v7, v5;
	v4 =	vadd.s32 $0x1C0, v2;
	[tilespmem:$0x81C0] =	vst v1  }
0x2bc: {  	v40 =	vadd.s32 $0x380, v5;
	v3 =	vadd.s32 v39, v3;
	[tilespmem:$0x8290] =	vst v4  }
0x2bd: {  	[tilespmem:$0x8360] =	vst v40;
	v41 =	vadd.s32 $0x540, v3  }
0x2be: {  	[tilespmem:$0x8430] =	vst v41  }
0x2bf: {  	[tilespmem:v1+s9+$0x0] =	vst.idx.add.s32.msk vm0, v18  }
0x2c0: {  	[tilespmem:v4+s9+$0x0] =	vst.idx.add.s32.msk vm0, v18  }
0x2c1: {  	[tilespmem:v40+s9+$0x0] =	vst.idx.add.s32.msk vm0, v18  }
0x2c2: {  	[tilespmem:v41+s9+$0x0] =	vst.idx.add.s32.msk vm0, v18  }
0x2c3: {  	[tilespmem:v1+s10+$0x0] =	vst.idx.add.f32.msk vm0, v19  }
0x2c4: {  	[tilespmem:v2+s10+$0x0] =	vst.idx.add.f32.msk vm0, v19  }
0x2c5: {  	[tilespmem:v5+s10+$0x0] =	vst.idx.add.f32.msk vm0, v19  }
0x2c6: {  	[tilespmem:v3+s10+$0x0] =	vst.idx.add.f32.msk vm0, v19  }
0x2c7: {  	v1 =	vld [tilespmem:$0x8100]  }
0x2c8: {  	v2 =	vld [tilespmem:$0x81D0]  }
0x2c9: {  	v3 =	vld [tilespmem:$0x82A0]  }
0x2ca: {  	v4 =	vld [tilespmem:$0x8370]  }
0x2cb: {  	v42 =	vld [tilespmem:$0x8380]  }
0x2cc: {  	v5 =	vld [tilespmem:$0x8120]  }
0x2cd: {  	v6 =	vld [tilespmem:$0x81F0]  }
0x2ce: {  	v7 =	vld [tilespmem:$0x82C0]  }
0x2cf: {  	v43 =	vld [tilespmem:$0x8390]  }
0x2d0: {  	v44 =	vld [tilespmem:$0x83A0]  }
0x2d1: {  	v45 =	vld [tilespmem:$0x8140]  }
0x2d2: {  	v46 =	vld [tilespmem:$0x8210]  }
0x2d3: {  	v47 =	vld [tilespmem:$0x82E0]  }
0x2d4: {  	v48 =	vld [tilespmem:$0x83B0]  }
0x2d5: {  	v49 =	vld [tilespmem:$0x83C0]  }
0x2d6: {  	v50 =	vld [tilespmem:$0x8160]  }
0x2d7: {  	v51 =	vld [tilespmem:$0x8230]  }
0x2d8: {  	v52 =	vld [tilespmem:$0x8300]  }
0x2d9: {  	v53 =	vld [tilespmem:$0x83D0]  }
0x2da: {  	v54 =	vld [tilespmem:$0x83E0]  }
0x2db: {  	v55 =	vld [tilespmem:$0x8180]  }
0x2dc: {  	v56 =	vld [tilespmem:$0x8250]  }
0x2dd: {  	v57 =	vld [tilespmem:$0x8320]  }
0x2de: {  	v58 =	vld [tilespmem:$0x83F0]  }
0x2df: {  	v59 =	vld [tilespmem:$0x8400]  }
0x2e0: {  	v60 =	vld [tilespmem:$0x81A0]  }
0x2e1: {  	v61 =	vld [tilespmem:$0x8270]  }
0x2e2: {  	v62 =	vld [tilespmem:$0x8340]  }
0x2e3: {  	v1 =	vld.idx.msk [tilespmem:v1+s9+$0x0], $0xffff  }
0x2e4: {  	v2 =	vld.idx.msk [tilespmem:v2+s9+$0x0], $0xffff  }
0x2e5: {  	v3 =	vld.idx.msk [tilespmem:v3+s9+$0x0], $0xffff  }
0x2e6: {  	v63 =	vld [tilespmem:$0x8410]  }
0x2e7: {  	v4 =	vld.idx.msk [tilespmem:v4+s9+$0x0], $0xffff  }
0x2e8: {  	v5 =	vld.idx.msk [tilespmem:v5+s9+$0x0], $0xffff  }
0x2e9: {  	v6 =	vld.idx.msk [tilespmem:v6+s9+$0x0], $0xffff  }
0x2ea: {  	v7 =	vld.idx.msk [tilespmem:v7+s9+$0x0], $0xffff  }
0x2eb: {  	v23 =	vld.idx.msk [tilespmem:v1+s11+$0x0], $0xffff  }
0x2ec: {  	v22 =	vld.idx.msk [tilespmem:v2+s11+$0x0], $0xffff  }
0x2ed: {  	v21 =	vld.idx.msk [tilespmem:v3+s11+$0x0], $0xffff  }
0x2ee: {  	v1 =	vld [tilespmem:$0x8110]  }
0x2ef: {  	v2 =	vld [tilespmem:$0x81E0]  }
0x2f0: {  	v3 =	vld [tilespmem:$0x82B0]  }
0x2f1: {  	v8 =	vld.idx.msk [tilespmem:v43+s9+$0x0], $0xffff  }
0x2f2: {  	v20 =	vld.idx.msk [tilespmem:v4+s11+$0x0], $0xffff  }
0x2f3: {  	v4 =	vld.idx.msk [tilespmem:v42+s9+$0x0], $0xffff  }
0x2f4: {  	v29 =	vld.idx.msk [tilespmem:v5+s11+$0x0], $0xffff  }
0x2f5: {  	v27 =	vld.idx.msk [tilespmem:v6+s11+$0x0], $0xffff  }
0x2f6: {  	v1 =	vld.idx.msk [tilespmem:v1+s9+$0x0], $0xffff  }
0x2f7: {  	v2 =	vld.idx.msk [tilespmem:v2+s9+$0x0], $0xffff  }
0x2f8: {  	v3 =	vld.idx.msk [tilespmem:v3+s9+$0x0], $0xffff  }
0x2f9: {  	v26 =	vld.idx.msk [tilespmem:v7+s11+$0x0], $0xffff  }
0x2fa: {  	v24 =	vld.idx.msk [tilespmem:v8+s11+$0x0], $0xffff  }
0x2fb: {  	v5 =	vld.idx.msk [tilespmem:v45+s9+$0x0], $0xffff  }
0x2fc: {  	v6 =	vld.idx.msk [tilespmem:v46+s9+$0x0], $0xffff  }
0x2fd: {  	v7 =	vld.idx.msk [tilespmem:v47+s9+$0x0], $0xffff  }
0x2fe: {  	v31 =	vld.idx.msk [tilespmem:v1+s11+$0x0], $0xffff  }
0x2ff: {  	v30 =	vld.idx.msk [tilespmem:v2+s11+$0x0], $0xffff  }
0x300: {  	v28 =	vld.idx.msk [tilespmem:v3+s11+$0x0], $0xffff  }
0x301: {  	v1 =	vld [tilespmem:$0x8130]  }
0x302: {  	v2 =	vld [tilespmem:$0x8200]  }
0x303: {  	v3 =	vld [tilespmem:$0x82D0]  }
0x304: {  	v8 =	vld.idx.msk [tilespmem:v48+s9+$0x0], $0xffff  }
0x305: {  	v25 =	vld.idx.msk [tilespmem:v4+s11+$0x0], $0xffff  }
0x306: {  	v4 =	vld.idx.msk [tilespmem:v44+s9+$0x0], $0xffff  }
0x307: {  	v38 =	vld.idx.msk [tilespmem:v5+s11+$0x0], $0xffff  }
0x308: {  	v35 =	vld.idx.msk [tilespmem:v6+s11+$0x0], $0xffff  }
0x309: {  	v1 =	vld.idx.msk [tilespmem:v1+s9+$0x0], $0xffff  }
0x30a: {  	v2 =	vld.idx.msk [tilespmem:v2+s9+$0x0], $0xffff  }
0x30b: {  	v3 =	vld.idx.msk [tilespmem:v3+s9+$0x0], $0xffff  }
0x30c: {  	v34 =	vld.idx.msk [tilespmem:v7+s11+$0x0], $0xffff  }
0x30d: {  	v32 =	vld.idx.msk [tilespmem:v8+s11+$0x0], $0xffff  }
0x30e: {  	v5 =	vld.idx.msk [tilespmem:v50+s9+$0x0], $0xffff  }
0x30f: {  	v6 =	vld.idx.msk [tilespmem:v51+s9+$0x0], $0xffff  }
0x310: {  	v7 =	vld.idx.msk [tilespmem:v52+s9+$0x0], $0xffff  }
0x311: {  	v39 =	vld.idx.msk [tilespmem:v1+s11+$0x0], $0xffff  }
0x312: {  	v37 =	vld.idx.msk [tilespmem:v2+s11+$0x0], $0xffff  }
0x313: {  	v36 =	vld.idx.msk [tilespmem:v3+s11+$0x0], $0xffff  }
0x314: {  	v1 =	vld [tilespmem:$0x8150]  }
0x315: {  	v2 =	vld [tilespmem:$0x8220]  }
0x316: {  	v3 =	vld [tilespmem:$0x82F0]  }
0x317: {  	v8 =	vld.idx.msk [tilespmem:v53+s9+$0x0], $0xffff  }
0x318: {  	v33 =	vld.idx.msk [tilespmem:v4+s11+$0x0], $0xffff  }
0x319: {  	v4 =	vld.idx.msk [tilespmem:v49+s9+$0x0], $0xffff  }
0x31a: {  	v46 =	vld.idx.msk [tilespmem:v5+s11+$0x0], $0xffff  }
0x31b: {  	v43 =	vld.idx.msk [tilespmem:v6+s11+$0x0], $0xffff  }
0x31c: {  	v1 =	vld.idx.msk [tilespmem:v1+s9+$0x0], $0xffff  }
0x31d: {  	v2 =	vld.idx.msk [tilespmem:v2+s9+$0x0], $0xffff  }
0x31e: {  	v3 =	vld.idx.msk [tilespmem:v3+s9+$0x0], $0xffff  }
0x31f: {  	v42 =	vld.idx.msk [tilespmem:v7+s11+$0x0], $0xffff  }
0x320: {  	v40 =	vld.idx.msk [tilespmem:v8+s11+$0x0], $0xffff  }
0x321: {  	v5 =	vld.idx.msk [tilespmem:v55+s9+$0x0], $0xffff  }
0x322: {  	v6 =	vld.idx.msk [tilespmem:v56+s9+$0x0], $0xffff  }
0x323: {  	v7 =	vld.idx.msk [tilespmem:v57+s9+$0x0], $0xffff  }
0x324: {  	v47 =	vld.idx.msk [tilespmem:v1+s11+$0x0], $0xffff  }
0x325: {  	v45 =	vld.idx.msk [tilespmem:v2+s11+$0x0], $0xffff  }
0x326: {  	v44 =	vld.idx.msk [tilespmem:v3+s11+$0x0], $0xffff  }
0x327: {  	v1 =	vld [tilespmem:$0x8170]  }
0x328: {  	v2 =	vld [tilespmem:$0x8240]  }
0x329: {  	v3 =	vld [tilespmem:$0x8310]  }
0x32a: {  	v8 =	vld.idx.msk [tilespmem:v58+s9+$0x0], $0xffff  }
0x32b: {  	v41 =	vld.idx.msk [tilespmem:v4+s11+$0x0], $0xffff  }
0x32c: {  	v4 =	vld.idx.msk [tilespmem:v54+s9+$0x0], $0xffff  }
0x32d: {  	v54 =	vld.idx.msk [tilespmem:v5+s11+$0x0], $0xffff  }
0x32e: {  	v51 =	vld.idx.msk [tilespmem:v6+s11+$0x0], $0xffff  }
0x32f: {  	v1 =	vld.idx.msk [tilespmem:v1+s9+$0x0], $0xffff  }
0x330: {  	v2 =	vld.idx.msk [tilespmem:v2+s9+$0x0], $0xffff  }
0x331: {  	v3 =	vld.idx.msk [tilespmem:v3+s9+$0x0], $0xffff  }
0x332: {  	v50 =	vld.idx.msk [tilespmem:v7+s11+$0x0], $0xffff  }
0x333: {  	v48 =	vld.idx.msk [tilespmem:v8+s11+$0x0], $0xffff  }
0x334: {  	v5 =	vld.idx.msk [tilespmem:v60+s9+$0x0], $0xffff  }
0x335: {  	v6 =	vld.idx.msk [tilespmem:v61+s9+$0x0], $0xffff  }
0x336: {  	v7 =	vld.idx.msk [tilespmem:v62+s9+$0x0], $0xffff  }
0x337: {  	v55 =	vld.idx.msk [tilespmem:v1+s11+$0x0], $0xffff  }
0x338: {  	v53 =	vld.idx.msk [tilespmem:v2+s11+$0x0], $0xffff  }
0x339: {  	v52 =	vld.idx.msk [tilespmem:v3+s11+$0x0], $0xffff  }
0x33a: {  	v1 =	vld [tilespmem:$0x8190]  }
0x33b: {  	v2 =	vld [tilespmem:$0x8260]  }
0x33c: {  	v3 =	vld [tilespmem:$0x8330]  }
0x33d: {  	v8 =	vld.idx.msk [tilespmem:v63+s9+$0x0], $0xffff  }
0x33e: {  	v49 =	vld.idx.msk [tilespmem:v4+s11+$0x0], $0xffff  }
0x33f: {  	v4 =	vld.idx.msk [tilespmem:v59+s9+$0x0], $0xffff  }
0x340: {  	v62 =	vld.idx.msk [tilespmem:v5+s11+$0x0], $0xffff  }
0x341: {  	v59 =	vld.idx.msk [tilespmem:v6+s11+$0x0], $0xffff  }
0x342: {  	v1 =	vld.idx.msk [tilespmem:v1+s9+$0x0], $0xffff  }
0x343: {  	v2 =	vld.idx.msk [tilespmem:v2+s9+$0x0], $0xffff  }
0x344: {  	v3 =	vld.idx.msk [tilespmem:v3+s9+$0x0], $0xffff  }
0x345: {  	v58 =	vld.idx.msk [tilespmem:v7+s11+$0x0], $0xffff  }
0x346: {  	v56 =	vld.idx.msk [tilespmem:v8+s11+$0x0], $0xffff  }
0x347: {  	v5 =	vld [tilespmem:$0x81C0]  }
0x348: {  	v6 =	vld [tilespmem:$0x8290]  }
0x349: {  	v57 =	vld.idx.msk [tilespmem:v4+s11+$0x0], $0xffff  }
0x34a: {  	v63 =	vld.idx.msk [tilespmem:v1+s11+$0x0], $0xffff  }
0x34b: {  	v61 =	vld.idx.msk [tilespmem:v2+s11+$0x0], $0xffff  }
0x34c: {  	v60 =	vld.idx.msk [tilespmem:v3+s11+$0x0], $0xffff  }
0x34d: {  	v1 =	vld [tilespmem:$0x81B0]  }
0x34e: {  	v2 =	vld [tilespmem:$0x8280]  }
0x34f: {  	v3 =	vld [tilespmem:$0x8350]  }
0x350: {  	v4 =	vld [tilespmem:$0x8420]  }
0x351: {  	v7 =	vld [tilespmem:$0x8360]  }
0x352: {  	v8 =	vld [tilespmem:$0x8430]  }
0x353: {  	v5 =	vld.idx.msk [tilespmem:v5+s9+$0x0], vm0  }
0x354: {  	v10 =	vld.idx.msk [tilespmem:v6+s9+$0x0], vm0  }
0x355: {  	v1 =	vld.idx.msk [tilespmem:v1+s9+$0x0], $0xffff  }
0x356: {  	v2 =	vld.idx.msk [tilespmem:v2+s9+$0x0], $0xffff  }
0x357: {  	v3 =	vld.idx.msk [tilespmem:v3+s9+$0x0], $0xffff  }
0x358: {  	v9 =	vld.idx.msk [tilespmem:v4+s9+$0x0], $0xffff  }
0x359: {  	v11 =	vld.idx.msk [tilespmem:v7+s9+$0x0], vm0  }
0x35a: {  	v12 =	vld.idx.msk [tilespmem:v8+s9+$0x0], vm0  }
0x35b: {  	v8 =	vld.idx.msk [tilespmem:v5+s11+$0x0], vm0  }
0x35c: {  	v5 =	vld.idx.msk [tilespmem:v10+s11+$0x0], vm0  }
0x35d: {  	v7 =	vld.idx.msk [tilespmem:v1+s11+$0x0], $0xffff  }
0x35e: {  	v6 =	vld.idx.msk [tilespmem:v2+s11+$0x0], $0xffff  }
0x35f: {  	v4 =	vld.idx.msk [tilespmem:v3+s11+$0x0], $0xffff  }
0x360: {  	v1 =	vld.idx.msk [tilespmem:v9+s11+$0x0], $0xffff  }
0x361: {  	v3 =	vld.idx.msk [tilespmem:v11+s11+$0x0], vm0  }
0x362: {  	v2 =	vld.idx.msk [tilespmem:v12+s11+$0x0], vm0;
	[tilespmem:$0x8480] =	vst v17  }
0x363: {  	[tilespmem:$0x8490] =	vst v17  }
0x364: {  	[tilespmem:$0x84A0] =	vst v17  }
0x365: {  	[tilespmem:$0x84B0] =	vst v17  }
0x366: {  	[tilespmem:$0x84C0] =	vst v17  }
0x367: {  	[tilespmem:$0x84D0] =	vst v17  }
0x368: {  	[tilespmem:$0x84E0] =	vst v17  }
0x369: {  	[tilespmem:$0x84F0] =	vst v17  }
0x36a: {  	[tilespmem:$0x8500] =	vst v17  }
0x36b: {  	[tilespmem:$0x8510] =	vst v17  }
0x36c: {  	[tilespmem:$0x8520] =	vst v17  }
0x36d: {  	[tilespmem:$0x8530] =	vst v17  }
0x36e: {  	[tilespmem:$0x8540] =	vst v17  }
0x36f: {  	[tilespmem:$0x8550] =	vst v17  }
0x370: {  	[tilespmem:$0x8560] =	vst v17  }
0x371: {  	[tilespmem:$0x8570] =	vst v17  }
0x372: {  	[tilespmem:$0x8580] =	vst v17  }
0x373: {  	[tilespmem:$0x8590] =	vst v17  }
0x374: {  	[tilespmem:$0x85A0] =	vst v17  }
0x375: {  	[tilespmem:$0x85B0] =	vst v17  }
0x376: {  	[tilespmem:$0x85C0] =	vst v17  }
0x377: {  	[tilespmem:$0x85D0] =	vst v17  }
0x378: {  	[tilespmem:$0x85E0] =	vst v17  }
0x379: {  	[tilespmem:$0x85F0] =	vst v17  }
0x37a: {  	[tilespmem:$0x8600] =	vst v17  }
0x37b: {  	[tilespmem:$0x8610] =	vst v17  }
0x37c: {  	[tilespmem:$0x8620] =	vst v17  }
0x37d: {  	[tilespmem:$0x8630] =	vst v17  }
0x37e: {  	[tilespmem:$0x8640] =	vst v17  }
0x37f: {  	[tilespmem:$0x8650] =	vst v17  }
0x380: {  	[tilespmem:$0x8660] =	vst v17  }
0x381: {  	[tilespmem:$0x8670] =	vst v17  }
0x382: {  	[tilespmem:$0x8680] =	vst v17  }
0x383: {  	[tilespmem:$0x8690] =	vst v17  }
0x384: {  	[tilespmem:$0x86A0] =	vst v17  }
0x385: {  	[tilespmem:$0x86B0] =	vst v17  }
0x386: {  	[tilespmem:$0x86C0] =	vst v17  }
0x387: {  	[tilespmem:$0x86D0] =	vst v17  }
0x388: {  	[tilespmem:$0x86E0] =	vst v17  }
0x389: {  	[tilespmem:$0x86F0] =	vst v17  }
0x38a: {  	[tilespmem:$0x8700] =	vst v17  }
0x38b: {  	[tilespmem:$0x8710] =	vst v17  }
0x38c: {  	[tilespmem:$0x8720] =	vst v17  }
0x38d: {  	[tilespmem:$0x8730] =	vst v17  }
0x38e: {  	[tilespmem:$0x8740] =	vst v17  }
0x38f: {  	[tilespmem:$0x8750] =	vst v17  }
0x390: {  	[tilespmem:$0x8760] =	vst v17  }
0x391: {  	[tilespmem:$0x8770] =	vst v17  }
0x392: {  	[tilespmem:$0x8780] =	vst v17  }
0x393: {  	[tilespmem:$0x8790] =	vst v17  }
0x394: {  	[tilespmem:$0x87A0] =	vst v17  }
0x395: {  	[tilespmem:$0x87B0] =	vst v17  }
0x396: {  	[tilespmem:$0x87C0] =	vst v17  }
0x397: {  	[tilespmem:$0x87D0] =	vst v17  }
0x398: {  	[tilespmem:$0x87E0] =	vst v17  }
0x399: {  	[tilespmem:$0x87F0] =	vst v17  }
0x39a: {  	[tilespmem:$0x8800] =	vst v17  }
0x39b: {  	[tilespmem:$0x8810] =	vst v17  }
0x39c: {  	[tilespmem:$0x8820] =	vst v17  }
0x39d: {  	[tilespmem:$0x8830] =	vst v17  }
0x39e: {  	[tilespmem:$0x8840] =	vst v17  }
0x39f: {  	[tilespmem:$0x8850] =	vst v17  }
0x3a0: {  	[tilespmem:$0x8860] =	vst v17  }
0x3a1: {  	[tilespmem:$0x8870] =	vst v17  }
0x3a2: {  	[tilespmem:$0x8880] =	vst v17  }
0x3a3: {  	[tilespmem:$0x8890] =	vst v17  }
0x3a4: {  	[tilespmem:$0x88A0] =	vst v17  }
0x3a5: {  	[tilespmem:$0x88B0] =	vst v17  }
0x3a6: {  	[tilespmem:$0x88C0] =	vst v17  }
0x3a7: {  	[tilespmem:$0x88D0] =	vst v17  }
0x3a8: {  	[tilespmem:$0x88E0] =	vst v17  }
0x3a9: {  	[tilespmem:$0x88F0] =	vst v17  }
0x3aa: {  	[tilespmem:$0x8900] =	vst v17  }
0x3ab: {  	v9 =	vadd.f32 $0.0e+00, v23;
	[tilespmem:$0x8910] =	vst v17  }
0x3ac: {  	v23 =	vadd.f32 $0.0e+00, v22;
	[tilespmem:$0x8920] =	vst v17  }
0x3ad: {  	[tilespmem:$0x8930] =	vst v17;
	v9 =	vadd.f32 v31, v9;
	v31 =	vadd.f32 $0.0e+00, v21  }
0x3ae: {  	v12 =	vadd.f32 $0.0e+00, v20;
	[tilespmem:$0x8940] =	vst v17;
	v10 =	vadd.f32 v30, v23  }
0x3af: {  	[tilespmem:$0x8950] =	vst v17;
	v11 =	vadd.f32 v28, v31;
	v9 =	vadd.f32 v29, v9  }
0x3b0: {  	[tilespmem:$0x8960] =	vst v17;
	v12 =	vadd.f32 v25, v12;
	v10 =	vadd.f32 v27, v10  }
0x3b1: {  	[tilespmem:$0x8970] =	vst v17;
	v11 =	vadd.f32 v26, v11;
	v9 =	vadd.f32 v39, v9  }
0x3b2: {  	[tilespmem:$0x8980] =	vst v17;
	v12 =	vadd.f32 v24, v12;
	v10 =	vadd.f32 v37, v10  }
0x3b3: {  	[tilespmem:$0x8990] =	vst v17;
	v11 =	vadd.f32 v36, v11;
	v9 =	vadd.f32 v38, v9  }
0x3b4: {  	[tilespmem:$0x89A0] =	vst v17;
	v12 =	vadd.f32 v33, v12;
	v10 =	vadd.f32 v35, v10  }
0x3b5: {  	[tilespmem:$0x89B0] =	vst v17;
	v11 =	vadd.f32 v34, v11;
	v9 =	vadd.f32 v47, v9  }
0x3b6: {  	[tilespmem:$0x89C0] =	vst v17;
	v12 =	vadd.f32 v32, v12;
	v10 =	vadd.f32 v45, v10  }
0x3b7: {  	[tilespmem:$0x89D0] =	vst v17;
	v11 =	vadd.f32 v44, v11;
	v9 =	vadd.f32 v46, v9  }
0x3b8: {  	[tilespmem:$0x89E0] =	vst v17;
	v12 =	vadd.f32 v41, v12;
	v10 =	vadd.f32 v43, v10  }
0x3b9: {  	[tilespmem:$0x89F0] =	vst v17;
	v11 =	vadd.f32 v42, v11;
	v9 =	vadd.f32 v55, v9  }
0x3ba: {  	[tilespmem:$0x8A00] =	vst v17;
	v12 =	vadd.f32 v40, v12;
	v10 =	vadd.f32 v53, v10  }
0x3bb: {  	[tilespmem:$0x8A10] =	vst v17;
	v11 =	vadd.f32 v52, v11;
	v9 =	vadd.f32 v54, v9  }
0x3bc: {  	[tilespmem:$0x8A20] =	vst v17;
	v12 =	vadd.f32 v49, v12;
	v10 =	vadd.f32 v51, v10  }
0x3bd: {  	[tilespmem:$0x8A30] =	vst v17;
	v11 =	vadd.f32 v50, v11;
	v9 =	vadd.f32 v63, v9  }
0x3be: {  	[tilespmem:$0x8A40] =	vst v17;
	v12 =	vadd.f32 v48, v12;
	v10 =	vadd.f32 v61, v10  }
0x3bf: {  	[tilespmem:$0x8A50] =	vst v17;
	v11 =	vadd.f32 v60, v11;
	v9 =	vadd.f32 v62, v9  }
0x3c0: {  	[tilespmem:$0x8A60] =	vst v17;
	v12 =	vadd.f32 v57, v12;
	v10 =	vadd.f32 v59, v10  }
0x3c1: {  	[tilespmem:$0x8A70] =	vst v17;
	v11 =	vadd.f32 v58, v11;
	v7 =	vadd.f32 v7, v9  }
0x3c2: {  	v8 =	vsel vm1, $0x0, v8;
	[tilespmem:$0x8A80] =	vst v17;
	v59 =	vadd.f32 v56, v12;
	v6 =	vadd.f32 v6, v10  }
0x3c3: {  	v5 =	vsel vm1, $0x0, v5;
	[tilespmem:$0x8A90] =	vst v17;
	v4 =	vadd.f32 v4, v11;
	v7 =	vadd.f32 v8, v7  }
0x3c4: {  	[tilespmem:$0x8AA0] =	vst v17;
	v3 =	vsel vm1, $0x0, v3;
	v1 =	vadd.f32 v1, v59;
	v5 =	vadd.f32 v5, v6  }
0x3c5: {  	[tilespmem:$0x8AB0] =	vst v17;
	v2 =	vsel vm1, $0x0, v2;
	v3 =	vadd.f32 v3, v4;
	(xrf2) =	vadd.scan.msk.f32 $0xffff, v7  }
0x3c6: {  	[tilespmem:$0x8AC0] =	vst v17;
	v1 =	vadd.f32 v2, v1;
	(xrf2) =	vadd.scan.msk.f32 $0xffff, v5  }
0x3c7: {  	[tilespmem:$0x8AD0] =	vst v17;
	(xrf2) =	vadd.scan.msk.f32 $0xffff, v3  }
0x3c8: {  	[tilespmem:$0x8AE0] =	vst v17;
	(xrf2) =	vadd.scan.msk.f32 $0xffff, v1  }
0x3c9: {  	s29 =	sadd.s32 $0xFFFFFFFD, s16;
	[tilespmem:$0x8AF0] =	vst v17  }
0x3ca: {  	s30 =	sadd.s32 $0xFFFFFFFE, s16;
	[tilespmem:$0x8B00] =	vst v17;
	v1 =	vmov s29  }
0x3cb: {  	s31 =	sadd.s32 $0xFFFFFFFF, s16;
	[tilespmem:$0x8B10] =	vst v17;
	v2 =	vmov s30;
	v1 =	vand.u32 $0xFFFFFFFC, v1  }
0x3cc: {  	[tilespmem:$0x8B20] =	vst v17;
	v2 =	vand.u32 $0xFFFFFFFD, v2;
	v3 =	vmov s31;
	v1 =	vbroadcast v1, $0x0  }
0x3cd: {  	[tilespmem:$0x8B30] =	vst v17;
	v2 =	vbroadcast v2, $0x0;
	v3 =	vand.u32 $0xFFFFFFFE, v3  }
0x3ce: {  	[tilespmem:$0x8B40] =	vst v17;
	v3 =	vbroadcast v3, $0x0  }
0x3cf: {  	[tilespmem:$0x8B50] =	vst v17;
	v60, _, _ =	vpop (xrf2)  }
0x3d0: {  	p1 =	sne.s32 s20, $0x7C00;
	[tilespmem:$0x8B60] =	vst v17;
	v61 =	vmov s16;
	v5, _, _ =	vpop (xrf2);
	v4 =	vbroadcast v60, $0xF  }
.Ltmp0:
0x3d1: {  	[tilespmem:$0x8B70] =	vst v17;
	v62, _, _ =	vpop (xrf2);
	v5 =	vbroadcast v5, $0xF;
	(pc) =	sbr.rel @p1 .LBB2_2-.Ltmp0, $4  }
0x3d2: {  	[tilespmem:v1+s12+$0x0] =	vst.idx.msk $0x1, v4;
	v1 =	vbroadcast v62, $0xF;
	v63, _, _ =	vpop (xrf2)  }
0x3d3: {  	[tilespmem:v2+s12+$0x0] =	vst.idx.msk $0x1, v5;
	v2 =	vbroadcast v63, $0xF  }
0x3d4: {  	s19 =	sadd.s32 $0x200, s19;
	s18 =	sadd.s32 $0x4, s18;
	s17 =	sadd.s32 $0x2, s17;
	[tilespmem:v3+s12+$0x0] =	vst.idx.msk $0x1, v1  }
0x3d5: {  	p0 =	por !p0, !p0;
	s20 =	sadd.s32 $0x400, s20;
	s16 =	sadd.s32 $0x4, s16;
	[tilespmem:v61+s12+$0x0] =	vst.idx.msk $0x1, v2  }
0x3d6: {  	[hbm4b:s4+s1] =	stream.linear.scatter [tilespmem:s12], [sflag:$0x1], $0x80, $0x38;
	[tilespmem:$0x8E00] =	vst v63  }
0x3d7: {  	_ =	swait.ge [sflag:s8], $0x80  }
0x3d8: {  	[sflag:s8] =	ssyncset.done $0x0  }
0x3d9: {  	[sflag:s8] =	ssyncadd.s32 $0xFFFFFF80  }
0x3da: {  	[hbm4b:s5+s1] =	stream.linear.scatter [tilespmem:s12], [sflag:$0x1], $0x80, $0x38;
	[tilespmem:$0x8E00] =	vst v63  }
0x3db: {  	s15 =	sadd.s32 $0x1, s15;
	_ =	swait.ge [sflag:s8], $0x80  }
0x3dc: {  	p0 =	sne.s32 s15, s7;
	[sflag:s8] =	ssyncset.done $0x0  }
.Ltmp1:
0x3dd: {  	[sflag:s8] =	ssyncadd.s32 $0xFFFFFF80;
	(pc) =	sbr.rel @p0 .LBB2_1-.Ltmp1, $4  }
0x3de: {  	[hbm4b:s6+s13] =	stream.strided.scatter [tilespmem:s10], [sflag:$0x1], $0x200, s14, s13, $0x38;
	[tilespmem:$0x8E00] =	vst v63  }
0x3df: {  	_ =	swait.ge [sflag:s8], $0x200  }
0x3e0: {  	[sflag:s8] =	ssyncset.done $0x0  }
0x3e1: {  	[sflag:s8] =	ssyncadd.s32 $0xFFFFFE00  }
0x3e2: {  	_ =	sfence.sel $0x180000  }
0x3e3: {  	[bflag:$0x0] =	sbarrier.arrive $0xFFFF  }
0x3e4: {  	p0 =	sne.s32 s2, $0x0;
	_ =	strace $0x90000047  }
0x3e5: {  	s0 =	sadd.s32 @!p0 $0x100000, s0;
	[bflag:$0x2] =	sbarrier.arrive $0xFFFF  }
0x3e6: {  	[sflag:s0] =	ssyncadd.tile.s32 @!p0 $0x1;
	_ =	shalt  }
.Lfunc_end2:
_tile_overlayer_lowered:
.L_overlay_start_2:
0x3e7: {  	(tag) =	ssettag $0x2  }
0x3e8: {  	s0 =	rddreg [dreg:$0x0];
	s2 =	stileid.u32  }
0x3e9: {  	s1 =	rddreg [dreg:$0x1];
	p0 =	sne.s32 s2, $0x0  }
0x3ea: {  	s3 =	rddreg [dreg:$0x2];
	[bflag:$0x3] =	sbarrier.arrive $0xFFFF;
	s2 =	simm.s32 @!p0 $0x1C01  }
0x3eb: {  	[timem:s3], [sflag:s2] =	dma.local @!p0 [hbm:s0], s1  }
0x3ec: {  	s0 =	simm.s32 @!p0 $0x1  }
0x3ed: {  	_ =	swait.ge @!p0 [sflag:s0], s1  }
0x3ee: {  	s1 =	ssub.s32 @!p0 $0x0, s1;
	[sflag:s0] =	ssyncset.done @!p0 $0x0  }
0x3ef: {  	[sflag:s0] =	ssyncadd.s32 @!p0 s1  }
0x3f0: {  	[bflag:$0x3] =	sbarrier.arrive $0xFFFF  }
0x3f1: {  	_ =	shalt  }

</sc_bundles>
